<compile_context>
chip_gen: v7x
topology: tpu7x:2x2x1
jax: 0.10.2.dev20260603
libtpu: 0.0.44.dev20260713+nightly
codegen_flags: <defaults>
</compile_context>

<pallas_src>
import functools

import jax
import jax.numpy as jnp
from jax import lax
from jax.experimental import pallas as pl
from jax.experimental.pallas import tpu as pltpu
from jax.experimental.pallas import tpu_sc as plsc

B = 4096
HIST = 50
EMB = 64
NW = 32
PW = B // NW
GROUP = 8
NGROUPS = PW // GROUP


def _sc_gather_kernel(wv_hbm, lev_hbm, loc_hbm, samp_hbm,
                      tv_hbm, tl_hbm, ts_hbm,
                      avg_out, lev_out, loc_out, samp_out,
                      idxw, buf0, buf1, outv, sidx, sdst,
                      sem0, sem1, sem2):
    cid = lax.axis_index("c")
    sid = lax.axis_index("s")
    wid = sid * 2 + cid
    base = wid * PW

    pltpu.sync_copy(wv_hbm.at[pl.ds(base * HIST, PW * HIST)], idxw)

    def fire(g, buf, sem):
        pltpu.async_copy(
            tv_hbm.at[idxw.at[pl.ds(g * GROUP * HIST, GROUP * HIST)]],
            buf, sem)

    def drain(buf, sem):
        pltpu.make_async_copy(tv_hbm.at[pl.ds(0, GROUP * HIST)], buf, sem).wait()

    def accum(g, buf):
        def rbody(r, _):
            row = g * GROUP + r
            off = r * HIST
            accs = [buf[off + p, pl.ds(c * 16, 16)]
                    for c in range(EMB // 16) for p in range(2)]
            for jj in range(1, HIST // 2):
                for c in range(EMB // 16):
                    for p in range(2):
                        k = c * 2 + p
                        accs[k] = accs[k] + buf[off + 2 * jj + p,
                                                pl.ds(c * 16, 16)]
            for c in range(EMB // 16):
                outv[row, pl.ds(c * 16, 16)] = (
                    (accs[2 * c] + accs[2 * c + 1]) * jnp.float32(1.0 / HIST))
            return 0
        lax.fori_loop(0, GROUP, rbody, 0)

    fire(0, buf0, sem0)

    for idx_hbm, tab_hbm, out_hbm in ((lev_hbm, tl_hbm, lev_out),
                                      (loc_hbm, tl_hbm, loc_out),
                                      (samp_hbm, ts_hbm, samp_out)):
        pltpu.sync_copy(idx_hbm.at[pl.ds(base, PW)], sidx)
        pltpu.async_copy(tab_hbm.at[sidx], sdst, sem2).wait()
        pltpu.sync_copy(sdst, out_hbm.at[pl.ds(base, PW)])

    def hbody(hg, _):
        g0 = 2 * hg
        g1 = 2 * hg + 1
        fire(g1, buf1, sem1)
        drain(buf0, sem0)
        accum(g0, buf0)

        @pl.when(g1 + 1 < NGROUPS)
        def _():
            fire(g1 + 1, buf0, sem0)

        drain(buf1, sem1)
        accum(g1, buf1)
        return 0

    lax.fori_loop(0, NGROUPS // 2, hbody, 0)

    pltpu.sync_copy(outv, avg_out.at[pl.ds(base, PW)])


def _run_sc_gathers(wv_pad, lev, loc, samp, table_video, table_location, table_sample):
    mesh = plsc.VectorSubcoreMesh(core_axis_name="c", subcore_axis_name="s",
                                  num_cores=2, num_subcores=16)
    f32 = jnp.float32
    out_type = [jax.ShapeDtypeStruct((B, EMB), f32) for _ in range(4)]
    scratch = [
        pltpu.VMEM((PW * HIST,), jnp.int32),
        pltpu.VMEM((GROUP * HIST, EMB), f32),
        pltpu.VMEM((GROUP * HIST, EMB), f32),
        pltpu.VMEM((PW, EMB), f32),
        pltpu.VMEM((PW,), jnp.int32),
        pltpu.VMEM((PW, EMB), f32),
        pltpu.SemaphoreType.DMA,
        pltpu.SemaphoreType.DMA,
        pltpu.SemaphoreType.DMA,
    ]
    run = pl.kernel(_sc_gather_kernel, out_type=out_type, mesh=mesh,
                    scratch_types=scratch,
                    compiler_params=pltpu.CompilerParams(use_tc_tiling_on_sc=False))
    return run(wv_pad, lev, loc, samp, table_video, table_location, table_sample)


def _tc_mean_kernel(esk_ref, ecw_ref, kw_ref, cw_ref):
    kw_ref[...] = jnp.mean(esk_ref[...], axis=1)
    cw_ref[...] = jnp.mean(ecw_ref[...], axis=1)


def _run_tc_means(esk, ecw):
    nb = 8
    blk = B // nb
    f32 = jnp.float32
    return pl.pallas_call(
        _tc_mean_kernel,
        grid=(nb,),
        in_specs=[pl.BlockSpec((blk, 20, EMB), lambda i: (i, 0, 0)),
                  pl.BlockSpec((blk, 20, EMB), lambda i: (i, 0, 0))],
        out_specs=[pl.BlockSpec((blk, EMB), lambda i: (i, 0)),
                   pl.BlockSpec((blk, EMB), lambda i: (i, 0))],
        out_shape=[jax.ShapeDtypeStruct((B, EMB), f32),
                   jax.ShapeDtypeStruct((B, EMB), f32)],
    )(esk, ecw)


def _tc_tower_kernel(avg_ref, kw_ref, cw_ref, lev_ref, loc_ref, misc_ref,
                     bn1g_ref, bn1b_ref, wf_ref, bf_ref, bn2g_ref, bn2b_ref,
                     w1_ref, b1_ref, w2_ref, b2_ref, w3_ref, b3_ref,
                     w4_ref, b4_ref, out_ref):
    uf = jnp.concatenate([avg_ref[...], kw_ref[...], cw_ref[...],
                          lev_ref[...], loc_ref[...], misc_ref[...]], axis=1)

    def bn(x, g, b):
        mu = jnp.mean(x, axis=0)
        xc = x - mu
        var = jnp.mean(xc * xc, axis=0)
        return g * xc / jnp.sqrt(var + 1e-5) + b

    h = bn(uf, bn1g_ref[...], bn1b_ref[...])
    h = jnp.maximum(jnp.dot(h, wf_ref[...]) + bf_ref[...], 0.0)
    h = bn(h, bn2g_ref[...], bn2b_ref[...])
    h = jnp.maximum(jnp.dot(h, w1_ref[...]) + b1_ref[...], 0.0)
    h = jnp.maximum(jnp.dot(h, w2_ref[...]) + b2_ref[...], 0.0)
    h = jnp.maximum(jnp.dot(h, w3_ref[...]) + b3_ref[...], 0.0)
    h = jnp.maximum(jnp.dot(h, w4_ref[...]) + b4_ref[...], 0.0)
    out_ref[...] = h


def _run_tc_tower(avg_video, kw_mean, cw_mean, lev_e, loc_e, misc,
                  bn1_g, bn1_b, WfT, b_fus, bn2_g, bn2_b,
                  W1T, b1, W2T, b2, W3T, b3, W4T, b4):
    f32 = jnp.float32
    args = (avg_video, kw_mean, cw_mean, lev_e, loc_e, misc,
            bn1_g, bn1_b, WfT, b_fus, bn2_g, bn2_b,
            W1T, b1, W2T, b2, W3T, b3, W4T, b4)
    return pl.pallas_call(
        _tc_tower_kernel,
        out_shape=jax.ShapeDtypeStruct((B, 64), f32),
    )(*args)


def kernel(watched_videos, embed_searched_keywords, embed_collect_words,
           level, location, gender, age, platform, example_age, samples,
           table_video, table_sample, table_location,
           bn1_g, bn1_b, W_fus, b_fus, bn2_g, bn2_b,
           W1, b1, W2, b2, W3, b3, W4, b4):
    i32 = jnp.int32
    wv_pad = watched_videos.astype(i32).reshape(B * HIST)
    lev = level.astype(i32).reshape(B)
    loc = location.astype(i32).reshape(B)
    samp = samples.astype(i32)

    avg_video, lev_e, loc_e, samp_e = _run_sc_gathers(
        wv_pad, lev, loc, samp, table_video, table_location, table_sample)

    kw_mean, cw_mean = _run_tc_means(embed_searched_keywords, embed_collect_words)

    misc = jnp.concatenate(
        [gender, age, platform, example_age, example_age * example_age], axis=1)

    h = _run_tc_tower(avg_video, kw_mean, cw_mean, lev_e, loc_e, misc,
                      bn1_g, bn1_b, W_fus.T, b_fus, bn2_g, bn2_b,
                      W1.T, b1, W2.T, b2, W3.T, b3, W4.T, b4)
    return (h, samp_e)

# --- scband reference (transcript-rebuilt; emitter-appended) ---
"""Pipeline reference for scband-youtube-deep-rec-sys-73504070303901 (READ-ONLY COPY).

The authoritative reference and input builder live on the scoring server;
editing this copy changes nothing except your own understanding.
"""

import jax, jax.numpy as jnp
import numpy as np

B = 4096
HIST = 50
KW = 20
EMB = 64
V = 100000
LO = 1000
IN = 328
C = 512
OUT = 64
NS = 4096


def _bn(x, g, b, eps=1e-5):
    mu = jnp.mean(x, axis=0)
    var = jnp.var(x, axis=0)
    return g * (x - mu) / jnp.sqrt(var + eps) + b


def setup_inputs(seed: int = 0):
    key = jax.random.key(seed)
    ks = jax.random.split(key, 32)
    inp = {}
    inp['watched_videos'] = jax.random.randint(ks[0], (B, HIST), 0, V)
    inp['embed_searched_keywords'] = jax.random.normal(ks[1], (B, KW, EMB), dtype=jnp.float32)
    inp['embed_collect_words'] = jax.random.normal(ks[2], (B, KW, EMB), dtype=jnp.float32)
    inp['level'] = jax.random.randint(ks[3], (B, 1), 0, LO)
    inp['location'] = jax.random.randint(ks[4], (B, 1), 0, LO)
    inp['gender'] = jax.random.normal(ks[5], (B, 2), dtype=jnp.float32)
    inp['age'] = jax.random.normal(ks[6], (B, 1), dtype=jnp.float32)
    inp['platform'] = jax.random.normal(ks[7], (B, 3), dtype=jnp.float32)
    inp['example_age'] = jax.random.normal(ks[8], (B, 1), dtype=jnp.float32)
    inp['samples'] = jax.random.randint(ks[9], (NS,), 0, V)
    # learned parameters
    inp['table_video'] = jax.random.normal(ks[10], (V, EMB), dtype=jnp.float32) * 0.05
    inp['table_sample'] = jax.random.normal(ks[11], (V, OUT), dtype=jnp.float32) * 0.05
    inp['table_location'] = jax.random.normal(ks[12], (LO, 64), dtype=jnp.float32) * 0.05
    inp['bn1_g'] = jnp.ones((IN,), jnp.float32)
    inp['bn1_b'] = jnp.zeros((IN,), jnp.float32)
    inp['W_fus'] = jax.random.normal(ks[13], (C, IN), dtype=jnp.float32) * 0.02
    inp['b_fus'] = jnp.zeros((C,), jnp.float32)
    inp['bn2_g'] = jnp.ones((C,), jnp.float32)
    inp['bn2_b'] = jnp.zeros((C,), jnp.float32)
    inp['W1'] = jax.random.normal(ks[14], (512, 512), dtype=jnp.float32) * 0.02
    inp['b1'] = jnp.zeros((512,), jnp.float32)
    inp['W2'] = jax.random.normal(ks[15], (256, 512), dtype=jnp.float32) * 0.02
    inp['b2'] = jnp.zeros((256,), jnp.float32)
    inp['W3'] = jax.random.normal(ks[16], (128, 256), dtype=jnp.float32) * 0.02
    inp['b3'] = jnp.zeros((128,), jnp.float32)
    inp['W4'] = jax.random.normal(ks[17], (OUT, 128), dtype=jnp.float32) * 0.02
    inp['b4'] = jnp.zeros((OUT,), jnp.float32)
    return inp


def reference(watched_videos, embed_searched_keywords, embed_collect_words, level, location, gender, age, platform, example_age, samples, table_video, table_sample, table_location, bn1_g, bn1_b, W_fus, b_fus, bn2_g, bn2_b, W1, b1, W2, b2, W3, b3, W4, b4):
    avg_embed_video = jnp.mean(jnp.take(table_video, watched_videos, axis=0), axis=1)
    avg_embed_keyword = jnp.mean(embed_searched_keywords, axis=1)
    avg_embed_collect = jnp.mean(embed_collect_words, axis=1)
    # NOTE: original torch code uses embed_location table for `level` (a bug preserved faithfully)
    embed_level = jnp.take(table_location, level, axis=0)
    avg_embed_level = jnp.mean(embed_level, axis=1)
    embed_loc = jnp.take(table_location, location, axis=0)[:, 0, :]
    user_feature = jnp.concatenate([avg_embed_video, avg_embed_keyword, avg_embed_collect, avg_embed_level, embed_loc, gender, age, platform, example_age, example_age ** 2], axis=1)
    # fusion layer: BN -> Linear -> ReLU
    h = _bn(user_feature, bn1_g, bn1_b)
    h = jax.nn.relu(h @ W_fus.T + b_fus)
    # candidate generator: BN -> Linear -> ReLU -> (Linear -> ReLU) x2 -> Linear -> ReLU
    h = _bn(h, bn2_g, bn2_b)
    h = jax.nn.relu(h @ W1.T + b1)
    h = jax.nn.relu(h @ W2.T + b2)
    h = jax.nn.relu(h @ W3.T + b3)
    h = jax.nn.relu(h @ W4.T + b4)
    sample_features = jnp.take(table_sample, samples, axis=0)
    return (h, sample_features)

if __name__ == "__main__":
    import jax
    _d = setup_inputs()
    print(jax.jit(kernel)(*tuple(_d.values())))

</pallas_src>

<mosaic_0001>
#map = affine_map<(d0, d1) -> (0)>
#map1 = affine_map<(d0, d1) -> (0, 0)>
module attributes {stable_mosaic.version = 14 : i64} {
  func.func @_sc_gather_kernel(%arg0: i32, %arg1: i32, %arg2: memref<204800xi32, #tpu.memory_space<hbm>>, %arg3: memref<4096xi32, #tpu.memory_space<hbm>>, %arg4: memref<4096xi32, #tpu.memory_space<hbm>>, %arg5: memref<4096xi32, #tpu.memory_space<hbm>>, %arg6: memref<100000x64xf32, #tpu.memory_space<hbm>>, %arg7: memref<1000x64xf32, #tpu.memory_space<hbm>>, %arg8: memref<100000x64xf32, #tpu.memory_space<hbm>>, %arg9: memref<4096x64xf32, #tpu.memory_space<hbm>>, %arg10: memref<4096x64xf32, #tpu.memory_space<hbm>>, %arg11: memref<4096x64xf32, #tpu.memory_space<hbm>>, %arg12: memref<4096x64xf32, #tpu.memory_space<hbm>>, %arg13: memref<6400xi32, #tpu.memory_space<vmem>>, %arg14: memref<400x64xf32, #tpu.memory_space<vmem>>, %arg15: memref<400x64xf32, #tpu.memory_space<vmem>>, %arg16: memref<128x64xf32, #tpu.memory_space<vmem>>, %arg17: memref<128xi32, #tpu.memory_space<vmem>>, %arg18: memref<128x64xf32, #tpu.memory_space<vmem>>, %arg19: memref<!tpu.dma_semaphore, #tpu.memory_space<semaphore_mem>>, %arg20: memref<!tpu.dma_semaphore, #tpu.memory_space<semaphore_mem>>, %arg21: memref<!tpu.dma_semaphore, #tpu.memory_space<semaphore_mem>>) attributes {dimension_semantics = [#tpu.dimension_semantics<core_parallel>, #tpu.dimension_semantics<subcore_parallel>], iteration_bounds = array<i64: 2, 16>, scalar_prefetch = 0 : i64, scratch_operands = 9 : i64, tpu.core_type = #tpu.core_type<sc_vector_subcore>, window_params = [{transform_indices = #map}, {transform_indices = #map}, {transform_indices = #map}, {transform_indices = #map}, {transform_indices = #map1}, {transform_indices = #map1}, {transform_indices = #map1}, {transform_indices = #map1}, {transform_indices = #map1}, {transform_indices = #map1}, {transform_indices = #map1}]} {
    %mul3A = arith.constant 2 : i32
    %mul3A_0 = arith.muli %arg1, %mul3A : i32
    %add3A = arith.addi %mul3A_0, %arg0 : i32
    %mul3A_1 = arith.constant 128 : i32
    %mul3A_2 = arith.muli %add3A, %mul3A_1 : i32
    %mul3A_3 = arith.constant 50 : i32
    %mul3A_4 = arith.muli %mul3A_2, %mul3A_3 : i32
    "tpu.region"() ({
      %run_scoped3A = tpu.sem_alloc : memref<!tpu.dma_semaphore, #tpu.memory_space<semaphore_mem>>
      %dma_start3A_32 = tpu.memref_slice %arg2[%mul3A_4] : memref<204800xi32, #tpu.memory_space<hbm>> -> memref<6400xi32, #tpu.memory_space<hbm>>
      %dma_start3A_33 = tpu.memref_slice %arg2[%mul3A_4] : memref<204800xi32, #tpu.memory_space<hbm>> -> memref<6400xi32, #tpu.memory_space<hbm>>
      tpu.enqueue_dma source(%dma_start3A_33 : memref<6400xi32, #tpu.memory_space<hbm>>) target(%arg13 : memref<6400xi32, #tpu.memory_space<vmem>>) target_semaphore(%run_scoped3A : memref<!tpu.dma_semaphore, #tpu.memory_space<semaphore_mem>>)
      %dma_wait3A_34 = tpu.memref_slice %arg2[%mul3A_4] : memref<204800xi32, #tpu.memory_space<hbm>> -> memref<6400xi32, #tpu.memory_space<hbm>>
      %dma_wait3A_35 = tpu.memref_slice %arg2[%mul3A_4] : memref<204800xi32, #tpu.memory_space<hbm>> -> memref<6400xi32, #tpu.memory_space<hbm>>
      tpu.wait_dma2 semaphore(%run_scoped3A : memref<!tpu.dma_semaphore, #tpu.memory_space<semaphore_mem>>) src(%dma_wait3A_35 : memref<6400xi32, #tpu.memory_space<hbm>>) dst(%arg13 : memref<6400xi32, #tpu.memory_space<vmem>>)
      tpu.yield
    }) : () -> ()
    %dma_start3A = arith.constant 0 : i32
    %dma_start3A_5 = tpu.memref_slice %arg13[%dma_start3A] : memref<6400xi32, #tpu.memory_space<vmem>> -> memref<400xi32, #tpu.memory_space<vmem>>
    %dma_start3A_6 = arith.constant 0 : i32
    %dma_start3A_7 = arith.constant 0 : i32
    %dma_start3A_8 = tpu.memref_slice %arg6[%dma_start3A_6, %dma_start3A_7] : memref<100000x64xf32, #tpu.memory_space<hbm>> -> memref<100000x64xf32, #tpu.memory_space<hbm>>
    tpu.enqueue_indirect_dma source(%dma_start3A_8 : memref<100000x64xf32, #tpu.memory_space<hbm>>) target(%arg14 : memref<400x64xf32, #tpu.memory_space<vmem>>) offsets(%dma_start3A_5 : memref<400xi32, #tpu.memory_space<vmem>>) semaphore(%arg19 : memref<!tpu.dma_semaphore, #tpu.memory_space<semaphore_mem>>)
    "tpu.region"() ({
      %run_scoped3A = tpu.sem_alloc : memref<!tpu.dma_semaphore, #tpu.memory_space<semaphore_mem>>
      %dma_start3A_32 = tpu.memref_slice %arg3[%mul3A_2] : memref<4096xi32, #tpu.memory_space<hbm>> -> memref<128xi32, #tpu.memory_space<hbm>>
      %dma_start3A_33 = tpu.memref_slice %arg3[%mul3A_2] : memref<4096xi32, #tpu.memory_space<hbm>> -> memref<128xi32, #tpu.memory_space<hbm>>
      tpu.enqueue_dma source(%dma_start3A_33 : memref<128xi32, #tpu.memory_space<hbm>>) target(%arg17 : memref<128xi32, #tpu.memory_space<vmem>>) target_semaphore(%run_scoped3A : memref<!tpu.dma_semaphore, #tpu.memory_space<semaphore_mem>>)
      %dma_wait3A_34 = tpu.memref_slice %arg3[%mul3A_2] : memref<4096xi32, #tpu.memory_space<hbm>> -> memref<128xi32, #tpu.memory_space<hbm>>
      %dma_wait3A_35 = tpu.memref_slice %arg3[%mul3A_2] : memref<4096xi32, #tpu.memory_space<hbm>> -> memref<128xi32, #tpu.memory_space<hbm>>
      tpu.wait_dma2 semaphore(%run_scoped3A : memref<!tpu.dma_semaphore, #tpu.memory_space<semaphore_mem>>) src(%dma_wait3A_35 : memref<128xi32, #tpu.memory_space<hbm>>) dst(%arg17 : memref<128xi32, #tpu.memory_space<vmem>>)
      tpu.yield
    }) : () -> ()
    %dma_start3A_9 = arith.constant 0 : i32
    %dma_start3A_10 = arith.constant 0 : i32
    %dma_start3A_11 = tpu.memref_slice %arg7[%dma_start3A_9, %dma_start3A_10] : memref<1000x64xf32, #tpu.memory_space<hbm>> -> memref<1000x64xf32, #tpu.memory_space<hbm>>
    tpu.enqueue_indirect_dma source(%dma_start3A_11 : memref<1000x64xf32, #tpu.memory_space<hbm>>) target(%arg18 : memref<128x64xf32, #tpu.memory_space<vmem>>) offsets(%arg17 : memref<128xi32, #tpu.memory_space<vmem>>) semaphore(%arg21 : memref<!tpu.dma_semaphore, #tpu.memory_space<semaphore_mem>>)
    %dma_wait3A = arith.constant 0 : i32
    %dma_wait3A_12 = arith.constant 0 : i32
    %dma_wait3A_13 = tpu.memref_slice %arg7[%dma_wait3A, %dma_wait3A_12] : memref<1000x64xf32, #tpu.memory_space<hbm>> -> memref<1000x64xf32, #tpu.memory_space<hbm>>
    tpu.wait_indirect_dma semaphore(%arg21 : memref<!tpu.dma_semaphore, #tpu.memory_space<semaphore_mem>>) src(%dma_wait3A_13 : memref<1000x64xf32, #tpu.memory_space<hbm>>) dst(%arg18 : memref<128x64xf32, #tpu.memory_space<vmem>>)
    "tpu.region"() ({
      %run_scoped3A = tpu.sem_alloc : memref<!tpu.dma_semaphore, #tpu.memory_space<semaphore_mem>>
      %dma_start3A_32 = arith.constant 0 : i32
      %dma_start3A_33 = tpu.memref_slice %arg10[%mul3A_2, %dma_start3A_32] : memref<4096x64xf32, #tpu.memory_space<hbm>> -> memref<128x64xf32, #tpu.memory_space<hbm>>
      %dma_start3A_34 = arith.constant 0 : i32
      %dma_start3A_35 = tpu.memref_slice %arg10[%mul3A_2, %dma_start3A_34] : memref<4096x64xf32, #tpu.memory_space<hbm>> -> memref<128x64xf32, #tpu.memory_space<hbm>>
      tpu.enqueue_dma source(%arg18 : memref<128x64xf32, #tpu.memory_space<vmem>>) target(%dma_start3A_35 : memref<128x64xf32, #tpu.memory_space<hbm>>) target_semaphore(%run_scoped3A : memref<!tpu.dma_semaphore, #tpu.memory_space<semaphore_mem>>)
      %dma_wait3A_36 = arith.constant 0 : i32
      %dma_wait3A_37 = tpu.memref_slice %arg10[%mul3A_2, %dma_wait3A_36] : memref<4096x64xf32, #tpu.memory_space<hbm>> -> memref<128x64xf32, #tpu.memory_space<hbm>>
      %dma_wait3A_38 = arith.constant 0 : i32
      %dma_wait3A_39 = tpu.memref_slice %arg10[%mul3A_2, %dma_wait3A_38] : memref<4096x64xf32, #tpu.memory_space<hbm>> -> memref<128x64xf32, #tpu.memory_space<hbm>>
      tpu.wait_dma2 semaphore(%run_scoped3A : memref<!tpu.dma_semaphore, #tpu.memory_space<semaphore_mem>>) src(%arg18 : memref<128x64xf32, #tpu.memory_space<vmem>>) dst(%dma_wait3A_39 : memref<128x64xf32, #tpu.memory_space<hbm>>)
      tpu.yield
    }) : () -> ()
    "tpu.region"() ({
      %run_scoped3A = tpu.sem_alloc : memref<!tpu.dma_semaphore, #tpu.memory_space<semaphore_mem>>
      %dma_start3A_32 = tpu.memref_slice %arg4[%mul3A_2] : memref<4096xi32, #tpu.memory_space<hbm>> -> memref<128xi32, #tpu.memory_space<hbm>>
      %dma_start3A_33 = tpu.memref_slice %arg4[%mul3A_2] : memref<4096xi32, #tpu.memory_space<hbm>> -> memref<128xi32, #tpu.memory_space<hbm>>
      tpu.enqueue_dma source(%dma_start3A_33 : memref<128xi32, #tpu.memory_space<hbm>>) target(%arg17 : memref<128xi32, #tpu.memory_space<vmem>>) target_semaphore(%run_scoped3A : memref<!tpu.dma_semaphore, #tpu.memory_space<semaphore_mem>>)
      %dma_wait3A_34 = tpu.memref_slice %arg4[%mul3A_2] : memref<4096xi32, #tpu.memory_space<hbm>> -> memref<128xi32, #tpu.memory_space<hbm>>
      %dma_wait3A_35 = tpu.memref_slice %arg4[%mul3A_2] : memref<4096xi32, #tpu.memory_space<hbm>> -> memref<128xi32, #tpu.memory_space<hbm>>
      tpu.wait_dma2 semaphore(%run_scoped3A : memref<!tpu.dma_semaphore, #tpu.memory_space<semaphore_mem>>) src(%dma_wait3A_35 : memref<128xi32, #tpu.memory_space<hbm>>) dst(%arg17 : memref<128xi32, #tpu.memory_space<vmem>>)
      tpu.yield
    }) : () -> ()
    %dma_start3A_14 = arith.constant 0 : i32
    %dma_start3A_15 = arith.constant 0 : i32
    %dma_start3A_16 = tpu.memref_slice %arg7[%dma_start3A_14, %dma_start3A_15] : memref<1000x64xf32, #tpu.memory_space<hbm>> -> memref<1000x64xf32, #tpu.memory_space<hbm>>
    tpu.enqueue_indirect_dma source(%dma_start3A_16 : memref<1000x64xf32, #tpu.memory_space<hbm>>) target(%arg18 : memref<128x64xf32, #tpu.memory_space<vmem>>) offsets(%arg17 : memref<128xi32, #tpu.memory_space<vmem>>) semaphore(%arg21 : memref<!tpu.dma_semaphore, #tpu.memory_space<semaphore_mem>>)
    %dma_wait3A_17 = arith.constant 0 : i32
    %dma_wait3A_18 = arith.constant 0 : i32
    %dma_wait3A_19 = tpu.memref_slice %arg7[%dma_wait3A_17, %dma_wait3A_18] : memref<1000x64xf32, #tpu.memory_space<hbm>> -> memref<1000x64xf32, #tpu.memory_space<hbm>>
    tpu.wait_indirect_dma semaphore(%arg21 : memref<!tpu.dma_semaphore, #tpu.memory_space<semaphore_mem>>) src(%dma_wait3A_19 : memref<1000x64xf32, #tpu.memory_space<hbm>>) dst(%arg18 : memref<128x64xf32, #tpu.memory_space<vmem>>)
    "tpu.region"() ({
      %run_scoped3A = tpu.sem_alloc : memref<!tpu.dma_semaphore, #tpu.memory_space<semaphore_mem>>
      %dma_start3A_32 = arith.constant 0 : i32
      %dma_start3A_33 = tpu.memref_slice %arg11[%mul3A_2, %dma_start3A_32] : memref<4096x64xf32, #tpu.memory_space<hbm>> -> memref<128x64xf32, #tpu.memory_space<hbm>>
      %dma_start3A_34 = arith.constant 0 : i32
      %dma_start3A_35 = tpu.memref_slice %arg11[%mul3A_2, %dma_start3A_34] : memref<4096x64xf32, #tpu.memory_space<hbm>> -> memref<128x64xf32, #tpu.memory_space<hbm>>
      tpu.enqueue_dma source(%arg18 : memref<128x64xf32, #tpu.memory_space<vmem>>) target(%dma_start3A_35 : memref<128x64xf32, #tpu.memory_space<hbm>>) target_semaphore(%run_scoped3A : memref<!tpu.dma_semaphore, #tpu.memory_space<semaphore_mem>>)
      %dma_wait3A_36 = arith.constant 0 : i32
      %dma_wait3A_37 = tpu.memref_slice %arg11[%mul3A_2, %dma_wait3A_36] : memref<4096x64xf32, #tpu.memory_space<hbm>> -> memref<128x64xf32, #tpu.memory_space<hbm>>
      %dma_wait3A_38 = arith.constant 0 : i32
      %dma_wait3A_39 = tpu.memref_slice %arg11[%mul3A_2, %dma_wait3A_38] : memref<4096x64xf32, #tpu.memory_space<hbm>> -> memref<128x64xf32, #tpu.memory_space<hbm>>
      tpu.wait_dma2 semaphore(%run_scoped3A : memref<!tpu.dma_semaphore, #tpu.memory_space<semaphore_mem>>) src(%arg18 : memref<128x64xf32, #tpu.memory_space<vmem>>) dst(%dma_wait3A_39 : memref<128x64xf32, #tpu.memory_space<hbm>>)
      tpu.yield
    }) : () -> ()
    "tpu.region"() ({
      %run_scoped3A = tpu.sem_alloc : memref<!tpu.dma_semaphore, #tpu.memory_space<semaphore_mem>>
      %dma_start3A_32 = tpu.memref_slice %arg5[%mul3A_2] : memref<4096xi32, #tpu.memory_space<hbm>> -> memref<128xi32, #tpu.memory_space<hbm>>
      %dma_start3A_33 = tpu.memref_slice %arg5[%mul3A_2] : memref<4096xi32, #tpu.memory_space<hbm>> -> memref<128xi32, #tpu.memory_space<hbm>>
      tpu.enqueue_dma source(%dma_start3A_33 : memref<128xi32, #tpu.memory_space<hbm>>) target(%arg17 : memref<128xi32, #tpu.memory_space<vmem>>) target_semaphore(%run_scoped3A : memref<!tpu.dma_semaphore, #tpu.memory_space<semaphore_mem>>)
      %dma_wait3A_34 = tpu.memref_slice %arg5[%mul3A_2] : memref<4096xi32, #tpu.memory_space<hbm>> -> memref<128xi32, #tpu.memory_space<hbm>>
      %dma_wait3A_35 = tpu.memref_slice %arg5[%mul3A_2] : memref<4096xi32, #tpu.memory_space<hbm>> -> memref<128xi32, #tpu.memory_space<hbm>>
      tpu.wait_dma2 semaphore(%run_scoped3A : memref<!tpu.dma_semaphore, #tpu.memory_space<semaphore_mem>>) src(%dma_wait3A_35 : memref<128xi32, #tpu.memory_space<hbm>>) dst(%arg17 : memref<128xi32, #tpu.memory_space<vmem>>)
      tpu.yield
    }) : () -> ()
    %dma_start3A_20 = arith.constant 0 : i32
    %dma_start3A_21 = arith.constant 0 : i32
    %dma_start3A_22 = tpu.memref_slice %arg8[%dma_start3A_20, %dma_start3A_21] : memref<100000x64xf32, #tpu.memory_space<hbm>> -> memref<100000x64xf32, #tpu.memory_space<hbm>>
    tpu.enqueue_indirect_dma source(%dma_start3A_22 : memref<100000x64xf32, #tpu.memory_space<hbm>>) target(%arg18 : memref<128x64xf32, #tpu.memory_space<vmem>>) offsets(%arg17 : memref<128xi32, #tpu.memory_space<vmem>>) semaphore(%arg21 : memref<!tpu.dma_semaphore, #tpu.memory_space<semaphore_mem>>)
    %dma_wait3A_23 = arith.constant 0 : i32
    %dma_wait3A_24 = arith.constant 0 : i32
    %dma_wait3A_25 = tpu.memref_slice %arg8[%dma_wait3A_23, %dma_wait3A_24] : memref<100000x64xf32, #tpu.memory_space<hbm>> -> memref<100000x64xf32, #tpu.memory_space<hbm>>
    tpu.wait_indirect_dma semaphore(%arg21 : memref<!tpu.dma_semaphore, #tpu.memory_space<semaphore_mem>>) src(%dma_wait3A_25 : memref<100000x64xf32, #tpu.memory_space<hbm>>) dst(%arg18 : memref<128x64xf32, #tpu.memory_space<vmem>>)
    "tpu.region"() ({
      %run_scoped3A = tpu.sem_alloc : memref<!tpu.dma_semaphore, #tpu.memory_space<semaphore_mem>>
      %dma_start3A_32 = arith.constant 0 : i32
      %dma_start3A_33 = tpu.memref_slice %arg12[%mul3A_2, %dma_start3A_32] : memref<4096x64xf32, #tpu.memory_space<hbm>> -> memref<128x64xf32, #tpu.memory_space<hbm>>
      %dma_start3A_34 = arith.constant 0 : i32
      %dma_start3A_35 = tpu.memref_slice %arg12[%mul3A_2, %dma_start3A_34] : memref<4096x64xf32, #tpu.memory_space<hbm>> -> memref<128x64xf32, #tpu.memory_space<hbm>>
      tpu.enqueue_dma source(%arg18 : memref<128x64xf32, #tpu.memory_space<vmem>>) target(%dma_start3A_35 : memref<128x64xf32, #tpu.memory_space<hbm>>) target_semaphore(%run_scoped3A : memref<!tpu.dma_semaphore, #tpu.memory_space<semaphore_mem>>)
      %dma_wait3A_36 = arith.constant 0 : i32
      %dma_wait3A_37 = tpu.memref_slice %arg12[%mul3A_2, %dma_wait3A_36] : memref<4096x64xf32, #tpu.memory_space<hbm>> -> memref<128x64xf32, #tpu.memory_space<hbm>>
      %dma_wait3A_38 = arith.constant 0 : i32
      %dma_wait3A_39 = tpu.memref_slice %arg12[%mul3A_2, %dma_wait3A_38] : memref<4096x64xf32, #tpu.memory_space<hbm>> -> memref<128x64xf32, #tpu.memory_space<hbm>>
      tpu.wait_dma2 semaphore(%run_scoped3A : memref<!tpu.dma_semaphore, #tpu.memory_space<semaphore_mem>>) src(%arg18 : memref<128x64xf32, #tpu.memory_space<vmem>>) dst(%dma_wait3A_39 : memref<128x64xf32, #tpu.memory_space<hbm>>)
      tpu.yield
    }) : () -> ()
    %scan3A = arith.constant 0 : i32
    %scan3A_26 = arith.constant 0 : i32
    %scan3A_27 = arith.constant 8 : i32
    %scan3A_28 = arith.addi %scan3A_26, %scan3A_27 : i32
    %scan3A_29 = arith.constant 1 : i32
    %scan3A_30 = scf.for %scan3A_32 = %scan3A_26 to %scan3A_28 step %scan3A_29 iter_args(%scan3A_33 = %scan3A) -> (i32)  : i32 {
      %mul3A_34 = arith.constant 2 : i32
      %mul3A_35 = arith.muli %mul3A_34, %scan3A_32 : i32
      %mul3A_36 = arith.constant 2 : i32
      %mul3A_37 = arith.muli %mul3A_36, %scan3A_32 : i32
      %add3A_38 = arith.constant 1 : i32
      %add3A_39 = arith.addi %mul3A_37, %add3A_38 : i32
      %mul3A_40 = arith.constant 8 : i32
      %mul3A_41 = arith.muli %add3A_39, %mul3A_40 : i32
      %mul3A_42 = arith.constant 50 : i32
      %mul3A_43 = arith.muli %mul3A_41, %mul3A_42 : i32
      %dma_start3A_44 = tpu.memref_slice %arg13[%mul3A_43] : memref<6400xi32, #tpu.memory_space<vmem>> -> memref<400xi32, #tpu.memory_space<vmem>>
      %dma_start3A_45 = arith.constant 0 : i32
      %dma_start3A_46 = arith.constant 0 : i32
      %dma_start3A_47 = tpu.memref_slice %arg6[%dma_start3A_45, %dma_start3A_46] : memref<100000x64xf32, #tpu.memory_space<hbm>> -> memref<100000x64xf32, #tpu.memory_space<hbm>>
      tpu.enqueue_indirect_dma source(%dma_start3A_47 : memref<100000x64xf32, #tpu.memory_space<hbm>>) target(%arg15 : memref<400x64xf32, #tpu.memory_space<vmem>>) offsets(%dma_start3A_44 : memref<400xi32, #tpu.memory_space<vmem>>) semaphore(%arg20 : memref<!tpu.dma_semaphore, #tpu.memory_space<semaphore_mem>>)
      %dma_wait3A_48 = arith.constant 0 : i32
      %dma_wait3A_49 = arith.constant 0 : i32
      %dma_wait3A_50 = tpu.memref_slice %arg6[%dma_wait3A_48, %dma_wait3A_49] : memref<100000x64xf32, #tpu.memory_space<hbm>> -> memref<400x64xf32, #tpu.memory_space<hbm>>
      %dma_wait3A_51 = arith.constant 0 : i32
      %dma_wait3A_52 = arith.constant 0 : i32
      %dma_wait3A_53 = tpu.memref_slice %arg6[%dma_wait3A_51, %dma_wait3A_52] : memref<100000x64xf32, #tpu.memory_space<hbm>> -> memref<400x64xf32, #tpu.memory_space<hbm>>
      tpu.wait_dma2 semaphore(%arg19 : memref<!tpu.dma_semaphore, #tpu.memory_space<semaphore_mem>>) src(%dma_wait3A_53 : memref<400x64xf32, #tpu.memory_space<hbm>>) dst(%arg14 : memref<400x64xf32, #tpu.memory_space<vmem>>)
      %scan3A_54 = arith.constant 0 : i32
      %scan3A_55 = arith.constant 0 : i32
      %scan3A_56 = arith.constant 8 : i32
      %scan3A_57 = arith.addi %scan3A_55, %scan3A_56 : i32
      %scan3A_58 = arith.constant 1 : i32
      %scan3A_59 = scf.for %scan3A_79 = %scan3A_55 to %scan3A_57 step %scan3A_58 iter_args(%scan3A_80 = %scan3A_54) -> (i32)  : i32 {
        %mul3A_81 = arith.constant 8 : i32
        %mul3A_82 = arith.muli %mul3A_35, %mul3A_81 : i32
        %add3A_83 = arith.addi %mul3A_82, %scan3A_79 : i32
        %mul3A_84 = arith.constant 50 : i32
        %mul3A_85 = arith.muli %scan3A_79, %mul3A_84 : i32
        %add3A_86 = arith.constant 0 : i32
        %add3A_87 = arith.addi %mul3A_85, %add3A_86 : i32
        %get3A = arith.index_cast %add3A_87 : i32 to index
        %get3A_88 = arith.constant 0 : index
        %get3A_89 = tpu.vector_load %arg14[%get3A, %get3A_88] {strides = array<i32>} : memref<400x64xf32, #tpu.memory_space<vmem>>, vector<1x16xf32>,
        %get3A_90 = vector.shape_cast %get3A_89 : vector<1x16xf32> to vector<16xf32>
        %add3A_91 = arith.constant 1 : i32
        %add3A_92 = arith.addi %mul3A_85, %add3A_91 : i32
        %get3A_93 = arith.index_cast %add3A_92 : i32 to index
        %get3A_94 = arith.constant 0 : index
        %get3A_95 = tpu.vector_load %arg14[%get3A_93, %get3A_94] {strides = array<i32>} : memref<400x64xf32, #tpu.memory_space<vmem>>, vector<1x16xf32>,
        %get3A_96 = vector.shape_cast %get3A_95 : vector<1x16xf32> to vector<16xf32>
        %add3A_97 = arith.constant 0 : i32
        %add3A_98 = arith.addi %mul3A_85, %add3A_97 : i32
        %get3A_99 = arith.index_cast %add3A_98 : i32 to index
        %get3A_100 = arith.constant 16 : index
        %get3A_101 = tpu.vector_load %arg14[%get3A_99, %get3A_100] {strides = array<i32>} : memref<400x64xf32, #tpu.memory_space<vmem>>, vector<1x16xf32>,
        %get3A_102 = vector.shape_cast %get3A_101 : vector<1x16xf32> to vector<16xf32>
        %add3A_103 = arith.constant 1 : i32
        %add3A_104 = arith.addi %mul3A_85, %add3A_103 : i32
        %get3A_105 = arith.index_cast %add3A_104 : i32 to index
        %get3A_106 = arith.constant 16 : index
        %get3A_107 = tpu.vector_load %arg14[%get3A_105, %get3A_106] {strides = array<i32>} : memref<400x64xf32, #tpu.memory_space<vmem>>, vector<1x16xf32>,
        %get3A_108 = vector.shape_cast %get3A_107 : vector<1x16xf32> to vector<16xf32>
        %add3A_109 = arith.constant 0 : i32
        %add3A_110 = arith.addi %mul3A_85, %add3A_109 : i32
        %get3A_111 = arith.index_cast %add3A_110 : i32 to index
        %get3A_112 = arith.constant 32 : index
        %get3A_113 = tpu.vector_load %arg14[%get3A_111, %get3A_112] {strides = array<i32>} : memref<400x64xf32, #tpu.memory_space<vmem>>, vector<1x16xf32>,
        %get3A_114 = vector.shape_cast %get3A_113 : vector<1x16xf32> to vector<16xf32>
        %add3A_115 = arith.constant 1 : i32
        %add3A_116 = arith.addi %mul3A_85, %add3A_115 : i32
        %get3A_117 = arith.index_cast %add3A_116 : i32 to index
        %get3A_118 = arith.constant 32 : index
        %get3A_119 = tpu.vector_load %arg14[%get3A_117, %get3A_118] {strides = array<i32>} : memref<400x64xf32, #tpu.memory_space<vmem>>, vector<1x16xf32>,
        %get3A_120 = vector.shape_cast %get3A_119 : vector<1x16xf32> to vector<16xf32>
        %add3A_121 = arith.constant 0 : i32
        %add3A_122 = arith.addi %mul3A_85, %add3A_121 : i32
        %get3A_123 = arith.index_cast %add3A_122 : i32 to index
        %get3A_124 = arith.constant 48 : index
        %get3A_125 = tpu.vector_load %arg14[%get3A_123, %get3A_124] {strides = array<i32>} : memref<400x64xf32, #tpu.memory_space<vmem>>, vector<1x16xf32>,
        %get3A_126 = vector.shape_cast %get3A_125 : vector<1x16xf32> to vector<16xf32>
        %add3A_127 = arith.constant 1 : i32
        %add3A_128 = arith.addi %mul3A_85, %add3A_127 : i32
        %get3A_129 = arith.index_cast %add3A_128 : i32 to index
        %get3A_130 = arith.constant 48 : index
        %get3A_131 = tpu.vector_load %arg14[%get3A_129, %get3A_130] {strides = array<i32>} : memref<400x64xf32, #tpu.memory_space<vmem>>, vector<1x16xf32>,
        %get3A_132 = vector.shape_cast %get3A_131 : vector<1x16xf32> to vector<16xf32>
        %add3A_133 = arith.constant 2 : i32
        %add3A_134 = arith.addi %mul3A_85, %add3A_133 : i32
        %add3A_135 = arith.constant 0 : i32
        %add3A_136 = arith.addi %add3A_134, %add3A_135 : i32
        %get3A_137 = arith.index_cast %add3A_136 : i32 to index
        %get3A_138 = arith.constant 0 : index
        %get3A_139 = tpu.vector_load %arg14[%get3A_137, %get3A_138] {strides = array<i32>} : memref<400x64xf32, #tpu.memory_space<vmem>>, vector<1x16xf32>,
        %get3A_140 = vector.shape_cast %get3A_139 : vector<1x16xf32> to vector<16xf32>
        %add3A_141 = arith.addf %get3A_90, %get3A_140 : vector<16xf32>
        %add3A_142 = arith.constant 2 : i32
        %add3A_143 = arith.addi %mul3A_85, %add3A_142 : i32
        %add3A_144 = arith.constant 1 : i32
        %add3A_145 = arith.addi %add3A_143, %add3A_144 : i32
        %get3A_146 = arith.index_cast %add3A_145 : i32 to index
        %get3A_147 = arith.constant 0 : index
        %get3A_148 = tpu.vector_load %arg14[%get3A_146, %get3A_147] {strides = array<i32>} : memref<400x64xf32, #tpu.memory_space<vmem>>, vector<1x16xf32>,
        %get3A_149 = vector.shape_cast %get3A_148 : vector<1x16xf32> to vector<16xf32>
        %add3A_150 = arith.addf %get3A_96, %get3A_149 : vector<16xf32>
        %add3A_151 = arith.constant 2 : i32
        %add3A_152 = arith.addi %mul3A_85, %add3A_151 : i32
        %add3A_153 = arith.constant 0 : i32
        %add3A_154 = arith.addi %add3A_152, %add3A_153 : i32
        %get3A_155 = arith.index_cast %add3A_154 : i32 to index
        %get3A_156 = arith.constant 16 : index
        %get3A_157 = tpu.vector_load %arg14[%get3A_155, %get3A_156] {strides = array<i32>} : memref<400x64xf32, #tpu.memory_space<vmem>>, vector<1x16xf32>,
        %get3A_158 = vector.shape_cast %get3A_157 : vector<1x16xf32> to vector<16xf32>
        %add3A_159 = arith.addf %get3A_102, %get3A_158 : vector<16xf32>
        %add3A_160 = arith.constant 2 : i32
        %add3A_161 = arith.addi %mul3A_85, %add3A_160 : i32
        %add3A_162 = arith.constant 1 : i32
        %add3A_163 = arith.addi %add3A_161, %add3A_162 : i32
        %get3A_164 = arith.index_cast %add3A_163 : i32 to index
        %get3A_165 = arith.constant 16 : index
        %get3A_166 = tpu.vector_load %arg14[%get3A_164, %get3A_165] {strides = array<i32>} : memref<400x64xf32, #tpu.memory_space<vmem>>, vector<1x16xf32>,
        %get3A_167 = vector.shape_cast %get3A_166 : vector<1x16xf32> to vector<16xf32>
        %add3A_168 = arith.addf %get3A_108, %get3A_167 : vector<16xf32>
        %add3A_169 = arith.constant 2 : i32
        %add3A_170 = arith.addi %mul3A_85, %add3A_169 : i32
        %add3A_171 = arith.constant 0 : i32
        %add3A_172 = arith.addi %add3A_170, %add3A_171 : i32
        %get3A_173 = arith.index_cast %add3A_172 : i32 to index
        %get3A_174 = arith.constant 32 : index
        %get3A_175 = tpu.vector_load %arg14[%get3A_173, %get3A_174] {strides = array<i32>} : memref<400x64xf32, #tpu.memory_space<vmem>>, vector<1x16xf32>,
        %get3A_176 = vector.shape_cast %get3A_175 : vector<1x16xf32> to vector<16xf32>
        %add3A_177 = arith.addf %get3A_114, %get3A_176 : vector<16xf32>
        %add3A_178 = arith.constant 2 : i32
        %add3A_179 = arith.addi %mul3A_85, %add3A_178 : i32
        %add3A_180 = arith.constant 1 : i32
        %add3A_181 = arith.addi %add3A_179, %add3A_180 : i32
        %get3A_182 = arith.index_cast %add3A_181 : i32 to index
        %get3A_183 = arith.constant 32 : index
        %get3A_184 = tpu.vector_load %arg14[%get3A_182, %get3A_183] {strides = array<i32>} : memref<400x64xf32, #tpu.memory_space<vmem>>, vector<1x16xf32>,
        %get3A_185 = vector.shape_cast %get3A_184 : vector<1x16xf32> to vector<16xf32>
        %add3A_186 = arith.addf %get3A_120, %get3A_185 : vector<16xf32>
        %add3A_187 = arith.constant 2 : i32
        %add3A_188 = arith.addi %mul3A_85, %add3A_187 : i32
        %add3A_189 = arith.constant 0 : i32
        %add3A_190 = arith.addi %add3A_188, %add3A_189 : i32
        %get3A_191 = arith.index_cast %add3A_190 : i32 to index
        %get3A_192 = arith.constant 48 : index
        %get3A_193 = tpu.vector_load %arg14[%get3A_191, %get3A_192] {strides = array<i32>} : memref<400x64xf32, #tpu.memory_space<vmem>>, vector<1x16xf32>,
        %get3A_194 = vector.shape_cast %get3A_193 : vector<1x16xf32> to vector<16xf32>
        %add3A_195 = arith.addf %get3A_126, %get3A_194 : vector<16xf32>
        %add3A_196 = arith.constant 2 : i32
        %add3A_197 = arith.addi %mul3A_85, %add3A_196 : i32
        %add3A_198 = arith.constant 1 : i32
        %add3A_199 = arith.addi %add3A_197, %add3A_198 : i32
        %get3A_200 = arith.index_cast %add3A_199 : i32 to index
        %get3A_201 = arith.constant 48 : index
        %get3A_202 = tpu.vector_load %arg14[%get3A_200, %get3A_201] {strides = array<i32>} : memref<400x64xf32, #tpu.memory_space<vmem>>, vector<1x16xf32>,
        %get3A_203 = vector.shape_cast %get3A_202 : vector<1x16xf32> to vector<16xf32>
        %add3A_204 = arith.addf %get3A_132, %get3A_203 : vector<16xf32>
        %add3A_205 = arith.constant 4 : i32
        %add3A_206 = arith.addi %mul3A_85, %add3A_205 : i32
        %add3A_207 = arith.constant 0 : i32
        %add3A_208 = arith.addi %add3A_206, %add3A_207 : i32
        %get3A_209 = arith.index_cast %add3A_208 : i32 to index
        %get3A_210 = arith.constant 0 : index
        %get3A_211 = tpu.vector_load %arg14[%get3A_209, %get3A_210] {strides = array<i32>} : memref<400x64xf32, #tpu.memory_space<vmem>>, vector<1x16xf32>,
        %get3A_212 = vector.shape_cast %get3A_211 : vector<1x16xf32> to vector<16xf32>
        %add3A_213 = arith.addf %add3A_141, %get3A_212 : vector<16xf32>
        %add3A_214 = arith.constant 4 : i32
        %add3A_215 = arith.addi %mul3A_85, %add3A_214 : i32
        %add3A_216 = arith.constant 1 : i32
        %add3A_217 = arith.addi %add3A_215, %add3A_216 : i32
        %get3A_218 = arith.index_cast %add3A_217 : i32 to index
        %get3A_219 = arith.constant 0 : index
        %get3A_220 = tpu.vector_load %arg14[%get3A_218, %get3A_219] {strides = array<i32>} : memref<400x64xf32, #tpu.memory_space<vmem>>, vector<1x16xf32>,
        %get3A_221 = vector.shape_cast %get3A_220 : vector<1x16xf32> to vector<16xf32>
        %add3A_222 = arith.addf %add3A_150, %get3A_221 : vector<16xf32>
        %add3A_223 = arith.constant 4 : i32
        %add3A_224 = arith.addi %mul3A_85, %add3A_223 : i32
        %add3A_225 = arith.constant 0 : i32
        %add3A_226 = arith.addi %add3A_224, %add3A_225 : i32
        %get3A_227 = arith.index_cast %add3A_226 : i32 to index
        %get3A_228 = arith.constant 16 : index
        %get3A_229 = tpu.vector_load %arg14[%get3A_227, %get3A_228] {strides = array<i32>} : memref<400x64xf32, #tpu.memory_space<vmem>>, vector<1x16xf32>,
        %get3A_230 = vector.shape_cast %get3A_229 : vector<1x16xf32> to vector<16xf32>
        %add3A_231 = arith.addf %add3A_159, %get3A_230 : vector<16xf32>
        %add3A_232 = arith.constant 4 : i32
        %add3A_233 = arith.addi %mul3A_85, %add3A_232 : i32
        %add3A_234 = arith.constant 1 : i32
        %add3A_235 = arith.addi %add3A_233, %add3A_234 : i32
        %get3A_236 = arith.index_cast %add3A_235 : i32 to index
        %get3A_237 = arith.constant 16 : index
        %get3A_238 = tpu.vector_load %arg14[%get3A_236, %get3A_237] {strides = array<i32>} : memref<400x64xf32, #tpu.memory_space<vmem>>, vector<1x16xf32>,
        %get3A_239 = vector.shape_cast %get3A_238 : vector<1x16xf32> to vector<16xf32>
        %add3A_240 = arith.addf %add3A_168, %get3A_239 : vector<16xf32>
        %add3A_241 = arith.constant 4 : i32
        %add3A_242 = arith.addi %mul3A_85, %add3A_241 : i32
        %add3A_243 = arith.constant 0 : i32
        %add3A_244 = arith.addi %add3A_242, %add3A_243 : i32
        %get3A_245 = arith.index_cast %add3A_244 : i32 to index
        %get3A_246 = arith.constant 32 : index
        %get3A_247 = tpu.vector_load %arg14[%get3A_245, %get3A_246] {strides = array<i32>} : memref<400x64xf32, #tpu.memory_space<vmem>>, vector<1x16xf32>,
        %get3A_248 = vector.shape_cast %get3A_247 : vector<1x16xf32> to vector<16xf32>
        %add3A_249 = arith.addf %add3A_177, %get3A_248 : vector<16xf32>
        %add3A_250 = arith.constant 4 : i32
        %add3A_251 = arith.addi %mul3A_85, %add3A_250 : i32
        %add3A_252 = arith.constant 1 : i32
        %add3A_253 = arith.addi %add3A_251, %add3A_252 : i32
        %get3A_254 = arith.index_cast %add3A_253 : i32 to index
        %get3A_255 = arith.constant 32 : index
        %get3A_256 = tpu.vector_load %arg14[%get3A_254, %get3A_255] {strides = array<i32>} : memref<400x64xf32, #tpu.memory_space<vmem>>, vector<1x16xf32>,
        %get3A_257 = vector.shape_cast %get3A_256 : vector<1x16xf32> to vector<16xf32>
        %add3A_258 = arith.addf %add3A_186, %get3A_257 : vector<16xf32>
        %add3A_259 = arith.constant 4 : i32
        %add3A_260 = arith.addi %mul3A_85, %add3A_259 : i32
        %add3A_261 = arith.constant 0 : i32
        %add3A_262 = arith.addi %add3A_260, %add3A_261 : i32
        %get3A_263 = arith.index_cast %add3A_262 : i32 to index
        %get3A_264 = arith.constant 48 : index
        %get3A_265 = tpu.vector_load %arg14[%get3A_263, %get3A_264] {strides = array<i32>} : memref<400x64xf32, #tpu.memory_space<vmem>>, vector<1x16xf32>,
        %get3A_266 = vector.shape_cast %get3A_265 : vector<1x16xf32> to vector<16xf32>
        %add3A_267 = arith.addf %add3A_195, %get3A_266 : vector<16xf32>
        %add3A_268 = arith.constant 4 : i32
        %add3A_269 = arith.addi %mul3A_85, %add3A_268 : i32
        %add3A_270 = arith.constant 1 : i32
        %add3A_271 = arith.addi %add3A_269, %add3A_270 : i32
        %get3A_272 = arith.index_cast %add3A_271 : i32 to index
        %get3A_273 = arith.constant 48 : index
        %get3A_274 = tpu.vector_load %arg14[%get3A_272, %get3A_273] {strides = array<i32>} : memref<400x64xf32, #tpu.memory_space<vmem>>, vector<1x16xf32>,
        %get3A_275 = vector.shape_cast %get3A_274 : vector<1x16xf32> to vector<16xf32>
        %add3A_276 = arith.addf %add3A_204, %get3A_275 : vector<16xf32>
        %add3A_277 = arith.constant 6 : i32
        %add3A_278 = arith.addi %mul3A_85, %add3A_277 : i32
        %add3A_279 = arith.constant 0 : i32
        %add3A_280 = arith.addi %add3A_278, %add3A_279 : i32
        %get3A_281 = arith.index_cast %add3A_280 : i32 to index
        %get3A_282 = arith.constant 0 : index
        %get3A_283 = tpu.vector_load %arg14[%get3A_281, %get3A_282] {strides = array<i32>} : memref<400x64xf32, #tpu.memory_space<vmem>>, vector<1x16xf32>,
        %get3A_284 = vector.shape_cast %get3A_283 : vector<1x16xf32> to vector<16xf32>
        %add3A_285 = arith.addf %add3A_213, %get3A_284 : vector<16xf32>
        %add3A_286 = arith.constant 6 : i32
        %add3A_287 = arith.addi %mul3A_85, %add3A_286 : i32
        %add3A_288 = arith.constant 1 : i32
        %add3A_289 = arith.addi %add3A_287, %add3A_288 : i32
        %get3A_290 = arith.index_cast %add3A_289 : i32 to index
        %get3A_291 = arith.constant 0 : index
        %get3A_292 = tpu.vector_load %arg14[%get3A_290, %get3A_291] {strides = array<i32>} : memref<400x64xf32, #tpu.memory_space<vmem>>, vector<1x16xf32>,
        %get3A_293 = vector.shape_cast %get3A_292 : vector<1x16xf32> to vector<16xf32>
        %add3A_294 = arith.addf %add3A_222, %get3A_293 : vector<16xf32>
        %add3A_295 = arith.constant 6 : i32
        %add3A_296 = arith.addi %mul3A_85, %add3A_295 : i32
        %add3A_297 = arith.constant 0 : i32
        %add3A_298 = arith.addi %add3A_296, %add3A_297 : i32
        %get3A_299 = arith.index_cast %add3A_298 : i32 to index
        %get3A_300 = arith.constant 16 : index
        %get3A_301 = tpu.vector_load %arg14[%get3A_299, %get3A_300] {strides = array<i32>} : memref<400x64xf32, #tpu.memory_space<vmem>>, vector<1x16xf32>,
        %get3A_302 = vector.shape_cast %get3A_301 : vector<1x16xf32> to vector<16xf32>
        %add3A_303 = arith.addf %add3A_231, %get3A_302 : vector<16xf32>
        %add3A_304 = arith.constant 6 : i32
        %add3A_305 = arith.addi %mul3A_85, %add3A_304 : i32
        %add3A_306 = arith.constant 1 : i32
        %add3A_307 = arith.addi %add3A_305, %add3A_306 : i32
        %get3A_308 = arith.index_cast %add3A_307 : i32 to index
        %get3A_309 = arith.constant 16 : index
        %get3A_310 = tpu.vector_load %arg14[%get3A_308, %get3A_309] {strides = array<i32>} : memref<400x64xf32, #tpu.memory_space<vmem>>, vector<1x16xf32>,
        %get3A_311 = vector.shape_cast %get3A_310 : vector<1x16xf32> to vector<16xf32>
        %add3A_312 = arith.addf %add3A_240, %get3A_311 : vector<16xf32>
        %add3A_313 = arith.constant 6 : i32
        %add3A_314 = arith.addi %mul3A_85, %add3A_313 : i32
        %add3A_315 = arith.constant 0 : i32
        %add3A_316 = arith.addi %add3A_314, %add3A_315 : i32
        %get3A_317 = arith.index_cast %add3A_316 : i32 to index
        %get3A_318 = arith.constant 32 : index
        %get3A_319 = tpu.vector_load %arg14[%get3A_317, %get3A_318] {strides = array<i32>} : memref<400x64xf32, #tpu.memory_space<vmem>>, vector<1x16xf32>,
        %get3A_320 = vector.shape_cast %get3A_319 : vector<1x16xf32> to vector<16xf32>
        %add3A_321 = arith.addf %add3A_249, %get3A_320 : vector<16xf32>
        %add3A_322 = arith.constant 6 : i32
        %add3A_323 = arith.addi %mul3A_85, %add3A_322 : i32
        %add3A_324 = arith.constant 1 : i32
        %add3A_325 = arith.addi %add3A_323, %add3A_324 : i32
        %get3A_326 = arith.index_cast %add3A_325 : i32 to index
        %get3A_327 = arith.constant 32 : index
        %get3A_328 = tpu.vector_load %arg14[%get3A_326, %get3A_327] {strides = array<i32>} : memref<400x64xf32, #tpu.memory_space<vmem>>, vector<1x16xf32>,
        %get3A_329 = vector.shape_cast %get3A_328 : vector<1x16xf32> to vector<16xf32>
        %add3A_330 = arith.addf %add3A_258, %get3A_329 : vector<16xf32>
        %add3A_331 = arith.constant 6 : i32
        %add3A_332 = arith.addi %mul3A_85, %add3A_331 : i32
        %add3A_333 = arith.constant 0 : i32
        %add3A_334 = arith.addi %add3A_332, %add3A_333 : i32
        %get3A_335 = arith.index_cast %add3A_334 : i32 to index
        %get3A_336 = arith.constant 48 : index
        %get3A_337 = tpu.vector_load %arg14[%get3A_335, %get3A_336] {strides = array<i32>} : memref<400x64xf32, #tpu.memory_space<vmem>>, vector<1x16xf32>,
        %get3A_338 = vector.shape_cast %get3A_337 : vector<1x16xf32> to vector<16xf32>
        %add3A_339 = arith.addf %add3A_267, %get3A_338 : vector<16xf32>
        %add3A_340 = arith.constant 6 : i32
        %add3A_341 = arith.addi %mul3A_85, %add3A_340 : i32
        %add3A_342 = arith.constant 1 : i32
        %add3A_343 = arith.addi %add3A_341, %add3A_342 : i32
        %get3A_344 = arith.index_cast %add3A_343 : i32 to index
        %get3A_345 = arith.constant 48 : index
        %get3A_346 = tpu.vector_load %arg14[%get3A_344, %get3A_345] {strides = array<i32>} : memref<400x64xf32, #tpu.memory_space<vmem>>, vector<1x16xf32>,
        %get3A_347 = vector.shape_cast %get3A_346 : vector<1x16xf32> to vector<16xf32>
        %add3A_348 = arith.addf %add3A_276, %get3A_347 : vector<16xf32>
        %add3A_349 = arith.constant 8 : i32
        %add3A_350 = arith.addi %mul3A_85, %add3A_349 : i32
        %add3A_351 = arith.constant 0 : i32
        %add3A_352 = arith.addi %add3A_350, %add3A_351 : i32
        %get3A_353 = arith.index_cast %add3A_352 : i32 to index
        %get3A_354 = arith.constant 0 : index
        %get3A_355 = tpu.vector_load %arg14[%get3A_353, %get3A_354] {strides = array<i32>} : memref<400x64xf32, #tpu.memory_space<vmem>>, vector<1x16xf32>,
        %get3A_356 = vector.shape_cast %get3A_355 : vector<1x16xf32> to vector<16xf32>
        %add3A_357 = arith.addf %add3A_285, %get3A_356 : vector<16xf32>
        %add3A_358 = arith.constant 8 : i32
        %add3A_359 = arith.addi %mul3A_85, %add3A_358 : i32
        %add3A_360 = arith.constant 1 : i32
        %add3A_361 = arith.addi %add3A_359, %add3A_360 : i32
        %get3A_362 = arith.index_cast %add3A_361 : i32 to index
        %get3A_363 = arith.constant 0 : index
        %get3A_364 = tpu.vector_load %arg14[%get3A_362, %get3A_363] {strides = array<i32>} : memref<400x64xf32, #tpu.memory_space<vmem>>, vector<1x16xf32>,
        %get3A_365 = vector.shape_cast %get3A_364 : vector<1x16xf32> to vector<16xf32>
        %add3A_366 = arith.addf %add3A_294, %get3A_365 : vector<16xf32>
        %add3A_367 = arith.constant 8 : i32
        %add3A_368 = arith.addi %mul3A_85, %add3A_367 : i32
        %add3A_369 = arith.constant 0 : i32
        %add3A_370 = arith.addi %add3A_368, %add3A_369 : i32
        %get3A_371 = arith.index_cast %add3A_370 : i32 to index
        %get3A_372 = arith.constant 16 : index
        %get3A_373 = tpu.vector_load %arg14[%get3A_371, %get3A_372] {strides = array<i32>} : memref<400x64xf32, #tpu.memory_space<vmem>>, vector<1x16xf32>,
        %get3A_374 = vector.shape_cast %get3A_373 : vector<1x16xf32> to vector<16xf32>
        %add3A_375 = arith.addf %add3A_303, %get3A_374 : vector<16xf32>
        %add3A_376 = arith.constant 8 : i32
        %add3A_377 = arith.addi %mul3A_85, %add3A_376 : i32
        %add3A_378 = arith.constant 1 : i32
        %add3A_379 = arith.addi %add3A_377, %add3A_378 : i32
        %get3A_380 = arith.index_cast %add3A_379 : i32 to index
        %get3A_381 = arith.constant 16 : index
        %get3A_382 = tpu.vector_load %arg14[%get3A_380, %get3A_381] {strides = array<i32>} : memref<400x64xf32, #tpu.memory_space<vmem>>, vector<1x16xf32>,
        %get3A_383 = vector.shape_cast %get3A_382 : vector<1x16xf32> to vector<16xf32>
        %add3A_384 = arith.addf %add3A_312, %get3A_383 : vector<16xf32>
        %add3A_385 = arith.constant 8 : i32
        %add3A_386 = arith.addi %mul3A_85, %add3A_385 : i32
        %add3A_387 = arith.constant 0 : i32
        %add3A_388 = arith.addi %add3A_386, %add3A_387 : i32
        %get3A_389 = arith.index_cast %add3A_388 : i32 to index
        %get3A_390 = arith.constant 32 : index
        %get3A_391 = tpu.vector_load %arg14[%get3A_389, %get3A_390] {strides = array<i32>} : memref<400x64xf32, #tpu.memory_space<vmem>>, vector<1x16xf32>,
        %get3A_392 = vector.shape_cast %get3A_391 : vector<1x16xf32> to vector<16xf32>
        %add3A_393 = arith.addf %add3A_321, %get3A_392 : vector<16xf32>
        %add3A_394 = arith.constant 8 : i32
        %add3A_395 = arith.addi %mul3A_85, %add3A_394 : i32
        %add3A_396 = arith.constant 1 : i32
        %add3A_397 = arith.addi %add3A_395, %add3A_396 : i32
        %get3A_398 = arith.index_cast %add3A_397 : i32 to index
        %get3A_399 = arith.constant 32 : index
        %get3A_400 = tpu.vector_load %arg14[%get3A_398, %get3A_399] {strides = array<i32>} : memref<400x64xf32, #tpu.memory_space<vmem>>, vector<1x16xf32>,
        %get3A_401 = vector.shape_cast %get3A_400 : vector<1x16xf32> to vector<16xf32>
        %add3A_402 = arith.addf %add3A_330, %get3A_401 : vector<16xf32>
        %add3A_403 = arith.constant 8 : i32
        %add3A_404 = arith.addi %mul3A_85, %add3A_403 : i32
        %add3A_405 = arith.constant 0 : i32
        %add3A_406 = arith.addi %add3A_404, %add3A_405 : i32
        %get3A_407 = arith.index_cast %add3A_406 : i32 to index
        %get3A_408 = arith.constant 48 : index
        %get3A_409 = tpu.vector_load %arg14[%get3A_407, %get3A_408] {strides = array<i32>} : memref<400x64xf32, #tpu.memory_space<vmem>>, vector<1x16xf32>,
        %get3A_410 = vector.shape_cast %get3A_409 : vector<1x16xf32> to vector<16xf32>
        %add3A_411 = arith.addf %add3A_339, %get3A_410 : vector<16xf32>
        %add3A_412 = arith.constant 8 : i32
        %add3A_413 = arith.addi %mul3A_85, %add3A_412 : i32
        %add3A_414 = arith.constant 1 : i32
        %add3A_415 = arith.addi %add3A_413, %add3A_414 : i32
        %get3A_416 = arith.index_cast %add3A_415 : i32 to index
        %get3A_417 = arith.constant 48 : index
        %get3A_418 = tpu.vector_load %arg14[%get3A_416, %get3A_417] {strides = array<i32>} : memref<400x64xf32, #tpu.memory_space<vmem>>, vector<1x16xf32>,
        %get3A_419 = vector.shape_cast %get3A_418 : vector<1x16xf32> to vector<16xf32>
        %add3A_420 = arith.addf %add3A_348, %get3A_419 : vector<16xf32>
        %add3A_421 = arith.constant 10 : i32
        %add3A_422 = arith.addi %mul3A_85, %add3A_421 : i32
        %add3A_423 = arith.constant 0 : i32
        %add3A_424 = arith.addi %add3A_422, %add3A_423 : i32
        %get3A_425 = arith.index_cast %add3A_424 : i32 to index
        %get3A_426 = arith.constant 0 : index
        %get3A_427 = tpu.vector_load %arg14[%get3A_425, %get3A_426] {strides = array<i32>} : memref<400x64xf32, #tpu.memory_space<vmem>>, vector<1x16xf32>,
        %get3A_428 = vector.shape_cast %get3A_427 : vector<1x16xf32> to vector<16xf32>
        %add3A_429 = arith.addf %add3A_357, %get3A_428 : vector<16xf32>
        %add3A_430 = arith.constant 10 : i32
        %add3A_431 = arith.addi %mul3A_85, %add3A_430 : i32
        %add3A_432 = arith.constant 1 : i32
        %add3A_433 = arith.addi %add3A_431, %add3A_432 : i32
        %get3A_434 = arith.index_cast %add3A_433 : i32 to index
        %get3A_435 = arith.constant 0 : index
        %get3A_436 = tpu.vector_load %arg14[%get3A_434, %get3A_435] {strides = array<i32>} : memref<400x64xf32, #tpu.memory_space<vmem>>, vector<1x16xf32>,
        %get3A_437 = vector.shape_cast %get3A_436 : vector<1x16xf32> to vector<16xf32>
        %add3A_438 = arith.addf %add3A_366, %get3A_437 : vector<16xf32>
        %add3A_439 = arith.constant 10 : i32
        %add3A_440 = arith.addi %mul3A_85, %add3A_439 : i32
        %add3A_441 = arith.constant 0 : i32
        %add3A_442 = arith.addi %add3A_440, %add3A_441 : i32
        %get3A_443 = arith.index_cast %add3A_442 : i32 to index
        %get3A_444 = arith.constant 16 : index
        %get3A_445 = tpu.vector_load %arg14[%get3A_443, %get3A_444] {strides = array<i32>} : memref<400x64xf32, #tpu.memory_space<vmem>>, vector<1x16xf32>,
        %get3A_446 = vector.shape_cast %get3A_445 : vector<1x16xf32> to vector<16xf32>
        %add3A_447 = arith.addf %add3A_375, %get3A_446 : vector<16xf32>
        %add3A_448 = arith.constant 10 : i32
        %add3A_449 = arith.addi %mul3A_85, %add3A_448 : i32
        %add3A_450 = arith.constant 1 : i32
        %add3A_451 = arith.addi %add3A_449, %add3A_450 : i32
        %get3A_452 = arith.index_cast %add3A_451 : i32 to index
        %get3A_453 = arith.constant 16 : index
        %get3A_454 = tpu.vector_load %arg14[%get3A_452, %get3A_453] {strides = array<i32>} : memref<400x64xf32, #tpu.memory_space<vmem>>, vector<1x16xf32>,
        %get3A_455 = vector.shape_cast %get3A_454 : vector<1x16xf32> to vector<16xf32>
        %add3A_456 = arith.addf %add3A_384, %get3A_455 : vector<16xf32>
        %add3A_457 = arith.constant 10 : i32
        %add3A_458 = arith.addi %mul3A_85, %add3A_457 : i32
        %add3A_459 = arith.constant 0 : i32
        %add3A_460 = arith.addi %add3A_458, %add3A_459 : i32
        %get3A_461 = arith.index_cast %add3A_460 : i32 to index
        %get3A_462 = arith.constant 32 : index
        %get3A_463 = tpu.vector_load %arg14[%get3A_461, %get3A_462] {strides = array<i32>} : memref<400x64xf32, #tpu.memory_space<vmem>>, vector<1x16xf32>,
        %get3A_464 = vector.shape_cast %get3A_463 : vector<1x16xf32> to vector<16xf32>
        %add3A_465 = arith.addf %add3A_393, %get3A_464 : vector<16xf32>
        %add3A_466 = arith.constant 10 : i32
        %add3A_467 = arith.addi %mul3A_85, %add3A_466 : i32
        %add3A_468 = arith.constant 1 : i32
        %add3A_469 = arith.addi %add3A_467, %add3A_468 : i32
        %get3A_470 = arith.index_cast %add3A_469 : i32 to index
        %get3A_471 = arith.constant 32 : index
        %get3A_472 = tpu.vector_load %arg14[%get3A_470, %get3A_471] {strides = array<i32>} : memref<400x64xf32, #tpu.memory_space<vmem>>, vector<1x16xf32>,
        %get3A_473 = vector.shape_cast %get3A_472 : vector<1x16xf32> to vector<16xf32>
        %add3A_474 = arith.addf %add3A_402, %get3A_473 : vector<16xf32>
        %add3A_475 = arith.constant 10 : i32
        %add3A_476 = arith.addi %mul3A_85, %add3A_475 : i32
        %add3A_477 = arith.constant 0 : i32
        %add3A_478 = arith.addi %add3A_476, %add3A_477 : i32
        %get3A_479 = arith.index_cast %add3A_478 : i32 to index
        %get3A_480 = arith.constant 48 : index
        %get3A_481 = tpu.vector_load %arg14[%get3A_479, %get3A_480] {strides = array<i32>} : memref<400x64xf32, #tpu.memory_space<vmem>>, vector<1x16xf32>,
        %get3A_482 = vector.shape_cast %get3A_481 : vector<1x16xf32> to vector<16xf32>
        %add3A_483 = arith.addf %add3A_411, %get3A_482 : vector<16xf32>
        %add3A_484 = arith.constant 10 : i32
        %add3A_485 = arith.addi %mul3A_85, %add3A_484 : i32
        %add3A_486 = arith.constant 1 : i32
        %add3A_487 = arith.addi %add3A_485, %add3A_486 : i32
        %get3A_488 = arith.index_cast %add3A_487 : i32 to index
        %get3A_489 = arith.constant 48 : index
        %get3A_490 = tpu.vector_load %arg14[%get3A_488, %get3A_489] {strides = array<i32>} : memref<400x64xf32, #tpu.memory_space<vmem>>, vector<1x16xf32>,
        %get3A_491 = vector.shape_cast %get3A_490 : vector<1x16xf32> to vector<16xf32>
        %add3A_492 = arith.addf %add3A_420, %get3A_491 : vector<16xf32>
        %add3A_493 = arith.constant 12 : i32
        %add3A_494 = arith.addi %mul3A_85, %add3A_493 : i32
        %add3A_495 = arith.constant 0 : i32
        %add3A_496 = arith.addi %add3A_494, %add3A_495 : i32
        %get3A_497 = arith.index_cast %add3A_496 : i32 to index
        %get3A_498 = arith.constant 0 : index
        %get3A_499 = tpu.vector_load %arg14[%get3A_497, %get3A_498] {strides = array<i32>} : memref<400x64xf32, #tpu.memory_space<vmem>>, vector<1x16xf32>,
        %get3A_500 = vector.shape_cast %get3A_499 : vector<1x16xf32> to vector<16xf32>
        %add3A_501 = arith.addf %add3A_429, %get3A_500 : vector<16xf32>
        %add3A_502 = arith.constant 12 : i32
        %add3A_503 = arith.addi %mul3A_85, %add3A_502 : i32
        %add3A_504 = arith.constant 1 : i32
        %add3A_505 = arith.addi %add3A_503, %add3A_504 : i32
        %get3A_506 = arith.index_cast %add3A_505 : i32 to index
        %get3A_507 = arith.constant 0 : index
        %get3A_508 = tpu.vector_load %arg14[%get3A_506, %get3A_507] {strides = array<i32>} : memref<400x64xf32, #tpu.memory_space<vmem>>, vector<1x16xf32>,
        %get3A_509 = vector.shape_cast %get3A_508 : vector<1x16xf32> to vector<16xf32>
        %add3A_510 = arith.addf %add3A_438, %get3A_509 : vector<16xf32>
        %add3A_511 = arith.constant 12 : i32
        %add3A_512 = arith.addi %mul3A_85, %add3A_511 : i32
        %add3A_513 = arith.constant 0 : i32
        %add3A_514 = arith.addi %add3A_512, %add3A_513 : i32
        %get3A_515 = arith.index_cast %add3A_514 : i32 to index
        %get3A_516 = arith.constant 16 : index
        %get3A_517 = tpu.vector_load %arg14[%get3A_515, %get3A_516] {strides = array<i32>} : memref<400x64xf32, #tpu.memory_space<vmem>>, vector<1x16xf32>,
        %get3A_518 = vector.shape_cast %get3A_517 : vector<1x16xf32> to vector<16xf32>
        %add3A_519 = arith.addf %add3A_447, %get3A_518 : vector<16xf32>
        %add3A_520 = arith.constant 12 : i32
        %add3A_521 = arith.addi %mul3A_85, %add3A_520 : i32
        %add3A_522 = arith.constant 1 : i32
        %add3A_523 = arith.addi %add3A_521, %add3A_522 : i32
        %get3A_524 = arith.index_cast %add3A_523 : i32 to index
        %get3A_525 = arith.constant 16 : index
        %get3A_526 = tpu.vector_load %arg14[%get3A_524, %get3A_525] {strides = array<i32>} : memref<400x64xf32, #tpu.memory_space<vmem>>, vector<1x16xf32>,
        %get3A_527 = vector.shape_cast %get3A_526 : vector<1x16xf32> to vector<16xf32>
        %add3A_528 = arith.addf %add3A_456, %get3A_527 : vector<16xf32>
        %add3A_529 = arith.constant 12 : i32
        %add3A_530 = arith.addi %mul3A_85, %add3A_529 : i32
        %add3A_531 = arith.constant 0 : i32
        %add3A_532 = arith.addi %add3A_530, %add3A_531 : i32
        %get3A_533 = arith.index_cast %add3A_532 : i32 to index
        %get3A_534 = arith.constant 32 : index
        %get3A_535 = tpu.vector_load %arg14[%get3A_533, %get3A_534] {strides = array<i32>} : memref<400x64xf32, #tpu.memory_space<vmem>>, vector<1x16xf32>,
        %get3A_536 = vector.shape_cast %get3A_535 : vector<1x16xf32> to vector<16xf32>
        %add3A_537 = arith.addf %add3A_465, %get3A_536 : vector<16xf32>
        %add3A_538 = arith.constant 12 : i32
        %add3A_539 = arith.addi %mul3A_85, %add3A_538 : i32
        %add3A_540 = arith.constant 1 : i32
        %add3A_541 = arith.addi %add3A_539, %add3A_540 : i32
        %get3A_542 = arith.index_cast %add3A_541 : i32 to index
        %get3A_543 = arith.constant 32 : index
        %get3A_544 = tpu.vector_load %arg14[%get3A_542, %get3A_543] {strides = array<i32>} : memref<400x64xf32, #tpu.memory_space<vmem>>, vector<1x16xf32>,
        %get3A_545 = vector.shape_cast %get3A_544 : vector<1x16xf32> to vector<16xf32>
        %add3A_546 = arith.addf %add3A_474, %get3A_545 : vector<16xf32>
        %add3A_547 = arith.constant 12 : i32
        %add3A_548 = arith.addi %mul3A_85, %add3A_547 : i32
        %add3A_549 = arith.constant 0 : i32
        %add3A_550 = arith.addi %add3A_548, %add3A_549 : i32
        %get3A_551 = arith.index_cast %add3A_550 : i32 to index
        %get3A_552 = arith.constant 48 : index
        %get3A_553 = tpu.vector_load %arg14[%get3A_551, %get3A_552] {strides = array<i32>} : memref<400x64xf32, #tpu.memory_space<vmem>>, vector<1x16xf32>,
        %get3A_554 = vector.shape_cast %get3A_553 : vector<1x16xf32> to vector<16xf32>
        %add3A_555 = arith.addf %add3A_483, %get3A_554 : vector<16xf32>
        %add3A_556 = arith.constant 12 : i32
        %add3A_557 = arith.addi %mul3A_85, %add3A_556 : i32
        %add3A_558 = arith.constant 1 : i32
        %add3A_559 = arith.addi %add3A_557, %add3A_558 : i32
        %get3A_560 = arith.index_cast %add3A_559 : i32 to index
        %get3A_561 = arith.constant 48 : index
        %get3A_562 = tpu.vector_load %arg14[%get3A_560, %get3A_561] {strides = array<i32>} : memref<400x64xf32, #tpu.memory_space<vmem>>, vector<1x16xf32>,
        %get3A_563 = vector.shape_cast %get3A_562 : vector<1x16xf32> to vector<16xf32>
        %add3A_564 = arith.addf %add3A_492, %get3A_563 : vector<16xf32>
        %add3A_565 = arith.constant 14 : i32
        %add3A_566 = arith.addi %mul3A_85, %add3A_565 : i32
        %add3A_567 = arith.constant 0 : i32
        %add3A_568 = arith.addi %add3A_566, %add3A_567 : i32
        %get3A_569 = arith.index_cast %add3A_568 : i32 to index
        %get3A_570 = arith.constant 0 : index
        %get3A_571 = tpu.vector_load %arg14[%get3A_569, %get3A_570] {strides = array<i32>} : memref<400x64xf32, #tpu.memory_space<vmem>>, vector<1x16xf32>,
        %get3A_572 = vector.shape_cast %get3A_571 : vector<1x16xf32> to vector<16xf32>
        %add3A_573 = arith.addf %add3A_501, %get3A_572 : vector<16xf32>
        %add3A_574 = arith.constant 14 : i32
        %add3A_575 = arith.addi %mul3A_85, %add3A_574 : i32
        %add3A_576 = arith.constant 1 : i32
        %add3A_577 = arith.addi %add3A_575, %add3A_576 : i32
        %get3A_578 = arith.index_cast %add3A_577 : i32 to index
        %get3A_579 = arith.constant 0 : index
        %get3A_580 = tpu.vector_load %arg14[%get3A_578, %get3A_579] {strides = array<i32>} : memref<400x64xf32, #tpu.memory_space<vmem>>, vector<1x16xf32>,
        %get3A_581 = vector.shape_cast %get3A_580 : vector<1x16xf32> to vector<16xf32>
        %add3A_582 = arith.addf %add3A_510, %get3A_581 : vector<16xf32>
        %add3A_583 = arith.constant 14 : i32
        %add3A_584 = arith.addi %mul3A_85, %add3A_583 : i32
        %add3A_585 = arith.constant 0 : i32
        %add3A_586 = arith.addi %add3A_584, %add3A_585 : i32
        %get3A_587 = arith.index_cast %add3A_586 : i32 to index
        %get3A_588 = arith.constant 16 : index
        %get3A_589 = tpu.vector_load %arg14[%get3A_587, %get3A_588] {strides = array<i32>} : memref<400x64xf32, #tpu.memory_space<vmem>>, vector<1x16xf32>,
        %get3A_590 = vector.shape_cast %get3A_589 : vector<1x16xf32> to vector<16xf32>
        %add3A_591 = arith.addf %add3A_519, %get3A_590 : vector<16xf32>
        %add3A_592 = arith.constant 14 : i32
        %add3A_593 = arith.addi %mul3A_85, %add3A_592 : i32
        %add3A_594 = arith.constant 1 : i32
        %add3A_595 = arith.addi %add3A_593, %add3A_594 : i32
        %get3A_596 = arith.index_cast %add3A_595 : i32 to index
        %get3A_597 = arith.constant 16 : index
        %get3A_598 = tpu.vector_load %arg14[%get3A_596, %get3A_597] {strides = array<i32>} : memref<400x64xf32, #tpu.memory_space<vmem>>, vector<1x16xf32>,
        %get3A_599 = vector.shape_cast %get3A_598 : vector<1x16xf32> to vector<16xf32>
        %add3A_600 = arith.addf %add3A_528, %get3A_599 : vector<16xf32>
        %add3A_601 = arith.constant 14 : i32
        %add3A_602 = arith.addi %mul3A_85, %add3A_601 : i32
        %add3A_603 = arith.constant 0 : i32
        %add3A_604 = arith.addi %add3A_602, %add3A_603 : i32
        %get3A_605 = arith.index_cast %add3A_604 : i32 to index
        %get3A_606 = arith.constant 32 : index
        %get3A_607 = tpu.vector_load %arg14[%get3A_605, %get3A_606] {strides = array<i32>} : memref<400x64xf32, #tpu.memory_space<vmem>>, vector<1x16xf32>,
        %get3A_608 = vector.shape_cast %get3A_607 : vector<1x16xf32> to vector<16xf32>
        %add3A_609 = arith.addf %add3A_537, %get3A_608 : vector<16xf32>
        %add3A_610 = arith.constant 14 : i32
        %add3A_611 = arith.addi %mul3A_85, %add3A_610 : i32
        %add3A_612 = arith.constant 1 : i32
        %add3A_613 = arith.addi %add3A_611, %add3A_612 : i32
        %get3A_614 = arith.index_cast %add3A_613 : i32 to index
        %get3A_615 = arith.constant 32 : index
        %get3A_616 = tpu.vector_load %arg14[%get3A_614, %get3A_615] {strides = array<i32>} : memref<400x64xf32, #tpu.memory_space<vmem>>, vector<1x16xf32>,
        %get3A_617 = vector.shape_cast %get3A_616 : vector<1x16xf32> to vector<16xf32>
        %add3A_618 = arith.addf %add3A_546, %get3A_617 : vector<16xf32>
        %add3A_619 = arith.constant 14 : i32
        %add3A_620 = arith.addi %mul3A_85, %add3A_619 : i32
        %add3A_621 = arith.constant 0 : i32
        %add3A_622 = arith.addi %add3A_620, %add3A_621 : i32
        %get3A_623 = arith.index_cast %add3A_622 : i32 to index
        %get3A_624 = arith.constant 48 : index
        %get3A_625 = tpu.vector_load %arg14[%get3A_623, %get3A_624] {strides = array<i32>} : memref<400x64xf32, #tpu.memory_space<vmem>>, vector<1x16xf32>,
        %get3A_626 = vector.shape_cast %get3A_625 : vector<1x16xf32> to vector<16xf32>
        %add3A_627 = arith.addf %add3A_555, %get3A_626 : vector<16xf32>
        %add3A_628 = arith.constant 14 : i32
        %add3A_629 = arith.addi %mul3A_85, %add3A_628 : i32
        %add3A_630 = arith.constant 1 : i32
        %add3A_631 = arith.addi %add3A_629, %add3A_630 : i32
        %get3A_632 = arith.index_cast %add3A_631 : i32 to index
        %get3A_633 = arith.constant 48 : index
        %get3A_634 = tpu.vector_load %arg14[%get3A_632, %get3A_633] {strides = array<i32>} : memref<400x64xf32, #tpu.memory_space<vmem>>, vector<1x16xf32>,
        %get3A_635 = vector.shape_cast %get3A_634 : vector<1x16xf32> to vector<16xf32>
        %add3A_636 = arith.addf %add3A_564, %get3A_635 : vector<16xf32>
        %add3A_637 = arith.constant 16 : i32
        %add3A_638 = arith.addi %mul3A_85, %add3A_637 : i32
        %add3A_639 = arith.constant 0 : i32
        %add3A_640 = arith.addi %add3A_638, %add3A_639 : i32
        %get3A_641 = arith.index_cast %add3A_640 : i32 to index
        %get3A_642 = arith.constant 0 : index
        %get3A_643 = tpu.vector_load %arg14[%get3A_641, %get3A_642] {strides = array<i32>} : memref<400x64xf32, #tpu.memory_space<vmem>>, vector<1x16xf32>,
        %get3A_644 = vector.shape_cast %get3A_643 : vector<1x16xf32> to vector<16xf32>
        %add3A_645 = arith.addf %add3A_573, %get3A_644 : vector<16xf32>
        %add3A_646 = arith.constant 16 : i32
        %add3A_647 = arith.addi %mul3A_85, %add3A_646 : i32
        %add3A_648 = arith.constant 1 : i32
        %add3A_649 = arith.addi %add3A_647, %add3A_648 : i32
        %get3A_650 = arith.index_cast %add3A_649 : i32 to index
        %get3A_651 = arith.constant 0 : index
        %get3A_652 = tpu.vector_load %arg14[%get3A_650, %get3A_651] {strides = array<i32>} : memref<400x64xf32, #tpu.memory_space<vmem>>, vector<1x16xf32>,
        %get3A_653 = vector.shape_cast %get3A_652 : vector<1x16xf32> to vector<16xf32>
        %add3A_654 = arith.addf %add3A_582, %get3A_653 : vector<16xf32>
        %add3A_655 = arith.constant 16 : i32
        %add3A_656 = arith.addi %mul3A_85, %add3A_655 : i32
        %add3A_657 = arith.constant 0 : i32
        %add3A_658 = arith.addi %add3A_656, %add3A_657 : i32
        %get3A_659 = arith.index_cast %add3A_658 : i32 to index
        %get3A_660 = arith.constant 16 : index
        %get3A_661 = tpu.vector_load %arg14[%get3A_659, %get3A_660] {strides = array<i32>} : memref<400x64xf32, #tpu.memory_space<vmem>>, vector<1x16xf32>,
        %get3A_662 = vector.shape_cast %get3A_661 : vector<1x16xf32> to vector<16xf32>
        %add3A_663 = arith.addf %add3A_591, %get3A_662 : vector<16xf32>
        %add3A_664 = arith.constant 16 : i32
        %add3A_665 = arith.addi %mul3A_85, %add3A_664 : i32
        %add3A_666 = arith.constant 1 : i32
        %add3A_667 = arith.addi %add3A_665, %add3A_666 : i32
        %get3A_668 = arith.index_cast %add3A_667 : i32 to index
        %get3A_669 = arith.constant 16 : index
        %get3A_670 = tpu.vector_load %arg14[%get3A_668, %get3A_669] {strides = array<i32>} : memref<400x64xf32, #tpu.memory_space<vmem>>, vector<1x16xf32>,
        %get3A_671 = vector.shape_cast %get3A_670 : vector<1x16xf32> to vector<16xf32>
        %add3A_672 = arith.addf %add3A_600, %get3A_671 : vector<16xf32>
        %add3A_673 = arith.constant 16 : i32
        %add3A_674 = arith.addi %mul3A_85, %add3A_673 : i32
        %add3A_675 = arith.constant 0 : i32
        %add3A_676 = arith.addi %add3A_674, %add3A_675 : i32
        %get3A_677 = arith.index_cast %add3A_676 : i32 to index
        %get3A_678 = arith.constant 32 : index
        %get3A_679 = tpu.vector_load %arg14[%get3A_677, %get3A_678] {strides = array<i32>} : memref<400x64xf32, #tpu.memory_space<vmem>>, vector<1x16xf32>,
        %get3A_680 = vector.shape_cast %get3A_679 : vector<1x16xf32> to vector<16xf32>
        %add3A_681 = arith.addf %add3A_609, %get3A_680 : vector<16xf32>
        %add3A_682 = arith.constant 16 : i32
        %add3A_683 = arith.addi %mul3A_85, %add3A_682 : i32
        %add3A_684 = arith.constant 1 : i32
        %add3A_685 = arith.addi %add3A_683, %add3A_684 : i32
        %get3A_686 = arith.index_cast %add3A_685 : i32 to index
        %get3A_687 = arith.constant 32 : index
        %get3A_688 = tpu.vector_load %arg14[%get3A_686, %get3A_687] {strides = array<i32>} : memref<400x64xf32, #tpu.memory_space<vmem>>, vector<1x16xf32>,
        %get3A_689 = vector.shape_cast %get3A_688 : vector<1x16xf32> to vector<16xf32>
        %add3A_690 = arith.addf %add3A_618, %get3A_689 : vector<16xf32>
        %add3A_691 = arith.constant 16 : i32
        %add3A_692 = arith.addi %mul3A_85, %add3A_691 : i32
        %add3A_693 = arith.constant 0 : i32
        %add3A_694 = arith.addi %add3A_692, %add3A_693 : i32
        %get3A_695 = arith.index_cast %add3A_694 : i32 to index
        %get3A_696 = arith.constant 48 : index
        %get3A_697 = tpu.vector_load %arg14[%get3A_695, %get3A_696] {strides = array<i32>} : memref<400x64xf32, #tpu.memory_space<vmem>>, vector<1x16xf32>,
        %get3A_698 = vector.shape_cast %get3A_697 : vector<1x16xf32> to vector<16xf32>
        %add3A_699 = arith.addf %add3A_627, %get3A_698 : vector<16xf32>
        %add3A_700 = arith.constant 16 : i32
        %add3A_701 = arith.addi %mul3A_85, %add3A_700 : i32
        %add3A_702 = arith.constant 1 : i32
        %add3A_703 = arith.addi %add3A_701, %add3A_702 : i32
        %get3A_704 = arith.index_cast %add3A_703 : i32 to index
        %get3A_705 = arith.constant 48 : index
        %get3A_706 = tpu.vector_load %arg14[%get3A_704, %get3A_705] {strides = array<i32>} : memref<400x64xf32, #tpu.memory_space<vmem>>, vector<1x16xf32>,
        %get3A_707 = vector.shape_cast %get3A_706 : vector<1x16xf32> to vector<16xf32>
        %add3A_708 = arith.addf %add3A_636, %get3A_707 : vector<16xf32>
        %add3A_709 = arith.constant 18 : i32
        %add3A_710 = arith.addi %mul3A_85, %add3A_709 : i32
        %add3A_711 = arith.constant 0 : i32
        %add3A_712 = arith.addi %add3A_710, %add3A_711 : i32
        %get3A_713 = arith.index_cast %add3A_712 : i32 to index
        %get3A_714 = arith.constant 0 : index
        %get3A_715 = tpu.vector_load %arg14[%get3A_713, %get3A_714] {strides = array<i32>} : memref<400x64xf32, #tpu.memory_space<vmem>>, vector<1x16xf32>,
        %get3A_716 = vector.shape_cast %get3A_715 : vector<1x16xf32> to vector<16xf32>
        %add3A_717 = arith.addf %add3A_645, %get3A_716 : vector<16xf32>
        %add3A_718 = arith.constant 18 : i32
        %add3A_719 = arith.addi %mul3A_85, %add3A_718 : i32
        %add3A_720 = arith.constant 1 : i32
        %add3A_721 = arith.addi %add3A_719, %add3A_720 : i32
        %get3A_722 = arith.index_cast %add3A_721 : i32 to index
        %get3A_723 = arith.constant 0 : index
        %get3A_724 = tpu.vector_load %arg14[%get3A_722, %get3A_723] {strides = array<i32>} : memref<400x64xf32, #tpu.memory_space<vmem>>, vector<1x16xf32>,
        %get3A_725 = vector.shape_cast %get3A_724 : vector<1x16xf32> to vector<16xf32>
        %add3A_726 = arith.addf %add3A_654, %get3A_725 : vector<16xf32>
        %add3A_727 = arith.constant 18 : i32
        %add3A_728 = arith.addi %mul3A_85, %add3A_727 : i32
        %add3A_729 = arith.constant 0 : i32
        %add3A_730 = arith.addi %add3A_728, %add3A_729 : i32
        %get3A_731 = arith.index_cast %add3A_730 : i32 to index
        %get3A_732 = arith.constant 16 : index
        %get3A_733 = tpu.vector_load %arg14[%get3A_731, %get3A_732] {strides = array<i32>} : memref<400x64xf32, #tpu.memory_space<vmem>>, vector<1x16xf32>,
        %get3A_734 = vector.shape_cast %get3A_733 : vector<1x16xf32> to vector<16xf32>
        %add3A_735 = arith.addf %add3A_663, %get3A_734 : vector<16xf32>
        %add3A_736 = arith.constant 18 : i32
        %add3A_737 = arith.addi %mul3A_85, %add3A_736 : i32
        %add3A_738 = arith.constant 1 : i32
        %add3A_739 = arith.addi %add3A_737, %add3A_738 : i32
        %get3A_740 = arith.index_cast %add3A_739 : i32 to index
        %get3A_741 = arith.constant 16 : index
        %get3A_742 = tpu.vector_load %arg14[%get3A_740, %get3A_741] {strides = array<i32>} : memref<400x64xf32, #tpu.memory_space<vmem>>, vector<1x16xf32>,
        %get3A_743 = vector.shape_cast %get3A_742 : vector<1x16xf32> to vector<16xf32>
        %add3A_744 = arith.addf %add3A_672, %get3A_743 : vector<16xf32>
        %add3A_745 = arith.constant 18 : i32
        %add3A_746 = arith.addi %mul3A_85, %add3A_745 : i32
        %add3A_747 = arith.constant 0 : i32
        %add3A_748 = arith.addi %add3A_746, %add3A_747 : i32
        %get3A_749 = arith.index_cast %add3A_748 : i32 to index
        %get3A_750 = arith.constant 32 : index
        %get3A_751 = tpu.vector_load %arg14[%get3A_749, %get3A_750] {strides = array<i32>} : memref<400x64xf32, #tpu.memory_space<vmem>>, vector<1x16xf32>,
        %get3A_752 = vector.shape_cast %get3A_751 : vector<1x16xf32> to vector<16xf32>
        %add3A_753 = arith.addf %add3A_681, %get3A_752 : vector<16xf32>
        %add3A_754 = arith.constant 18 : i32
        %add3A_755 = arith.addi %mul3A_85, %add3A_754 : i32
        %add3A_756 = arith.constant 1 : i32
        %add3A_757 = arith.addi %add3A_755, %add3A_756 : i32
        %get3A_758 = arith.index_cast %add3A_757 : i32 to index
        %get3A_759 = arith.constant 32 : index
        %get3A_760 = tpu.vector_load %arg14[%get3A_758, %get3A_759] {strides = array<i32>} : memref<400x64xf32, #tpu.memory_space<vmem>>, vector<1x16xf32>,
        %get3A_761 = vector.shape_cast %get3A_760 : vector<1x16xf32> to vector<16xf32>
        %add3A_762 = arith.addf %add3A_690, %get3A_761 : vector<16xf32>
        %add3A_763 = arith.constant 18 : i32
        %add3A_764 = arith.addi %mul3A_85, %add3A_763 : i32
        %add3A_765 = arith.constant 0 : i32
        %add3A_766 = arith.addi %add3A_764, %add3A_765 : i32
        %get3A_767 = arith.index_cast %add3A_766 : i32 to index
        %get3A_768 = arith.constant 48 : index
        %get3A_769 = tpu.vector_load %arg14[%get3A_767, %get3A_768] {strides = array<i32>} : memref<400x64xf32, #tpu.memory_space<vmem>>, vector<1x16xf32>,
        %get3A_770 = vector.shape_cast %get3A_769 : vector<1x16xf32> to vector<16xf32>
        %add3A_771 = arith.addf %add3A_699, %get3A_770 : vector<16xf32>
        %add3A_772 = arith.constant 18 : i32
        %add3A_773 = arith.addi %mul3A_85, %add3A_772 : i32
        %add3A_774 = arith.constant 1 : i32
        %add3A_775 = arith.addi %add3A_773, %add3A_774 : i32
        %get3A_776 = arith.index_cast %add3A_775 : i32 to index
        %get3A_777 = arith.constant 48 : index
        %get3A_778 = tpu.vector_load %arg14[%get3A_776, %get3A_777] {strides = array<i32>} : memref<400x64xf32, #tpu.memory_space<vmem>>, vector<1x16xf32>,
        %get3A_779 = vector.shape_cast %get3A_778 : vector<1x16xf32> to vector<16xf32>
        %add3A_780 = arith.addf %add3A_708, %get3A_779 : vector<16xf32>
        %add3A_781 = arith.constant 20 : i32
        %add3A_782 = arith.addi %mul3A_85, %add3A_781 : i32
        %add3A_783 = arith.constant 0 : i32
        %add3A_784 = arith.addi %add3A_782, %add3A_783 : i32
        %get3A_785 = arith.index_cast %add3A_784 : i32 to index
        %get3A_786 = arith.constant 0 : index
        %get3A_787 = tpu.vector_load %arg14[%get3A_785, %get3A_786] {strides = array<i32>} : memref<400x64xf32, #tpu.memory_space<vmem>>, vector<1x16xf32>,
        %get3A_788 = vector.shape_cast %get3A_787 : vector<1x16xf32> to vector<16xf32>
        %add3A_789 = arith.addf %add3A_717, %get3A_788 : vector<16xf32>
        %add3A_790 = arith.constant 20 : i32
        %add3A_791 = arith.addi %mul3A_85, %add3A_790 : i32
        %add3A_792 = arith.constant 1 : i32
        %add3A_793 = arith.addi %add3A_791, %add3A_792 : i32
        %get3A_794 = arith.index_cast %add3A_793 : i32 to index
        %get3A_795 = arith.constant 0 : index
        %get3A_796 = tpu.vector_load %arg14[%get3A_794, %get3A_795] {strides = array<i32>} : memref<400x64xf32, #tpu.memory_space<vmem>>, vector<1x16xf32>,
        %get3A_797 = vector.shape_cast %get3A_796 : vector<1x16xf32> to vector<16xf32>
        %add3A_798 = arith.addf %add3A_726, %get3A_797 : vector<16xf32>
        %add3A_799 = arith.constant 20 : i32
        %add3A_800 = arith.addi %mul3A_85, %add3A_799 : i32
        %add3A_801 = arith.constant 0 : i32
        %add3A_802 = arith.addi %add3A_800, %add3A_801 : i32
        %get3A_803 = arith.index_cast %add3A_802 : i32 to index
        %get3A_804 = arith.constant 16 : index
        %get3A_805 = tpu.vector_load %arg14[%get3A_803, %get3A_804] {strides = array<i32>} : memref<400x64xf32, #tpu.memory_space<vmem>>, vector<1x16xf32>,
        %get3A_806 = vector.shape_cast %get3A_805 : vector<1x16xf32> to vector<16xf32>
        %add3A_807 = arith.addf %add3A_735, %get3A_806 : vector<16xf32>
        %add3A_808 = arith.constant 20 : i32
        %add3A_809 = arith.addi %mul3A_85, %add3A_808 : i32
        %add3A_810 = arith.constant 1 : i32
        %add3A_811 = arith.addi %add3A_809, %add3A_810 : i32
        %get3A_812 = arith.index_cast %add3A_811 : i32 to index
        %get3A_813 = arith.constant 16 : index
        %get3A_814 = tpu.vector_load %arg14[%get3A_812, %get3A_813] {strides = array<i32>} : memref<400x64xf32, #tpu.memory_space<vmem>>, vector<1x16xf32>,
        %get3A_815 = vector.shape_cast %get3A_814 : vector<1x16xf32> to vector<16xf32>
        %add3A_816 = arith.addf %add3A_744, %get3A_815 : vector<16xf32>
        %add3A_817 = arith.constant 20 : i32
        %add3A_818 = arith.addi %mul3A_85, %add3A_817 : i32
        %add3A_819 = arith.constant 0 : i32
        %add3A_820 = arith.addi %add3A_818, %add3A_819 : i32
        %get3A_821 = arith.index_cast %add3A_820 : i32 to index
        %get3A_822 = arith.constant 32 : index
        %get3A_823 = tpu.vector_load %arg14[%get3A_821, %get3A_822] {strides = array<i32>} : memref<400x64xf32, #tpu.memory_space<vmem>>, vector<1x16xf32>,
        %get3A_824 = vector.shape_cast %get3A_823 : vector<1x16xf32> to vector<16xf32>
        %add3A_825 = arith.addf %add3A_753, %get3A_824 : vector<16xf32>
        %add3A_826 = arith.constant 20 : i32
        %add3A_827 = arith.addi %mul3A_85, %add3A_826 : i32
        %add3A_828 = arith.constant 1 : i32
        %add3A_829 = arith.addi %add3A_827, %add3A_828 : i32
        %get3A_830 = arith.index_cast %add3A_829 : i32 to index
        %get3A_831 = arith.constant 32 : index
        %get3A_832 = tpu.vector_load %arg14[%get3A_830, %get3A_831] {strides = array<i32>} : memref<400x64xf32, #tpu.memory_space<vmem>>, vector<1x16xf32>,
        %get3A_833 = vector.shape_cast %get3A_832 : vector<1x16xf32> to vector<16xf32>
        %add3A_834 = arith.addf %add3A_762, %get3A_833 : vector<16xf32>
        %add3A_835 = arith.constant 20 : i32
        %add3A_836 = arith.addi %mul3A_85, %add3A_835 : i32
        %add3A_837 = arith.constant 0 : i32
        %add3A_838 = arith.addi %add3A_836, %add3A_837 : i32
        %get3A_839 = arith.index_cast %add3A_838 : i32 to index
        %get3A_840 = arith.constant 48 : index
        %get3A_841 = tpu.vector_load %arg14[%get3A_839, %get3A_840] {strides = array<i32>} : memref<400x64xf32, #tpu.memory_space<vmem>>, vector<1x16xf32>,
        %get3A_842 = vector.shape_cast %get3A_841 : vector<1x16xf32> to vector<16xf32>
        %add3A_843 = arith.addf %add3A_771, %get3A_842 : vector<16xf32>
        %add3A_844 = arith.constant 20 : i32
        %add3A_845 = arith.addi %mul3A_85, %add3A_844 : i32
        %add3A_846 = arith.constant 1 : i32
        %add3A_847 = arith.addi %add3A_845, %add3A_846 : i32
        %get3A_848 = arith.index_cast %add3A_847 : i32 to index
        %get3A_849 = arith.constant 48 : index
        %get3A_850 = tpu.vector_load %arg14[%get3A_848, %get3A_849] {strides = array<i32>} : memref<400x64xf32, #tpu.memory_space<vmem>>, vector<1x16xf32>,
        %get3A_851 = vector.shape_cast %get3A_850 : vector<1x16xf32> to vector<16xf32>
        %add3A_852 = arith.addf %add3A_780, %get3A_851 : vector<16xf32>
        %add3A_853 = arith.constant 22 : i32
        %add3A_854 = arith.addi %mul3A_85, %add3A_853 : i32
        %add3A_855 = arith.constant 0 : i32
        %add3A_856 = arith.addi %add3A_854, %add3A_855 : i32
        %get3A_857 = arith.index_cast %add3A_856 : i32 to index
        %get3A_858 = arith.constant 0 : index
        %get3A_859 = tpu.vector_load %arg14[%get3A_857, %get3A_858] {strides = array<i32>} : memref<400x64xf32, #tpu.memory_space<vmem>>, vector<1x16xf32>,
        %get3A_860 = vector.shape_cast %get3A_859 : vector<1x16xf32> to vector<16xf32>
        %add3A_861 = arith.addf %add3A_789, %get3A_860 : vector<16xf32>
        %add3A_862 = arith.constant 22 : i32
        %add3A_863 = arith.addi %mul3A_85, %add3A_862 : i32
        %add3A_864 = arith.constant 1 : i32
        %add3A_865 = arith.addi %add3A_863, %add3A_864 : i32
        %get3A_866 = arith.index_cast %add3A_865 : i32 to index
        %get3A_867 = arith.constant 0 : index
        %get3A_868 = tpu.vector_load %arg14[%get3A_866, %get3A_867] {strides = array<i32>} : memref<400x64xf32, #tpu.memory_space<vmem>>, vector<1x16xf32>,
        %get3A_869 = vector.shape_cast %get3A_868 : vector<1x16xf32> to vector<16xf32>
        %add3A_870 = arith.addf %add3A_798, %get3A_869 : vector<16xf32>
        %add3A_871 = arith.constant 22 : i32
        %add3A_872 = arith.addi %mul3A_85, %add3A_871 : i32
        %add3A_873 = arith.constant 0 : i32
        %add3A_874 = arith.addi %add3A_872, %add3A_873 : i32
        %get3A_875 = arith.index_cast %add3A_874 : i32 to index
        %get3A_876 = arith.constant 16 : index
        %get3A_877 = tpu.vector_load %arg14[%get3A_875, %get3A_876] {strides = array<i32>} : memref<400x64xf32, #tpu.memory_space<vmem>>, vector<1x16xf32>,
        %get3A_878 = vector.shape_cast %get3A_877 : vector<1x16xf32> to vector<16xf32>
        %add3A_879 = arith.addf %add3A_807, %get3A_878 : vector<16xf32>
        %add3A_880 = arith.constant 22 : i32
        %add3A_881 = arith.addi %mul3A_85, %add3A_880 : i32
        %add3A_882 = arith.constant 1 : i32
        %add3A_883 = arith.addi %add3A_881, %add3A_882 : i32
        %get3A_884 = arith.index_cast %add3A_883 : i32 to index
        %get3A_885 = arith.constant 16 : index
        %get3A_886 = tpu.vector_load %arg14[%get3A_884, %get3A_885] {strides = array<i32>} : memref<400x64xf32, #tpu.memory_space<vmem>>, vector<1x16xf32>,
        %get3A_887 = vector.shape_cast %get3A_886 : vector<1x16xf32> to vector<16xf32>
        %add3A_888 = arith.addf %add3A_816, %get3A_887 : vector<16xf32>
        %add3A_889 = arith.constant 22 : i32
        %add3A_890 = arith.addi %mul3A_85, %add3A_889 : i32
        %add3A_891 = arith.constant 0 : i32
        %add3A_892 = arith.addi %add3A_890, %add3A_891 : i32
        %get3A_893 = arith.index_cast %add3A_892 : i32 to index
        %get3A_894 = arith.constant 32 : index
        %get3A_895 = tpu.vector_load %arg14[%get3A_893, %get3A_894] {strides = array<i32>} : memref<400x64xf32, #tpu.memory_space<vmem>>, vector<1x16xf32>,
        %get3A_896 = vector.shape_cast %get3A_895 : vector<1x16xf32> to vector<16xf32>
        %add3A_897 = arith.addf %add3A_825, %get3A_896 : vector<16xf32>
        %add3A_898 = arith.constant 22 : i32
        %add3A_899 = arith.addi %mul3A_85, %add3A_898 : i32
        %add3A_900 = arith.constant 1 : i32
        %add3A_901 = arith.addi %add3A_899, %add3A_900 : i32
        %get3A_902 = arith.index_cast %add3A_901 : i32 to index
        %get3A_903 = arith.constant 32 : index
        %get3A_904 = tpu.vector_load %arg14[%get3A_902, %get3A_903] {strides = array<i32>} : memref<400x64xf32, #tpu.memory_space<vmem>>, vector<1x16xf32>,
        %get3A_905 = vector.shape_cast %get3A_904 : vector<1x16xf32> to vector<16xf32>
        %add3A_906 = arith.addf %add3A_834, %get3A_905 : vector<16xf32>
        %add3A_907 = arith.constant 22 : i32
        %add3A_908 = arith.addi %mul3A_85, %add3A_907 : i32
        %add3A_909 = arith.constant 0 : i32
        %add3A_910 = arith.addi %add3A_908, %add3A_909 : i32
        %get3A_911 = arith.index_cast %add3A_910 : i32 to index
        %get3A_912 = arith.constant 48 : index
        %get3A_913 = tpu.vector_load %arg14[%get3A_911, %get3A_912] {strides = array<i32>} : memref<400x64xf32, #tpu.memory_space<vmem>>, vector<1x16xf32>,
        %get3A_914 = vector.shape_cast %get3A_913 : vector<1x16xf32> to vector<16xf32>
        %add3A_915 = arith.addf %add3A_843, %get3A_914 : vector<16xf32>
        %add3A_916 = arith.constant 22 : i32
        %add3A_917 = arith.addi %mul3A_85, %add3A_916 : i32
        %add3A_918 = arith.constant 1 : i32
        %add3A_919 = arith.addi %add3A_917, %add3A_918 : i32
        %get3A_920 = arith.index_cast %add3A_919 : i32 to index
        %get3A_921 = arith.constant 48 : index
        %get3A_922 = tpu.vector_load %arg14[%get3A_920, %get3A_921] {strides = array<i32>} : memref<400x64xf32, #tpu.memory_space<vmem>>, vector<1x16xf32>,
        %get3A_923 = vector.shape_cast %get3A_922 : vector<1x16xf32> to vector<16xf32>
        %add3A_924 = arith.addf %add3A_852, %get3A_923 : vector<16xf32>
        %add3A_925 = arith.constant 24 : i32
        %add3A_926 = arith.addi %mul3A_85, %add3A_925 : i32
        %add3A_927 = arith.constant 0 : i32
        %add3A_928 = arith.addi %add3A_926, %add3A_927 : i32
        %get3A_929 = arith.index_cast %add3A_928 : i32 to index
        %get3A_930 = arith.constant 0 : index
        %get3A_931 = tpu.vector_load %arg14[%get3A_929, %get3A_930] {strides = array<i32>} : memref<400x64xf32, #tpu.memory_space<vmem>>, vector<1x16xf32>,
        %get3A_932 = vector.shape_cast %get3A_931 : vector<1x16xf32> to vector<16xf32>
        %add3A_933 = arith.addf %add3A_861, %get3A_932 : vector<16xf32>
        %add3A_934 = arith.constant 24 : i32
        %add3A_935 = arith.addi %mul3A_85, %add3A_934 : i32
        %add3A_936 = arith.constant 1 : i32
        %add3A_937 = arith.addi %add3A_935, %add3A_936 : i32
        %get3A_938 = arith.index_cast %add3A_937 : i32 to index
        %get3A_939 = arith.constant 0 : index
        %get3A_940 = tpu.vector_load %arg14[%get3A_938, %get3A_939] {strides = array<i32>} : memref<400x64xf32, #tpu.memory_space<vmem>>, vector<1x16xf32>,
        %get3A_941 = vector.shape_cast %get3A_940 : vector<1x16xf32> to vector<16xf32>
        %add3A_942 = arith.addf %add3A_870, %get3A_941 : vector<16xf32>
        %add3A_943 = arith.constant 24 : i32
        %add3A_944 = arith.addi %mul3A_85, %add3A_943 : i32
        %add3A_945 = arith.constant 0 : i32
        %add3A_946 = arith.addi %add3A_944, %add3A_945 : i32
        %get3A_947 = arith.index_cast %add3A_946 : i32 to index
        %get3A_948 = arith.constant 16 : index
        %get3A_949 = tpu.vector_load %arg14[%get3A_947, %get3A_948] {strides = array<i32>} : memref<400x64xf32, #tpu.memory_space<vmem>>, vector<1x16xf32>,
        %get3A_950 = vector.shape_cast %get3A_949 : vector<1x16xf32> to vector<16xf32>
        %add3A_951 = arith.addf %add3A_879, %get3A_950 : vector<16xf32>
        %add3A_952 = arith.constant 24 : i32
        %add3A_953 = arith.addi %mul3A_85, %add3A_952 : i32
        %add3A_954 = arith.constant 1 : i32
        %add3A_955 = arith.addi %add3A_953, %add3A_954 : i32
        %get3A_956 = arith.index_cast %add3A_955 : i32 to index
        %get3A_957 = arith.constant 16 : index
        %get3A_958 = tpu.vector_load %arg14[%get3A_956, %get3A_957] {strides = array<i32>} : memref<400x64xf32, #tpu.memory_space<vmem>>, vector<1x16xf32>,
        %get3A_959 = vector.shape_cast %get3A_958 : vector<1x16xf32> to vector<16xf32>
        %add3A_960 = arith.addf %add3A_888, %get3A_959 : vector<16xf32>
        %add3A_961 = arith.constant 24 : i32
        %add3A_962 = arith.addi %mul3A_85, %add3A_961 : i32
        %add3A_963 = arith.constant 0 : i32
        %add3A_964 = arith.addi %add3A_962, %add3A_963 : i32
        %get3A_965 = arith.index_cast %add3A_964 : i32 to index
        %get3A_966 = arith.constant 32 : index
        %get3A_967 = tpu.vector_load %arg14[%get3A_965, %get3A_966] {strides = array<i32>} : memref<400x64xf32, #tpu.memory_space<vmem>>, vector<1x16xf32>,
        %get3A_968 = vector.shape_cast %get3A_967 : vector<1x16xf32> to vector<16xf32>
        %add3A_969 = arith.addf %add3A_897, %get3A_968 : vector<16xf32>
        %add3A_970 = arith.constant 24 : i32
        %add3A_971 = arith.addi %mul3A_85, %add3A_970 : i32
        %add3A_972 = arith.constant 1 : i32
        %add3A_973 = arith.addi %add3A_971, %add3A_972 : i32
        %get3A_974 = arith.index_cast %add3A_973 : i32 to index
        %get3A_975 = arith.constant 32 : index
        %get3A_976 = tpu.vector_load %arg14[%get3A_974, %get3A_975] {strides = array<i32>} : memref<400x64xf32, #tpu.memory_space<vmem>>, vector<1x16xf32>,
        %get3A_977 = vector.shape_cast %get3A_976 : vector<1x16xf32> to vector<16xf32>
        %add3A_978 = arith.addf %add3A_906, %get3A_977 : vector<16xf32>
        %add3A_979 = arith.constant 24 : i32
        %add3A_980 = arith.addi %mul3A_85, %add3A_979 : i32
        %add3A_981 = arith.constant 0 : i32
        %add3A_982 = arith.addi %add3A_980, %add3A_981 : i32
        %get3A_983 = arith.index_cast %add3A_982 : i32 to index
        %get3A_984 = arith.constant 48 : index
        %get3A_985 = tpu.vector_load %arg14[%get3A_983, %get3A_984] {strides = array<i32>} : memref<400x64xf32, #tpu.memory_space<vmem>>, vector<1x16xf32>,
        %get3A_986 = vector.shape_cast %get3A_985 : vector<1x16xf32> to vector<16xf32>
        %add3A_987 = arith.addf %add3A_915, %get3A_986 : vector<16xf32>
        %add3A_988 = arith.constant 24 : i32
        %add3A_989 = arith.addi %mul3A_85, %add3A_988 : i32
        %add3A_990 = arith.constant 1 : i32
        %add3A_991 = arith.addi %add3A_989, %add3A_990 : i32
        %get3A_992 = arith.index_cast %add3A_991 : i32 to index
        %get3A_993 = arith.constant 48 : index
        %get3A_994 = tpu.vector_load %arg14[%get3A_992, %get3A_993] {strides = array<i32>} : memref<400x64xf32, #tpu.memory_space<vmem>>, vector<1x16xf32>,
        %get3A_995 = vector.shape_cast %get3A_994 : vector<1x16xf32> to vector<16xf32>
        %add3A_996 = arith.addf %add3A_924, %get3A_995 : vector<16xf32>
        %add3A_997 = arith.constant 26 : i32
        %add3A_998 = arith.addi %mul3A_85, %add3A_997 : i32
        %add3A_999 = arith.constant 0 : i32
        %add3A_1000 = arith.addi %add3A_998, %add3A_999 : i32
        %get3A_1001 = arith.index_cast %add3A_1000 : i32 to index
        %get3A_1002 = arith.constant 0 : index
        %get3A_1003 = tpu.vector_load %arg14[%get3A_1001, %get3A_1002] {strides = array<i32>} : memref<400x64xf32, #tpu.memory_space<vmem>>, vector<1x16xf32>,
        %get3A_1004 = vector.shape_cast %get3A_1003 : vector<1x16xf32> to vector<16xf32>
        %add3A_1005 = arith.addf %add3A_933, %get3A_1004 : vector<16xf32>
        %add3A_1006 = arith.constant 26 : i32
        %add3A_1007 = arith.addi %mul3A_85, %add3A_1006 : i32
        %add3A_1008 = arith.constant 1 : i32
        %add3A_1009 = arith.addi %add3A_1007, %add3A_1008 : i32
        %get3A_1010 = arith.index_cast %add3A_1009 : i32 to index
        %get3A_1011 = arith.constant 0 : index
        %get3A_1012 = tpu.vector_load %arg14[%get3A_1010, %get3A_1011] {strides = array<i32>} : memref<400x64xf32, #tpu.memory_space<vmem>>, vector<1x16xf32>,
        %get3A_1013 = vector.shape_cast %get3A_1012 : vector<1x16xf32> to vector<16xf32>
        %add3A_1014 = arith.addf %add3A_942, %get3A_1013 : vector<16xf32>
        %add3A_1015 = arith.constant 26 : i32
        %add3A_1016 = arith.addi %mul3A_85, %add3A_1015 : i32
        %add3A_1017 = arith.constant 0 : i32
        %add3A_1018 = arith.addi %add3A_1016, %add3A_1017 : i32
        %get3A_1019 = arith.index_cast %add3A_1018 : i32 to index
        %get3A_1020 = arith.constant 16 : index
        %get3A_1021 = tpu.vector_load %arg14[%get3A_1019, %get3A_1020] {strides = array<i32>} : memref<400x64xf32, #tpu.memory_space<vmem>>, vector<1x16xf32>,
        %get3A_1022 = vector.shape_cast %get3A_1021 : vector<1x16xf32> to vector<16xf32>
        %add3A_1023 = arith.addf %add3A_951, %get3A_1022 : vector<16xf32>
        %add3A_1024 = arith.constant 26 : i32
        %add3A_1025 = arith.addi %mul3A_85, %add3A_1024 : i32
        %add3A_1026 = arith.constant 1 : i32
        %add3A_1027 = arith.addi %add3A_1025, %add3A_1026 : i32
        %get3A_1028 = arith.index_cast %add3A_1027 : i32 to index
        %get3A_1029 = arith.constant 16 : index
        %get3A_1030 = tpu.vector_load %arg14[%get3A_1028, %get3A_1029] {strides = array<i32>} : memref<400x64xf32, #tpu.memory_space<vmem>>, vector<1x16xf32>,
        %get3A_1031 = vector.shape_cast %get3A_1030 : vector<1x16xf32> to vector<16xf32>
        %add3A_1032 = arith.addf %add3A_960, %get3A_1031 : vector<16xf32>
        %add3A_1033 = arith.constant 26 : i32
        %add3A_1034 = arith.addi %mul3A_85, %add3A_1033 : i32
        %add3A_1035 = arith.constant 0 : i32
        %add3A_1036 = arith.addi %add3A_1034, %add3A_1035 : i32
        %get3A_1037 = arith.index_cast %add3A_1036 : i32 to index
        %get3A_1038 = arith.constant 32 : index
        %get3A_1039 = tpu.vector_load %arg14[%get3A_1037, %get3A_1038] {strides = array<i32>} : memref<400x64xf32, #tpu.memory_space<vmem>>, vector<1x16xf32>,
        %get3A_1040 = vector.shape_cast %get3A_1039 : vector<1x16xf32> to vector<16xf32>
        %add3A_1041 = arith.addf %add3A_969, %get3A_1040 : vector<16xf32>
        %add3A_1042 = arith.constant 26 : i32
        %add3A_1043 = arith.addi %mul3A_85, %add3A_1042 : i32
        %add3A_1044 = arith.constant 1 : i32
        %add3A_1045 = arith.addi %add3A_1043, %add3A_1044 : i32
        %get3A_1046 = arith.index_cast %add3A_1045 : i32 to index
        %get3A_1047 = arith.constant 32 : index
        %get3A_1048 = tpu.vector_load %arg14[%get3A_1046, %get3A_1047] {strides = array<i32>} : memref<400x64xf32, #tpu.memory_space<vmem>>, vector<1x16xf32>,
        %get3A_1049 = vector.shape_cast %get3A_1048 : vector<1x16xf32> to vector<16xf32>
        %add3A_1050 = arith.addf %add3A_978, %get3A_1049 : vector<16xf32>
        %add3A_1051 = arith.constant 26 : i32
        %add3A_1052 = arith.addi %mul3A_85, %add3A_1051 : i32
        %add3A_1053 = arith.constant 0 : i32
        %add3A_1054 = arith.addi %add3A_1052, %add3A_1053 : i32
        %get3A_1055 = arith.index_cast %add3A_1054 : i32 to index
        %get3A_1056 = arith.constant 48 : index
        %get3A_1057 = tpu.vector_load %arg14[%get3A_1055, %get3A_1056] {strides = array<i32>} : memref<400x64xf32, #tpu.memory_space<vmem>>, vector<1x16xf32>,
        %get3A_1058 = vector.shape_cast %get3A_1057 : vector<1x16xf32> to vector<16xf32>
        %add3A_1059 = arith.addf %add3A_987, %get3A_1058 : vector<16xf32>
        %add3A_1060 = arith.constant 26 : i32
        %add3A_1061 = arith.addi %mul3A_85, %add3A_1060 : i32
        %add3A_1062 = arith.constant 1 : i32
        %add3A_1063 = arith.addi %add3A_1061, %add3A_1062 : i32
        %get3A_1064 = arith.index_cast %add3A_1063 : i32 to index
        %get3A_1065 = arith.constant 48 : index
        %get3A_1066 = tpu.vector_load %arg14[%get3A_1064, %get3A_1065] {strides = array<i32>} : memref<400x64xf32, #tpu.memory_space<vmem>>, vector<1x16xf32>,
        %get3A_1067 = vector.shape_cast %get3A_1066 : vector<1x16xf32> to vector<16xf32>
        %add3A_1068 = arith.addf %add3A_996, %get3A_1067 : vector<16xf32>
        %add3A_1069 = arith.constant 28 : i32
        %add3A_1070 = arith.addi %mul3A_85, %add3A_1069 : i32
        %add3A_1071 = arith.constant 0 : i32
        %add3A_1072 = arith.addi %add3A_1070, %add3A_1071 : i32
        %get3A_1073 = arith.index_cast %add3A_1072 : i32 to index
        %get3A_1074 = arith.constant 0 : index
        %get3A_1075 = tpu.vector_load %arg14[%get3A_1073, %get3A_1074] {strides = array<i32>} : memref<400x64xf32, #tpu.memory_space<vmem>>, vector<1x16xf32>,
        %get3A_1076 = vector.shape_cast %get3A_1075 : vector<1x16xf32> to vector<16xf32>
        %add3A_1077 = arith.addf %add3A_1005, %get3A_1076 : vector<16xf32>
        %add3A_1078 = arith.constant 28 : i32
        %add3A_1079 = arith.addi %mul3A_85, %add3A_1078 : i32
        %add3A_1080 = arith.constant 1 : i32
        %add3A_1081 = arith.addi %add3A_1079, %add3A_1080 : i32
        %get3A_1082 = arith.index_cast %add3A_1081 : i32 to index
        %get3A_1083 = arith.constant 0 : index
        %get3A_1084 = tpu.vector_load %arg14[%get3A_1082, %get3A_1083] {strides = array<i32>} : memref<400x64xf32, #tpu.memory_space<vmem>>, vector<1x16xf32>,
        %get3A_1085 = vector.shape_cast %get3A_1084 : vector<1x16xf32> to vector<16xf32>
        %add3A_1086 = arith.addf %add3A_1014, %get3A_1085 : vector<16xf32>
        %add3A_1087 = arith.constant 28 : i32
        %add3A_1088 = arith.addi %mul3A_85, %add3A_1087 : i32
        %add3A_1089 = arith.constant 0 : i32
        %add3A_1090 = arith.addi %add3A_1088, %add3A_1089 : i32
        %get3A_1091 = arith.index_cast %add3A_1090 : i32 to index
        %get3A_1092 = arith.constant 16 : index
        %get3A_1093 = tpu.vector_load %arg14[%get3A_1091, %get3A_1092] {strides = array<i32>} : memref<400x64xf32, #tpu.memory_space<vmem>>, vector<1x16xf32>,
        %get3A_1094 = vector.shape_cast %get3A_1093 : vector<1x16xf32> to vector<16xf32>
        %add3A_1095 = arith.addf %add3A_1023, %get3A_1094 : vector<16xf32>
        %add3A_1096 = arith.constant 28 : i32
        %add3A_1097 = arith.addi %mul3A_85, %add3A_1096 : i32
        %add3A_1098 = arith.constant 1 : i32
        %add3A_1099 = arith.addi %add3A_1097, %add3A_1098 : i32
        %get3A_1100 = arith.index_cast %add3A_1099 : i32 to index
        %get3A_1101 = arith.constant 16 : index
        %get3A_1102 = tpu.vector_load %arg14[%get3A_1100, %get3A_1101] {strides = array<i32>} : memref<400x64xf32, #tpu.memory_space<vmem>>, vector<1x16xf32>,
        %get3A_1103 = vector.shape_cast %get3A_1102 : vector<1x16xf32> to vector<16xf32>
        %add3A_1104 = arith.addf %add3A_1032, %get3A_1103 : vector<16xf32>
        %add3A_1105 = arith.constant 28 : i32
        %add3A_1106 = arith.addi %mul3A_85, %add3A_1105 : i32
        %add3A_1107 = arith.constant 0 : i32
        %add3A_1108 = arith.addi %add3A_1106, %add3A_1107 : i32
        %get3A_1109 = arith.index_cast %add3A_1108 : i32 to index
        %get3A_1110 = arith.constant 32 : index
        %get3A_1111 = tpu.vector_load %arg14[%get3A_1109, %get3A_1110] {strides = array<i32>} : memref<400x64xf32, #tpu.memory_space<vmem>>, vector<1x16xf32>,
        %get3A_1112 = vector.shape_cast %get3A_1111 : vector<1x16xf32> to vector<16xf32>
        %add3A_1113 = arith.addf %add3A_1041, %get3A_1112 : vector<16xf32>
        %add3A_1114 = arith.constant 28 : i32
        %add3A_1115 = arith.addi %mul3A_85, %add3A_1114 : i32
        %add3A_1116 = arith.constant 1 : i32
        %add3A_1117 = arith.addi %add3A_1115, %add3A_1116 : i32
        %get3A_1118 = arith.index_cast %add3A_1117 : i32 to index
        %get3A_1119 = arith.constant 32 : index
        %get3A_1120 = tpu.vector_load %arg14[%get3A_1118, %get3A_1119] {strides = array<i32>} : memref<400x64xf32, #tpu.memory_space<vmem>>, vector<1x16xf32>,
        %get3A_1121 = vector.shape_cast %get3A_1120 : vector<1x16xf32> to vector<16xf32>
        %add3A_1122 = arith.addf %add3A_1050, %get3A_1121 : vector<16xf32>
        %add3A_1123 = arith.constant 28 : i32
        %add3A_1124 = arith.addi %mul3A_85, %add3A_1123 : i32
        %add3A_1125 = arith.constant 0 : i32
        %add3A_1126 = arith.addi %add3A_1124, %add3A_1125 : i32
        %get3A_1127 = arith.index_cast %add3A_1126 : i32 to index
        %get3A_1128 = arith.constant 48 : index
        %get3A_1129 = tpu.vector_load %arg14[%get3A_1127, %get3A_1128] {strides = array<i32>} : memref<400x64xf32, #tpu.memory_space<vmem>>, vector<1x16xf32>,
        %get3A_1130 = vector.shape_cast %get3A_1129 : vector<1x16xf32> to vector<16xf32>
        %add3A_1131 = arith.addf %add3A_1059, %get3A_1130 : vector<16xf32>
        %add3A_1132 = arith.constant 28 : i32
        %add3A_1133 = arith.addi %mul3A_85, %add3A_1132 : i32
        %add3A_1134 = arith.constant 1 : i32
        %add3A_1135 = arith.addi %add3A_1133, %add3A_1134 : i32
        %get3A_1136 = arith.index_cast %add3A_1135 : i32 to index
        %get3A_1137 = arith.constant 48 : index
        %get3A_1138 = tpu.vector_load %arg14[%get3A_1136, %get3A_1137] {strides = array<i32>} : memref<400x64xf32, #tpu.memory_space<vmem>>, vector<1x16xf32>,
        %get3A_1139 = vector.shape_cast %get3A_1138 : vector<1x16xf32> to vector<16xf32>
        %add3A_1140 = arith.addf %add3A_1068, %get3A_1139 : vector<16xf32>
        %add3A_1141 = arith.constant 30 : i32
        %add3A_1142 = arith.addi %mul3A_85, %add3A_1141 : i32
        %add3A_1143 = arith.constant 0 : i32
        %add3A_1144 = arith.addi %add3A_1142, %add3A_1143 : i32
        %get3A_1145 = arith.index_cast %add3A_1144 : i32 to index
        %get3A_1146 = arith.constant 0 : index
        %get3A_1147 = tpu.vector_load %arg14[%get3A_1145, %get3A_1146] {strides = array<i32>} : memref<400x64xf32, #tpu.memory_space<vmem>>, vector<1x16xf32>,
        %get3A_1148 = vector.shape_cast %get3A_1147 : vector<1x16xf32> to vector<16xf32>
        %add3A_1149 = arith.addf %add3A_1077, %get3A_1148 : vector<16xf32>
        %add3A_1150 = arith.constant 30 : i32
        %add3A_1151 = arith.addi %mul3A_85, %add3A_1150 : i32
        %add3A_1152 = arith.constant 1 : i32
        %add3A_1153 = arith.addi %add3A_1151, %add3A_1152 : i32
        %get3A_1154 = arith.index_cast %add3A_1153 : i32 to index
        %get3A_1155 = arith.constant 0 : index
        %get3A_1156 = tpu.vector_load %arg14[%get3A_1154, %get3A_1155] {strides = array<i32>} : memref<400x64xf32, #tpu.memory_space<vmem>>, vector<1x16xf32>,
        %get3A_1157 = vector.shape_cast %get3A_1156 : vector<1x16xf32> to vector<16xf32>
        %add3A_1158 = arith.addf %add3A_1086, %get3A_1157 : vector<16xf32>
        %add3A_1159 = arith.constant 30 : i32
        %add3A_1160 = arith.addi %mul3A_85, %add3A_1159 : i32
        %add3A_1161 = arith.constant 0 : i32
        %add3A_1162 = arith.addi %add3A_1160, %add3A_1161 : i32
        %get3A_1163 = arith.index_cast %add3A_1162 : i32 to index
        %get3A_1164 = arith.constant 16 : index
        %get3A_1165 = tpu.vector_load %arg14[%get3A_1163, %get3A_1164] {strides = array<i32>} : memref<400x64xf32, #tpu.memory_space<vmem>>, vector<1x16xf32>,
        %get3A_1166 = vector.shape_cast %get3A_1165 : vector<1x16xf32> to vector<16xf32>
        %add3A_1167 = arith.addf %add3A_1095, %get3A_1166 : vector<16xf32>
        %add3A_1168 = arith.constant 30 : i32
        %add3A_1169 = arith.addi %mul3A_85, %add3A_1168 : i32
        %add3A_1170 = arith.constant 1 : i32
        %add3A_1171 = arith.addi %add3A_1169, %add3A_1170 : i32
        %get3A_1172 = arith.index_cast %add3A_1171 : i32 to index
        %get3A_1173 = arith.constant 16 : index
        %get3A_1174 = tpu.vector_load %arg14[%get3A_1172, %get3A_1173] {strides = array<i32>} : memref<400x64xf32, #tpu.memory_space<vmem>>, vector<1x16xf32>,
        %get3A_1175 = vector.shape_cast %get3A_1174 : vector<1x16xf32> to vector<16xf32>
        %add3A_1176 = arith.addf %add3A_1104, %get3A_1175 : vector<16xf32>
        %add3A_1177 = arith.constant 30 : i32
        %add3A_1178 = arith.addi %mul3A_85, %add3A_1177 : i32
        %add3A_1179 = arith.constant 0 : i32
        %add3A_1180 = arith.addi %add3A_1178, %add3A_1179 : i32
        %get3A_1181 = arith.index_cast %add3A_1180 : i32 to index
        %get3A_1182 = arith.constant 32 : index
        %get3A_1183 = tpu.vector_load %arg14[%get3A_1181, %get3A_1182] {strides = array<i32>} : memref<400x64xf32, #tpu.memory_space<vmem>>, vector<1x16xf32>,
        %get3A_1184 = vector.shape_cast %get3A_1183 : vector<1x16xf32> to vector<16xf32>
        %add3A_1185 = arith.addf %add3A_1113, %get3A_1184 : vector<16xf32>
        %add3A_1186 = arith.constant 30 : i32
        %add3A_1187 = arith.addi %mul3A_85, %add3A_1186 : i32
        %add3A_1188 = arith.constant 1 : i32
        %add3A_1189 = arith.addi %add3A_1187, %add3A_1188 : i32
        %get3A_1190 = arith.index_cast %add3A_1189 : i32 to index
        %get3A_1191 = arith.constant 32 : index
        %get3A_1192 = tpu.vector_load %arg14[%get3A_1190, %get3A_1191] {strides = array<i32>} : memref<400x64xf32, #tpu.memory_space<vmem>>, vector<1x16xf32>,
        %get3A_1193 = vector.shape_cast %get3A_1192 : vector<1x16xf32> to vector<16xf32>
        %add3A_1194 = arith.addf %add3A_1122, %get3A_1193 : vector<16xf32>
        %add3A_1195 = arith.constant 30 : i32
        %add3A_1196 = arith.addi %mul3A_85, %add3A_1195 : i32
        %add3A_1197 = arith.constant 0 : i32
        %add3A_1198 = arith.addi %add3A_1196, %add3A_1197 : i32
        %get3A_1199 = arith.index_cast %add3A_1198 : i32 to index
        %get3A_1200 = arith.constant 48 : index
        %get3A_1201 = tpu.vector_load %arg14[%get3A_1199, %get3A_1200] {strides = array<i32>} : memref<400x64xf32, #tpu.memory_space<vmem>>, vector<1x16xf32>,
        %get3A_1202 = vector.shape_cast %get3A_1201 : vector<1x16xf32> to vector<16xf32>
        %add3A_1203 = arith.addf %add3A_1131, %get3A_1202 : vector<16xf32>
        %add3A_1204 = arith.constant 30 : i32
        %add3A_1205 = arith.addi %mul3A_85, %add3A_1204 : i32
        %add3A_1206 = arith.constant 1 : i32
        %add3A_1207 = arith.addi %add3A_1205, %add3A_1206 : i32
        %get3A_1208 = arith.index_cast %add3A_1207 : i32 to index
        %get3A_1209 = arith.constant 48 : index
        %get3A_1210 = tpu.vector_load %arg14[%get3A_1208, %get3A_1209] {strides = array<i32>} : memref<400x64xf32, #tpu.memory_space<vmem>>, vector<1x16xf32>,
        %get3A_1211 = vector.shape_cast %get3A_1210 : vector<1x16xf32> to vector<16xf32>
        %add3A_1212 = arith.addf %add3A_1140, %get3A_1211 : vector<16xf32>
        %add3A_1213 = arith.constant 32 : i32
        %add3A_1214 = arith.addi %mul3A_85, %add3A_1213 : i32
        %add3A_1215 = arith.constant 0 : i32
        %add3A_1216 = arith.addi %add3A_1214, %add3A_1215 : i32
        %get3A_1217 = arith.index_cast %add3A_1216 : i32 to index
        %get3A_1218 = arith.constant 0 : index
        %get3A_1219 = tpu.vector_load %arg14[%get3A_1217, %get3A_1218] {strides = array<i32>} : memref<400x64xf32, #tpu.memory_space<vmem>>, vector<1x16xf32>,
        %get3A_1220 = vector.shape_cast %get3A_1219 : vector<1x16xf32> to vector<16xf32>
        %add3A_1221 = arith.addf %add3A_1149, %get3A_1220 : vector<16xf32>
        %add3A_1222 = arith.constant 32 : i32
        %add3A_1223 = arith.addi %mul3A_85, %add3A_1222 : i32
        %add3A_1224 = arith.constant 1 : i32
        %add3A_1225 = arith.addi %add3A_1223, %add3A_1224 : i32
        %get3A_1226 = arith.index_cast %add3A_1225 : i32 to index
        %get3A_1227 = arith.constant 0 : index
        %get3A_1228 = tpu.vector_load %arg14[%get3A_1226, %get3A_1227] {strides = array<i32>} : memref<400x64xf32, #tpu.memory_space<vmem>>, vector<1x16xf32>,
        %get3A_1229 = vector.shape_cast %get3A_1228 : vector<1x16xf32> to vector<16xf32>
        %add3A_1230 = arith.addf %add3A_1158, %get3A_1229 : vector<16xf32>
        %add3A_1231 = arith.constant 32 : i32
        %add3A_1232 = arith.addi %mul3A_85, %add3A_1231 : i32
        %add3A_1233 = arith.constant 0 : i32
        %add3A_1234 = arith.addi %add3A_1232, %add3A_1233 : i32
        %get3A_1235 = arith.index_cast %add3A_1234 : i32 to index
        %get3A_1236 = arith.constant 16 : index
        %get3A_1237 = tpu.vector_load %arg14[%get3A_1235, %get3A_1236] {strides = array<i32>} : memref<400x64xf32, #tpu.memory_space<vmem>>, vector<1x16xf32>,
        %get3A_1238 = vector.shape_cast %get3A_1237 : vector<1x16xf32> to vector<16xf32>
        %add3A_1239 = arith.addf %add3A_1167, %get3A_1238 : vector<16xf32>
        %add3A_1240 = arith.constant 32 : i32
        %add3A_1241 = arith.addi %mul3A_85, %add3A_1240 : i32
        %add3A_1242 = arith.constant 1 : i32
        %add3A_1243 = arith.addi %add3A_1241, %add3A_1242 : i32
        %get3A_1244 = arith.index_cast %add3A_1243 : i32 to index
        %get3A_1245 = arith.constant 16 : index
        %get3A_1246 = tpu.vector_load %arg14[%get3A_1244, %get3A_1245] {strides = array<i32>} : memref<400x64xf32, #tpu.memory_space<vmem>>, vector<1x16xf32>,
        %get3A_1247 = vector.shape_cast %get3A_1246 : vector<1x16xf32> to vector<16xf32>
        %add3A_1248 = arith.addf %add3A_1176, %get3A_1247 : vector<16xf32>
        %add3A_1249 = arith.constant 32 : i32
        %add3A_1250 = arith.addi %mul3A_85, %add3A_1249 : i32
        %add3A_1251 = arith.constant 0 : i32
        %add3A_1252 = arith.addi %add3A_1250, %add3A_1251 : i32
        %get3A_1253 = arith.index_cast %add3A_1252 : i32 to index
        %get3A_1254 = arith.constant 32 : index
        %get3A_1255 = tpu.vector_load %arg14[%get3A_1253, %get3A_1254] {strides = array<i32>} : memref<400x64xf32, #tpu.memory_space<vmem>>, vector<1x16xf32>,
        %get3A_1256 = vector.shape_cast %get3A_1255 : vector<1x16xf32> to vector<16xf32>
        %add3A_1257 = arith.addf %add3A_1185, %get3A_1256 : vector<16xf32>
        %add3A_1258 = arith.constant 32 : i32
        %add3A_1259 = arith.addi %mul3A_85, %add3A_1258 : i32
        %add3A_1260 = arith.constant 1 : i32
        %add3A_1261 = arith.addi %add3A_1259, %add3A_1260 : i32
        %get3A_1262 = arith.index_cast %add3A_1261 : i32 to index
        %get3A_1263 = arith.constant 32 : index
        %get3A_1264 = tpu.vector_load %arg14[%get3A_1262, %get3A_1263] {strides = array<i32>} : memref<400x64xf32, #tpu.memory_space<vmem>>, vector<1x16xf32>,
        %get3A_1265 = vector.shape_cast %get3A_1264 : vector<1x16xf32> to vector<16xf32>
        %add3A_1266 = arith.addf %add3A_1194, %get3A_1265 : vector<16xf32>
        %add3A_1267 = arith.constant 32 : i32
        %add3A_1268 = arith.addi %mul3A_85, %add3A_1267 : i32
        %add3A_1269 = arith.constant 0 : i32
        %add3A_1270 = arith.addi %add3A_1268, %add3A_1269 : i32
        %get3A_1271 = arith.index_cast %add3A_1270 : i32 to index
        %get3A_1272 = arith.constant 48 : index
        %get3A_1273 = tpu.vector_load %arg14[%get3A_1271, %get3A_1272] {strides = array<i32>} : memref<400x64xf32, #tpu.memory_space<vmem>>, vector<1x16xf32>,
        %get3A_1274 = vector.shape_cast %get3A_1273 : vector<1x16xf32> to vector<16xf32>
        %add3A_1275 = arith.addf %add3A_1203, %get3A_1274 : vector<16xf32>
        %add3A_1276 = arith.constant 32 : i32
        %add3A_1277 = arith.addi %mul3A_85, %add3A_1276 : i32
        %add3A_1278 = arith.constant 1 : i32
        %add3A_1279 = arith.addi %add3A_1277, %add3A_1278 : i32
        %get3A_1280 = arith.index_cast %add3A_1279 : i32 to index
        %get3A_1281 = arith.constant 48 : index
        %get3A_1282 = tpu.vector_load %arg14[%get3A_1280, %get3A_1281] {strides = array<i32>} : memref<400x64xf32, #tpu.memory_space<vmem>>, vector<1x16xf32>,
        %get3A_1283 = vector.shape_cast %get3A_1282 : vector<1x16xf32> to vector<16xf32>
        %add3A_1284 = arith.addf %add3A_1212, %get3A_1283 : vector<16xf32>
        %add3A_1285 = arith.constant 34 : i32
        %add3A_1286 = arith.addi %mul3A_85, %add3A_1285 : i32
        %add3A_1287 = arith.constant 0 : i32
        %add3A_1288 = arith.addi %add3A_1286, %add3A_1287 : i32
        %get3A_1289 = arith.index_cast %add3A_1288 : i32 to index
        %get3A_1290 = arith.constant 0 : index
        %get3A_1291 = tpu.vector_load %arg14[%get3A_1289, %get3A_1290] {strides = array<i32>} : memref<400x64xf32, #tpu.memory_space<vmem>>, vector<1x16xf32>,
        %get3A_1292 = vector.shape_cast %get3A_1291 : vector<1x16xf32> to vector<16xf32>
        %add3A_1293 = arith.addf %add3A_1221, %get3A_1292 : vector<16xf32>
        %add3A_1294 = arith.constant 34 : i32
        %add3A_1295 = arith.addi %mul3A_85, %add3A_1294 : i32
        %add3A_1296 = arith.constant 1 : i32
        %add3A_1297 = arith.addi %add3A_1295, %add3A_1296 : i32
        %get3A_1298 = arith.index_cast %add3A_1297 : i32 to index
        %get3A_1299 = arith.constant 0 : index
        %get3A_1300 = tpu.vector_load %arg14[%get3A_1298, %get3A_1299] {strides = array<i32>} : memref<400x64xf32, #tpu.memory_space<vmem>>, vector<1x16xf32>,
        %get3A_1301 = vector.shape_cast %get3A_1300 : vector<1x16xf32> to vector<16xf32>
        %add3A_1302 = arith.addf %add3A_1230, %get3A_1301 : vector<16xf32>
        %add3A_1303 = arith.constant 34 : i32
        %add3A_1304 = arith.addi %mul3A_85, %add3A_1303 : i32
        %add3A_1305 = arith.constant 0 : i32
        %add3A_1306 = arith.addi %add3A_1304, %add3A_1305 : i32
        %get3A_1307 = arith.index_cast %add3A_1306 : i32 to index
        %get3A_1308 = arith.constant 16 : index
        %get3A_1309 = tpu.vector_load %arg14[%get3A_1307, %get3A_1308] {strides = array<i32>} : memref<400x64xf32, #tpu.memory_space<vmem>>, vector<1x16xf32>,
        %get3A_1310 = vector.shape_cast %get3A_1309 : vector<1x16xf32> to vector<16xf32>
        %add3A_1311 = arith.addf %add3A_1239, %get3A_1310 : vector<16xf32>
        %add3A_1312 = arith.constant 34 : i32
        %add3A_1313 = arith.addi %mul3A_85, %add3A_1312 : i32
        %add3A_1314 = arith.constant 1 : i32
        %add3A_1315 = arith.addi %add3A_1313, %add3A_1314 : i32
        %get3A_1316 = arith.index_cast %add3A_1315 : i32 to index
        %get3A_1317 = arith.constant 16 : index
        %get3A_1318 = tpu.vector_load %arg14[%get3A_1316, %get3A_1317] {strides = array<i32>} : memref<400x64xf32, #tpu.memory_space<vmem>>, vector<1x16xf32>,
        %get3A_1319 = vector.shape_cast %get3A_1318 : vector<1x16xf32> to vector<16xf32>
        %add3A_1320 = arith.addf %add3A_1248, %get3A_1319 : vector<16xf32>
        %add3A_1321 = arith.constant 34 : i32
        %add3A_1322 = arith.addi %mul3A_85, %add3A_1321 : i32
        %add3A_1323 = arith.constant 0 : i32
        %add3A_1324 = arith.addi %add3A_1322, %add3A_1323 : i32
        %get3A_1325 = arith.index_cast %add3A_1324 : i32 to index
        %get3A_1326 = arith.constant 32 : index
        %get3A_1327 = tpu.vector_load %arg14[%get3A_1325, %get3A_1326] {strides = array<i32>} : memref<400x64xf32, #tpu.memory_space<vmem>>, vector<1x16xf32>,
        %get3A_1328 = vector.shape_cast %get3A_1327 : vector<1x16xf32> to vector<16xf32>
        %add3A_1329 = arith.addf %add3A_1257, %get3A_1328 : vector<16xf32>
        %add3A_1330 = arith.constant 34 : i32
        %add3A_1331 = arith.addi %mul3A_85, %add3A_1330 : i32
        %add3A_1332 = arith.constant 1 : i32
        %add3A_1333 = arith.addi %add3A_1331, %add3A_1332 : i32
        %get3A_1334 = arith.index_cast %add3A_1333 : i32 to index
        %get3A_1335 = arith.constant 32 : index
        %get3A_1336 = tpu.vector_load %arg14[%get3A_1334, %get3A_1335] {strides = array<i32>} : memref<400x64xf32, #tpu.memory_space<vmem>>, vector<1x16xf32>,
        %get3A_1337 = vector.shape_cast %get3A_1336 : vector<1x16xf32> to vector<16xf32>
        %add3A_1338 = arith.addf %add3A_1266, %get3A_1337 : vector<16xf32>
        %add3A_1339 = arith.constant 34 : i32
        %add3A_1340 = arith.addi %mul3A_85, %add3A_1339 : i32
        %add3A_1341 = arith.constant 0 : i32
        %add3A_1342 = arith.addi %add3A_1340, %add3A_1341 : i32
        %get3A_1343 = arith.index_cast %add3A_1342 : i32 to index
        %get3A_1344 = arith.constant 48 : index
        %get3A_1345 = tpu.vector_load %arg14[%get3A_1343, %get3A_1344] {strides = array<i32>} : memref<400x64xf32, #tpu.memory_space<vmem>>, vector<1x16xf32>,
        %get3A_1346 = vector.shape_cast %get3A_1345 : vector<1x16xf32> to vector<16xf32>
        %add3A_1347 = arith.addf %add3A_1275, %get3A_1346 : vector<16xf32>
        %add3A_1348 = arith.constant 34 : i32
        %add3A_1349 = arith.addi %mul3A_85, %add3A_1348 : i32
        %add3A_1350 = arith.constant 1 : i32
        %add3A_1351 = arith.addi %add3A_1349, %add3A_1350 : i32
        %get3A_1352 = arith.index_cast %add3A_1351 : i32 to index
        %get3A_1353 = arith.constant 48 : index
        %get3A_1354 = tpu.vector_load %arg14[%get3A_1352, %get3A_1353] {strides = array<i32>} : memref<400x64xf32, #tpu.memory_space<vmem>>, vector<1x16xf32>,
        %get3A_1355 = vector.shape_cast %get3A_1354 : vector<1x16xf32> to vector<16xf32>
        %add3A_1356 = arith.addf %add3A_1284, %get3A_1355 : vector<16xf32>
        %add3A_1357 = arith.constant 36 : i32
        %add3A_1358 = arith.addi %mul3A_85, %add3A_1357 : i32
        %add3A_1359 = arith.constant 0 : i32
        %add3A_1360 = arith.addi %add3A_1358, %add3A_1359 : i32
        %get3A_1361 = arith.index_cast %add3A_1360 : i32 to index
        %get3A_1362 = arith.constant 0 : index
        %get3A_1363 = tpu.vector_load %arg14[%get3A_1361, %get3A_1362] {strides = array<i32>} : memref<400x64xf32, #tpu.memory_space<vmem>>, vector<1x16xf32>,
        %get3A_1364 = vector.shape_cast %get3A_1363 : vector<1x16xf32> to vector<16xf32>
        %add3A_1365 = arith.addf %add3A_1293, %get3A_1364 : vector<16xf32>
        %add3A_1366 = arith.constant 36 : i32
        %add3A_1367 = arith.addi %mul3A_85, %add3A_1366 : i32
        %add3A_1368 = arith.constant 1 : i32
        %add3A_1369 = arith.addi %add3A_1367, %add3A_1368 : i32
        %get3A_1370 = arith.index_cast %add3A_1369 : i32 to index
        %get3A_1371 = arith.constant 0 : index
        %get3A_1372 = tpu.vector_load %arg14[%get3A_1370, %get3A_1371] {strides = array<i32>} : memref<400x64xf32, #tpu.memory_space<vmem>>, vector<1x16xf32>,
        %get3A_1373 = vector.shape_cast %get3A_1372 : vector<1x16xf32> to vector<16xf32>
        %add3A_1374 = arith.addf %add3A_1302, %get3A_1373 : vector<16xf32>
        %add3A_1375 = arith.constant 36 : i32
        %add3A_1376 = arith.addi %mul3A_85, %add3A_1375 : i32
        %add3A_1377 = arith.constant 0 : i32
        %add3A_1378 = arith.addi %add3A_1376, %add3A_1377 : i32
        %get3A_1379 = arith.index_cast %add3A_1378 : i32 to index
        %get3A_1380 = arith.constant 16 : index
        %get3A_1381 = tpu.vector_load %arg14[%get3A_1379, %get3A_1380] {strides = array<i32>} : memref<400x64xf32, #tpu.memory_space<vmem>>, vector<1x16xf32>,
        %get3A_1382 = vector.shape_cast %get3A_1381 : vector<1x16xf32> to vector<16xf32>
        %add3A_1383 = arith.addf %add3A_1311, %get3A_1382 : vector<16xf32>
        %add3A_1384 = arith.constant 36 : i32
        %add3A_1385 = arith.addi %mul3A_85, %add3A_1384 : i32
        %add3A_1386 = arith.constant 1 : i32
        %add3A_1387 = arith.addi %add3A_1385, %add3A_1386 : i32
        %get3A_1388 = arith.index_cast %add3A_1387 : i32 to index
        %get3A_1389 = arith.constant 16 : index
        %get3A_1390 = tpu.vector_load %arg14[%get3A_1388, %get3A_1389] {strides = array<i32>} : memref<400x64xf32, #tpu.memory_space<vmem>>, vector<1x16xf32>,
        %get3A_1391 = vector.shape_cast %get3A_1390 : vector<1x16xf32> to vector<16xf32>
        %add3A_1392 = arith.addf %add3A_1320, %get3A_1391 : vector<16xf32>
        %add3A_1393 = arith.constant 36 : i32
        %add3A_1394 = arith.addi %mul3A_85, %add3A_1393 : i32
        %add3A_1395 = arith.constant 0 : i32
        %add3A_1396 = arith.addi %add3A_1394, %add3A_1395 : i32
        %get3A_1397 = arith.index_cast %add3A_1396 : i32 to index
        %get3A_1398 = arith.constant 32 : index
        %get3A_1399 = tpu.vector_load %arg14[%get3A_1397, %get3A_1398] {strides = array<i32>} : memref<400x64xf32, #tpu.memory_space<vmem>>, vector<1x16xf32>,
        %get3A_1400 = vector.shape_cast %get3A_1399 : vector<1x16xf32> to vector<16xf32>
        %add3A_1401 = arith.addf %add3A_1329, %get3A_1400 : vector<16xf32>
        %add3A_1402 = arith.constant 36 : i32
        %add3A_1403 = arith.addi %mul3A_85, %add3A_1402 : i32
        %add3A_1404 = arith.constant 1 : i32
        %add3A_1405 = arith.addi %add3A_1403, %add3A_1404 : i32
        %get3A_1406 = arith.index_cast %add3A_1405 : i32 to index
        %get3A_1407 = arith.constant 32 : index
        %get3A_1408 = tpu.vector_load %arg14[%get3A_1406, %get3A_1407] {strides = array<i32>} : memref<400x64xf32, #tpu.memory_space<vmem>>, vector<1x16xf32>,
        %get3A_1409 = vector.shape_cast %get3A_1408 : vector<1x16xf32> to vector<16xf32>
        %add3A_1410 = arith.addf %add3A_1338, %get3A_1409 : vector<16xf32>
        %add3A_1411 = arith.constant 36 : i32
        %add3A_1412 = arith.addi %mul3A_85, %add3A_1411 : i32
        %add3A_1413 = arith.constant 0 : i32
        %add3A_1414 = arith.addi %add3A_1412, %add3A_1413 : i32
        %get3A_1415 = arith.index_cast %add3A_1414 : i32 to index
        %get3A_1416 = arith.constant 48 : index
        %get3A_1417 = tpu.vector_load %arg14[%get3A_1415, %get3A_1416] {strides = array<i32>} : memref<400x64xf32, #tpu.memory_space<vmem>>, vector<1x16xf32>,
        %get3A_1418 = vector.shape_cast %get3A_1417 : vector<1x16xf32> to vector<16xf32>
        %add3A_1419 = arith.addf %add3A_1347, %get3A_1418 : vector<16xf32>
        %add3A_1420 = arith.constant 36 : i32
        %add3A_1421 = arith.addi %mul3A_85, %add3A_1420 : i32
        %add3A_1422 = arith.constant 1 : i32
        %add3A_1423 = arith.addi %add3A_1421, %add3A_1422 : i32
        %get3A_1424 = arith.index_cast %add3A_1423 : i32 to index
        %get3A_1425 = arith.constant 48 : index
        %get3A_1426 = tpu.vector_load %arg14[%get3A_1424, %get3A_1425] {strides = array<i32>} : memref<400x64xf32, #tpu.memory_space<vmem>>, vector<1x16xf32>,
        %get3A_1427 = vector.shape_cast %get3A_1426 : vector<1x16xf32> to vector<16xf32>
        %add3A_1428 = arith.addf %add3A_1356, %get3A_1427 : vector<16xf32>
        %add3A_1429 = arith.constant 38 : i32
        %add3A_1430 = arith.addi %mul3A_85, %add3A_1429 : i32
        %add3A_1431 = arith.constant 0 : i32
        %add3A_1432 = arith.addi %add3A_1430, %add3A_1431 : i32
        %get3A_1433 = arith.index_cast %add3A_1432 : i32 to index
        %get3A_1434 = arith.constant 0 : index
        %get3A_1435 = tpu.vector_load %arg14[%get3A_1433, %get3A_1434] {strides = array<i32>} : memref<400x64xf32, #tpu.memory_space<vmem>>, vector<1x16xf32>,
        %get3A_1436 = vector.shape_cast %get3A_1435 : vector<1x16xf32> to vector<16xf32>
        %add3A_1437 = arith.addf %add3A_1365, %get3A_1436 : vector<16xf32>
        %add3A_1438 = arith.constant 38 : i32
        %add3A_1439 = arith.addi %mul3A_85, %add3A_1438 : i32
        %add3A_1440 = arith.constant 1 : i32
        %add3A_1441 = arith.addi %add3A_1439, %add3A_1440 : i32
        %get3A_1442 = arith.index_cast %add3A_1441 : i32 to index
        %get3A_1443 = arith.constant 0 : index
        %get3A_1444 = tpu.vector_load %arg14[%get3A_1442, %get3A_1443] {strides = array<i32>} : memref<400x64xf32, #tpu.memory_space<vmem>>, vector<1x16xf32>,
        %get3A_1445 = vector.shape_cast %get3A_1444 : vector<1x16xf32> to vector<16xf32>
        %add3A_1446 = arith.addf %add3A_1374, %get3A_1445 : vector<16xf32>
        %add3A_1447 = arith.constant 38 : i32
        %add3A_1448 = arith.addi %mul3A_85, %add3A_1447 : i32
        %add3A_1449 = arith.constant 0 : i32
        %add3A_1450 = arith.addi %add3A_1448, %add3A_1449 : i32
        %get3A_1451 = arith.index_cast %add3A_1450 : i32 to index
        %get3A_1452 = arith.constant 16 : index
        %get3A_1453 = tpu.vector_load %arg14[%get3A_1451, %get3A_1452] {strides = array<i32>} : memref<400x64xf32, #tpu.memory_space<vmem>>, vector<1x16xf32>,
        %get3A_1454 = vector.shape_cast %get3A_1453 : vector<1x16xf32> to vector<16xf32>
        %add3A_1455 = arith.addf %add3A_1383, %get3A_1454 : vector<16xf32>
        %add3A_1456 = arith.constant 38 : i32
        %add3A_1457 = arith.addi %mul3A_85, %add3A_1456 : i32
        %add3A_1458 = arith.constant 1 : i32
        %add3A_1459 = arith.addi %add3A_1457, %add3A_1458 : i32
        %get3A_1460 = arith.index_cast %add3A_1459 : i32 to index
        %get3A_1461 = arith.constant 16 : index
        %get3A_1462 = tpu.vector_load %arg14[%get3A_1460, %get3A_1461] {strides = array<i32>} : memref<400x64xf32, #tpu.memory_space<vmem>>, vector<1x16xf32>,
        %get3A_1463 = vector.shape_cast %get3A_1462 : vector<1x16xf32> to vector<16xf32>
        %add3A_1464 = arith.addf %add3A_1392, %get3A_1463 : vector<16xf32>
        %add3A_1465 = arith.constant 38 : i32
        %add3A_1466 = arith.addi %mul3A_85, %add3A_1465 : i32
        %add3A_1467 = arith.constant 0 : i32
        %add3A_1468 = arith.addi %add3A_1466, %add3A_1467 : i32
        %get3A_1469 = arith.index_cast %add3A_1468 : i32 to index
        %get3A_1470 = arith.constant 32 : index
        %get3A_1471 = tpu.vector_load %arg14[%get3A_1469, %get3A_1470] {strides = array<i32>} : memref<400x64xf32, #tpu.memory_space<vmem>>, vector<1x16xf32>,
        %get3A_1472 = vector.shape_cast %get3A_1471 : vector<1x16xf32> to vector<16xf32>
        %add3A_1473 = arith.addf %add3A_1401, %get3A_1472 : vector<16xf32>
        %add3A_1474 = arith.constant 38 : i32
        %add3A_1475 = arith.addi %mul3A_85, %add3A_1474 : i32
        %add3A_1476 = arith.constant 1 : i32
        %add3A_1477 = arith.addi %add3A_1475, %add3A_1476 : i32
        %get3A_1478 = arith.index_cast %add3A_1477 : i32 to index
        %get3A_1479 = arith.constant 32 : index
        %get3A_1480 = tpu.vector_load %arg14[%get3A_1478, %get3A_1479] {strides = array<i32>} : memref<400x64xf32, #tpu.memory_space<vmem>>, vector<1x16xf32>,
        %get3A_1481 = vector.shape_cast %get3A_1480 : vector<1x16xf32> to vector<16xf32>
        %add3A_1482 = arith.addf %add3A_1410, %get3A_1481 : vector<16xf32>
        %add3A_1483 = arith.constant 38 : i32
        %add3A_1484 = arith.addi %mul3A_85, %add3A_1483 : i32
        %add3A_1485 = arith.constant 0 : i32
        %add3A_1486 = arith.addi %add3A_1484, %add3A_1485 : i32
        %get3A_1487 = arith.index_cast %add3A_1486 : i32 to index
        %get3A_1488 = arith.constant 48 : index
        %get3A_1489 = tpu.vector_load %arg14[%get3A_1487, %get3A_1488] {strides = array<i32>} : memref<400x64xf32, #tpu.memory_space<vmem>>, vector<1x16xf32>,
        %get3A_1490 = vector.shape_cast %get3A_1489 : vector<1x16xf32> to vector<16xf32>
        %add3A_1491 = arith.addf %add3A_1419, %get3A_1490 : vector<16xf32>
        %add3A_1492 = arith.constant 38 : i32
        %add3A_1493 = arith.addi %mul3A_85, %add3A_1492 : i32
        %add3A_1494 = arith.constant 1 : i32
        %add3A_1495 = arith.addi %add3A_1493, %add3A_1494 : i32
        %get3A_1496 = arith.index_cast %add3A_1495 : i32 to index
        %get3A_1497 = arith.constant 48 : index
        %get3A_1498 = tpu.vector_load %arg14[%get3A_1496, %get3A_1497] {strides = array<i32>} : memref<400x64xf32, #tpu.memory_space<vmem>>, vector<1x16xf32>,
        %get3A_1499 = vector.shape_cast %get3A_1498 : vector<1x16xf32> to vector<16xf32>
        %add3A_1500 = arith.addf %add3A_1428, %get3A_1499 : vector<16xf32>
        %add3A_1501 = arith.constant 40 : i32
        %add3A_1502 = arith.addi %mul3A_85, %add3A_1501 : i32
        %add3A_1503 = arith.constant 0 : i32
        %add3A_1504 = arith.addi %add3A_1502, %add3A_1503 : i32
        %get3A_1505 = arith.index_cast %add3A_1504 : i32 to index
        %get3A_1506 = arith.constant 0 : index
        %get3A_1507 = tpu.vector_load %arg14[%get3A_1505, %get3A_1506] {strides = array<i32>} : memref<400x64xf32, #tpu.memory_space<vmem>>, vector<1x16xf32>,
        %get3A_1508 = vector.shape_cast %get3A_1507 : vector<1x16xf32> to vector<16xf32>
        %add3A_1509 = arith.addf %add3A_1437, %get3A_1508 : vector<16xf32>
        %add3A_1510 = arith.constant 40 : i32
        %add3A_1511 = arith.addi %mul3A_85, %add3A_1510 : i32
        %add3A_1512 = arith.constant 1 : i32
        %add3A_1513 = arith.addi %add3A_1511, %add3A_1512 : i32
        %get3A_1514 = arith.index_cast %add3A_1513 : i32 to index
        %get3A_1515 = arith.constant 0 : index
        %get3A_1516 = tpu.vector_load %arg14[%get3A_1514, %get3A_1515] {strides = array<i32>} : memref<400x64xf32, #tpu.memory_space<vmem>>, vector<1x16xf32>,
        %get3A_1517 = vector.shape_cast %get3A_1516 : vector<1x16xf32> to vector<16xf32>
        %add3A_1518 = arith.addf %add3A_1446, %get3A_1517 : vector<16xf32>
        %add3A_1519 = arith.constant 40 : i32
        %add3A_1520 = arith.addi %mul3A_85, %add3A_1519 : i32
        %add3A_1521 = arith.constant 0 : i32
        %add3A_1522 = arith.addi %add3A_1520, %add3A_1521 : i32
        %get3A_1523 = arith.index_cast %add3A_1522 : i32 to index
        %get3A_1524 = arith.constant 16 : index
        %get3A_1525 = tpu.vector_load %arg14[%get3A_1523, %get3A_1524] {strides = array<i32>} : memref<400x64xf32, #tpu.memory_space<vmem>>, vector<1x16xf32>,
        %get3A_1526 = vector.shape_cast %get3A_1525 : vector<1x16xf32> to vector<16xf32>
        %add3A_1527 = arith.addf %add3A_1455, %get3A_1526 : vector<16xf32>
        %add3A_1528 = arith.constant 40 : i32
        %add3A_1529 = arith.addi %mul3A_85, %add3A_1528 : i32
        %add3A_1530 = arith.constant 1 : i32
        %add3A_1531 = arith.addi %add3A_1529, %add3A_1530 : i32
        %get3A_1532 = arith.index_cast %add3A_1531 : i32 to index
        %get3A_1533 = arith.constant 16 : index
        %get3A_1534 = tpu.vector_load %arg14[%get3A_1532, %get3A_1533] {strides = array<i32>} : memref<400x64xf32, #tpu.memory_space<vmem>>, vector<1x16xf32>,
        %get3A_1535 = vector.shape_cast %get3A_1534 : vector<1x16xf32> to vector<16xf32>
        %add3A_1536 = arith.addf %add3A_1464, %get3A_1535 : vector<16xf32>
        %add3A_1537 = arith.constant 40 : i32
        %add3A_1538 = arith.addi %mul3A_85, %add3A_1537 : i32
        %add3A_1539 = arith.constant 0 : i32
        %add3A_1540 = arith.addi %add3A_1538, %add3A_1539 : i32
        %get3A_1541 = arith.index_cast %add3A_1540 : i32 to index
        %get3A_1542 = arith.constant 32 : index
        %get3A_1543 = tpu.vector_load %arg14[%get3A_1541, %get3A_1542] {strides = array<i32>} : memref<400x64xf32, #tpu.memory_space<vmem>>, vector<1x16xf32>,
        %get3A_1544 = vector.shape_cast %get3A_1543 : vector<1x16xf32> to vector<16xf32>
        %add3A_1545 = arith.addf %add3A_1473, %get3A_1544 : vector<16xf32>
        %add3A_1546 = arith.constant 40 : i32
        %add3A_1547 = arith.addi %mul3A_85, %add3A_1546 : i32
        %add3A_1548 = arith.constant 1 : i32
        %add3A_1549 = arith.addi %add3A_1547, %add3A_1548 : i32
        %get3A_1550 = arith.index_cast %add3A_1549 : i32 to index
        %get3A_1551 = arith.constant 32 : index
        %get3A_1552 = tpu.vector_load %arg14[%get3A_1550, %get3A_1551] {strides = array<i32>} : memref<400x64xf32, #tpu.memory_space<vmem>>, vector<1x16xf32>,
        %get3A_1553 = vector.shape_cast %get3A_1552 : vector<1x16xf32> to vector<16xf32>
        %add3A_1554 = arith.addf %add3A_1482, %get3A_1553 : vector<16xf32>
        %add3A_1555 = arith.constant 40 : i32
        %add3A_1556 = arith.addi %mul3A_85, %add3A_1555 : i32
        %add3A_1557 = arith.constant 0 : i32
        %add3A_1558 = arith.addi %add3A_1556, %add3A_1557 : i32
        %get3A_1559 = arith.index_cast %add3A_1558 : i32 to index
        %get3A_1560 = arith.constant 48 : index
        %get3A_1561 = tpu.vector_load %arg14[%get3A_1559, %get3A_1560] {strides = array<i32>} : memref<400x64xf32, #tpu.memory_space<vmem>>, vector<1x16xf32>,
        %get3A_1562 = vector.shape_cast %get3A_1561 : vector<1x16xf32> to vector<16xf32>
        %add3A_1563 = arith.addf %add3A_1491, %get3A_1562 : vector<16xf32>
        %add3A_1564 = arith.constant 40 : i32
        %add3A_1565 = arith.addi %mul3A_85, %add3A_1564 : i32
        %add3A_1566 = arith.constant 1 : i32
        %add3A_1567 = arith.addi %add3A_1565, %add3A_1566 : i32
        %get3A_1568 = arith.index_cast %add3A_1567 : i32 to index
        %get3A_1569 = arith.constant 48 : index
        %get3A_1570 = tpu.vector_load %arg14[%get3A_1568, %get3A_1569] {strides = array<i32>} : memref<400x64xf32, #tpu.memory_space<vmem>>, vector<1x16xf32>,
        %get3A_1571 = vector.shape_cast %get3A_1570 : vector<1x16xf32> to vector<16xf32>
        %add3A_1572 = arith.addf %add3A_1500, %get3A_1571 : vector<16xf32>
        %add3A_1573 = arith.constant 42 : i32
        %add3A_1574 = arith.addi %mul3A_85, %add3A_1573 : i32
        %add3A_1575 = arith.constant 0 : i32
        %add3A_1576 = arith.addi %add3A_1574, %add3A_1575 : i32
        %get3A_1577 = arith.index_cast %add3A_1576 : i32 to index
        %get3A_1578 = arith.constant 0 : index
        %get3A_1579 = tpu.vector_load %arg14[%get3A_1577, %get3A_1578] {strides = array<i32>} : memref<400x64xf32, #tpu.memory_space<vmem>>, vector<1x16xf32>,
        %get3A_1580 = vector.shape_cast %get3A_1579 : vector<1x16xf32> to vector<16xf32>
        %add3A_1581 = arith.addf %add3A_1509, %get3A_1580 : vector<16xf32>
        %add3A_1582 = arith.constant 42 : i32
        %add3A_1583 = arith.addi %mul3A_85, %add3A_1582 : i32
        %add3A_1584 = arith.constant 1 : i32
        %add3A_1585 = arith.addi %add3A_1583, %add3A_1584 : i32
        %get3A_1586 = arith.index_cast %add3A_1585 : i32 to index
        %get3A_1587 = arith.constant 0 : index
        %get3A_1588 = tpu.vector_load %arg14[%get3A_1586, %get3A_1587] {strides = array<i32>} : memref<400x64xf32, #tpu.memory_space<vmem>>, vector<1x16xf32>,
        %get3A_1589 = vector.shape_cast %get3A_1588 : vector<1x16xf32> to vector<16xf32>
        %add3A_1590 = arith.addf %add3A_1518, %get3A_1589 : vector<16xf32>
        %add3A_1591 = arith.constant 42 : i32
        %add3A_1592 = arith.addi %mul3A_85, %add3A_1591 : i32
        %add3A_1593 = arith.constant 0 : i32
        %add3A_1594 = arith.addi %add3A_1592, %add3A_1593 : i32
        %get3A_1595 = arith.index_cast %add3A_1594 : i32 to index
        %get3A_1596 = arith.constant 16 : index
        %get3A_1597 = tpu.vector_load %arg14[%get3A_1595, %get3A_1596] {strides = array<i32>} : memref<400x64xf32, #tpu.memory_space<vmem>>, vector<1x16xf32>,
        %get3A_1598 = vector.shape_cast %get3A_1597 : vector<1x16xf32> to vector<16xf32>
        %add3A_1599 = arith.addf %add3A_1527, %get3A_1598 : vector<16xf32>
        %add3A_1600 = arith.constant 42 : i32
        %add3A_1601 = arith.addi %mul3A_85, %add3A_1600 : i32
        %add3A_1602 = arith.constant 1 : i32
        %add3A_1603 = arith.addi %add3A_1601, %add3A_1602 : i32
        %get3A_1604 = arith.index_cast %add3A_1603 : i32 to index
        %get3A_1605 = arith.constant 16 : index
        %get3A_1606 = tpu.vector_load %arg14[%get3A_1604, %get3A_1605] {strides = array<i32>} : memref<400x64xf32, #tpu.memory_space<vmem>>, vector<1x16xf32>,
        %get3A_1607 = vector.shape_cast %get3A_1606 : vector<1x16xf32> to vector<16xf32>
        %add3A_1608 = arith.addf %add3A_1536, %get3A_1607 : vector<16xf32>
        %add3A_1609 = arith.constant 42 : i32
        %add3A_1610 = arith.addi %mul3A_85, %add3A_1609 : i32
        %add3A_1611 = arith.constant 0 : i32
        %add3A_1612 = arith.addi %add3A_1610, %add3A_1611 : i32
        %get3A_1613 = arith.index_cast %add3A_1612 : i32 to index
        %get3A_1614 = arith.constant 32 : index
        %get3A_1615 = tpu.vector_load %arg14[%get3A_1613, %get3A_1614] {strides = array<i32>} : memref<400x64xf32, #tpu.memory_space<vmem>>, vector<1x16xf32>,
        %get3A_1616 = vector.shape_cast %get3A_1615 : vector<1x16xf32> to vector<16xf32>
        %add3A_1617 = arith.addf %add3A_1545, %get3A_1616 : vector<16xf32>
        %add3A_1618 = arith.constant 42 : i32
        %add3A_1619 = arith.addi %mul3A_85, %add3A_1618 : i32
        %add3A_1620 = arith.constant 1 : i32
        %add3A_1621 = arith.addi %add3A_1619, %add3A_1620 : i32
        %get3A_1622 = arith.index_cast %add3A_1621 : i32 to index
        %get3A_1623 = arith.constant 32 : index
        %get3A_1624 = tpu.vector_load %arg14[%get3A_1622, %get3A_1623] {strides = array<i32>} : memref<400x64xf32, #tpu.memory_space<vmem>>, vector<1x16xf32>,
        %get3A_1625 = vector.shape_cast %get3A_1624 : vector<1x16xf32> to vector<16xf32>
        %add3A_1626 = arith.addf %add3A_1554, %get3A_1625 : vector<16xf32>
        %add3A_1627 = arith.constant 42 : i32
        %add3A_1628 = arith.addi %mul3A_85, %add3A_1627 : i32
        %add3A_1629 = arith.constant 0 : i32
        %add3A_1630 = arith.addi %add3A_1628, %add3A_1629 : i32
        %get3A_1631 = arith.index_cast %add3A_1630 : i32 to index
        %get3A_1632 = arith.constant 48 : index
        %get3A_1633 = tpu.vector_load %arg14[%get3A_1631, %get3A_1632] {strides = array<i32>} : memref<400x64xf32, #tpu.memory_space<vmem>>, vector<1x16xf32>,
        %get3A_1634 = vector.shape_cast %get3A_1633 : vector<1x16xf32> to vector<16xf32>
        %add3A_1635 = arith.addf %add3A_1563, %get3A_1634 : vector<16xf32>
        %add3A_1636 = arith.constant 42 : i32
        %add3A_1637 = arith.addi %mul3A_85, %add3A_1636 : i32
        %add3A_1638 = arith.constant 1 : i32
        %add3A_1639 = arith.addi %add3A_1637, %add3A_1638 : i32
        %get3A_1640 = arith.index_cast %add3A_1639 : i32 to index
        %get3A_1641 = arith.constant 48 : index
        %get3A_1642 = tpu.vector_load %arg14[%get3A_1640, %get3A_1641] {strides = array<i32>} : memref<400x64xf32, #tpu.memory_space<vmem>>, vector<1x16xf32>,
        %get3A_1643 = vector.shape_cast %get3A_1642 : vector<1x16xf32> to vector<16xf32>
        %add3A_1644 = arith.addf %add3A_1572, %get3A_1643 : vector<16xf32>
        %add3A_1645 = arith.constant 44 : i32
        %add3A_1646 = arith.addi %mul3A_85, %add3A_1645 : i32
        %add3A_1647 = arith.constant 0 : i32
        %add3A_1648 = arith.addi %add3A_1646, %add3A_1647 : i32
        %get3A_1649 = arith.index_cast %add3A_1648 : i32 to index
        %get3A_1650 = arith.constant 0 : index
        %get3A_1651 = tpu.vector_load %arg14[%get3A_1649, %get3A_1650] {strides = array<i32>} : memref<400x64xf32, #tpu.memory_space<vmem>>, vector<1x16xf32>,
        %get3A_1652 = vector.shape_cast %get3A_1651 : vector<1x16xf32> to vector<16xf32>
        %add3A_1653 = arith.addf %add3A_1581, %get3A_1652 : vector<16xf32>
        %add3A_1654 = arith.constant 44 : i32
        %add3A_1655 = arith.addi %mul3A_85, %add3A_1654 : i32
        %add3A_1656 = arith.constant 1 : i32
        %add3A_1657 = arith.addi %add3A_1655, %add3A_1656 : i32
        %get3A_1658 = arith.index_cast %add3A_1657 : i32 to index
        %get3A_1659 = arith.constant 0 : index
        %get3A_1660 = tpu.vector_load %arg14[%get3A_1658, %get3A_1659] {strides = array<i32>} : memref<400x64xf32, #tpu.memory_space<vmem>>, vector<1x16xf32>,
        %get3A_1661 = vector.shape_cast %get3A_1660 : vector<1x16xf32> to vector<16xf32>
        %add3A_1662 = arith.addf %add3A_1590, %get3A_1661 : vector<16xf32>
        %add3A_1663 = arith.constant 44 : i32
        %add3A_1664 = arith.addi %mul3A_85, %add3A_1663 : i32
        %add3A_1665 = arith.constant 0 : i32
        %add3A_1666 = arith.addi %add3A_1664, %add3A_1665 : i32
        %get3A_1667 = arith.index_cast %add3A_1666 : i32 to index
        %get3A_1668 = arith.constant 16 : index
        %get3A_1669 = tpu.vector_load %arg14[%get3A_1667, %get3A_1668] {strides = array<i32>} : memref<400x64xf32, #tpu.memory_space<vmem>>, vector<1x16xf32>,
        %get3A_1670 = vector.shape_cast %get3A_1669 : vector<1x16xf32> to vector<16xf32>
        %add3A_1671 = arith.addf %add3A_1599, %get3A_1670 : vector<16xf32>
        %add3A_1672 = arith.constant 44 : i32
        %add3A_1673 = arith.addi %mul3A_85, %add3A_1672 : i32
        %add3A_1674 = arith.constant 1 : i32
        %add3A_1675 = arith.addi %add3A_1673, %add3A_1674 : i32
        %get3A_1676 = arith.index_cast %add3A_1675 : i32 to index
        %get3A_1677 = arith.constant 16 : index
        %get3A_1678 = tpu.vector_load %arg14[%get3A_1676, %get3A_1677] {strides = array<i32>} : memref<400x64xf32, #tpu.memory_space<vmem>>, vector<1x16xf32>,
        %get3A_1679 = vector.shape_cast %get3A_1678 : vector<1x16xf32> to vector<16xf32>
        %add3A_1680 = arith.addf %add3A_1608, %get3A_1679 : vector<16xf32>
        %add3A_1681 = arith.constant 44 : i32
        %add3A_1682 = arith.addi %mul3A_85, %add3A_1681 : i32
        %add3A_1683 = arith.constant 0 : i32
        %add3A_1684 = arith.addi %add3A_1682, %add3A_1683 : i32
        %get3A_1685 = arith.index_cast %add3A_1684 : i32 to index
        %get3A_1686 = arith.constant 32 : index
        %get3A_1687 = tpu.vector_load %arg14[%get3A_1685, %get3A_1686] {strides = array<i32>} : memref<400x64xf32, #tpu.memory_space<vmem>>, vector<1x16xf32>,
        %get3A_1688 = vector.shape_cast %get3A_1687 : vector<1x16xf32> to vector<16xf32>
        %add3A_1689 = arith.addf %add3A_1617, %get3A_1688 : vector<16xf32>
        %add3A_1690 = arith.constant 44 : i32
        %add3A_1691 = arith.addi %mul3A_85, %add3A_1690 : i32
        %add3A_1692 = arith.constant 1 : i32
        %add3A_1693 = arith.addi %add3A_1691, %add3A_1692 : i32
        %get3A_1694 = arith.index_cast %add3A_1693 : i32 to index
        %get3A_1695 = arith.constant 32 : index
        %get3A_1696 = tpu.vector_load %arg14[%get3A_1694, %get3A_1695] {strides = array<i32>} : memref<400x64xf32, #tpu.memory_space<vmem>>, vector<1x16xf32>,
        %get3A_1697 = vector.shape_cast %get3A_1696 : vector<1x16xf32> to vector<16xf32>
        %add3A_1698 = arith.addf %add3A_1626, %get3A_1697 : vector<16xf32>
        %add3A_1699 = arith.constant 44 : i32
        %add3A_1700 = arith.addi %mul3A_85, %add3A_1699 : i32
        %add3A_1701 = arith.constant 0 : i32
        %add3A_1702 = arith.addi %add3A_1700, %add3A_1701 : i32
        %get3A_1703 = arith.index_cast %add3A_1702 : i32 to index
        %get3A_1704 = arith.constant 48 : index
        %get3A_1705 = tpu.vector_load %arg14[%get3A_1703, %get3A_1704] {strides = array<i32>} : memref<400x64xf32, #tpu.memory_space<vmem>>, vector<1x16xf32>,
        %get3A_1706 = vector.shape_cast %get3A_1705 : vector<1x16xf32> to vector<16xf32>
        %add3A_1707 = arith.addf %add3A_1635, %get3A_1706 : vector<16xf32>
        %add3A_1708 = arith.constant 44 : i32
        %add3A_1709 = arith.addi %mul3A_85, %add3A_1708 : i32
        %add3A_1710 = arith.constant 1 : i32
        %add3A_1711 = arith.addi %add3A_1709, %add3A_1710 : i32
        %get3A_1712 = arith.index_cast %add3A_1711 : i32 to index
        %get3A_1713 = arith.constant 48 : index
        %get3A_1714 = tpu.vector_load %arg14[%get3A_1712, %get3A_1713] {strides = array<i32>} : memref<400x64xf32, #tpu.memory_space<vmem>>, vector<1x16xf32>,
        %get3A_1715 = vector.shape_cast %get3A_1714 : vector<1x16xf32> to vector<16xf32>
        %add3A_1716 = arith.addf %add3A_1644, %get3A_1715 : vector<16xf32>
        %add3A_1717 = arith.constant 46 : i32
        %add3A_1718 = arith.addi %mul3A_85, %add3A_1717 : i32
        %add3A_1719 = arith.constant 0 : i32
        %add3A_1720 = arith.addi %add3A_1718, %add3A_1719 : i32
        %get3A_1721 = arith.index_cast %add3A_1720 : i32 to index
        %get3A_1722 = arith.constant 0 : index
        %get3A_1723 = tpu.vector_load %arg14[%get3A_1721, %get3A_1722] {strides = array<i32>} : memref<400x64xf32, #tpu.memory_space<vmem>>, vector<1x16xf32>,
        %get3A_1724 = vector.shape_cast %get3A_1723 : vector<1x16xf32> to vector<16xf32>
        %add3A_1725 = arith.addf %add3A_1653, %get3A_1724 : vector<16xf32>
        %add3A_1726 = arith.constant 46 : i32
        %add3A_1727 = arith.addi %mul3A_85, %add3A_1726 : i32
        %add3A_1728 = arith.constant 1 : i32
        %add3A_1729 = arith.addi %add3A_1727, %add3A_1728 : i32
        %get3A_1730 = arith.index_cast %add3A_1729 : i32 to index
        %get3A_1731 = arith.constant 0 : index
        %get3A_1732 = tpu.vector_load %arg14[%get3A_1730, %get3A_1731] {strides = array<i32>} : memref<400x64xf32, #tpu.memory_space<vmem>>, vector<1x16xf32>,
        %get3A_1733 = vector.shape_cast %get3A_1732 : vector<1x16xf32> to vector<16xf32>
        %add3A_1734 = arith.addf %add3A_1662, %get3A_1733 : vector<16xf32>
        %add3A_1735 = arith.constant 46 : i32
        %add3A_1736 = arith.addi %mul3A_85, %add3A_1735 : i32
        %add3A_1737 = arith.constant 0 : i32
        %add3A_1738 = arith.addi %add3A_1736, %add3A_1737 : i32
        %get3A_1739 = arith.index_cast %add3A_1738 : i32 to index
        %get3A_1740 = arith.constant 16 : index
        %get3A_1741 = tpu.vector_load %arg14[%get3A_1739, %get3A_1740] {strides = array<i32>} : memref<400x64xf32, #tpu.memory_space<vmem>>, vector<1x16xf32>,
        %get3A_1742 = vector.shape_cast %get3A_1741 : vector<1x16xf32> to vector<16xf32>
        %add3A_1743 = arith.addf %add3A_1671, %get3A_1742 : vector<16xf32>
        %add3A_1744 = arith.constant 46 : i32
        %add3A_1745 = arith.addi %mul3A_85, %add3A_1744 : i32
        %add3A_1746 = arith.constant 1 : i32
        %add3A_1747 = arith.addi %add3A_1745, %add3A_1746 : i32
        %get3A_1748 = arith.index_cast %add3A_1747 : i32 to index
        %get3A_1749 = arith.constant 16 : index
        %get3A_1750 = tpu.vector_load %arg14[%get3A_1748, %get3A_1749] {strides = array<i32>} : memref<400x64xf32, #tpu.memory_space<vmem>>, vector<1x16xf32>,
        %get3A_1751 = vector.shape_cast %get3A_1750 : vector<1x16xf32> to vector<16xf32>
        %add3A_1752 = arith.addf %add3A_1680, %get3A_1751 : vector<16xf32>
        %add3A_1753 = arith.constant 46 : i32
        %add3A_1754 = arith.addi %mul3A_85, %add3A_1753 : i32
        %add3A_1755 = arith.constant 0 : i32
        %add3A_1756 = arith.addi %add3A_1754, %add3A_1755 : i32
        %get3A_1757 = arith.index_cast %add3A_1756 : i32 to index
        %get3A_1758 = arith.constant 32 : index
        %get3A_1759 = tpu.vector_load %arg14[%get3A_1757, %get3A_1758] {strides = array<i32>} : memref<400x64xf32, #tpu.memory_space<vmem>>, vector<1x16xf32>,
        %get3A_1760 = vector.shape_cast %get3A_1759 : vector<1x16xf32> to vector<16xf32>
        %add3A_1761 = arith.addf %add3A_1689, %get3A_1760 : vector<16xf32>
        %add3A_1762 = arith.constant 46 : i32
        %add3A_1763 = arith.addi %mul3A_85, %add3A_1762 : i32
        %add3A_1764 = arith.constant 1 : i32
        %add3A_1765 = arith.addi %add3A_1763, %add3A_1764 : i32
        %get3A_1766 = arith.index_cast %add3A_1765 : i32 to index
        %get3A_1767 = arith.constant 32 : index
        %get3A_1768 = tpu.vector_load %arg14[%get3A_1766, %get3A_1767] {strides = array<i32>} : memref<400x64xf32, #tpu.memory_space<vmem>>, vector<1x16xf32>,
        %get3A_1769 = vector.shape_cast %get3A_1768 : vector<1x16xf32> to vector<16xf32>
        %add3A_1770 = arith.addf %add3A_1698, %get3A_1769 : vector<16xf32>
        %add3A_1771 = arith.constant 46 : i32
        %add3A_1772 = arith.addi %mul3A_85, %add3A_1771 : i32
        %add3A_1773 = arith.constant 0 : i32
        %add3A_1774 = arith.addi %add3A_1772, %add3A_1773 : i32
        %get3A_1775 = arith.index_cast %add3A_1774 : i32 to index
        %get3A_1776 = arith.constant 48 : index
        %get3A_1777 = tpu.vector_load %arg14[%get3A_1775, %get3A_1776] {strides = array<i32>} : memref<400x64xf32, #tpu.memory_space<vmem>>, vector<1x16xf32>,
        %get3A_1778 = vector.shape_cast %get3A_1777 : vector<1x16xf32> to vector<16xf32>
        %add3A_1779 = arith.addf %add3A_1707, %get3A_1778 : vector<16xf32>
        %add3A_1780 = arith.constant 46 : i32
        %add3A_1781 = arith.addi %mul3A_85, %add3A_1780 : i32
        %add3A_1782 = arith.constant 1 : i32
        %add3A_1783 = arith.addi %add3A_1781, %add3A_1782 : i32
        %get3A_1784 = arith.index_cast %add3A_1783 : i32 to index
        %get3A_1785 = arith.constant 48 : index
        %get3A_1786 = tpu.vector_load %arg14[%get3A_1784, %get3A_1785] {strides = array<i32>} : memref<400x64xf32, #tpu.memory_space<vmem>>, vector<1x16xf32>,
        %get3A_1787 = vector.shape_cast %get3A_1786 : vector<1x16xf32> to vector<16xf32>
        %add3A_1788 = arith.addf %add3A_1716, %get3A_1787 : vector<16xf32>
        %add3A_1789 = arith.constant 48 : i32
        %add3A_1790 = arith.addi %mul3A_85, %add3A_1789 : i32
        %add3A_1791 = arith.constant 0 : i32
        %add3A_1792 = arith.addi %add3A_1790, %add3A_1791 : i32
        %get3A_1793 = arith.index_cast %add3A_1792 : i32 to index
        %get3A_1794 = arith.constant 0 : index
        %get3A_1795 = tpu.vector_load %arg14[%get3A_1793, %get3A_1794] {strides = array<i32>} : memref<400x64xf32, #tpu.memory_space<vmem>>, vector<1x16xf32>,
        %get3A_1796 = vector.shape_cast %get3A_1795 : vector<1x16xf32> to vector<16xf32>
        %add3A_1797 = arith.addf %add3A_1725, %get3A_1796 : vector<16xf32>
        %add3A_1798 = arith.constant 48 : i32
        %add3A_1799 = arith.addi %mul3A_85, %add3A_1798 : i32
        %add3A_1800 = arith.constant 1 : i32
        %add3A_1801 = arith.addi %add3A_1799, %add3A_1800 : i32
        %get3A_1802 = arith.index_cast %add3A_1801 : i32 to index
        %get3A_1803 = arith.constant 0 : index
        %get3A_1804 = tpu.vector_load %arg14[%get3A_1802, %get3A_1803] {strides = array<i32>} : memref<400x64xf32, #tpu.memory_space<vmem>>, vector<1x16xf32>,
        %get3A_1805 = vector.shape_cast %get3A_1804 : vector<1x16xf32> to vector<16xf32>
        %add3A_1806 = arith.addf %add3A_1734, %get3A_1805 : vector<16xf32>
        %add3A_1807 = arith.constant 48 : i32
        %add3A_1808 = arith.addi %mul3A_85, %add3A_1807 : i32
        %add3A_1809 = arith.constant 0 : i32
        %add3A_1810 = arith.addi %add3A_1808, %add3A_1809 : i32
        %get3A_1811 = arith.index_cast %add3A_1810 : i32 to index
        %get3A_1812 = arith.constant 16 : index
        %get3A_1813 = tpu.vector_load %arg14[%get3A_1811, %get3A_1812] {strides = array<i32>} : memref<400x64xf32, #tpu.memory_space<vmem>>, vector<1x16xf32>,
        %get3A_1814 = vector.shape_cast %get3A_1813 : vector<1x16xf32> to vector<16xf32>
        %add3A_1815 = arith.addf %add3A_1743, %get3A_1814 : vector<16xf32>
        %add3A_1816 = arith.constant 48 : i32
        %add3A_1817 = arith.addi %mul3A_85, %add3A_1816 : i32
        %add3A_1818 = arith.constant 1 : i32
        %add3A_1819 = arith.addi %add3A_1817, %add3A_1818 : i32
        %get3A_1820 = arith.index_cast %add3A_1819 : i32 to index
        %get3A_1821 = arith.constant 16 : index
        %get3A_1822 = tpu.vector_load %arg14[%get3A_1820, %get3A_1821] {strides = array<i32>} : memref<400x64xf32, #tpu.memory_space<vmem>>, vector<1x16xf32>,
        %get3A_1823 = vector.shape_cast %get3A_1822 : vector<1x16xf32> to vector<16xf32>
        %add3A_1824 = arith.addf %add3A_1752, %get3A_1823 : vector<16xf32>
        %add3A_1825 = arith.constant 48 : i32
        %add3A_1826 = arith.addi %mul3A_85, %add3A_1825 : i32
        %add3A_1827 = arith.constant 0 : i32
        %add3A_1828 = arith.addi %add3A_1826, %add3A_1827 : i32
        %get3A_1829 = arith.index_cast %add3A_1828 : i32 to index
        %get3A_1830 = arith.constant 32 : index
        %get3A_1831 = tpu.vector_load %arg14[%get3A_1829, %get3A_1830] {strides = array<i32>} : memref<400x64xf32, #tpu.memory_space<vmem>>, vector<1x16xf32>,
        %get3A_1832 = vector.shape_cast %get3A_1831 : vector<1x16xf32> to vector<16xf32>
        %add3A_1833 = arith.addf %add3A_1761, %get3A_1832 : vector<16xf32>
        %add3A_1834 = arith.constant 48 : i32
        %add3A_1835 = arith.addi %mul3A_85, %add3A_1834 : i32
        %add3A_1836 = arith.constant 1 : i32
        %add3A_1837 = arith.addi %add3A_1835, %add3A_1836 : i32
        %get3A_1838 = arith.index_cast %add3A_1837 : i32 to index
        %get3A_1839 = arith.constant 32 : index
        %get3A_1840 = tpu.vector_load %arg14[%get3A_1838, %get3A_1839] {strides = array<i32>} : memref<400x64xf32, #tpu.memory_space<vmem>>, vector<1x16xf32>,
        %get3A_1841 = vector.shape_cast %get3A_1840 : vector<1x16xf32> to vector<16xf32>
        %add3A_1842 = arith.addf %add3A_1770, %get3A_1841 : vector<16xf32>
        %add3A_1843 = arith.constant 48 : i32
        %add3A_1844 = arith.addi %mul3A_85, %add3A_1843 : i32
        %add3A_1845 = arith.constant 0 : i32
        %add3A_1846 = arith.addi %add3A_1844, %add3A_1845 : i32
        %get3A_1847 = arith.index_cast %add3A_1846 : i32 to index
        %get3A_1848 = arith.constant 48 : index
        %get3A_1849 = tpu.vector_load %arg14[%get3A_1847, %get3A_1848] {strides = array<i32>} : memref<400x64xf32, #tpu.memory_space<vmem>>, vector<1x16xf32>,
        %get3A_1850 = vector.shape_cast %get3A_1849 : vector<1x16xf32> to vector<16xf32>
        %add3A_1851 = arith.addf %add3A_1779, %get3A_1850 : vector<16xf32>
        %add3A_1852 = arith.constant 48 : i32
        %add3A_1853 = arith.addi %mul3A_85, %add3A_1852 : i32
        %add3A_1854 = arith.constant 1 : i32
        %add3A_1855 = arith.addi %add3A_1853, %add3A_1854 : i32
        %get3A_1856 = arith.index_cast %add3A_1855 : i32 to index
        %get3A_1857 = arith.constant 48 : index
        %get3A_1858 = tpu.vector_load %arg14[%get3A_1856, %get3A_1857] {strides = array<i32>} : memref<400x64xf32, #tpu.memory_space<vmem>>, vector<1x16xf32>,
        %get3A_1859 = vector.shape_cast %get3A_1858 : vector<1x16xf32> to vector<16xf32>
        %add3A_1860 = arith.addf %add3A_1788, %get3A_1859 : vector<16xf32>
        %add3A_1861 = arith.addf %add3A_1797, %add3A_1806 : vector<16xf32>
        %mul3A_1862 = arith.constant 2.000000e-02 : f32
        %mul3A_1863 = vector.broadcast %mul3A_1862 : f32 to vector<16xf32>
        %mul3A_1864 = arith.mulf %add3A_1861, %mul3A_1863 : vector<16xf32>
        %swap3A = arith.index_cast %add3A_83 : i32 to index
        %swap3A_1865 = arith.constant 0 : index
        %swap3A_1866 = tpu.vector_load %arg16[%swap3A, %swap3A_1865] {strides = array<i32>} : memref<128x64xf32, #tpu.memory_space<vmem>>, vector<1x16xf32>,
        %swap3A_1867 = vector.shape_cast %swap3A_1866 : vector<1x16xf32> to vector<16xf32>
        %swap3A_1868 = vector.shape_cast %mul3A_1864 : vector<16xf32> to vector<1x16xf32>
        tpu.vector_store %arg16[%swap3A, %swap3A_1865], %swap3A_1868 {strides = array<i32>} : memref<128x64xf32, #tpu.memory_space<vmem>>, vector<1x16xf32>,
        %add3A_1869 = arith.addf %add3A_1815, %add3A_1824 : vector<16xf32>
        %mul3A_1870 = arith.constant 2.000000e-02 : f32
        %mul3A_1871 = vector.broadcast %mul3A_1870 : f32 to vector<16xf32>
        %mul3A_1872 = arith.mulf %add3A_1869, %mul3A_1871 : vector<16xf32>
        %swap3A_1873 = arith.index_cast %add3A_83 : i32 to index
        %swap3A_1874 = arith.constant 16 : index
        %swap3A_1875 = tpu.vector_load %arg16[%swap3A_1873, %swap3A_1874] {strides = array<i32>} : memref<128x64xf32, #tpu.memory_space<vmem>>, vector<1x16xf32>,
        %swap3A_1876 = vector.shape_cast %swap3A_1875 : vector<1x16xf32> to vector<16xf32>
        %swap3A_1877 = vector.shape_cast %mul3A_1872 : vector<16xf32> to vector<1x16xf32>
        tpu.vector_store %arg16[%swap3A_1873, %swap3A_1874], %swap3A_1877 {strides = array<i32>} : memref<128x64xf32, #tpu.memory_space<vmem>>, vector<1x16xf32>,
        %add3A_1878 = arith.addf %add3A_1833, %add3A_1842 : vector<16xf32>
        %mul3A_1879 = arith.constant 2.000000e-02 : f32
        %mul3A_1880 = vector.broadcast %mul3A_1879 : f32 to vector<16xf32>
        %mul3A_1881 = arith.mulf %add3A_1878, %mul3A_1880 : vector<16xf32>
        %swap3A_1882 = arith.index_cast %add3A_83 : i32 to index
        %swap3A_1883 = arith.constant 32 : index
        %swap3A_1884 = tpu.vector_load %arg16[%swap3A_1882, %swap3A_1883] {strides = array<i32>} : memref<128x64xf32, #tpu.memory_space<vmem>>, vector<1x16xf32>,
        %swap3A_1885 = vector.shape_cast %swap3A_1884 : vector<1x16xf32> to vector<16xf32>
        %swap3A_1886 = vector.shape_cast %mul3A_1881 : vector<16xf32> to vector<1x16xf32>
        tpu.vector_store %arg16[%swap3A_1882, %swap3A_1883], %swap3A_1886 {strides = array<i32>} : memref<128x64xf32, #tpu.memory_space<vmem>>, vector<1x16xf32>,
        %add3A_1887 = arith.addf %add3A_1851, %add3A_1860 : vector<16xf32>
        %mul3A_1888 = arith.constant 2.000000e-02 : f32
        %mul3A_1889 = vector.broadcast %mul3A_1888 : f32 to vector<16xf32>
        %mul3A_1890 = arith.mulf %add3A_1887, %mul3A_1889 : vector<16xf32>
        %swap3A_1891 = arith.index_cast %add3A_83 : i32 to index
        %swap3A_1892 = arith.constant 48 : index
        %swap3A_1893 = tpu.vector_load %arg16[%swap3A_1891, %swap3A_1892] {strides = array<i32>} : memref<128x64xf32, #tpu.memory_space<vmem>>, vector<1x16xf32>,
        %swap3A_1894 = vector.shape_cast %swap3A_1893 : vector<1x16xf32> to vector<16xf32>
        %swap3A_1895 = vector.shape_cast %mul3A_1890 : vector<16xf32> to vector<1x16xf32>
        tpu.vector_store %arg16[%swap3A_1891, %swap3A_1892], %swap3A_1895 {strides = array<i32>} : memref<128x64xf32, #tpu.memory_space<vmem>>, vector<1x16xf32>,
        %scan3A_1896 = arith.constant 0 : i32
        scf.yield %scan3A_1896 : i32
      }
      %scan3A_60 = arith.constant 8 : i32
      %add3A_61 = arith.constant 1 : i32
      %add3A_62 = arith.addi %add3A_39, %add3A_61 : i32
      %lt3A = arith.constant 16 : i32
      %lt3A_63 = arith.cmpi slt, %add3A_62, %lt3A : i32
      %convert_element_type3A = arith.extui %lt3A_63 : i1 to i32
      %cond3A = arith.constant 0 : i32
      %cond3A_64 = arith.cmpi ne, %convert_element_type3A, %cond3A : i32
      scf.if %cond3A_64 {
        %add3A_79 = arith.constant 1 : i32
        %add3A_80 = arith.addi %add3A_39, %add3A_79 : i32
        %mul3A_81 = arith.constant 8 : i32
        %mul3A_82 = arith.muli %add3A_80, %mul3A_81 : i32
        %mul3A_83 = arith.constant 50 : i32
        %mul3A_84 = arith.muli %mul3A_82, %mul3A_83 : i32
        %dma_start3A_85 = tpu.memref_slice %arg13[%mul3A_84] : memref<6400xi32, #tpu.memory_space<vmem>> -> memref<400xi32, #tpu.memory_space<vmem>>
        %dma_start3A_86 = arith.constant 0 : i32
        %dma_start3A_87 = arith.constant 0 : i32
        %dma_start3A_88 = tpu.memref_slice %arg6[%dma_start3A_86, %dma_start3A_87] : memref<100000x64xf32, #tpu.memory_space<hbm>> -> memref<100000x64xf32, #tpu.memory_space<hbm>>
        tpu.enqueue_indirect_dma source(%dma_start3A_88 : memref<100000x64xf32, #tpu.memory_space<hbm>>) target(%arg14 : memref<400x64xf32, #tpu.memory_space<vmem>>) offsets(%dma_start3A_85 : memref<400xi32, #tpu.memory_space<vmem>>) semaphore(%arg19 : memref<!tpu.dma_semaphore, #tpu.memory_space<semaphore_mem>>)
      } else {
      }
      %dma_wait3A_65 = arith.constant 0 : i32
      %dma_wait3A_66 = arith.constant 0 : i32
      %dma_wait3A_67 = tpu.memref_slice %arg6[%dma_wait3A_65, %dma_wait3A_66] : memref<100000x64xf32, #tpu.memory_space<hbm>> -> memref<400x64xf32, #tpu.memory_space<hbm>>
      %dma_wait3A_68 = arith.constant 0 : i32
      %dma_wait3A_69 = arith.constant 0 : i32
      %dma_wait3A_70 = tpu.memref_slice %arg6[%dma_wait3A_68, %dma_wait3A_69] : memref<100000x64xf32, #tpu.memory_space<hbm>> -> memref<400x64xf32, #tpu.memory_space<hbm>>
      tpu.wait_dma2 semaphore(%arg20 : memref<!tpu.dma_semaphore, #tpu.memory_space<semaphore_mem>>) src(%dma_wait3A_70 : memref<400x64xf32, #tpu.memory_space<hbm>>) dst(%arg15 : memref<400x64xf32, #tpu.memory_space<vmem>>)
      %scan3A_71 = arith.constant 0 : i32
      %scan3A_72 = arith.constant 0 : i32
      %scan3A_73 = arith.constant 8 : i32
      %scan3A_74 = arith.addi %scan3A_72, %scan3A_73 : i32
      %scan3A_75 = arith.constant 1 : i32
      %scan3A_76 = scf.for %scan3A_79 = %scan3A_72 to %scan3A_74 step %scan3A_75 iter_args(%scan3A_80 = %scan3A_71) -> (i32)  : i32 {
        %mul3A_81 = arith.constant 8 : i32
        %mul3A_82 = arith.muli %add3A_39, %mul3A_81 : i32
        %add3A_83 = arith.addi %mul3A_82, %scan3A_79 : i32
        %mul3A_84 = arith.constant 50 : i32
        %mul3A_85 = arith.muli %scan3A_79, %mul3A_84 : i32
        %add3A_86 = arith.constant 0 : i32
        %add3A_87 = arith.addi %mul3A_85, %add3A_86 : i32
        %get3A = arith.index_cast %add3A_87 : i32 to index
        %get3A_88 = arith.constant 0 : index
        %get3A_89 = tpu.vector_load %arg15[%get3A, %get3A_88] {strides = array<i32>} : memref<400x64xf32, #tpu.memory_space<vmem>>, vector<1x16xf32>,
        %get3A_90 = vector.shape_cast %get3A_89 : vector<1x16xf32> to vector<16xf32>
        %add3A_91 = arith.constant 1 : i32
        %add3A_92 = arith.addi %mul3A_85, %add3A_91 : i32
        %get3A_93 = arith.index_cast %add3A_92 : i32 to index
        %get3A_94 = arith.constant 0 : index
        %get3A_95 = tpu.vector_load %arg15[%get3A_93, %get3A_94] {strides = array<i32>} : memref<400x64xf32, #tpu.memory_space<vmem>>, vector<1x16xf32>,
        %get3A_96 = vector.shape_cast %get3A_95 : vector<1x16xf32> to vector<16xf32>
        %add3A_97 = arith.constant 0 : i32
        %add3A_98 = arith.addi %mul3A_85, %add3A_97 : i32
        %get3A_99 = arith.index_cast %add3A_98 : i32 to index
        %get3A_100 = arith.constant 16 : index
        %get3A_101 = tpu.vector_load %arg15[%get3A_99, %get3A_100] {strides = array<i32>} : memref<400x64xf32, #tpu.memory_space<vmem>>, vector<1x16xf32>,
        %get3A_102 = vector.shape_cast %get3A_101 : vector<1x16xf32> to vector<16xf32>
        %add3A_103 = arith.constant 1 : i32
        %add3A_104 = arith.addi %mul3A_85, %add3A_103 : i32
        %get3A_105 = arith.index_cast %add3A_104 : i32 to index
        %get3A_106 = arith.constant 16 : index
        %get3A_107 = tpu.vector_load %arg15[%get3A_105, %get3A_106] {strides = array<i32>} : memref<400x64xf32, #tpu.memory_space<vmem>>, vector<1x16xf32>,
        %get3A_108 = vector.shape_cast %get3A_107 : vector<1x16xf32> to vector<16xf32>
        %add3A_109 = arith.constant 0 : i32
        %add3A_110 = arith.addi %mul3A_85, %add3A_109 : i32
        %get3A_111 = arith.index_cast %add3A_110 : i32 to index
        %get3A_112 = arith.constant 32 : index
        %get3A_113 = tpu.vector_load %arg15[%get3A_111, %get3A_112] {strides = array<i32>} : memref<400x64xf32, #tpu.memory_space<vmem>>, vector<1x16xf32>,
        %get3A_114 = vector.shape_cast %get3A_113 : vector<1x16xf32> to vector<16xf32>
        %add3A_115 = arith.constant 1 : i32
        %add3A_116 = arith.addi %mul3A_85, %add3A_115 : i32
        %get3A_117 = arith.index_cast %add3A_116 : i32 to index
        %get3A_118 = arith.constant 32 : index
        %get3A_119 = tpu.vector_load %arg15[%get3A_117, %get3A_118] {strides = array<i32>} : memref<400x64xf32, #tpu.memory_space<vmem>>, vector<1x16xf32>,
        %get3A_120 = vector.shape_cast %get3A_119 : vector<1x16xf32> to vector<16xf32>
        %add3A_121 = arith.constant 0 : i32
        %add3A_122 = arith.addi %mul3A_85, %add3A_121 : i32
        %get3A_123 = arith.index_cast %add3A_122 : i32 to index
        %get3A_124 = arith.constant 48 : index
        %get3A_125 = tpu.vector_load %arg15[%get3A_123, %get3A_124] {strides = array<i32>} : memref<400x64xf32, #tpu.memory_space<vmem>>, vector<1x16xf32>,
        %get3A_126 = vector.shape_cast %get3A_125 : vector<1x16xf32> to vector<16xf32>
        %add3A_127 = arith.constant 1 : i32
        %add3A_128 = arith.addi %mul3A_85, %add3A_127 : i32
        %get3A_129 = arith.index_cast %add3A_128 : i32 to index
        %get3A_130 = arith.constant 48 : index
        %get3A_131 = tpu.vector_load %arg15[%get3A_129, %get3A_130] {strides = array<i32>} : memref<400x64xf32, #tpu.memory_space<vmem>>, vector<1x16xf32>,
        %get3A_132 = vector.shape_cast %get3A_131 : vector<1x16xf32> to vector<16xf32>
        %add3A_133 = arith.constant 2 : i32
        %add3A_134 = arith.addi %mul3A_85, %add3A_133 : i32
        %add3A_135 = arith.constant 0 : i32
        %add3A_136 = arith.addi %add3A_134, %add3A_135 : i32
        %get3A_137 = arith.index_cast %add3A_136 : i32 to index
        %get3A_138 = arith.constant 0 : index
        %get3A_139 = tpu.vector_load %arg15[%get3A_137, %get3A_138] {strides = array<i32>} : memref<400x64xf32, #tpu.memory_space<vmem>>, vector<1x16xf32>,
        %get3A_140 = vector.shape_cast %get3A_139 : vector<1x16xf32> to vector<16xf32>
        %add3A_141 = arith.addf %get3A_90, %get3A_140 : vector<16xf32>
        %add3A_142 = arith.constant 2 : i32
        %add3A_143 = arith.addi %mul3A_85, %add3A_142 : i32
        %add3A_144 = arith.constant 1 : i32
        %add3A_145 = arith.addi %add3A_143, %add3A_144 : i32
        %get3A_146 = arith.index_cast %add3A_145 : i32 to index
        %get3A_147 = arith.constant 0 : index
        %get3A_148 = tpu.vector_load %arg15[%get3A_146, %get3A_147] {strides = array<i32>} : memref<400x64xf32, #tpu.memory_space<vmem>>, vector<1x16xf32>,
        %get3A_149 = vector.shape_cast %get3A_148 : vector<1x16xf32> to vector<16xf32>
        %add3A_150 = arith.addf %get3A_96, %get3A_149 : vector<16xf32>
        %add3A_151 = arith.constant 2 : i32
        %add3A_152 = arith.addi %mul3A_85, %add3A_151 : i32
        %add3A_153 = arith.constant 0 : i32
        %add3A_154 = arith.addi %add3A_152, %add3A_153 : i32
        %get3A_155 = arith.index_cast %add3A_154 : i32 to index
        %get3A_156 = arith.constant 16 : index
        %get3A_157 = tpu.vector_load %arg15[%get3A_155, %get3A_156] {strides = array<i32>} : memref<400x64xf32, #tpu.memory_space<vmem>>, vector<1x16xf32>,
        %get3A_158 = vector.shape_cast %get3A_157 : vector<1x16xf32> to vector<16xf32>
        %add3A_159 = arith.addf %get3A_102, %get3A_158 : vector<16xf32>
        %add3A_160 = arith.constant 2 : i32
        %add3A_161 = arith.addi %mul3A_85, %add3A_160 : i32
        %add3A_162 = arith.constant 1 : i32
        %add3A_163 = arith.addi %add3A_161, %add3A_162 : i32
        %get3A_164 = arith.index_cast %add3A_163 : i32 to index
        %get3A_165 = arith.constant 16 : index
        %get3A_166 = tpu.vector_load %arg15[%get3A_164, %get3A_165] {strides = array<i32>} : memref<400x64xf32, #tpu.memory_space<vmem>>, vector<1x16xf32>,
        %get3A_167 = vector.shape_cast %get3A_166 : vector<1x16xf32> to vector<16xf32>
        %add3A_168 = arith.addf %get3A_108, %get3A_167 : vector<16xf32>
        %add3A_169 = arith.constant 2 : i32
        %add3A_170 = arith.addi %mul3A_85, %add3A_169 : i32
        %add3A_171 = arith.constant 0 : i32
        %add3A_172 = arith.addi %add3A_170, %add3A_171 : i32
        %get3A_173 = arith.index_cast %add3A_172 : i32 to index
        %get3A_174 = arith.constant 32 : index
        %get3A_175 = tpu.vector_load %arg15[%get3A_173, %get3A_174] {strides = array<i32>} : memref<400x64xf32, #tpu.memory_space<vmem>>, vector<1x16xf32>,
        %get3A_176 = vector.shape_cast %get3A_175 : vector<1x16xf32> to vector<16xf32>
        %add3A_177 = arith.addf %get3A_114, %get3A_176 : vector<16xf32>
        %add3A_178 = arith.constant 2 : i32
        %add3A_179 = arith.addi %mul3A_85, %add3A_178 : i32
        %add3A_180 = arith.constant 1 : i32
        %add3A_181 = arith.addi %add3A_179, %add3A_180 : i32
        %get3A_182 = arith.index_cast %add3A_181 : i32 to index
        %get3A_183 = arith.constant 32 : index
        %get3A_184 = tpu.vector_load %arg15[%get3A_182, %get3A_183] {strides = array<i32>} : memref<400x64xf32, #tpu.memory_space<vmem>>, vector<1x16xf32>,
        %get3A_185 = vector.shape_cast %get3A_184 : vector<1x16xf32> to vector<16xf32>
        %add3A_186 = arith.addf %get3A_120, %get3A_185 : vector<16xf32>
        %add3A_187 = arith.constant 2 : i32
        %add3A_188 = arith.addi %mul3A_85, %add3A_187 : i32
        %add3A_189 = arith.constant 0 : i32
        %add3A_190 = arith.addi %add3A_188, %add3A_189 : i32
        %get3A_191 = arith.index_cast %add3A_190 : i32 to index
        %get3A_192 = arith.constant 48 : index
        %get3A_193 = tpu.vector_load %arg15[%get3A_191, %get3A_192] {strides = array<i32>} : memref<400x64xf32, #tpu.memory_space<vmem>>, vector<1x16xf32>,
        %get3A_194 = vector.shape_cast %get3A_193 : vector<1x16xf32> to vector<16xf32>
        %add3A_195 = arith.addf %get3A_126, %get3A_194 : vector<16xf32>
        %add3A_196 = arith.constant 2 : i32
        %add3A_197 = arith.addi %mul3A_85, %add3A_196 : i32
        %add3A_198 = arith.constant 1 : i32
        %add3A_199 = arith.addi %add3A_197, %add3A_198 : i32
        %get3A_200 = arith.index_cast %add3A_199 : i32 to index
        %get3A_201 = arith.constant 48 : index
        %get3A_202 = tpu.vector_load %arg15[%get3A_200, %get3A_201] {strides = array<i32>} : memref<400x64xf32, #tpu.memory_space<vmem>>, vector<1x16xf32>,
        %get3A_203 = vector.shape_cast %get3A_202 : vector<1x16xf32> to vector<16xf32>
        %add3A_204 = arith.addf %get3A_132, %get3A_203 : vector<16xf32>
        %add3A_205 = arith.constant 4 : i32
        %add3A_206 = arith.addi %mul3A_85, %add3A_205 : i32
        %add3A_207 = arith.constant 0 : i32
        %add3A_208 = arith.addi %add3A_206, %add3A_207 : i32
        %get3A_209 = arith.index_cast %add3A_208 : i32 to index
        %get3A_210 = arith.constant 0 : index
        %get3A_211 = tpu.vector_load %arg15[%get3A_209, %get3A_210] {strides = array<i32>} : memref<400x64xf32, #tpu.memory_space<vmem>>, vector<1x16xf32>,
        %get3A_212 = vector.shape_cast %get3A_211 : vector<1x16xf32> to vector<16xf32>
        %add3A_213 = arith.addf %add3A_141, %get3A_212 : vector<16xf32>
        %add3A_214 = arith.constant 4 : i32
        %add3A_215 = arith.addi %mul3A_85, %add3A_214 : i32
        %add3A_216 = arith.constant 1 : i32
        %add3A_217 = arith.addi %add3A_215, %add3A_216 : i32
        %get3A_218 = arith.index_cast %add3A_217 : i32 to index
        %get3A_219 = arith.constant 0 : index
        %get3A_220 = tpu.vector_load %arg15[%get3A_218, %get3A_219] {strides = array<i32>} : memref<400x64xf32, #tpu.memory_space<vmem>>, vector<1x16xf32>,
        %get3A_221 = vector.shape_cast %get3A_220 : vector<1x16xf32> to vector<16xf32>
        %add3A_222 = arith.addf %add3A_150, %get3A_221 : vector<16xf32>
        %add3A_223 = arith.constant 4 : i32
        %add3A_224 = arith.addi %mul3A_85, %add3A_223 : i32
        %add3A_225 = arith.constant 0 : i32
        %add3A_226 = arith.addi %add3A_224, %add3A_225 : i32
        %get3A_227 = arith.index_cast %add3A_226 : i32 to index
        %get3A_228 = arith.constant 16 : index
        %get3A_229 = tpu.vector_load %arg15[%get3A_227, %get3A_228] {strides = array<i32>} : memref<400x64xf32, #tpu.memory_space<vmem>>, vector<1x16xf32>,
        %get3A_230 = vector.shape_cast %get3A_229 : vector<1x16xf32> to vector<16xf32>
        %add3A_231 = arith.addf %add3A_159, %get3A_230 : vector<16xf32>
        %add3A_232 = arith.constant 4 : i32
        %add3A_233 = arith.addi %mul3A_85, %add3A_232 : i32
        %add3A_234 = arith.constant 1 : i32
        %add3A_235 = arith.addi %add3A_233, %add3A_234 : i32
        %get3A_236 = arith.index_cast %add3A_235 : i32 to index
        %get3A_237 = arith.constant 16 : index
        %get3A_238 = tpu.vector_load %arg15[%get3A_236, %get3A_237] {strides = array<i32>} : memref<400x64xf32, #tpu.memory_space<vmem>>, vector<1x16xf32>,
        %get3A_239 = vector.shape_cast %get3A_238 : vector<1x16xf32> to vector<16xf32>
        %add3A_240 = arith.addf %add3A_168, %get3A_239 : vector<16xf32>
        %add3A_241 = arith.constant 4 : i32
        %add3A_242 = arith.addi %mul3A_85, %add3A_241 : i32
        %add3A_243 = arith.constant 0 : i32
        %add3A_244 = arith.addi %add3A_242, %add3A_243 : i32
        %get3A_245 = arith.index_cast %add3A_244 : i32 to index
        %get3A_246 = arith.constant 32 : index
        %get3A_247 = tpu.vector_load %arg15[%get3A_245, %get3A_246] {strides = array<i32>} : memref<400x64xf32, #tpu.memory_space<vmem>>, vector<1x16xf32>,
        %get3A_248 = vector.shape_cast %get3A_247 : vector<1x16xf32> to vector<16xf32>
        %add3A_249 = arith.addf %add3A_177, %get3A_248 : vector<16xf32>
        %add3A_250 = arith.constant 4 : i32
        %add3A_251 = arith.addi %mul3A_85, %add3A_250 : i32
        %add3A_252 = arith.constant 1 : i32
        %add3A_253 = arith.addi %add3A_251, %add3A_252 : i32
        %get3A_254 = arith.index_cast %add3A_253 : i32 to index
        %get3A_255 = arith.constant 32 : index
        %get3A_256 = tpu.vector_load %arg15[%get3A_254, %get3A_255] {strides = array<i32>} : memref<400x64xf32, #tpu.memory_space<vmem>>, vector<1x16xf32>,
        %get3A_257 = vector.shape_cast %get3A_256 : vector<1x16xf32> to vector<16xf32>
        %add3A_258 = arith.addf %add3A_186, %get3A_257 : vector<16xf32>
        %add3A_259 = arith.constant 4 : i32
        %add3A_260 = arith.addi %mul3A_85, %add3A_259 : i32
        %add3A_261 = arith.constant 0 : i32
        %add3A_262 = arith.addi %add3A_260, %add3A_261 : i32
        %get3A_263 = arith.index_cast %add3A_262 : i32 to index
        %get3A_264 = arith.constant 48 : index
        %get3A_265 = tpu.vector_load %arg15[%get3A_263, %get3A_264] {strides = array<i32>} : memref<400x64xf32, #tpu.memory_space<vmem>>, vector<1x16xf32>,
        %get3A_266 = vector.shape_cast %get3A_265 : vector<1x16xf32> to vector<16xf32>
        %add3A_267 = arith.addf %add3A_195, %get3A_266 : vector<16xf32>
        %add3A_268 = arith.constant 4 : i32
        %add3A_269 = arith.addi %mul3A_85, %add3A_268 : i32
        %add3A_270 = arith.constant 1 : i32
        %add3A_271 = arith.addi %add3A_269, %add3A_270 : i32
        %get3A_272 = arith.index_cast %add3A_271 : i32 to index
        %get3A_273 = arith.constant 48 : index
        %get3A_274 = tpu.vector_load %arg15[%get3A_272, %get3A_273] {strides = array<i32>} : memref<400x64xf32, #tpu.memory_space<vmem>>, vector<1x16xf32>,
        %get3A_275 = vector.shape_cast %get3A_274 : vector<1x16xf32> to vector<16xf32>
        %add3A_276 = arith.addf %add3A_204, %get3A_275 : vector<16xf32>
        %add3A_277 = arith.constant 6 : i32
        %add3A_278 = arith.addi %mul3A_85, %add3A_277 : i32
        %add3A_279 = arith.constant 0 : i32
        %add3A_280 = arith.addi %add3A_278, %add3A_279 : i32
        %get3A_281 = arith.index_cast %add3A_280 : i32 to index
        %get3A_282 = arith.constant 0 : index
        %get3A_283 = tpu.vector_load %arg15[%get3A_281, %get3A_282] {strides = array<i32>} : memref<400x64xf32, #tpu.memory_space<vmem>>, vector<1x16xf32>,
        %get3A_284 = vector.shape_cast %get3A_283 : vector<1x16xf32> to vector<16xf32>
        %add3A_285 = arith.addf %add3A_213, %get3A_284 : vector<16xf32>
        %add3A_286 = arith.constant 6 : i32
        %add3A_287 = arith.addi %mul3A_85, %add3A_286 : i32
        %add3A_288 = arith.constant 1 : i32
        %add3A_289 = arith.addi %add3A_287, %add3A_288 : i32
        %get3A_290 = arith.index_cast %add3A_289 : i32 to index
        %get3A_291 = arith.constant 0 : index
        %get3A_292 = tpu.vector_load %arg15[%get3A_290, %get3A_291] {strides = array<i32>} : memref<400x64xf32, #tpu.memory_space<vmem>>, vector<1x16xf32>,
        %get3A_293 = vector.shape_cast %get3A_292 : vector<1x16xf32> to vector<16xf32>
        %add3A_294 = arith.addf %add3A_222, %get3A_293 : vector<16xf32>
        %add3A_295 = arith.constant 6 : i32
        %add3A_296 = arith.addi %mul3A_85, %add3A_295 : i32
        %add3A_297 = arith.constant 0 : i32
        %add3A_298 = arith.addi %add3A_296, %add3A_297 : i32
        %get3A_299 = arith.index_cast %add3A_298 : i32 to index
        %get3A_300 = arith.constant 16 : index
        %get3A_301 = tpu.vector_load %arg15[%get3A_299, %get3A_300] {strides = array<i32>} : memref<400x64xf32, #tpu.memory_space<vmem>>, vector<1x16xf32>,
        %get3A_302 = vector.shape_cast %get3A_301 : vector<1x16xf32> to vector<16xf32>
        %add3A_303 = arith.addf %add3A_231, %get3A_302 : vector<16xf32>
        %add3A_304 = arith.constant 6 : i32
        %add3A_305 = arith.addi %mul3A_85, %add3A_304 : i32
        %add3A_306 = arith.constant 1 : i32
        %add3A_307 = arith.addi %add3A_305, %add3A_306 : i32
        %get3A_308 = arith.index_cast %add3A_307 : i32 to index
        %get3A_309 = arith.constant 16 : index
        %get3A_310 = tpu.vector_load %arg15[%get3A_308, %get3A_309] {strides = array<i32>} : memref<400x64xf32, #tpu.memory_space<vmem>>, vector<1x16xf32>,
        %get3A_311 = vector.shape_cast %get3A_310 : vector<1x16xf32> to vector<16xf32>
        %add3A_312 = arith.addf %add3A_240, %get3A_311 : vector<16xf32>
        %add3A_313 = arith.constant 6 : i32
        %add3A_314 = arith.addi %mul3A_85, %add3A_313 : i32
        %add3A_315 = arith.constant 0 : i32
        %add3A_316 = arith.addi %add3A_314, %add3A_315 : i32
        %get3A_317 = arith.index_cast %add3A_316 : i32 to index
        %get3A_318 = arith.constant 32 : index
        %get3A_319 = tpu.vector_load %arg15[%get3A_317, %get3A_318] {strides = array<i32>} : memref<400x64xf32, #tpu.memory_space<vmem>>, vector<1x16xf32>,
        %get3A_320 = vector.shape_cast %get3A_319 : vector<1x16xf32> to vector<16xf32>
        %add3A_321 = arith.addf %add3A_249, %get3A_320 : vector<16xf32>
        %add3A_322 = arith.constant 6 : i32
        %add3A_323 = arith.addi %mul3A_85, %add3A_322 : i32
        %add3A_324 = arith.constant 1 : i32
        %add3A_325 = arith.addi %add3A_323, %add3A_324 : i32
        %get3A_326 = arith.index_cast %add3A_325 : i32 to index
        %get3A_327 = arith.constant 32 : index
        %get3A_328 = tpu.vector_load %arg15[%get3A_326, %get3A_327] {strides = array<i32>} : memref<400x64xf32, #tpu.memory_space<vmem>>, vector<1x16xf32>,
        %get3A_329 = vector.shape_cast %get3A_328 : vector<1x16xf32> to vector<16xf32>
        %add3A_330 = arith.addf %add3A_258, %get3A_329 : vector<16xf32>
        %add3A_331 = arith.constant 6 : i32
        %add3A_332 = arith.addi %mul3A_85, %add3A_331 : i32
        %add3A_333 = arith.constant 0 : i32
        %add3A_334 = arith.addi %add3A_332, %add3A_333 : i32
        %get3A_335 = arith.index_cast %add3A_334 : i32 to index
        %get3A_336 = arith.constant 48 : index
        %get3A_337 = tpu.vector_load %arg15[%get3A_335, %get3A_336] {strides = array<i32>} : memref<400x64xf32, #tpu.memory_space<vmem>>, vector<1x16xf32>,
        %get3A_338 = vector.shape_cast %get3A_337 : vector<1x16xf32> to vector<16xf32>
        %add3A_339 = arith.addf %add3A_267, %get3A_338 : vector<16xf32>
        %add3A_340 = arith.constant 6 : i32
        %add3A_341 = arith.addi %mul3A_85, %add3A_340 : i32
        %add3A_342 = arith.constant 1 : i32
        %add3A_343 = arith.addi %add3A_341, %add3A_342 : i32
        %get3A_344 = arith.index_cast %add3A_343 : i32 to index
        %get3A_345 = arith.constant 48 : index
        %get3A_346 = tpu.vector_load %arg15[%get3A_344, %get3A_345] {strides = array<i32>} : memref<400x64xf32, #tpu.memory_space<vmem>>, vector<1x16xf32>,
        %get3A_347 = vector.shape_cast %get3A_346 : vector<1x16xf32> to vector<16xf32>
        %add3A_348 = arith.addf %add3A_276, %get3A_347 : vector<16xf32>
        %add3A_349 = arith.constant 8 : i32
        %add3A_350 = arith.addi %mul3A_85, %add3A_349 : i32
        %add3A_351 = arith.constant 0 : i32
        %add3A_352 = arith.addi %add3A_350, %add3A_351 : i32
        %get3A_353 = arith.index_cast %add3A_352 : i32 to index
        %get3A_354 = arith.constant 0 : index
        %get3A_355 = tpu.vector_load %arg15[%get3A_353, %get3A_354] {strides = array<i32>} : memref<400x64xf32, #tpu.memory_space<vmem>>, vector<1x16xf32>,
        %get3A_356 = vector.shape_cast %get3A_355 : vector<1x16xf32> to vector<16xf32>
        %add3A_357 = arith.addf %add3A_285, %get3A_356 : vector<16xf32>
        %add3A_358 = arith.constant 8 : i32
        %add3A_359 = arith.addi %mul3A_85, %add3A_358 : i32
        %add3A_360 = arith.constant 1 : i32
        %add3A_361 = arith.addi %add3A_359, %add3A_360 : i32
        %get3A_362 = arith.index_cast %add3A_361 : i32 to index
        %get3A_363 = arith.constant 0 : index
        %get3A_364 = tpu.vector_load %arg15[%get3A_362, %get3A_363] {strides = array<i32>} : memref<400x64xf32, #tpu.memory_space<vmem>>, vector<1x16xf32>,
        %get3A_365 = vector.shape_cast %get3A_364 : vector<1x16xf32> to vector<16xf32>
        %add3A_366 = arith.addf %add3A_294, %get3A_365 : vector<16xf32>
        %add3A_367 = arith.constant 8 : i32
        %add3A_368 = arith.addi %mul3A_85, %add3A_367 : i32
        %add3A_369 = arith.constant 0 : i32
        %add3A_370 = arith.addi %add3A_368, %add3A_369 : i32
        %get3A_371 = arith.index_cast %add3A_370 : i32 to index
        %get3A_372 = arith.constant 16 : index
        %get3A_373 = tpu.vector_load %arg15[%get3A_371, %get3A_372] {strides = array<i32>} : memref<400x64xf32, #tpu.memory_space<vmem>>, vector<1x16xf32>,
        %get3A_374 = vector.shape_cast %get3A_373 : vector<1x16xf32> to vector<16xf32>
        %add3A_375 = arith.addf %add3A_303, %get3A_374 : vector<16xf32>
        %add3A_376 = arith.constant 8 : i32
        %add3A_377 = arith.addi %mul3A_85, %add3A_376 : i32
        %add3A_378 = arith.constant 1 : i32
        %add3A_379 = arith.addi %add3A_377, %add3A_378 : i32
        %get3A_380 = arith.index_cast %add3A_379 : i32 to index
        %get3A_381 = arith.constant 16 : index
        %get3A_382 = tpu.vector_load %arg15[%get3A_380, %get3A_381] {strides = array<i32>} : memref<400x64xf32, #tpu.memory_space<vmem>>, vector<1x16xf32>,
        %get3A_383 = vector.shape_cast %get3A_382 : vector<1x16xf32> to vector<16xf32>
        %add3A_384 = arith.addf %add3A_312, %get3A_383 : vector<16xf32>
        %add3A_385 = arith.constant 8 : i32
        %add3A_386 = arith.addi %mul3A_85, %add3A_385 : i32
        %add3A_387 = arith.constant 0 : i32
        %add3A_388 = arith.addi %add3A_386, %add3A_387 : i32
        %get3A_389 = arith.index_cast %add3A_388 : i32 to index
        %get3A_390 = arith.constant 32 : index
        %get3A_391 = tpu.vector_load %arg15[%get3A_389, %get3A_390] {strides = array<i32>} : memref<400x64xf32, #tpu.memory_space<vmem>>, vector<1x16xf32>,
        %get3A_392 = vector.shape_cast %get3A_391 : vector<1x16xf32> to vector<16xf32>
        %add3A_393 = arith.addf %add3A_321, %get3A_392 : vector<16xf32>
        %add3A_394 = arith.constant 8 : i32
        %add3A_395 = arith.addi %mul3A_85, %add3A_394 : i32
        %add3A_396 = arith.constant 1 : i32
        %add3A_397 = arith.addi %add3A_395, %add3A_396 : i32
        %get3A_398 = arith.index_cast %add3A_397 : i32 to index
        %get3A_399 = arith.constant 32 : index
        %get3A_400 = tpu.vector_load %arg15[%get3A_398, %get3A_399] {strides = array<i32>} : memref<400x64xf32, #tpu.memory_space<vmem>>, vector<1x16xf32>,
        %get3A_401 = vector.shape_cast %get3A_400 : vector<1x16xf32> to vector<16xf32>
        %add3A_402 = arith.addf %add3A_330, %get3A_401 : vector<16xf32>
        %add3A_403 = arith.constant 8 : i32
        %add3A_404 = arith.addi %mul3A_85, %add3A_403 : i32
        %add3A_405 = arith.constant 0 : i32
        %add3A_406 = arith.addi %add3A_404, %add3A_405 : i32
        %get3A_407 = arith.index_cast %add3A_406 : i32 to index
        %get3A_408 = arith.constant 48 : index
        %get3A_409 = tpu.vector_load %arg15[%get3A_407, %get3A_408] {strides = array<i32>} : memref<400x64xf32, #tpu.memory_space<vmem>>, vector<1x16xf32>,
        %get3A_410 = vector.shape_cast %get3A_409 : vector<1x16xf32> to vector<16xf32>
        %add3A_411 = arith.addf %add3A_339, %get3A_410 : vector<16xf32>
        %add3A_412 = arith.constant 8 : i32
        %add3A_413 = arith.addi %mul3A_85, %add3A_412 : i32
        %add3A_414 = arith.constant 1 : i32
        %add3A_415 = arith.addi %add3A_413, %add3A_414 : i32
        %get3A_416 = arith.index_cast %add3A_415 : i32 to index
        %get3A_417 = arith.constant 48 : index
        %get3A_418 = tpu.vector_load %arg15[%get3A_416, %get3A_417] {strides = array<i32>} : memref<400x64xf32, #tpu.memory_space<vmem>>, vector<1x16xf32>,
        %get3A_419 = vector.shape_cast %get3A_418 : vector<1x16xf32> to vector<16xf32>
        %add3A_420 = arith.addf %add3A_348, %get3A_419 : vector<16xf32>
        %add3A_421 = arith.constant 10 : i32
        %add3A_422 = arith.addi %mul3A_85, %add3A_421 : i32
        %add3A_423 = arith.constant 0 : i32
        %add3A_424 = arith.addi %add3A_422, %add3A_423 : i32
        %get3A_425 = arith.index_cast %add3A_424 : i32 to index
        %get3A_426 = arith.constant 0 : index
        %get3A_427 = tpu.vector_load %arg15[%get3A_425, %get3A_426] {strides = array<i32>} : memref<400x64xf32, #tpu.memory_space<vmem>>, vector<1x16xf32>,
        %get3A_428 = vector.shape_cast %get3A_427 : vector<1x16xf32> to vector<16xf32>
        %add3A_429 = arith.addf %add3A_357, %get3A_428 : vector<16xf32>
        %add3A_430 = arith.constant 10 : i32
        %add3A_431 = arith.addi %mul3A_85, %add3A_430 : i32
        %add3A_432 = arith.constant 1 : i32
        %add3A_433 = arith.addi %add3A_431, %add3A_432 : i32
        %get3A_434 = arith.index_cast %add3A_433 : i32 to index
        %get3A_435 = arith.constant 0 : index
        %get3A_436 = tpu.vector_load %arg15[%get3A_434, %get3A_435] {strides = array<i32>} : memref<400x64xf32, #tpu.memory_space<vmem>>, vector<1x16xf32>,
        %get3A_437 = vector.shape_cast %get3A_436 : vector<1x16xf32> to vector<16xf32>
        %add3A_438 = arith.addf %add3A_366, %get3A_437 : vector<16xf32>
        %add3A_439 = arith.constant 10 : i32
        %add3A_440 = arith.addi %mul3A_85, %add3A_439 : i32
        %add3A_441 = arith.constant 0 : i32
        %add3A_442 = arith.addi %add3A_440, %add3A_441 : i32
        %get3A_443 = arith.index_cast %add3A_442 : i32 to index
        %get3A_444 = arith.constant 16 : index
        %get3A_445 = tpu.vector_load %arg15[%get3A_443, %get3A_444] {strides = array<i32>} : memref<400x64xf32, #tpu.memory_space<vmem>>, vector<1x16xf32>,
        %get3A_446 = vector.shape_cast %get3A_445 : vector<1x16xf32> to vector<16xf32>
        %add3A_447 = arith.addf %add3A_375, %get3A_446 : vector<16xf32>
        %add3A_448 = arith.constant 10 : i32
        %add3A_449 = arith.addi %mul3A_85, %add3A_448 : i32
        %add3A_450 = arith.constant 1 : i32
        %add3A_451 = arith.addi %add3A_449, %add3A_450 : i32
        %get3A_452 = arith.index_cast %add3A_451 : i32 to index
        %get3A_453 = arith.constant 16 : index
        %get3A_454 = tpu.vector_load %arg15[%get3A_452, %get3A_453] {strides = array<i32>} : memref<400x64xf32, #tpu.memory_space<vmem>>, vector<1x16xf32>,
        %get3A_455 = vector.shape_cast %get3A_454 : vector<1x16xf32> to vector<16xf32>
        %add3A_456 = arith.addf %add3A_384, %get3A_455 : vector<16xf32>
        %add3A_457 = arith.constant 10 : i32
        %add3A_458 = arith.addi %mul3A_85, %add3A_457 : i32
        %add3A_459 = arith.constant 0 : i32
        %add3A_460 = arith.addi %add3A_458, %add3A_459 : i32
        %get3A_461 = arith.index_cast %add3A_460 : i32 to index
        %get3A_462 = arith.constant 32 : index
        %get3A_463 = tpu.vector_load %arg15[%get3A_461, %get3A_462] {strides = array<i32>} : memref<400x64xf32, #tpu.memory_space<vmem>>, vector<1x16xf32>,
        %get3A_464 = vector.shape_cast %get3A_463 : vector<1x16xf32> to vector<16xf32>
        %add3A_465 = arith.addf %add3A_393, %get3A_464 : vector<16xf32>
        %add3A_466 = arith.constant 10 : i32
        %add3A_467 = arith.addi %mul3A_85, %add3A_466 : i32
        %add3A_468 = arith.constant 1 : i32
        %add3A_469 = arith.addi %add3A_467, %add3A_468 : i32
        %get3A_470 = arith.index_cast %add3A_469 : i32 to index
        %get3A_471 = arith.constant 32 : index
        %get3A_472 = tpu.vector_load %arg15[%get3A_470, %get3A_471] {strides = array<i32>} : memref<400x64xf32, #tpu.memory_space<vmem>>, vector<1x16xf32>,
        %get3A_473 = vector.shape_cast %get3A_472 : vector<1x16xf32> to vector<16xf32>
        %add3A_474 = arith.addf %add3A_402, %get3A_473 : vector<16xf32>
        %add3A_475 = arith.constant 10 : i32
        %add3A_476 = arith.addi %mul3A_85, %add3A_475 : i32
        %add3A_477 = arith.constant 0 : i32
        %add3A_478 = arith.addi %add3A_476, %add3A_477 : i32
        %get3A_479 = arith.index_cast %add3A_478 : i32 to index
        %get3A_480 = arith.constant 48 : index
        %get3A_481 = tpu.vector_load %arg15[%get3A_479, %get3A_480] {strides = array<i32>} : memref<400x64xf32, #tpu.memory_space<vmem>>, vector<1x16xf32>,
        %get3A_482 = vector.shape_cast %get3A_481 : vector<1x16xf32> to vector<16xf32>
        %add3A_483 = arith.addf %add3A_411, %get3A_482 : vector<16xf32>
        %add3A_484 = arith.constant 10 : i32
        %add3A_485 = arith.addi %mul3A_85, %add3A_484 : i32
        %add3A_486 = arith.constant 1 : i32
        %add3A_487 = arith.addi %add3A_485, %add3A_486 : i32
        %get3A_488 = arith.index_cast %add3A_487 : i32 to index
        %get3A_489 = arith.constant 48 : index
        %get3A_490 = tpu.vector_load %arg15[%get3A_488, %get3A_489] {strides = array<i32>} : memref<400x64xf32, #tpu.memory_space<vmem>>, vector<1x16xf32>,
        %get3A_491 = vector.shape_cast %get3A_490 : vector<1x16xf32> to vector<16xf32>
        %add3A_492 = arith.addf %add3A_420, %get3A_491 : vector<16xf32>
        %add3A_493 = arith.constant 12 : i32
        %add3A_494 = arith.addi %mul3A_85, %add3A_493 : i32
        %add3A_495 = arith.constant 0 : i32
        %add3A_496 = arith.addi %add3A_494, %add3A_495 : i32
        %get3A_497 = arith.index_cast %add3A_496 : i32 to index
        %get3A_498 = arith.constant 0 : index
        %get3A_499 = tpu.vector_load %arg15[%get3A_497, %get3A_498] {strides = array<i32>} : memref<400x64xf32, #tpu.memory_space<vmem>>, vector<1x16xf32>,
        %get3A_500 = vector.shape_cast %get3A_499 : vector<1x16xf32> to vector<16xf32>
        %add3A_501 = arith.addf %add3A_429, %get3A_500 : vector<16xf32>
        %add3A_502 = arith.constant 12 : i32
        %add3A_503 = arith.addi %mul3A_85, %add3A_502 : i32
        %add3A_504 = arith.constant 1 : i32
        %add3A_505 = arith.addi %add3A_503, %add3A_504 : i32
        %get3A_506 = arith.index_cast %add3A_505 : i32 to index
        %get3A_507 = arith.constant 0 : index
        %get3A_508 = tpu.vector_load %arg15[%get3A_506, %get3A_507] {strides = array<i32>} : memref<400x64xf32, #tpu.memory_space<vmem>>, vector<1x16xf32>,
        %get3A_509 = vector.shape_cast %get3A_508 : vector<1x16xf32> to vector<16xf32>
        %add3A_510 = arith.addf %add3A_438, %get3A_509 : vector<16xf32>
        %add3A_511 = arith.constant 12 : i32
        %add3A_512 = arith.addi %mul3A_85, %add3A_511 : i32
        %add3A_513 = arith.constant 0 : i32
        %add3A_514 = arith.addi %add3A_512, %add3A_513 : i32
        %get3A_515 = arith.index_cast %add3A_514 : i32 to index
        %get3A_516 = arith.constant 16 : index
        %get3A_517 = tpu.vector_load %arg15[%get3A_515, %get3A_516] {strides = array<i32>} : memref<400x64xf32, #tpu.memory_space<vmem>>, vector<1x16xf32>,
        %get3A_518 = vector.shape_cast %get3A_517 : vector<1x16xf32> to vector<16xf32>
        %add3A_519 = arith.addf %add3A_447, %get3A_518 : vector<16xf32>
        %add3A_520 = arith.constant 12 : i32
        %add3A_521 = arith.addi %mul3A_85, %add3A_520 : i32
        %add3A_522 = arith.constant 1 : i32
        %add3A_523 = arith.addi %add3A_521, %add3A_522 : i32
        %get3A_524 = arith.index_cast %add3A_523 : i32 to index
        %get3A_525 = arith.constant 16 : index
        %get3A_526 = tpu.vector_load %arg15[%get3A_524, %get3A_525] {strides = array<i32>} : memref<400x64xf32, #tpu.memory_space<vmem>>, vector<1x16xf32>,
        %get3A_527 = vector.shape_cast %get3A_526 : vector<1x16xf32> to vector<16xf32>
        %add3A_528 = arith.addf %add3A_456, %get3A_527 : vector<16xf32>
        %add3A_529 = arith.constant 12 : i32
        %add3A_530 = arith.addi %mul3A_85, %add3A_529 : i32
        %add3A_531 = arith.constant 0 : i32
        %add3A_532 = arith.addi %add3A_530, %add3A_531 : i32
        %get3A_533 = arith.index_cast %add3A_532 : i32 to index
        %get3A_534 = arith.constant 32 : index
        %get3A_535 = tpu.vector_load %arg15[%get3A_533, %get3A_534] {strides = array<i32>} : memref<400x64xf32, #tpu.memory_space<vmem>>, vector<1x16xf32>,
        %get3A_536 = vector.shape_cast %get3A_535 : vector<1x16xf32> to vector<16xf32>
        %add3A_537 = arith.addf %add3A_465, %get3A_536 : vector<16xf32>
        %add3A_538 = arith.constant 12 : i32
        %add3A_539 = arith.addi %mul3A_85, %add3A_538 : i32
        %add3A_540 = arith.constant 1 : i32
        %add3A_541 = arith.addi %add3A_539, %add3A_540 : i32
        %get3A_542 = arith.index_cast %add3A_541 : i32 to index
        %get3A_543 = arith.constant 32 : index
        %get3A_544 = tpu.vector_load %arg15[%get3A_542, %get3A_543] {strides = array<i32>} : memref<400x64xf32, #tpu.memory_space<vmem>>, vector<1x16xf32>,
        %get3A_545 = vector.shape_cast %get3A_544 : vector<1x16xf32> to vector<16xf32>
        %add3A_546 = arith.addf %add3A_474, %get3A_545 : vector<16xf32>
        %add3A_547 = arith.constant 12 : i32
        %add3A_548 = arith.addi %mul3A_85, %add3A_547 : i32
        %add3A_549 = arith.constant 0 : i32
        %add3A_550 = arith.addi %add3A_548, %add3A_549 : i32
        %get3A_551 = arith.index_cast %add3A_550 : i32 to index
        %get3A_552 = arith.constant 48 : index
        %get3A_553 = tpu.vector_load %arg15[%get3A_551, %get3A_552] {strides = array<i32>} : memref<400x64xf32, #tpu.memory_space<vmem>>, vector<1x16xf32>,
        %get3A_554 = vector.shape_cast %get3A_553 : vector<1x16xf32> to vector<16xf32>
        %add3A_555 = arith.addf %add3A_483, %get3A_554 : vector<16xf32>
        %add3A_556 = arith.constant 12 : i32
        %add3A_557 = arith.addi %mul3A_85, %add3A_556 : i32
        %add3A_558 = arith.constant 1 : i32
        %add3A_559 = arith.addi %add3A_557, %add3A_558 : i32
        %get3A_560 = arith.index_cast %add3A_559 : i32 to index
        %get3A_561 = arith.constant 48 : index
        %get3A_562 = tpu.vector_load %arg15[%get3A_560, %get3A_561] {strides = array<i32>} : memref<400x64xf32, #tpu.memory_space<vmem>>, vector<1x16xf32>,
        %get3A_563 = vector.shape_cast %get3A_562 : vector<1x16xf32> to vector<16xf32>
        %add3A_564 = arith.addf %add3A_492, %get3A_563 : vector<16xf32>
        %add3A_565 = arith.constant 14 : i32
        %add3A_566 = arith.addi %mul3A_85, %add3A_565 : i32
        %add3A_567 = arith.constant 0 : i32
        %add3A_568 = arith.addi %add3A_566, %add3A_567 : i32
        %get3A_569 = arith.index_cast %add3A_568 : i32 to index
        %get3A_570 = arith.constant 0 : index
        %get3A_571 = tpu.vector_load %arg15[%get3A_569, %get3A_570] {strides = array<i32>} : memref<400x64xf32, #tpu.memory_space<vmem>>, vector<1x16xf32>,
        %get3A_572 = vector.shape_cast %get3A_571 : vector<1x16xf32> to vector<16xf32>
        %add3A_573 = arith.addf %add3A_501, %get3A_572 : vector<16xf32>
        %add3A_574 = arith.constant 14 : i32
        %add3A_575 = arith.addi %mul3A_85, %add3A_574 : i32
        %add3A_576 = arith.constant 1 : i32
        %add3A_577 = arith.addi %add3A_575, %add3A_576 : i32
        %get3A_578 = arith.index_cast %add3A_577 : i32 to index
        %get3A_579 = arith.constant 0 : index
        %get3A_580 = tpu.vector_load %arg15[%get3A_578, %get3A_579] {strides = array<i32>} : memref<400x64xf32, #tpu.memory_space<vmem>>, vector<1x16xf32>,
        %get3A_581 = vector.shape_cast %get3A_580 : vector<1x16xf32> to vector<16xf32>
        %add3A_582 = arith.addf %add3A_510, %get3A_581 : vector<16xf32>
        %add3A_583 = arith.constant 14 : i32
        %add3A_584 = arith.addi %mul3A_85, %add3A_583 : i32
        %add3A_585 = arith.constant 0 : i32
        %add3A_586 = arith.addi %add3A_584, %add3A_585 : i32
        %get3A_587 = arith.index_cast %add3A_586 : i32 to index
        %get3A_588 = arith.constant 16 : index
        %get3A_589 = tpu.vector_load %arg15[%get3A_587, %get3A_588] {strides = array<i32>} : memref<400x64xf32, #tpu.memory_space<vmem>>, vector<1x16xf32>,
        %get3A_590 = vector.shape_cast %get3A_589 : vector<1x16xf32> to vector<16xf32>
        %add3A_591 = arith.addf %add3A_519, %get3A_590 : vector<16xf32>
        %add3A_592 = arith.constant 14 : i32
        %add3A_593 = arith.addi %mul3A_85, %add3A_592 : i32
        %add3A_594 = arith.constant 1 : i32
        %add3A_595 = arith.addi %add3A_593, %add3A_594 : i32
        %get3A_596 = arith.index_cast %add3A_595 : i32 to index
        %get3A_597 = arith.constant 16 : index
        %get3A_598 = tpu.vector_load %arg15[%get3A_596, %get3A_597] {strides = array<i32>} : memref<400x64xf32, #tpu.memory_space<vmem>>, vector<1x16xf32>,
        %get3A_599 = vector.shape_cast %get3A_598 : vector<1x16xf32> to vector<16xf32>
        %add3A_600 = arith.addf %add3A_528, %get3A_599 : vector<16xf32>
        %add3A_601 = arith.constant 14 : i32
        %add3A_602 = arith.addi %mul3A_85, %add3A_601 : i32
        %add3A_603 = arith.constant 0 : i32
        %add3A_604 = arith.addi %add3A_602, %add3A_603 : i32
        %get3A_605 = arith.index_cast %add3A_604 : i32 to index
        %get3A_606 = arith.constant 32 : index
        %get3A_607 = tpu.vector_load %arg15[%get3A_605, %get3A_606] {strides = array<i32>} : memref<400x64xf32, #tpu.memory_space<vmem>>, vector<1x16xf32>,
        %get3A_608 = vector.shape_cast %get3A_607 : vector<1x16xf32> to vector<16xf32>
        %add3A_609 = arith.addf %add3A_537, %get3A_608 : vector<16xf32>
        %add3A_610 = arith.constant 14 : i32
        %add3A_611 = arith.addi %mul3A_85, %add3A_610 : i32
        %add3A_612 = arith.constant 1 : i32
        %add3A_613 = arith.addi %add3A_611, %add3A_612 : i32
        %get3A_614 = arith.index_cast %add3A_613 : i32 to index
        %get3A_615 = arith.constant 32 : index
        %get3A_616 = tpu.vector_load %arg15[%get3A_614, %get3A_615] {strides = array<i32>} : memref<400x64xf32, #tpu.memory_space<vmem>>, vector<1x16xf32>,
        %get3A_617 = vector.shape_cast %get3A_616 : vector<1x16xf32> to vector<16xf32>
        %add3A_618 = arith.addf %add3A_546, %get3A_617 : vector<16xf32>
        %add3A_619 = arith.constant 14 : i32
        %add3A_620 = arith.addi %mul3A_85, %add3A_619 : i32
        %add3A_621 = arith.constant 0 : i32
        %add3A_622 = arith.addi %add3A_620, %add3A_621 : i32
        %get3A_623 = arith.index_cast %add3A_622 : i32 to index
        %get3A_624 = arith.constant 48 : index
        %get3A_625 = tpu.vector_load %arg15[%get3A_623, %get3A_624] {strides = array<i32>} : memref<400x64xf32, #tpu.memory_space<vmem>>, vector<1x16xf32>,
        %get3A_626 = vector.shape_cast %get3A_625 : vector<1x16xf32> to vector<16xf32>
        %add3A_627 = arith.addf %add3A_555, %get3A_626 : vector<16xf32>
        %add3A_628 = arith.constant 14 : i32
        %add3A_629 = arith.addi %mul3A_85, %add3A_628 : i32
        %add3A_630 = arith.constant 1 : i32
        %add3A_631 = arith.addi %add3A_629, %add3A_630 : i32
        %get3A_632 = arith.index_cast %add3A_631 : i32 to index
        %get3A_633 = arith.constant 48 : index
        %get3A_634 = tpu.vector_load %arg15[%get3A_632, %get3A_633] {strides = array<i32>} : memref<400x64xf32, #tpu.memory_space<vmem>>, vector<1x16xf32>,
        %get3A_635 = vector.shape_cast %get3A_634 : vector<1x16xf32> to vector<16xf32>
        %add3A_636 = arith.addf %add3A_564, %get3A_635 : vector<16xf32>
        %add3A_637 = arith.constant 16 : i32
        %add3A_638 = arith.addi %mul3A_85, %add3A_637 : i32
        %add3A_639 = arith.constant 0 : i32
        %add3A_640 = arith.addi %add3A_638, %add3A_639 : i32
        %get3A_641 = arith.index_cast %add3A_640 : i32 to index
        %get3A_642 = arith.constant 0 : index
        %get3A_643 = tpu.vector_load %arg15[%get3A_641, %get3A_642] {strides = array<i32>} : memref<400x64xf32, #tpu.memory_space<vmem>>, vector<1x16xf32>,
        %get3A_644 = vector.shape_cast %get3A_643 : vector<1x16xf32> to vector<16xf32>
        %add3A_645 = arith.addf %add3A_573, %get3A_644 : vector<16xf32>
        %add3A_646 = arith.constant 16 : i32
        %add3A_647 = arith.addi %mul3A_85, %add3A_646 : i32
        %add3A_648 = arith.constant 1 : i32
        %add3A_649 = arith.addi %add3A_647, %add3A_648 : i32
        %get3A_650 = arith.index_cast %add3A_649 : i32 to index
        %get3A_651 = arith.constant 0 : index
        %get3A_652 = tpu.vector_load %arg15[%get3A_650, %get3A_651] {strides = array<i32>} : memref<400x64xf32, #tpu.memory_space<vmem>>, vector<1x16xf32>,
        %get3A_653 = vector.shape_cast %get3A_652 : vector<1x16xf32> to vector<16xf32>
        %add3A_654 = arith.addf %add3A_582, %get3A_653 : vector<16xf32>
        %add3A_655 = arith.constant 16 : i32
        %add3A_656 = arith.addi %mul3A_85, %add3A_655 : i32
        %add3A_657 = arith.constant 0 : i32
        %add3A_658 = arith.addi %add3A_656, %add3A_657 : i32
        %get3A_659 = arith.index_cast %add3A_658 : i32 to index
        %get3A_660 = arith.constant 16 : index
        %get3A_661 = tpu.vector_load %arg15[%get3A_659, %get3A_660] {strides = array<i32>} : memref<400x64xf32, #tpu.memory_space<vmem>>, vector<1x16xf32>,
        %get3A_662 = vector.shape_cast %get3A_661 : vector<1x16xf32> to vector<16xf32>
        %add3A_663 = arith.addf %add3A_591, %get3A_662 : vector<16xf32>
        %add3A_664 = arith.constant 16 : i32
        %add3A_665 = arith.addi %mul3A_85, %add3A_664 : i32
        %add3A_666 = arith.constant 1 : i32
        %add3A_667 = arith.addi %add3A_665, %add3A_666 : i32
        %get3A_668 = arith.index_cast %add3A_667 : i32 to index
        %get3A_669 = arith.constant 16 : index
        %get3A_670 = tpu.vector_load %arg15[%get3A_668, %get3A_669] {strides = array<i32>} : memref<400x64xf32, #tpu.memory_space<vmem>>, vector<1x16xf32>,
        %get3A_671 = vector.shape_cast %get3A_670 : vector<1x16xf32> to vector<16xf32>
        %add3A_672 = arith.addf %add3A_600, %get3A_671 : vector<16xf32>
        %add3A_673 = arith.constant 16 : i32
        %add3A_674 = arith.addi %mul3A_85, %add3A_673 : i32
        %add3A_675 = arith.constant 0 : i32
        %add3A_676 = arith.addi %add3A_674, %add3A_675 : i32
        %get3A_677 = arith.index_cast %add3A_676 : i32 to index
        %get3A_678 = arith.constant 32 : index
        %get3A_679 = tpu.vector_load %arg15[%get3A_677, %get3A_678] {strides = array<i32>} : memref<400x64xf32, #tpu.memory_space<vmem>>, vector<1x16xf32>,
        %get3A_680 = vector.shape_cast %get3A_679 : vector<1x16xf32> to vector<16xf32>
        %add3A_681 = arith.addf %add3A_609, %get3A_680 : vector<16xf32>
        %add3A_682 = arith.constant 16 : i32
        %add3A_683 = arith.addi %mul3A_85, %add3A_682 : i32
        %add3A_684 = arith.constant 1 : i32
        %add3A_685 = arith.addi %add3A_683, %add3A_684 : i32
        %get3A_686 = arith.index_cast %add3A_685 : i32 to index
        %get3A_687 = arith.constant 32 : index
        %get3A_688 = tpu.vector_load %arg15[%get3A_686, %get3A_687] {strides = array<i32>} : memref<400x64xf32, #tpu.memory_space<vmem>>, vector<1x16xf32>,
        %get3A_689 = vector.shape_cast %get3A_688 : vector<1x16xf32> to vector<16xf32>
        %add3A_690 = arith.addf %add3A_618, %get3A_689 : vector<16xf32>
        %add3A_691 = arith.constant 16 : i32
        %add3A_692 = arith.addi %mul3A_85, %add3A_691 : i32
        %add3A_693 = arith.constant 0 : i32
        %add3A_694 = arith.addi %add3A_692, %add3A_693 : i32
        %get3A_695 = arith.index_cast %add3A_694 : i32 to index
        %get3A_696 = arith.constant 48 : index
        %get3A_697 = tpu.vector_load %arg15[%get3A_695, %get3A_696] {strides = array<i32>} : memref<400x64xf32, #tpu.memory_space<vmem>>, vector<1x16xf32>,
        %get3A_698 = vector.shape_cast %get3A_697 : vector<1x16xf32> to vector<16xf32>
        %add3A_699 = arith.addf %add3A_627, %get3A_698 : vector<16xf32>
        %add3A_700 = arith.constant 16 : i32
        %add3A_701 = arith.addi %mul3A_85, %add3A_700 : i32
        %add3A_702 = arith.constant 1 : i32
        %add3A_703 = arith.addi %add3A_701, %add3A_702 : i32
        %get3A_704 = arith.index_cast %add3A_703 : i32 to index
        %get3A_705 = arith.constant 48 : index
        %get3A_706 = tpu.vector_load %arg15[%get3A_704, %get3A_705] {strides = array<i32>} : memref<400x64xf32, #tpu.memory_space<vmem>>, vector<1x16xf32>,
        %get3A_707 = vector.shape_cast %get3A_706 : vector<1x16xf32> to vector<16xf32>
        %add3A_708 = arith.addf %add3A_636, %get3A_707 : vector<16xf32>
        %add3A_709 = arith.constant 18 : i32
        %add3A_710 = arith.addi %mul3A_85, %add3A_709 : i32
        %add3A_711 = arith.constant 0 : i32
        %add3A_712 = arith.addi %add3A_710, %add3A_711 : i32
        %get3A_713 = arith.index_cast %add3A_712 : i32 to index
        %get3A_714 = arith.constant 0 : index
        %get3A_715 = tpu.vector_load %arg15[%get3A_713, %get3A_714] {strides = array<i32>} : memref<400x64xf32, #tpu.memory_space<vmem>>, vector<1x16xf32>,
        %get3A_716 = vector.shape_cast %get3A_715 : vector<1x16xf32> to vector<16xf32>
        %add3A_717 = arith.addf %add3A_645, %get3A_716 : vector<16xf32>
        %add3A_718 = arith.constant 18 : i32
        %add3A_719 = arith.addi %mul3A_85, %add3A_718 : i32
        %add3A_720 = arith.constant 1 : i32
        %add3A_721 = arith.addi %add3A_719, %add3A_720 : i32
        %get3A_722 = arith.index_cast %add3A_721 : i32 to index
        %get3A_723 = arith.constant 0 : index
        %get3A_724 = tpu.vector_load %arg15[%get3A_722, %get3A_723] {strides = array<i32>} : memref<400x64xf32, #tpu.memory_space<vmem>>, vector<1x16xf32>,
        %get3A_725 = vector.shape_cast %get3A_724 : vector<1x16xf32> to vector<16xf32>
        %add3A_726 = arith.addf %add3A_654, %get3A_725 : vector<16xf32>
        %add3A_727 = arith.constant 18 : i32
        %add3A_728 = arith.addi %mul3A_85, %add3A_727 : i32
        %add3A_729 = arith.constant 0 : i32
        %add3A_730 = arith.addi %add3A_728, %add3A_729 : i32
        %get3A_731 = arith.index_cast %add3A_730 : i32 to index
        %get3A_732 = arith.constant 16 : index
        %get3A_733 = tpu.vector_load %arg15[%get3A_731, %get3A_732] {strides = array<i32>} : memref<400x64xf32, #tpu.memory_space<vmem>>, vector<1x16xf32>,
        %get3A_734 = vector.shape_cast %get3A_733 : vector<1x16xf32> to vector<16xf32>
        %add3A_735 = arith.addf %add3A_663, %get3A_734 : vector<16xf32>
        %add3A_736 = arith.constant 18 : i32
        %add3A_737 = arith.addi %mul3A_85, %add3A_736 : i32
        %add3A_738 = arith.constant 1 : i32
        %add3A_739 = arith.addi %add3A_737, %add3A_738 : i32
        %get3A_740 = arith.index_cast %add3A_739 : i32 to index
        %get3A_741 = arith.constant 16 : index
        %get3A_742 = tpu.vector_load %arg15[%get3A_740, %get3A_741] {strides = array<i32>} : memref<400x64xf32, #tpu.memory_space<vmem>>, vector<1x16xf32>,
        %get3A_743 = vector.shape_cast %get3A_742 : vector<1x16xf32> to vector<16xf32>
        %add3A_744 = arith.addf %add3A_672, %get3A_743 : vector<16xf32>
        %add3A_745 = arith.constant 18 : i32
        %add3A_746 = arith.addi %mul3A_85, %add3A_745 : i32
        %add3A_747 = arith.constant 0 : i32
        %add3A_748 = arith.addi %add3A_746, %add3A_747 : i32
        %get3A_749 = arith.index_cast %add3A_748 : i32 to index
        %get3A_750 = arith.constant 32 : index
        %get3A_751 = tpu.vector_load %arg15[%get3A_749, %get3A_750] {strides = array<i32>} : memref<400x64xf32, #tpu.memory_space<vmem>>, vector<1x16xf32>,
        %get3A_752 = vector.shape_cast %get3A_751 : vector<1x16xf32> to vector<16xf32>
        %add3A_753 = arith.addf %add3A_681, %get3A_752 : vector<16xf32>
        %add3A_754 = arith.constant 18 : i32
        %add3A_755 = arith.addi %mul3A_85, %add3A_754 : i32
        %add3A_756 = arith.constant 1 : i32
        %add3A_757 = arith.addi %add3A_755, %add3A_756 : i32
        %get3A_758 = arith.index_cast %add3A_757 : i32 to index
        %get3A_759 = arith.constant 32 : index
        %get3A_760 = tpu.vector_load %arg15[%get3A_758, %get3A_759] {strides = array<i32>} : memref<400x64xf32, #tpu.memory_space<vmem>>, vector<1x16xf32>,
        %get3A_761 = vector.shape_cast %get3A_760 : vector<1x16xf32> to vector<16xf32>
        %add3A_762 = arith.addf %add3A_690, %get3A_761 : vector<16xf32>
        %add3A_763 = arith.constant 18 : i32
        %add3A_764 = arith.addi %mul3A_85, %add3A_763 : i32
        %add3A_765 = arith.constant 0 : i32
        %add3A_766 = arith.addi %add3A_764, %add3A_765 : i32
        %get3A_767 = arith.index_cast %add3A_766 : i32 to index
        %get3A_768 = arith.constant 48 : index
        %get3A_769 = tpu.vector_load %arg15[%get3A_767, %get3A_768] {strides = array<i32>} : memref<400x64xf32, #tpu.memory_space<vmem>>, vector<1x16xf32>,
        %get3A_770 = vector.shape_cast %get3A_769 : vector<1x16xf32> to vector<16xf32>
        %add3A_771 = arith.addf %add3A_699, %get3A_770 : vector<16xf32>
        %add3A_772 = arith.constant 18 : i32
        %add3A_773 = arith.addi %mul3A_85, %add3A_772 : i32
        %add3A_774 = arith.constant 1 : i32
        %add3A_775 = arith.addi %add3A_773, %add3A_774 : i32
        %get3A_776 = arith.index_cast %add3A_775 : i32 to index
        %get3A_777 = arith.constant 48 : index
        %get3A_778 = tpu.vector_load %arg15[%get3A_776, %get3A_777] {strides = array<i32>} : memref<400x64xf32, #tpu.memory_space<vmem>>, vector<1x16xf32>,
        %get3A_779 = vector.shape_cast %get3A_778 : vector<1x16xf32> to vector<16xf32>
        %add3A_780 = arith.addf %add3A_708, %get3A_779 : vector<16xf32>
        %add3A_781 = arith.constant 20 : i32
        %add3A_782 = arith.addi %mul3A_85, %add3A_781 : i32
        %add3A_783 = arith.constant 0 : i32
        %add3A_784 = arith.addi %add3A_782, %add3A_783 : i32
        %get3A_785 = arith.index_cast %add3A_784 : i32 to index
        %get3A_786 = arith.constant 0 : index
        %get3A_787 = tpu.vector_load %arg15[%get3A_785, %get3A_786] {strides = array<i32>} : memref<400x64xf32, #tpu.memory_space<vmem>>, vector<1x16xf32>,
        %get3A_788 = vector.shape_cast %get3A_787 : vector<1x16xf32> to vector<16xf32>
        %add3A_789 = arith.addf %add3A_717, %get3A_788 : vector<16xf32>
        %add3A_790 = arith.constant 20 : i32
        %add3A_791 = arith.addi %mul3A_85, %add3A_790 : i32
        %add3A_792 = arith.constant 1 : i32
        %add3A_793 = arith.addi %add3A_791, %add3A_792 : i32
        %get3A_794 = arith.index_cast %add3A_793 : i32 to index
        %get3A_795 = arith.constant 0 : index
        %get3A_796 = tpu.vector_load %arg15[%get3A_794, %get3A_795] {strides = array<i32>} : memref<400x64xf32, #tpu.memory_space<vmem>>, vector<1x16xf32>,
        %get3A_797 = vector.shape_cast %get3A_796 : vector<1x16xf32> to vector<16xf32>
        %add3A_798 = arith.addf %add3A_726, %get3A_797 : vector<16xf32>
        %add3A_799 = arith.constant 20 : i32
        %add3A_800 = arith.addi %mul3A_85, %add3A_799 : i32
        %add3A_801 = arith.constant 0 : i32
        %add3A_802 = arith.addi %add3A_800, %add3A_801 : i32
        %get3A_803 = arith.index_cast %add3A_802 : i32 to index
        %get3A_804 = arith.constant 16 : index
        %get3A_805 = tpu.vector_load %arg15[%get3A_803, %get3A_804] {strides = array<i32>} : memref<400x64xf32, #tpu.memory_space<vmem>>, vector<1x16xf32>,
        %get3A_806 = vector.shape_cast %get3A_805 : vector<1x16xf32> to vector<16xf32>
        %add3A_807 = arith.addf %add3A_735, %get3A_806 : vector<16xf32>
        %add3A_808 = arith.constant 20 : i32
        %add3A_809 = arith.addi %mul3A_85, %add3A_808 : i32
        %add3A_810 = arith.constant 1 : i32
        %add3A_811 = arith.addi %add3A_809, %add3A_810 : i32
        %get3A_812 = arith.index_cast %add3A_811 : i32 to index
        %get3A_813 = arith.constant 16 : index
        %get3A_814 = tpu.vector_load %arg15[%get3A_812, %get3A_813] {strides = array<i32>} : memref<400x64xf32, #tpu.memory_space<vmem>>, vector<1x16xf32>,
        %get3A_815 = vector.shape_cast %get3A_814 : vector<1x16xf32> to vector<16xf32>
        %add3A_816 = arith.addf %add3A_744, %get3A_815 : vector<16xf32>
        %add3A_817 = arith.constant 20 : i32
        %add3A_818 = arith.addi %mul3A_85, %add3A_817 : i32
        %add3A_819 = arith.constant 0 : i32
        %add3A_820 = arith.addi %add3A_818, %add3A_819 : i32
        %get3A_821 = arith.index_cast %add3A_820 : i32 to index
        %get3A_822 = arith.constant 32 : index
        %get3A_823 = tpu.vector_load %arg15[%get3A_821, %get3A_822] {strides = array<i32>} : memref<400x64xf32, #tpu.memory_space<vmem>>, vector<1x16xf32>,
        %get3A_824 = vector.shape_cast %get3A_823 : vector<1x16xf32> to vector<16xf32>
        %add3A_825 = arith.addf %add3A_753, %get3A_824 : vector<16xf32>
        %add3A_826 = arith.constant 20 : i32
        %add3A_827 = arith.addi %mul3A_85, %add3A_826 : i32
        %add3A_828 = arith.constant 1 : i32
        %add3A_829 = arith.addi %add3A_827, %add3A_828 : i32
        %get3A_830 = arith.index_cast %add3A_829 : i32 to index
        %get3A_831 = arith.constant 32 : index
        %get3A_832 = tpu.vector_load %arg15[%get3A_830, %get3A_831] {strides = array<i32>} : memref<400x64xf32, #tpu.memory_space<vmem>>, vector<1x16xf32>,
        %get3A_833 = vector.shape_cast %get3A_832 : vector<1x16xf32> to vector<16xf32>
        %add3A_834 = arith.addf %add3A_762, %get3A_833 : vector<16xf32>
        %add3A_835 = arith.constant 20 : i32
        %add3A_836 = arith.addi %mul3A_85, %add3A_835 : i32
        %add3A_837 = arith.constant 0 : i32
        %add3A_838 = arith.addi %add3A_836, %add3A_837 : i32
        %get3A_839 = arith.index_cast %add3A_838 : i32 to index
        %get3A_840 = arith.constant 48 : index
        %get3A_841 = tpu.vector_load %arg15[%get3A_839, %get3A_840] {strides = array<i32>} : memref<400x64xf32, #tpu.memory_space<vmem>>, vector<1x16xf32>,
        %get3A_842 = vector.shape_cast %get3A_841 : vector<1x16xf32> to vector<16xf32>
        %add3A_843 = arith.addf %add3A_771, %get3A_842 : vector<16xf32>
        %add3A_844 = arith.constant 20 : i32
        %add3A_845 = arith.addi %mul3A_85, %add3A_844 : i32
        %add3A_846 = arith.constant 1 : i32
        %add3A_847 = arith.addi %add3A_845, %add3A_846 : i32
        %get3A_848 = arith.index_cast %add3A_847 : i32 to index
        %get3A_849 = arith.constant 48 : index
        %get3A_850 = tpu.vector_load %arg15[%get3A_848, %get3A_849] {strides = array<i32>} : memref<400x64xf32, #tpu.memory_space<vmem>>, vector<1x16xf32>,
        %get3A_851 = vector.shape_cast %get3A_850 : vector<1x16xf32> to vector<16xf32>
        %add3A_852 = arith.addf %add3A_780, %get3A_851 : vector<16xf32>
        %add3A_853 = arith.constant 22 : i32
        %add3A_854 = arith.addi %mul3A_85, %add3A_853 : i32
        %add3A_855 = arith.constant 0 : i32
        %add3A_856 = arith.addi %add3A_854, %add3A_855 : i32
        %get3A_857 = arith.index_cast %add3A_856 : i32 to index
        %get3A_858 = arith.constant 0 : index
        %get3A_859 = tpu.vector_load %arg15[%get3A_857, %get3A_858] {strides = array<i32>} : memref<400x64xf32, #tpu.memory_space<vmem>>, vector<1x16xf32>,
        %get3A_860 = vector.shape_cast %get3A_859 : vector<1x16xf32> to vector<16xf32>
        %add3A_861 = arith.addf %add3A_789, %get3A_860 : vector<16xf32>
        %add3A_862 = arith.constant 22 : i32
        %add3A_863 = arith.addi %mul3A_85, %add3A_862 : i32
        %add3A_864 = arith.constant 1 : i32
        %add3A_865 = arith.addi %add3A_863, %add3A_864 : i32
        %get3A_866 = arith.index_cast %add3A_865 : i32 to index
        %get3A_867 = arith.constant 0 : index
        %get3A_868 = tpu.vector_load %arg15[%get3A_866, %get3A_867] {strides = array<i32>} : memref<400x64xf32, #tpu.memory_space<vmem>>, vector<1x16xf32>,
        %get3A_869 = vector.shape_cast %get3A_868 : vector<1x16xf32> to vector<16xf32>
        %add3A_870 = arith.addf %add3A_798, %get3A_869 : vector<16xf32>
        %add3A_871 = arith.constant 22 : i32
        %add3A_872 = arith.addi %mul3A_85, %add3A_871 : i32
        %add3A_873 = arith.constant 0 : i32
        %add3A_874 = arith.addi %add3A_872, %add3A_873 : i32
        %get3A_875 = arith.index_cast %add3A_874 : i32 to index
        %get3A_876 = arith.constant 16 : index
        %get3A_877 = tpu.vector_load %arg15[%get3A_875, %get3A_876] {strides = array<i32>} : memref<400x64xf32, #tpu.memory_space<vmem>>, vector<1x16xf32>,
        %get3A_878 = vector.shape_cast %get3A_877 : vector<1x16xf32> to vector<16xf32>
        %add3A_879 = arith.addf %add3A_807, %get3A_878 : vector<16xf32>
        %add3A_880 = arith.constant 22 : i32
        %add3A_881 = arith.addi %mul3A_85, %add3A_880 : i32
        %add3A_882 = arith.constant 1 : i32
        %add3A_883 = arith.addi %add3A_881, %add3A_882 : i32
        %get3A_884 = arith.index_cast %add3A_883 : i32 to index
        %get3A_885 = arith.constant 16 : index
        %get3A_886 = tpu.vector_load %arg15[%get3A_884, %get3A_885] {strides = array<i32>} : memref<400x64xf32, #tpu.memory_space<vmem>>, vector<1x16xf32>,
        %get3A_887 = vector.shape_cast %get3A_886 : vector<1x16xf32> to vector<16xf32>
        %add3A_888 = arith.addf %add3A_816, %get3A_887 : vector<16xf32>
        %add3A_889 = arith.constant 22 : i32
        %add3A_890 = arith.addi %mul3A_85, %add3A_889 : i32
        %add3A_891 = arith.constant 0 : i32
        %add3A_892 = arith.addi %add3A_890, %add3A_891 : i32
        %get3A_893 = arith.index_cast %add3A_892 : i32 to index
        %get3A_894 = arith.constant 32 : index
        %get3A_895 = tpu.vector_load %arg15[%get3A_893, %get3A_894] {strides = array<i32>} : memref<400x64xf32, #tpu.memory_space<vmem>>, vector<1x16xf32>,
        %get3A_896 = vector.shape_cast %get3A_895 : vector<1x16xf32> to vector<16xf32>
        %add3A_897 = arith.addf %add3A_825, %get3A_896 : vector<16xf32>
        %add3A_898 = arith.constant 22 : i32
        %add3A_899 = arith.addi %mul3A_85, %add3A_898 : i32
        %add3A_900 = arith.constant 1 : i32
        %add3A_901 = arith.addi %add3A_899, %add3A_900 : i32
        %get3A_902 = arith.index_cast %add3A_901 : i32 to index
        %get3A_903 = arith.constant 32 : index
        %get3A_904 = tpu.vector_load %arg15[%get3A_902, %get3A_903] {strides = array<i32>} : memref<400x64xf32, #tpu.memory_space<vmem>>, vector<1x16xf32>,
        %get3A_905 = vector.shape_cast %get3A_904 : vector<1x16xf32> to vector<16xf32>
        %add3A_906 = arith.addf %add3A_834, %get3A_905 : vector<16xf32>
        %add3A_907 = arith.constant 22 : i32
        %add3A_908 = arith.addi %mul3A_85, %add3A_907 : i32
        %add3A_909 = arith.constant 0 : i32
        %add3A_910 = arith.addi %add3A_908, %add3A_909 : i32
        %get3A_911 = arith.index_cast %add3A_910 : i32 to index
        %get3A_912 = arith.constant 48 : index
        %get3A_913 = tpu.vector_load %arg15[%get3A_911, %get3A_912] {strides = array<i32>} : memref<400x64xf32, #tpu.memory_space<vmem>>, vector<1x16xf32>,
        %get3A_914 = vector.shape_cast %get3A_913 : vector<1x16xf32> to vector<16xf32>
        %add3A_915 = arith.addf %add3A_843, %get3A_914 : vector<16xf32>
        %add3A_916 = arith.constant 22 : i32
        %add3A_917 = arith.addi %mul3A_85, %add3A_916 : i32
        %add3A_918 = arith.constant 1 : i32
        %add3A_919 = arith.addi %add3A_917, %add3A_918 : i32
        %get3A_920 = arith.index_cast %add3A_919 : i32 to index
        %get3A_921 = arith.constant 48 : index
        %get3A_922 = tpu.vector_load %arg15[%get3A_920, %get3A_921] {strides = array<i32>} : memref<400x64xf32, #tpu.memory_space<vmem>>, vector<1x16xf32>,
        %get3A_923 = vector.shape_cast %get3A_922 : vector<1x16xf32> to vector<16xf32>
        %add3A_924 = arith.addf %add3A_852, %get3A_923 : vector<16xf32>
        %add3A_925 = arith.constant 24 : i32
        %add3A_926 = arith.addi %mul3A_85, %add3A_925 : i32
        %add3A_927 = arith.constant 0 : i32
        %add3A_928 = arith.addi %add3A_926, %add3A_927 : i32
        %get3A_929 = arith.index_cast %add3A_928 : i32 to index
        %get3A_930 = arith.constant 0 : index
        %get3A_931 = tpu.vector_load %arg15[%get3A_929, %get3A_930] {strides = array<i32>} : memref<400x64xf32, #tpu.memory_space<vmem>>, vector<1x16xf32>,
        %get3A_932 = vector.shape_cast %get3A_931 : vector<1x16xf32> to vector<16xf32>
        %add3A_933 = arith.addf %add3A_861, %get3A_932 : vector<16xf32>
        %add3A_934 = arith.constant 24 : i32
        %add3A_935 = arith.addi %mul3A_85, %add3A_934 : i32
        %add3A_936 = arith.constant 1 : i32
        %add3A_937 = arith.addi %add3A_935, %add3A_936 : i32
        %get3A_938 = arith.index_cast %add3A_937 : i32 to index
        %get3A_939 = arith.constant 0 : index
        %get3A_940 = tpu.vector_load %arg15[%get3A_938, %get3A_939] {strides = array<i32>} : memref<400x64xf32, #tpu.memory_space<vmem>>, vector<1x16xf32>,
        %get3A_941 = vector.shape_cast %get3A_940 : vector<1x16xf32> to vector<16xf32>
        %add3A_942 = arith.addf %add3A_870, %get3A_941 : vector<16xf32>
        %add3A_943 = arith.constant 24 : i32
        %add3A_944 = arith.addi %mul3A_85, %add3A_943 : i32
        %add3A_945 = arith.constant 0 : i32
        %add3A_946 = arith.addi %add3A_944, %add3A_945 : i32
        %get3A_947 = arith.index_cast %add3A_946 : i32 to index
        %get3A_948 = arith.constant 16 : index
        %get3A_949 = tpu.vector_load %arg15[%get3A_947, %get3A_948] {strides = array<i32>} : memref<400x64xf32, #tpu.memory_space<vmem>>, vector<1x16xf32>,
        %get3A_950 = vector.shape_cast %get3A_949 : vector<1x16xf32> to vector<16xf32>
        %add3A_951 = arith.addf %add3A_879, %get3A_950 : vector<16xf32>
        %add3A_952 = arith.constant 24 : i32
        %add3A_953 = arith.addi %mul3A_85, %add3A_952 : i32
        %add3A_954 = arith.constant 1 : i32
        %add3A_955 = arith.addi %add3A_953, %add3A_954 : i32
        %get3A_956 = arith.index_cast %add3A_955 : i32 to index
        %get3A_957 = arith.constant 16 : index
        %get3A_958 = tpu.vector_load %arg15[%get3A_956, %get3A_957] {strides = array<i32>} : memref<400x64xf32, #tpu.memory_space<vmem>>, vector<1x16xf32>,
        %get3A_959 = vector.shape_cast %get3A_958 : vector<1x16xf32> to vector<16xf32>
        %add3A_960 = arith.addf %add3A_888, %get3A_959 : vector<16xf32>
        %add3A_961 = arith.constant 24 : i32
        %add3A_962 = arith.addi %mul3A_85, %add3A_961 : i32
        %add3A_963 = arith.constant 0 : i32
        %add3A_964 = arith.addi %add3A_962, %add3A_963 : i32
        %get3A_965 = arith.index_cast %add3A_964 : i32 to index
        %get3A_966 = arith.constant 32 : index
        %get3A_967 = tpu.vector_load %arg15[%get3A_965, %get3A_966] {strides = array<i32>} : memref<400x64xf32, #tpu.memory_space<vmem>>, vector<1x16xf32>,
        %get3A_968 = vector.shape_cast %get3A_967 : vector<1x16xf32> to vector<16xf32>
        %add3A_969 = arith.addf %add3A_897, %get3A_968 : vector<16xf32>
        %add3A_970 = arith.constant 24 : i32
        %add3A_971 = arith.addi %mul3A_85, %add3A_970 : i32
        %add3A_972 = arith.constant 1 : i32
        %add3A_973 = arith.addi %add3A_971, %add3A_972 : i32
        %get3A_974 = arith.index_cast %add3A_973 : i32 to index
        %get3A_975 = arith.constant 32 : index
        %get3A_976 = tpu.vector_load %arg15[%get3A_974, %get3A_975] {strides = array<i32>} : memref<400x64xf32, #tpu.memory_space<vmem>>, vector<1x16xf32>,
        %get3A_977 = vector.shape_cast %get3A_976 : vector<1x16xf32> to vector<16xf32>
        %add3A_978 = arith.addf %add3A_906, %get3A_977 : vector<16xf32>
        %add3A_979 = arith.constant 24 : i32
        %add3A_980 = arith.addi %mul3A_85, %add3A_979 : i32
        %add3A_981 = arith.constant 0 : i32
        %add3A_982 = arith.addi %add3A_980, %add3A_981 : i32
        %get3A_983 = arith.index_cast %add3A_982 : i32 to index
        %get3A_984 = arith.constant 48 : index
        %get3A_985 = tpu.vector_load %arg15[%get3A_983, %get3A_984] {strides = array<i32>} : memref<400x64xf32, #tpu.memory_space<vmem>>, vector<1x16xf32>,
        %get3A_986 = vector.shape_cast %get3A_985 : vector<1x16xf32> to vector<16xf32>
        %add3A_987 = arith.addf %add3A_915, %get3A_986 : vector<16xf32>
        %add3A_988 = arith.constant 24 : i32
        %add3A_989 = arith.addi %mul3A_85, %add3A_988 : i32
        %add3A_990 = arith.constant 1 : i32
        %add3A_991 = arith.addi %add3A_989, %add3A_990 : i32
        %get3A_992 = arith.index_cast %add3A_991 : i32 to index
        %get3A_993 = arith.constant 48 : index
        %get3A_994 = tpu.vector_load %arg15[%get3A_992, %get3A_993] {strides = array<i32>} : memref<400x64xf32, #tpu.memory_space<vmem>>, vector<1x16xf32>,
        %get3A_995 = vector.shape_cast %get3A_994 : vector<1x16xf32> to vector<16xf32>
        %add3A_996 = arith.addf %add3A_924, %get3A_995 : vector<16xf32>
        %add3A_997 = arith.constant 26 : i32
        %add3A_998 = arith.addi %mul3A_85, %add3A_997 : i32
        %add3A_999 = arith.constant 0 : i32
        %add3A_1000 = arith.addi %add3A_998, %add3A_999 : i32
        %get3A_1001 = arith.index_cast %add3A_1000 : i32 to index
        %get3A_1002 = arith.constant 0 : index
        %get3A_1003 = tpu.vector_load %arg15[%get3A_1001, %get3A_1002] {strides = array<i32>} : memref<400x64xf32, #tpu.memory_space<vmem>>, vector<1x16xf32>,
        %get3A_1004 = vector.shape_cast %get3A_1003 : vector<1x16xf32> to vector<16xf32>
        %add3A_1005 = arith.addf %add3A_933, %get3A_1004 : vector<16xf32>
        %add3A_1006 = arith.constant 26 : i32
        %add3A_1007 = arith.addi %mul3A_85, %add3A_1006 : i32
        %add3A_1008 = arith.constant 1 : i32
        %add3A_1009 = arith.addi %add3A_1007, %add3A_1008 : i32
        %get3A_1010 = arith.index_cast %add3A_1009 : i32 to index
        %get3A_1011 = arith.constant 0 : index
        %get3A_1012 = tpu.vector_load %arg15[%get3A_1010, %get3A_1011] {strides = array<i32>} : memref<400x64xf32, #tpu.memory_space<vmem>>, vector<1x16xf32>,
        %get3A_1013 = vector.shape_cast %get3A_1012 : vector<1x16xf32> to vector<16xf32>
        %add3A_1014 = arith.addf %add3A_942, %get3A_1013 : vector<16xf32>
        %add3A_1015 = arith.constant 26 : i32
        %add3A_1016 = arith.addi %mul3A_85, %add3A_1015 : i32
        %add3A_1017 = arith.constant 0 : i32
        %add3A_1018 = arith.addi %add3A_1016, %add3A_1017 : i32
        %get3A_1019 = arith.index_cast %add3A_1018 : i32 to index
        %get3A_1020 = arith.constant 16 : index
        %get3A_1021 = tpu.vector_load %arg15[%get3A_1019, %get3A_1020] {strides = array<i32>} : memref<400x64xf32, #tpu.memory_space<vmem>>, vector<1x16xf32>,
        %get3A_1022 = vector.shape_cast %get3A_1021 : vector<1x16xf32> to vector<16xf32>
        %add3A_1023 = arith.addf %add3A_951, %get3A_1022 : vector<16xf32>
        %add3A_1024 = arith.constant 26 : i32
        %add3A_1025 = arith.addi %mul3A_85, %add3A_1024 : i32
        %add3A_1026 = arith.constant 1 : i32
        %add3A_1027 = arith.addi %add3A_1025, %add3A_1026 : i32
        %get3A_1028 = arith.index_cast %add3A_1027 : i32 to index
        %get3A_1029 = arith.constant 16 : index
        %get3A_1030 = tpu.vector_load %arg15[%get3A_1028, %get3A_1029] {strides = array<i32>} : memref<400x64xf32, #tpu.memory_space<vmem>>, vector<1x16xf32>,
        %get3A_1031 = vector.shape_cast %get3A_1030 : vector<1x16xf32> to vector<16xf32>
        %add3A_1032 = arith.addf %add3A_960, %get3A_1031 : vector<16xf32>
        %add3A_1033 = arith.constant 26 : i32
        %add3A_1034 = arith.addi %mul3A_85, %add3A_1033 : i32
        %add3A_1035 = arith.constant 0 : i32
        %add3A_1036 = arith.addi %add3A_1034, %add3A_1035 : i32
        %get3A_1037 = arith.index_cast %add3A_1036 : i32 to index
        %get3A_1038 = arith.constant 32 : index
        %get3A_1039 = tpu.vector_load %arg15[%get3A_1037, %get3A_1038] {strides = array<i32>} : memref<400x64xf32, #tpu.memory_space<vmem>>, vector<1x16xf32>,
        %get3A_1040 = vector.shape_cast %get3A_1039 : vector<1x16xf32> to vector<16xf32>
        %add3A_1041 = arith.addf %add3A_969, %get3A_1040 : vector<16xf32>
        %add3A_1042 = arith.constant 26 : i32
        %add3A_1043 = arith.addi %mul3A_85, %add3A_1042 : i32
        %add3A_1044 = arith.constant 1 : i32
        %add3A_1045 = arith.addi %add3A_1043, %add3A_1044 : i32
        %get3A_1046 = arith.index_cast %add3A_1045 : i32 to index
        %get3A_1047 = arith.constant 32 : index
        %get3A_1048 = tpu.vector_load %arg15[%get3A_1046, %get3A_1047] {strides = array<i32>} : memref<400x64xf32, #tpu.memory_space<vmem>>, vector<1x16xf32>,
        %get3A_1049 = vector.shape_cast %get3A_1048 : vector<1x16xf32> to vector<16xf32>
        %add3A_1050 = arith.addf %add3A_978, %get3A_1049 : vector<16xf32>
        %add3A_1051 = arith.constant 26 : i32
        %add3A_1052 = arith.addi %mul3A_85, %add3A_1051 : i32
        %add3A_1053 = arith.constant 0 : i32
        %add3A_1054 = arith.addi %add3A_1052, %add3A_1053 : i32
        %get3A_1055 = arith.index_cast %add3A_1054 : i32 to index
        %get3A_1056 = arith.constant 48 : index
        %get3A_1057 = tpu.vector_load %arg15[%get3A_1055, %get3A_1056] {strides = array<i32>} : memref<400x64xf32, #tpu.memory_space<vmem>>, vector<1x16xf32>,
        %get3A_1058 = vector.shape_cast %get3A_1057 : vector<1x16xf32> to vector<16xf32>
        %add3A_1059 = arith.addf %add3A_987, %get3A_1058 : vector<16xf32>
        %add3A_1060 = arith.constant 26 : i32
        %add3A_1061 = arith.addi %mul3A_85, %add3A_1060 : i32
        %add3A_1062 = arith.constant 1 : i32
        %add3A_1063 = arith.addi %add3A_1061, %add3A_1062 : i32
        %get3A_1064 = arith.index_cast %add3A_1063 : i32 to index
        %get3A_1065 = arith.constant 48 : index
        %get3A_1066 = tpu.vector_load %arg15[%get3A_1064, %get3A_1065] {strides = array<i32>} : memref<400x64xf32, #tpu.memory_space<vmem>>, vector<1x16xf32>,
        %get3A_1067 = vector.shape_cast %get3A_1066 : vector<1x16xf32> to vector<16xf32>
        %add3A_1068 = arith.addf %add3A_996, %get3A_1067 : vector<16xf32>
        %add3A_1069 = arith.constant 28 : i32
        %add3A_1070 = arith.addi %mul3A_85, %add3A_1069 : i32
        %add3A_1071 = arith.constant 0 : i32
        %add3A_1072 = arith.addi %add3A_1070, %add3A_1071 : i32
        %get3A_1073 = arith.index_cast %add3A_1072 : i32 to index
        %get3A_1074 = arith.constant 0 : index
        %get3A_1075 = tpu.vector_load %arg15[%get3A_1073, %get3A_1074] {strides = array<i32>} : memref<400x64xf32, #tpu.memory_space<vmem>>, vector<1x16xf32>,
        %get3A_1076 = vector.shape_cast %get3A_1075 : vector<1x16xf32> to vector<16xf32>
        %add3A_1077 = arith.addf %add3A_1005, %get3A_1076 : vector<16xf32>
        %add3A_1078 = arith.constant 28 : i32
        %add3A_1079 = arith.addi %mul3A_85, %add3A_1078 : i32
        %add3A_1080 = arith.constant 1 : i32
        %add3A_1081 = arith.addi %add3A_1079, %add3A_1080 : i32
        %get3A_1082 = arith.index_cast %add3A_1081 : i32 to index
        %get3A_1083 = arith.constant 0 : index
        %get3A_1084 = tpu.vector_load %arg15[%get3A_1082, %get3A_1083] {strides = array<i32>} : memref<400x64xf32, #tpu.memory_space<vmem>>, vector<1x16xf32>,
        %get3A_1085 = vector.shape_cast %get3A_1084 : vector<1x16xf32> to vector<16xf32>
        %add3A_1086 = arith.addf %add3A_1014, %get3A_1085 : vector<16xf32>
        %add3A_1087 = arith.constant 28 : i32
        %add3A_1088 = arith.addi %mul3A_85, %add3A_1087 : i32
        %add3A_1089 = arith.constant 0 : i32
        %add3A_1090 = arith.addi %add3A_1088, %add3A_1089 : i32
        %get3A_1091 = arith.index_cast %add3A_1090 : i32 to index
        %get3A_1092 = arith.constant 16 : index
        %get3A_1093 = tpu.vector_load %arg15[%get3A_1091, %get3A_1092] {strides = array<i32>} : memref<400x64xf32, #tpu.memory_space<vmem>>, vector<1x16xf32>,
        %get3A_1094 = vector.shape_cast %get3A_1093 : vector<1x16xf32> to vector<16xf32>
        %add3A_1095 = arith.addf %add3A_1023, %get3A_1094 : vector<16xf32>
        %add3A_1096 = arith.constant 28 : i32
        %add3A_1097 = arith.addi %mul3A_85, %add3A_1096 : i32
        %add3A_1098 = arith.constant 1 : i32
        %add3A_1099 = arith.addi %add3A_1097, %add3A_1098 : i32
        %get3A_1100 = arith.index_cast %add3A_1099 : i32 to index
        %get3A_1101 = arith.constant 16 : index
        %get3A_1102 = tpu.vector_load %arg15[%get3A_1100, %get3A_1101] {strides = array<i32>} : memref<400x64xf32, #tpu.memory_space<vmem>>, vector<1x16xf32>,
        %get3A_1103 = vector.shape_cast %get3A_1102 : vector<1x16xf32> to vector<16xf32>
        %add3A_1104 = arith.addf %add3A_1032, %get3A_1103 : vector<16xf32>
        %add3A_1105 = arith.constant 28 : i32
        %add3A_1106 = arith.addi %mul3A_85, %add3A_1105 : i32
        %add3A_1107 = arith.constant 0 : i32
        %add3A_1108 = arith.addi %add3A_1106, %add3A_1107 : i32
        %get3A_1109 = arith.index_cast %add3A_1108 : i32 to index
        %get3A_1110 = arith.constant 32 : index
        %get3A_1111 = tpu.vector_load %arg15[%get3A_1109, %get3A_1110] {strides = array<i32>} : memref<400x64xf32, #tpu.memory_space<vmem>>, vector<1x16xf32>,
        %get3A_1112 = vector.shape_cast %get3A_1111 : vector<1x16xf32> to vector<16xf32>
        %add3A_1113 = arith.addf %add3A_1041, %get3A_1112 : vector<16xf32>
        %add3A_1114 = arith.constant 28 : i32
        %add3A_1115 = arith.addi %mul3A_85, %add3A_1114 : i32
        %add3A_1116 = arith.constant 1 : i32
        %add3A_1117 = arith.addi %add3A_1115, %add3A_1116 : i32
        %get3A_1118 = arith.index_cast %add3A_1117 : i32 to index
        %get3A_1119 = arith.constant 32 : index
        %get3A_1120 = tpu.vector_load %arg15[%get3A_1118, %get3A_1119] {strides = array<i32>} : memref<400x64xf32, #tpu.memory_space<vmem>>, vector<1x16xf32>,
        %get3A_1121 = vector.shape_cast %get3A_1120 : vector<1x16xf32> to vector<16xf32>
        %add3A_1122 = arith.addf %add3A_1050, %get3A_1121 : vector<16xf32>
        %add3A_1123 = arith.constant 28 : i32
        %add3A_1124 = arith.addi %mul3A_85, %add3A_1123 : i32
        %add3A_1125 = arith.constant 0 : i32
        %add3A_1126 = arith.addi %add3A_1124, %add3A_1125 : i32
        %get3A_1127 = arith.index_cast %add3A_1126 : i32 to index
        %get3A_1128 = arith.constant 48 : index
        %get3A_1129 = tpu.vector_load %arg15[%get3A_1127, %get3A_1128] {strides = array<i32>} : memref<400x64xf32, #tpu.memory_space<vmem>>, vector<1x16xf32>,
        %get3A_1130 = vector.shape_cast %get3A_1129 : vector<1x16xf32> to vector<16xf32>
        %add3A_1131 = arith.addf %add3A_1059, %get3A_1130 : vector<16xf32>
        %add3A_1132 = arith.constant 28 : i32
        %add3A_1133 = arith.addi %mul3A_85, %add3A_1132 : i32
        %add3A_1134 = arith.constant 1 : i32
        %add3A_1135 = arith.addi %add3A_1133, %add3A_1134 : i32
        %get3A_1136 = arith.index_cast %add3A_1135 : i32 to index
        %get3A_1137 = arith.constant 48 : index
        %get3A_1138 = tpu.vector_load %arg15[%get3A_1136, %get3A_1137] {strides = array<i32>} : memref<400x64xf32, #tpu.memory_space<vmem>>, vector<1x16xf32>,
        %get3A_1139 = vector.shape_cast %get3A_1138 : vector<1x16xf32> to vector<16xf32>
        %add3A_1140 = arith.addf %add3A_1068, %get3A_1139 : vector<16xf32>
        %add3A_1141 = arith.constant 30 : i32
        %add3A_1142 = arith.addi %mul3A_85, %add3A_1141 : i32
        %add3A_1143 = arith.constant 0 : i32
        %add3A_1144 = arith.addi %add3A_1142, %add3A_1143 : i32
        %get3A_1145 = arith.index_cast %add3A_1144 : i32 to index
        %get3A_1146 = arith.constant 0 : index
        %get3A_1147 = tpu.vector_load %arg15[%get3A_1145, %get3A_1146] {strides = array<i32>} : memref<400x64xf32, #tpu.memory_space<vmem>>, vector<1x16xf32>,
        %get3A_1148 = vector.shape_cast %get3A_1147 : vector<1x16xf32> to vector<16xf32>
        %add3A_1149 = arith.addf %add3A_1077, %get3A_1148 : vector<16xf32>
        %add3A_1150 = arith.constant 30 : i32
        %add3A_1151 = arith.addi %mul3A_85, %add3A_1150 : i32
        %add3A_1152 = arith.constant 1 : i32
        %add3A_1153 = arith.addi %add3A_1151, %add3A_1152 : i32
        %get3A_1154 = arith.index_cast %add3A_1153 : i32 to index
        %get3A_1155 = arith.constant 0 : index
        %get3A_1156 = tpu.vector_load %arg15[%get3A_1154, %get3A_1155] {strides = array<i32>} : memref<400x64xf32, #tpu.memory_space<vmem>>, vector<1x16xf32>,
        %get3A_1157 = vector.shape_cast %get3A_1156 : vector<1x16xf32> to vector<16xf32>
        %add3A_1158 = arith.addf %add3A_1086, %get3A_1157 : vector<16xf32>
        %add3A_1159 = arith.constant 30 : i32
        %add3A_1160 = arith.addi %mul3A_85, %add3A_1159 : i32
        %add3A_1161 = arith.constant 0 : i32
        %add3A_1162 = arith.addi %add3A_1160, %add3A_1161 : i32
        %get3A_1163 = arith.index_cast %add3A_1162 : i32 to index
        %get3A_1164 = arith.constant 16 : index
        %get3A_1165 = tpu.vector_load %arg15[%get3A_1163, %get3A_1164] {strides = array<i32>} : memref<400x64xf32, #tpu.memory_space<vmem>>, vector<1x16xf32>,
        %get3A_1166 = vector.shape_cast %get3A_1165 : vector<1x16xf32> to vector<16xf32>
        %add3A_1167 = arith.addf %add3A_1095, %get3A_1166 : vector<16xf32>
        %add3A_1168 = arith.constant 30 : i32
        %add3A_1169 = arith.addi %mul3A_85, %add3A_1168 : i32
        %add3A_1170 = arith.constant 1 : i32
        %add3A_1171 = arith.addi %add3A_1169, %add3A_1170 : i32
        %get3A_1172 = arith.index_cast %add3A_1171 : i32 to index
        %get3A_1173 = arith.constant 16 : index
        %get3A_1174 = tpu.vector_load %arg15[%get3A_1172, %get3A_1173] {strides = array<i32>} : memref<400x64xf32, #tpu.memory_space<vmem>>, vector<1x16xf32>,
        %get3A_1175 = vector.shape_cast %get3A_1174 : vector<1x16xf32> to vector<16xf32>
        %add3A_1176 = arith.addf %add3A_1104, %get3A_1175 : vector<16xf32>
        %add3A_1177 = arith.constant 30 : i32
        %add3A_1178 = arith.addi %mul3A_85, %add3A_1177 : i32
        %add3A_1179 = arith.constant 0 : i32
        %add3A_1180 = arith.addi %add3A_1178, %add3A_1179 : i32
        %get3A_1181 = arith.index_cast %add3A_1180 : i32 to index
        %get3A_1182 = arith.constant 32 : index
        %get3A_1183 = tpu.vector_load %arg15[%get3A_1181, %get3A_1182] {strides = array<i32>} : memref<400x64xf32, #tpu.memory_space<vmem>>, vector<1x16xf32>,
        %get3A_1184 = vector.shape_cast %get3A_1183 : vector<1x16xf32> to vector<16xf32>
        %add3A_1185 = arith.addf %add3A_1113, %get3A_1184 : vector<16xf32>
        %add3A_1186 = arith.constant 30 : i32
        %add3A_1187 = arith.addi %mul3A_85, %add3A_1186 : i32
        %add3A_1188 = arith.constant 1 : i32
        %add3A_1189 = arith.addi %add3A_1187, %add3A_1188 : i32
        %get3A_1190 = arith.index_cast %add3A_1189 : i32 to index
        %get3A_1191 = arith.constant 32 : index
        %get3A_1192 = tpu.vector_load %arg15[%get3A_1190, %get3A_1191] {strides = array<i32>} : memref<400x64xf32, #tpu.memory_space<vmem>>, vector<1x16xf32>,
        %get3A_1193 = vector.shape_cast %get3A_1192 : vector<1x16xf32> to vector<16xf32>
        %add3A_1194 = arith.addf %add3A_1122, %get3A_1193 : vector<16xf32>
        %add3A_1195 = arith.constant 30 : i32
        %add3A_1196 = arith.addi %mul3A_85, %add3A_1195 : i32
        %add3A_1197 = arith.constant 0 : i32
        %add3A_1198 = arith.addi %add3A_1196, %add3A_1197 : i32
        %get3A_1199 = arith.index_cast %add3A_1198 : i32 to index
        %get3A_1200 = arith.constant 48 : index
        %get3A_1201 = tpu.vector_load %arg15[%get3A_1199, %get3A_1200] {strides = array<i32>} : memref<400x64xf32, #tpu.memory_space<vmem>>, vector<1x16xf32>,
        %get3A_1202 = vector.shape_cast %get3A_1201 : vector<1x16xf32> to vector<16xf32>
        %add3A_1203 = arith.addf %add3A_1131, %get3A_1202 : vector<16xf32>
        %add3A_1204 = arith.constant 30 : i32
        %add3A_1205 = arith.addi %mul3A_85, %add3A_1204 : i32
        %add3A_1206 = arith.constant 1 : i32
        %add3A_1207 = arith.addi %add3A_1205, %add3A_1206 : i32
        %get3A_1208 = arith.index_cast %add3A_1207 : i32 to index
        %get3A_1209 = arith.constant 48 : index
        %get3A_1210 = tpu.vector_load %arg15[%get3A_1208, %get3A_1209] {strides = array<i32>} : memref<400x64xf32, #tpu.memory_space<vmem>>, vector<1x16xf32>,
        %get3A_1211 = vector.shape_cast %get3A_1210 : vector<1x16xf32> to vector<16xf32>
        %add3A_1212 = arith.addf %add3A_1140, %get3A_1211 : vector<16xf32>
        %add3A_1213 = arith.constant 32 : i32
        %add3A_1214 = arith.addi %mul3A_85, %add3A_1213 : i32
        %add3A_1215 = arith.constant 0 : i32
        %add3A_1216 = arith.addi %add3A_1214, %add3A_1215 : i32
        %get3A_1217 = arith.index_cast %add3A_1216 : i32 to index
        %get3A_1218 = arith.constant 0 : index
        %get3A_1219 = tpu.vector_load %arg15[%get3A_1217, %get3A_1218] {strides = array<i32>} : memref<400x64xf32, #tpu.memory_space<vmem>>, vector<1x16xf32>,
        %get3A_1220 = vector.shape_cast %get3A_1219 : vector<1x16xf32> to vector<16xf32>
        %add3A_1221 = arith.addf %add3A_1149, %get3A_1220 : vector<16xf32>
        %add3A_1222 = arith.constant 32 : i32
        %add3A_1223 = arith.addi %mul3A_85, %add3A_1222 : i32
        %add3A_1224 = arith.constant 1 : i32
        %add3A_1225 = arith.addi %add3A_1223, %add3A_1224 : i32
        %get3A_1226 = arith.index_cast %add3A_1225 : i32 to index
        %get3A_1227 = arith.constant 0 : index
        %get3A_1228 = tpu.vector_load %arg15[%get3A_1226, %get3A_1227] {strides = array<i32>} : memref<400x64xf32, #tpu.memory_space<vmem>>, vector<1x16xf32>,
        %get3A_1229 = vector.shape_cast %get3A_1228 : vector<1x16xf32> to vector<16xf32>
        %add3A_1230 = arith.addf %add3A_1158, %get3A_1229 : vector<16xf32>
        %add3A_1231 = arith.constant 32 : i32
        %add3A_1232 = arith.addi %mul3A_85, %add3A_1231 : i32
        %add3A_1233 = arith.constant 0 : i32
        %add3A_1234 = arith.addi %add3A_1232, %add3A_1233 : i32
        %get3A_1235 = arith.index_cast %add3A_1234 : i32 to index
        %get3A_1236 = arith.constant 16 : index
        %get3A_1237 = tpu.vector_load %arg15[%get3A_1235, %get3A_1236] {strides = array<i32>} : memref<400x64xf32, #tpu.memory_space<vmem>>, vector<1x16xf32>,
        %get3A_1238 = vector.shape_cast %get3A_1237 : vector<1x16xf32> to vector<16xf32>
        %add3A_1239 = arith.addf %add3A_1167, %get3A_1238 : vector<16xf32>
        %add3A_1240 = arith.constant 32 : i32
        %add3A_1241 = arith.addi %mul3A_85, %add3A_1240 : i32
        %add3A_1242 = arith.constant 1 : i32
        %add3A_1243 = arith.addi %add3A_1241, %add3A_1242 : i32
        %get3A_1244 = arith.index_cast %add3A_1243 : i32 to index
        %get3A_1245 = arith.constant 16 : index
        %get3A_1246 = tpu.vector_load %arg15[%get3A_1244, %get3A_1245] {strides = array<i32>} : memref<400x64xf32, #tpu.memory_space<vmem>>, vector<1x16xf32>,
        %get3A_1247 = vector.shape_cast %get3A_1246 : vector<1x16xf32> to vector<16xf32>
        %add3A_1248 = arith.addf %add3A_1176, %get3A_1247 : vector<16xf32>
        %add3A_1249 = arith.constant 32 : i32
        %add3A_1250 = arith.addi %mul3A_85, %add3A_1249 : i32
        %add3A_1251 = arith.constant 0 : i32
        %add3A_1252 = arith.addi %add3A_1250, %add3A_1251 : i32
        %get3A_1253 = arith.index_cast %add3A_1252 : i32 to index
        %get3A_1254 = arith.constant 32 : index
        %get3A_1255 = tpu.vector_load %arg15[%get3A_1253, %get3A_1254] {strides = array<i32>} : memref<400x64xf32, #tpu.memory_space<vmem>>, vector<1x16xf32>,
        %get3A_1256 = vector.shape_cast %get3A_1255 : vector<1x16xf32> to vector<16xf32>
        %add3A_1257 = arith.addf %add3A_1185, %get3A_1256 : vector<16xf32>
        %add3A_1258 = arith.constant 32 : i32
        %add3A_1259 = arith.addi %mul3A_85, %add3A_1258 : i32
        %add3A_1260 = arith.constant 1 : i32
        %add3A_1261 = arith.addi %add3A_1259, %add3A_1260 : i32
        %get3A_1262 = arith.index_cast %add3A_1261 : i32 to index
        %get3A_1263 = arith.constant 32 : index
        %get3A_1264 = tpu.vector_load %arg15[%get3A_1262, %get3A_1263] {strides = array<i32>} : memref<400x64xf32, #tpu.memory_space<vmem>>, vector<1x16xf32>,
        %get3A_1265 = vector.shape_cast %get3A_1264 : vector<1x16xf32> to vector<16xf32>
        %add3A_1266 = arith.addf %add3A_1194, %get3A_1265 : vector<16xf32>
        %add3A_1267 = arith.constant 32 : i32
        %add3A_1268 = arith.addi %mul3A_85, %add3A_1267 : i32
        %add3A_1269 = arith.constant 0 : i32
        %add3A_1270 = arith.addi %add3A_1268, %add3A_1269 : i32
        %get3A_1271 = arith.index_cast %add3A_1270 : i32 to index
        %get3A_1272 = arith.constant 48 : index
        %get3A_1273 = tpu.vector_load %arg15[%get3A_1271, %get3A_1272] {strides = array<i32>} : memref<400x64xf32, #tpu.memory_space<vmem>>, vector<1x16xf32>,
        %get3A_1274 = vector.shape_cast %get3A_1273 : vector<1x16xf32> to vector<16xf32>
        %add3A_1275 = arith.addf %add3A_1203, %get3A_1274 : vector<16xf32>
        %add3A_1276 = arith.constant 32 : i32
        %add3A_1277 = arith.addi %mul3A_85, %add3A_1276 : i32
        %add3A_1278 = arith.constant 1 : i32
        %add3A_1279 = arith.addi %add3A_1277, %add3A_1278 : i32
        %get3A_1280 = arith.index_cast %add3A_1279 : i32 to index
        %get3A_1281 = arith.constant 48 : index
        %get3A_1282 = tpu.vector_load %arg15[%get3A_1280, %get3A_1281] {strides = array<i32>} : memref<400x64xf32, #tpu.memory_space<vmem>>, vector<1x16xf32>,
        %get3A_1283 = vector.shape_cast %get3A_1282 : vector<1x16xf32> to vector<16xf32>
        %add3A_1284 = arith.addf %add3A_1212, %get3A_1283 : vector<16xf32>
        %add3A_1285 = arith.constant 34 : i32
        %add3A_1286 = arith.addi %mul3A_85, %add3A_1285 : i32
        %add3A_1287 = arith.constant 0 : i32
        %add3A_1288 = arith.addi %add3A_1286, %add3A_1287 : i32
        %get3A_1289 = arith.index_cast %add3A_1288 : i32 to index
        %get3A_1290 = arith.constant 0 : index
        %get3A_1291 = tpu.vector_load %arg15[%get3A_1289, %get3A_1290] {strides = array<i32>} : memref<400x64xf32, #tpu.memory_space<vmem>>, vector<1x16xf32>,
        %get3A_1292 = vector.shape_cast %get3A_1291 : vector<1x16xf32> to vector<16xf32>
        %add3A_1293 = arith.addf %add3A_1221, %get3A_1292 : vector<16xf32>
        %add3A_1294 = arith.constant 34 : i32
        %add3A_1295 = arith.addi %mul3A_85, %add3A_1294 : i32
        %add3A_1296 = arith.constant 1 : i32
        %add3A_1297 = arith.addi %add3A_1295, %add3A_1296 : i32
        %get3A_1298 = arith.index_cast %add3A_1297 : i32 to index
        %get3A_1299 = arith.constant 0 : index
        %get3A_1300 = tpu.vector_load %arg15[%get3A_1298, %get3A_1299] {strides = array<i32>} : memref<400x64xf32, #tpu.memory_space<vmem>>, vector<1x16xf32>,
        %get3A_1301 = vector.shape_cast %get3A_1300 : vector<1x16xf32> to vector<16xf32>
        %add3A_1302 = arith.addf %add3A_1230, %get3A_1301 : vector<16xf32>
        %add3A_1303 = arith.constant 34 : i32
        %add3A_1304 = arith.addi %mul3A_85, %add3A_1303 : i32
        %add3A_1305 = arith.constant 0 : i32
        %add3A_1306 = arith.addi %add3A_1304, %add3A_1305 : i32
        %get3A_1307 = arith.index_cast %add3A_1306 : i32 to index
        %get3A_1308 = arith.constant 16 : index
        %get3A_1309 = tpu.vector_load %arg15[%get3A_1307, %get3A_1308] {strides = array<i32>} : memref<400x64xf32, #tpu.memory_space<vmem>>, vector<1x16xf32>,
        %get3A_1310 = vector.shape_cast %get3A_1309 : vector<1x16xf32> to vector<16xf32>
        %add3A_1311 = arith.addf %add3A_1239, %get3A_1310 : vector<16xf32>
        %add3A_1312 = arith.constant 34 : i32
        %add3A_1313 = arith.addi %mul3A_85, %add3A_1312 : i32
        %add3A_1314 = arith.constant 1 : i32
        %add3A_1315 = arith.addi %add3A_1313, %add3A_1314 : i32
        %get3A_1316 = arith.index_cast %add3A_1315 : i32 to index
        %get3A_1317 = arith.constant 16 : index
        %get3A_1318 = tpu.vector_load %arg15[%get3A_1316, %get3A_1317] {strides = array<i32>} : memref<400x64xf32, #tpu.memory_space<vmem>>, vector<1x16xf32>,
        %get3A_1319 = vector.shape_cast %get3A_1318 : vector<1x16xf32> to vector<16xf32>
        %add3A_1320 = arith.addf %add3A_1248, %get3A_1319 : vector<16xf32>
        %add3A_1321 = arith.constant 34 : i32
        %add3A_1322 = arith.addi %mul3A_85, %add3A_1321 : i32
        %add3A_1323 = arith.constant 0 : i32
        %add3A_1324 = arith.addi %add3A_1322, %add3A_1323 : i32
        %get3A_1325 = arith.index_cast %add3A_1324 : i32 to index
        %get3A_1326 = arith.constant 32 : index
        %get3A_1327 = tpu.vector_load %arg15[%get3A_1325, %get3A_1326] {strides = array<i32>} : memref<400x64xf32, #tpu.memory_space<vmem>>, vector<1x16xf32>,
        %get3A_1328 = vector.shape_cast %get3A_1327 : vector<1x16xf32> to vector<16xf32>
        %add3A_1329 = arith.addf %add3A_1257, %get3A_1328 : vector<16xf32>
        %add3A_1330 = arith.constant 34 : i32
        %add3A_1331 = arith.addi %mul3A_85, %add3A_1330 : i32
        %add3A_1332 = arith.constant 1 : i32
        %add3A_1333 = arith.addi %add3A_1331, %add3A_1332 : i32
        %get3A_1334 = arith.index_cast %add3A_1333 : i32 to index
        %get3A_1335 = arith.constant 32 : index
        %get3A_1336 = tpu.vector_load %arg15[%get3A_1334, %get3A_1335] {strides = array<i32>} : memref<400x64xf32, #tpu.memory_space<vmem>>, vector<1x16xf32>,
        %get3A_1337 = vector.shape_cast %get3A_1336 : vector<1x16xf32> to vector<16xf32>
        %add3A_1338 = arith.addf %add3A_1266, %get3A_1337 : vector<16xf32>
        %add3A_1339 = arith.constant 34 : i32
        %add3A_1340 = arith.addi %mul3A_85, %add3A_1339 : i32
        %add3A_1341 = arith.constant 0 : i32
        %add3A_1342 = arith.addi %add3A_1340, %add3A_1341 : i32
        %get3A_1343 = arith.index_cast %add3A_1342 : i32 to index
        %get3A_1344 = arith.constant 48 : index
        %get3A_1345 = tpu.vector_load %arg15[%get3A_1343, %get3A_1344] {strides = array<i32>} : memref<400x64xf32, #tpu.memory_space<vmem>>, vector<1x16xf32>,
        %get3A_1346 = vector.shape_cast %get3A_1345 : vector<1x16xf32> to vector<16xf32>
        %add3A_1347 = arith.addf %add3A_1275, %get3A_1346 : vector<16xf32>
        %add3A_1348 = arith.constant 34 : i32
        %add3A_1349 = arith.addi %mul3A_85, %add3A_1348 : i32
        %add3A_1350 = arith.constant 1 : i32
        %add3A_1351 = arith.addi %add3A_1349, %add3A_1350 : i32
        %get3A_1352 = arith.index_cast %add3A_1351 : i32 to index
        %get3A_1353 = arith.constant 48 : index
        %get3A_1354 = tpu.vector_load %arg15[%get3A_1352, %get3A_1353] {strides = array<i32>} : memref<400x64xf32, #tpu.memory_space<vmem>>, vector<1x16xf32>,
        %get3A_1355 = vector.shape_cast %get3A_1354 : vector<1x16xf32> to vector<16xf32>
        %add3A_1356 = arith.addf %add3A_1284, %get3A_1355 : vector<16xf32>
        %add3A_1357 = arith.constant 36 : i32
        %add3A_1358 = arith.addi %mul3A_85, %add3A_1357 : i32
        %add3A_1359 = arith.constant 0 : i32
        %add3A_1360 = arith.addi %add3A_1358, %add3A_1359 : i32
        %get3A_1361 = arith.index_cast %add3A_1360 : i32 to index
        %get3A_1362 = arith.constant 0 : index
        %get3A_1363 = tpu.vector_load %arg15[%get3A_1361, %get3A_1362] {strides = array<i32>} : memref<400x64xf32, #tpu.memory_space<vmem>>, vector<1x16xf32>,
        %get3A_1364 = vector.shape_cast %get3A_1363 : vector<1x16xf32> to vector<16xf32>
        %add3A_1365 = arith.addf %add3A_1293, %get3A_1364 : vector<16xf32>
        %add3A_1366 = arith.constant 36 : i32
        %add3A_1367 = arith.addi %mul3A_85, %add3A_1366 : i32
        %add3A_1368 = arith.constant 1 : i32
        %add3A_1369 = arith.addi %add3A_1367, %add3A_1368 : i32
        %get3A_1370 = arith.index_cast %add3A_1369 : i32 to index
        %get3A_1371 = arith.constant 0 : index
        %get3A_1372 = tpu.vector_load %arg15[%get3A_1370, %get3A_1371] {strides = array<i32>} : memref<400x64xf32, #tpu.memory_space<vmem>>, vector<1x16xf32>,
        %get3A_1373 = vector.shape_cast %get3A_1372 : vector<1x16xf32> to vector<16xf32>
        %add3A_1374 = arith.addf %add3A_1302, %get3A_1373 : vector<16xf32>
        %add3A_1375 = arith.constant 36 : i32
        %add3A_1376 = arith.addi %mul3A_85, %add3A_1375 : i32
        %add3A_1377 = arith.constant 0 : i32
        %add3A_1378 = arith.addi %add3A_1376, %add3A_1377 : i32
        %get3A_1379 = arith.index_cast %add3A_1378 : i32 to index
        %get3A_1380 = arith.constant 16 : index
        %get3A_1381 = tpu.vector_load %arg15[%get3A_1379, %get3A_1380] {strides = array<i32>} : memref<400x64xf32, #tpu.memory_space<vmem>>, vector<1x16xf32>,
        %get3A_1382 = vector.shape_cast %get3A_1381 : vector<1x16xf32> to vector<16xf32>
        %add3A_1383 = arith.addf %add3A_1311, %get3A_1382 : vector<16xf32>
        %add3A_1384 = arith.constant 36 : i32
        %add3A_1385 = arith.addi %mul3A_85, %add3A_1384 : i32
        %add3A_1386 = arith.constant 1 : i32
        %add3A_1387 = arith.addi %add3A_1385, %add3A_1386 : i32
        %get3A_1388 = arith.index_cast %add3A_1387 : i32 to index
        %get3A_1389 = arith.constant 16 : index
        %get3A_1390 = tpu.vector_load %arg15[%get3A_1388, %get3A_1389] {strides = array<i32>} : memref<400x64xf32, #tpu.memory_space<vmem>>, vector<1x16xf32>,
        %get3A_1391 = vector.shape_cast %get3A_1390 : vector<1x16xf32> to vector<16xf32>
        %add3A_1392 = arith.addf %add3A_1320, %get3A_1391 : vector<16xf32>
        %add3A_1393 = arith.constant 36 : i32
        %add3A_1394 = arith.addi %mul3A_85, %add3A_1393 : i32
        %add3A_1395 = arith.constant 0 : i32
        %add3A_1396 = arith.addi %add3A_1394, %add3A_1395 : i32
        %get3A_1397 = arith.index_cast %add3A_1396 : i32 to index
        %get3A_1398 = arith.constant 32 : index
        %get3A_1399 = tpu.vector_load %arg15[%get3A_1397, %get3A_1398] {strides = array<i32>} : memref<400x64xf32, #tpu.memory_space<vmem>>, vector<1x16xf32>,
        %get3A_1400 = vector.shape_cast %get3A_1399 : vector<1x16xf32> to vector<16xf32>
        %add3A_1401 = arith.addf %add3A_1329, %get3A_1400 : vector<16xf32>
        %add3A_1402 = arith.constant 36 : i32
        %add3A_1403 = arith.addi %mul3A_85, %add3A_1402 : i32
        %add3A_1404 = arith.constant 1 : i32
        %add3A_1405 = arith.addi %add3A_1403, %add3A_1404 : i32
        %get3A_1406 = arith.index_cast %add3A_1405 : i32 to index
        %get3A_1407 = arith.constant 32 : index
        %get3A_1408 = tpu.vector_load %arg15[%get3A_1406, %get3A_1407] {strides = array<i32>} : memref<400x64xf32, #tpu.memory_space<vmem>>, vector<1x16xf32>,
        %get3A_1409 = vector.shape_cast %get3A_1408 : vector<1x16xf32> to vector<16xf32>
        %add3A_1410 = arith.addf %add3A_1338, %get3A_1409 : vector<16xf32>
        %add3A_1411 = arith.constant 36 : i32
        %add3A_1412 = arith.addi %mul3A_85, %add3A_1411 : i32
        %add3A_1413 = arith.constant 0 : i32
        %add3A_1414 = arith.addi %add3A_1412, %add3A_1413 : i32
        %get3A_1415 = arith.index_cast %add3A_1414 : i32 to index
        %get3A_1416 = arith.constant 48 : index
        %get3A_1417 = tpu.vector_load %arg15[%get3A_1415, %get3A_1416] {strides = array<i32>} : memref<400x64xf32, #tpu.memory_space<vmem>>, vector<1x16xf32>,
        %get3A_1418 = vector.shape_cast %get3A_1417 : vector<1x16xf32> to vector<16xf32>
        %add3A_1419 = arith.addf %add3A_1347, %get3A_1418 : vector<16xf32>
        %add3A_1420 = arith.constant 36 : i32
        %add3A_1421 = arith.addi %mul3A_85, %add3A_1420 : i32
        %add3A_1422 = arith.constant 1 : i32
        %add3A_1423 = arith.addi %add3A_1421, %add3A_1422 : i32
        %get3A_1424 = arith.index_cast %add3A_1423 : i32 to index
        %get3A_1425 = arith.constant 48 : index
        %get3A_1426 = tpu.vector_load %arg15[%get3A_1424, %get3A_1425] {strides = array<i32>} : memref<400x64xf32, #tpu.memory_space<vmem>>, vector<1x16xf32>,
        %get3A_1427 = vector.shape_cast %get3A_1426 : vector<1x16xf32> to vector<16xf32>
        %add3A_1428 = arith.addf %add3A_1356, %get3A_1427 : vector<16xf32>
        %add3A_1429 = arith.constant 38 : i32
        %add3A_1430 = arith.addi %mul3A_85, %add3A_1429 : i32
        %add3A_1431 = arith.constant 0 : i32
        %add3A_1432 = arith.addi %add3A_1430, %add3A_1431 : i32
        %get3A_1433 = arith.index_cast %add3A_1432 : i32 to index
        %get3A_1434 = arith.constant 0 : index
        %get3A_1435 = tpu.vector_load %arg15[%get3A_1433, %get3A_1434] {strides = array<i32>} : memref<400x64xf32, #tpu.memory_space<vmem>>, vector<1x16xf32>,
        %get3A_1436 = vector.shape_cast %get3A_1435 : vector<1x16xf32> to vector<16xf32>
        %add3A_1437 = arith.addf %add3A_1365, %get3A_1436 : vector<16xf32>
        %add3A_1438 = arith.constant 38 : i32
        %add3A_1439 = arith.addi %mul3A_85, %add3A_1438 : i32
        %add3A_1440 = arith.constant 1 : i32
        %add3A_1441 = arith.addi %add3A_1439, %add3A_1440 : i32
        %get3A_1442 = arith.index_cast %add3A_1441 : i32 to index
        %get3A_1443 = arith.constant 0 : index
        %get3A_1444 = tpu.vector_load %arg15[%get3A_1442, %get3A_1443] {strides = array<i32>} : memref<400x64xf32, #tpu.memory_space<vmem>>, vector<1x16xf32>,
        %get3A_1445 = vector.shape_cast %get3A_1444 : vector<1x16xf32> to vector<16xf32>
        %add3A_1446 = arith.addf %add3A_1374, %get3A_1445 : vector<16xf32>
        %add3A_1447 = arith.constant 38 : i32
        %add3A_1448 = arith.addi %mul3A_85, %add3A_1447 : i32
        %add3A_1449 = arith.constant 0 : i32
        %add3A_1450 = arith.addi %add3A_1448, %add3A_1449 : i32
        %get3A_1451 = arith.index_cast %add3A_1450 : i32 to index
        %get3A_1452 = arith.constant 16 : index
        %get3A_1453 = tpu.vector_load %arg15[%get3A_1451, %get3A_1452] {strides = array<i32>} : memref<400x64xf32, #tpu.memory_space<vmem>>, vector<1x16xf32>,
        %get3A_1454 = vector.shape_cast %get3A_1453 : vector<1x16xf32> to vector<16xf32>
        %add3A_1455 = arith.addf %add3A_1383, %get3A_1454 : vector<16xf32>
        %add3A_1456 = arith.constant 38 : i32
        %add3A_1457 = arith.addi %mul3A_85, %add3A_1456 : i32
        %add3A_1458 = arith.constant 1 : i32
        %add3A_1459 = arith.addi %add3A_1457, %add3A_1458 : i32
        %get3A_1460 = arith.index_cast %add3A_1459 : i32 to index
        %get3A_1461 = arith.constant 16 : index
        %get3A_1462 = tpu.vector_load %arg15[%get3A_1460, %get3A_1461] {strides = array<i32>} : memref<400x64xf32, #tpu.memory_space<vmem>>, vector<1x16xf32>,
        %get3A_1463 = vector.shape_cast %get3A_1462 : vector<1x16xf32> to vector<16xf32>
        %add3A_1464 = arith.addf %add3A_1392, %get3A_1463 : vector<16xf32>
        %add3A_1465 = arith.constant 38 : i32
        %add3A_1466 = arith.addi %mul3A_85, %add3A_1465 : i32
        %add3A_1467 = arith.constant 0 : i32
        %add3A_1468 = arith.addi %add3A_1466, %add3A_1467 : i32
        %get3A_1469 = arith.index_cast %add3A_1468 : i32 to index
        %get3A_1470 = arith.constant 32 : index
        %get3A_1471 = tpu.vector_load %arg15[%get3A_1469, %get3A_1470] {strides = array<i32>} : memref<400x64xf32, #tpu.memory_space<vmem>>, vector<1x16xf32>,
        %get3A_1472 = vector.shape_cast %get3A_1471 : vector<1x16xf32> to vector<16xf32>
        %add3A_1473 = arith.addf %add3A_1401, %get3A_1472 : vector<16xf32>
        %add3A_1474 = arith.constant 38 : i32
        %add3A_1475 = arith.addi %mul3A_85, %add3A_1474 : i32
        %add3A_1476 = arith.constant 1 : i32
        %add3A_1477 = arith.addi %add3A_1475, %add3A_1476 : i32
        %get3A_1478 = arith.index_cast %add3A_1477 : i32 to index
        %get3A_1479 = arith.constant 32 : index
        %get3A_1480 = tpu.vector_load %arg15[%get3A_1478, %get3A_1479] {strides = array<i32>} : memref<400x64xf32, #tpu.memory_space<vmem>>, vector<1x16xf32>,
        %get3A_1481 = vector.shape_cast %get3A_1480 : vector<1x16xf32> to vector<16xf32>
        %add3A_1482 = arith.addf %add3A_1410, %get3A_1481 : vector<16xf32>
        %add3A_1483 = arith.constant 38 : i32
        %add3A_1484 = arith.addi %mul3A_85, %add3A_1483 : i32
        %add3A_1485 = arith.constant 0 : i32
        %add3A_1486 = arith.addi %add3A_1484, %add3A_1485 : i32
        %get3A_1487 = arith.index_cast %add3A_1486 : i32 to index
        %get3A_1488 = arith.constant 48 : index
        %get3A_1489 = tpu.vector_load %arg15[%get3A_1487, %get3A_1488] {strides = array<i32>} : memref<400x64xf32, #tpu.memory_space<vmem>>, vector<1x16xf32>,
        %get3A_1490 = vector.shape_cast %get3A_1489 : vector<1x16xf32> to vector<16xf32>
        %add3A_1491 = arith.addf %add3A_1419, %get3A_1490 : vector<16xf32>
        %add3A_1492 = arith.constant 38 : i32
        %add3A_1493 = arith.addi %mul3A_85, %add3A_1492 : i32
        %add3A_1494 = arith.constant 1 : i32
        %add3A_1495 = arith.addi %add3A_1493, %add3A_1494 : i32
        %get3A_1496 = arith.index_cast %add3A_1495 : i32 to index
        %get3A_1497 = arith.constant 48 : index
        %get3A_1498 = tpu.vector_load %arg15[%get3A_1496, %get3A_1497] {strides = array<i32>} : memref<400x64xf32, #tpu.memory_space<vmem>>, vector<1x16xf32>,
        %get3A_1499 = vector.shape_cast %get3A_1498 : vector<1x16xf32> to vector<16xf32>
        %add3A_1500 = arith.addf %add3A_1428, %get3A_1499 : vector<16xf32>
        %add3A_1501 = arith.constant 40 : i32
        %add3A_1502 = arith.addi %mul3A_85, %add3A_1501 : i32
        %add3A_1503 = arith.constant 0 : i32
        %add3A_1504 = arith.addi %add3A_1502, %add3A_1503 : i32
        %get3A_1505 = arith.index_cast %add3A_1504 : i32 to index
        %get3A_1506 = arith.constant 0 : index
        %get3A_1507 = tpu.vector_load %arg15[%get3A_1505, %get3A_1506] {strides = array<i32>} : memref<400x64xf32, #tpu.memory_space<vmem>>, vector<1x16xf32>,
        %get3A_1508 = vector.shape_cast %get3A_1507 : vector<1x16xf32> to vector<16xf32>
        %add3A_1509 = arith.addf %add3A_1437, %get3A_1508 : vector<16xf32>
        %add3A_1510 = arith.constant 40 : i32
        %add3A_1511 = arith.addi %mul3A_85, %add3A_1510 : i32
        %add3A_1512 = arith.constant 1 : i32
        %add3A_1513 = arith.addi %add3A_1511, %add3A_1512 : i32
        %get3A_1514 = arith.index_cast %add3A_1513 : i32 to index
        %get3A_1515 = arith.constant 0 : index
        %get3A_1516 = tpu.vector_load %arg15[%get3A_1514, %get3A_1515] {strides = array<i32>} : memref<400x64xf32, #tpu.memory_space<vmem>>, vector<1x16xf32>,
        %get3A_1517 = vector.shape_cast %get3A_1516 : vector<1x16xf32> to vector<16xf32>
        %add3A_1518 = arith.addf %add3A_1446, %get3A_1517 : vector<16xf32>
        %add3A_1519 = arith.constant 40 : i32
        %add3A_1520 = arith.addi %mul3A_85, %add3A_1519 : i32
        %add3A_1521 = arith.constant 0 : i32
        %add3A_1522 = arith.addi %add3A_1520, %add3A_1521 : i32
        %get3A_1523 = arith.index_cast %add3A_1522 : i32 to index
        %get3A_1524 = arith.constant 16 : index
        %get3A_1525 = tpu.vector_load %arg15[%get3A_1523, %get3A_1524] {strides = array<i32>} : memref<400x64xf32, #tpu.memory_space<vmem>>, vector<1x16xf32>,
        %get3A_1526 = vector.shape_cast %get3A_1525 : vector<1x16xf32> to vector<16xf32>
        %add3A_1527 = arith.addf %add3A_1455, %get3A_1526 : vector<16xf32>
        %add3A_1528 = arith.constant 40 : i32
        %add3A_1529 = arith.addi %mul3A_85, %add3A_1528 : i32
        %add3A_1530 = arith.constant 1 : i32
        %add3A_1531 = arith.addi %add3A_1529, %add3A_1530 : i32
        %get3A_1532 = arith.index_cast %add3A_1531 : i32 to index
        %get3A_1533 = arith.constant 16 : index
        %get3A_1534 = tpu.vector_load %arg15[%get3A_1532, %get3A_1533] {strides = array<i32>} : memref<400x64xf32, #tpu.memory_space<vmem>>, vector<1x16xf32>,
        %get3A_1535 = vector.shape_cast %get3A_1534 : vector<1x16xf32> to vector<16xf32>
        %add3A_1536 = arith.addf %add3A_1464, %get3A_1535 : vector<16xf32>
        %add3A_1537 = arith.constant 40 : i32
        %add3A_1538 = arith.addi %mul3A_85, %add3A_1537 : i32
        %add3A_1539 = arith.constant 0 : i32
        %add3A_1540 = arith.addi %add3A_1538, %add3A_1539 : i32
        %get3A_1541 = arith.index_cast %add3A_1540 : i32 to index
        %get3A_1542 = arith.constant 32 : index
        %get3A_1543 = tpu.vector_load %arg15[%get3A_1541, %get3A_1542] {strides = array<i32>} : memref<400x64xf32, #tpu.memory_space<vmem>>, vector<1x16xf32>,
        %get3A_1544 = vector.shape_cast %get3A_1543 : vector<1x16xf32> to vector<16xf32>
        %add3A_1545 = arith.addf %add3A_1473, %get3A_1544 : vector<16xf32>
        %add3A_1546 = arith.constant 40 : i32
        %add3A_1547 = arith.addi %mul3A_85, %add3A_1546 : i32
        %add3A_1548 = arith.constant 1 : i32
        %add3A_1549 = arith.addi %add3A_1547, %add3A_1548 : i32
        %get3A_1550 = arith.index_cast %add3A_1549 : i32 to index
        %get3A_1551 = arith.constant 32 : index
        %get3A_1552 = tpu.vector_load %arg15[%get3A_1550, %get3A_1551] {strides = array<i32>} : memref<400x64xf32, #tpu.memory_space<vmem>>, vector<1x16xf32>,
        %get3A_1553 = vector.shape_cast %get3A_1552 : vector<1x16xf32> to vector<16xf32>
        %add3A_1554 = arith.addf %add3A_1482, %get3A_1553 : vector<16xf32>
        %add3A_1555 = arith.constant 40 : i32
        %add3A_1556 = arith.addi %mul3A_85, %add3A_1555 : i32
        %add3A_1557 = arith.constant 0 : i32
        %add3A_1558 = arith.addi %add3A_1556, %add3A_1557 : i32
        %get3A_1559 = arith.index_cast %add3A_1558 : i32 to index
        %get3A_1560 = arith.constant 48 : index
        %get3A_1561 = tpu.vector_load %arg15[%get3A_1559, %get3A_1560] {strides = array<i32>} : memref<400x64xf32, #tpu.memory_space<vmem>>, vector<1x16xf32>,
        %get3A_1562 = vector.shape_cast %get3A_1561 : vector<1x16xf32> to vector<16xf32>
        %add3A_1563 = arith.addf %add3A_1491, %get3A_1562 : vector<16xf32>
        %add3A_1564 = arith.constant 40 : i32
        %add3A_1565 = arith.addi %mul3A_85, %add3A_1564 : i32
        %add3A_1566 = arith.constant 1 : i32
        %add3A_1567 = arith.addi %add3A_1565, %add3A_1566 : i32
        %get3A_1568 = arith.index_cast %add3A_1567 : i32 to index
        %get3A_1569 = arith.constant 48 : index
        %get3A_1570 = tpu.vector_load %arg15[%get3A_1568, %get3A_1569] {strides = array<i32>} : memref<400x64xf32, #tpu.memory_space<vmem>>, vector<1x16xf32>,
        %get3A_1571 = vector.shape_cast %get3A_1570 : vector<1x16xf32> to vector<16xf32>
        %add3A_1572 = arith.addf %add3A_1500, %get3A_1571 : vector<16xf32>
        %add3A_1573 = arith.constant 42 : i32
        %add3A_1574 = arith.addi %mul3A_85, %add3A_1573 : i32
        %add3A_1575 = arith.constant 0 : i32
        %add3A_1576 = arith.addi %add3A_1574, %add3A_1575 : i32
        %get3A_1577 = arith.index_cast %add3A_1576 : i32 to index
        %get3A_1578 = arith.constant 0 : index
        %get3A_1579 = tpu.vector_load %arg15[%get3A_1577, %get3A_1578] {strides = array<i32>} : memref<400x64xf32, #tpu.memory_space<vmem>>, vector<1x16xf32>,
        %get3A_1580 = vector.shape_cast %get3A_1579 : vector<1x16xf32> to vector<16xf32>
        %add3A_1581 = arith.addf %add3A_1509, %get3A_1580 : vector<16xf32>
        %add3A_1582 = arith.constant 42 : i32
        %add3A_1583 = arith.addi %mul3A_85, %add3A_1582 : i32
        %add3A_1584 = arith.constant 1 : i32
        %add3A_1585 = arith.addi %add3A_1583, %add3A_1584 : i32
        %get3A_1586 = arith.index_cast %add3A_1585 : i32 to index
        %get3A_1587 = arith.constant 0 : index
        %get3A_1588 = tpu.vector_load %arg15[%get3A_1586, %get3A_1587] {strides = array<i32>} : memref<400x64xf32, #tpu.memory_space<vmem>>, vector<1x16xf32>,
        %get3A_1589 = vector.shape_cast %get3A_1588 : vector<1x16xf32> to vector<16xf32>
        %add3A_1590 = arith.addf %add3A_1518, %get3A_1589 : vector<16xf32>
        %add3A_1591 = arith.constant 42 : i32
        %add3A_1592 = arith.addi %mul3A_85, %add3A_1591 : i32
        %add3A_1593 = arith.constant 0 : i32
        %add3A_1594 = arith.addi %add3A_1592, %add3A_1593 : i32
        %get3A_1595 = arith.index_cast %add3A_1594 : i32 to index
        %get3A_1596 = arith.constant 16 : index
        %get3A_1597 = tpu.vector_load %arg15[%get3A_1595, %get3A_1596] {strides = array<i32>} : memref<400x64xf32, #tpu.memory_space<vmem>>, vector<1x16xf32>,
        %get3A_1598 = vector.shape_cast %get3A_1597 : vector<1x16xf32> to vector<16xf32>
        %add3A_1599 = arith.addf %add3A_1527, %get3A_1598 : vector<16xf32>
        %add3A_1600 = arith.constant 42 : i32
        %add3A_1601 = arith.addi %mul3A_85, %add3A_1600 : i32
        %add3A_1602 = arith.constant 1 : i32
        %add3A_1603 = arith.addi %add3A_1601, %add3A_1602 : i32
        %get3A_1604 = arith.index_cast %add3A_1603 : i32 to index
        %get3A_1605 = arith.constant 16 : index
        %get3A_1606 = tpu.vector_load %arg15[%get3A_1604, %get3A_1605] {strides = array<i32>} : memref<400x64xf32, #tpu.memory_space<vmem>>, vector<1x16xf32>,
        %get3A_1607 = vector.shape_cast %get3A_1606 : vector<1x16xf32> to vector<16xf32>
        %add3A_1608 = arith.addf %add3A_1536, %get3A_1607 : vector<16xf32>
        %add3A_1609 = arith.constant 42 : i32
        %add3A_1610 = arith.addi %mul3A_85, %add3A_1609 : i32
        %add3A_1611 = arith.constant 0 : i32
        %add3A_1612 = arith.addi %add3A_1610, %add3A_1611 : i32
        %get3A_1613 = arith.index_cast %add3A_1612 : i32 to index
        %get3A_1614 = arith.constant 32 : index
        %get3A_1615 = tpu.vector_load %arg15[%get3A_1613, %get3A_1614] {strides = array<i32>} : memref<400x64xf32, #tpu.memory_space<vmem>>, vector<1x16xf32>,
        %get3A_1616 = vector.shape_cast %get3A_1615 : vector<1x16xf32> to vector<16xf32>
        %add3A_1617 = arith.addf %add3A_1545, %get3A_1616 : vector<16xf32>
        %add3A_1618 = arith.constant 42 : i32
        %add3A_1619 = arith.addi %mul3A_85, %add3A_1618 : i32
        %add3A_1620 = arith.constant 1 : i32
        %add3A_1621 = arith.addi %add3A_1619, %add3A_1620 : i32
        %get3A_1622 = arith.index_cast %add3A_1621 : i32 to index
        %get3A_1623 = arith.constant 32 : index
        %get3A_1624 = tpu.vector_load %arg15[%get3A_1622, %get3A_1623] {strides = array<i32>} : memref<400x64xf32, #tpu.memory_space<vmem>>, vector<1x16xf32>,
        %get3A_1625 = vector.shape_cast %get3A_1624 : vector<1x16xf32> to vector<16xf32>
        %add3A_1626 = arith.addf %add3A_1554, %get3A_1625 : vector<16xf32>
        %add3A_1627 = arith.constant 42 : i32
        %add3A_1628 = arith.addi %mul3A_85, %add3A_1627 : i32
        %add3A_1629 = arith.constant 0 : i32
        %add3A_1630 = arith.addi %add3A_1628, %add3A_1629 : i32
        %get3A_1631 = arith.index_cast %add3A_1630 : i32 to index
        %get3A_1632 = arith.constant 48 : index
        %get3A_1633 = tpu.vector_load %arg15[%get3A_1631, %get3A_1632] {strides = array<i32>} : memref<400x64xf32, #tpu.memory_space<vmem>>, vector<1x16xf32>,
        %get3A_1634 = vector.shape_cast %get3A_1633 : vector<1x16xf32> to vector<16xf32>
        %add3A_1635 = arith.addf %add3A_1563, %get3A_1634 : vector<16xf32>
        %add3A_1636 = arith.constant 42 : i32
        %add3A_1637 = arith.addi %mul3A_85, %add3A_1636 : i32
        %add3A_1638 = arith.constant 1 : i32
        %add3A_1639 = arith.addi %add3A_1637, %add3A_1638 : i32
        %get3A_1640 = arith.index_cast %add3A_1639 : i32 to index
        %get3A_1641 = arith.constant 48 : index
        %get3A_1642 = tpu.vector_load %arg15[%get3A_1640, %get3A_1641] {strides = array<i32>} : memref<400x64xf32, #tpu.memory_space<vmem>>, vector<1x16xf32>,
        %get3A_1643 = vector.shape_cast %get3A_1642 : vector<1x16xf32> to vector<16xf32>
        %add3A_1644 = arith.addf %add3A_1572, %get3A_1643 : vector<16xf32>
        %add3A_1645 = arith.constant 44 : i32
        %add3A_1646 = arith.addi %mul3A_85, %add3A_1645 : i32
        %add3A_1647 = arith.constant 0 : i32
        %add3A_1648 = arith.addi %add3A_1646, %add3A_1647 : i32
        %get3A_1649 = arith.index_cast %add3A_1648 : i32 to index
        %get3A_1650 = arith.constant 0 : index
        %get3A_1651 = tpu.vector_load %arg15[%get3A_1649, %get3A_1650] {strides = array<i32>} : memref<400x64xf32, #tpu.memory_space<vmem>>, vector<1x16xf32>,
        %get3A_1652 = vector.shape_cast %get3A_1651 : vector<1x16xf32> to vector<16xf32>
        %add3A_1653 = arith.addf %add3A_1581, %get3A_1652 : vector<16xf32>
        %add3A_1654 = arith.constant 44 : i32
        %add3A_1655 = arith.addi %mul3A_85, %add3A_1654 : i32
        %add3A_1656 = arith.constant 1 : i32
        %add3A_1657 = arith.addi %add3A_1655, %add3A_1656 : i32
        %get3A_1658 = arith.index_cast %add3A_1657 : i32 to index
        %get3A_1659 = arith.constant 0 : index
        %get3A_1660 = tpu.vector_load %arg15[%get3A_1658, %get3A_1659] {strides = array<i32>} : memref<400x64xf32, #tpu.memory_space<vmem>>, vector<1x16xf32>,
        %get3A_1661 = vector.shape_cast %get3A_1660 : vector<1x16xf32> to vector<16xf32>
        %add3A_1662 = arith.addf %add3A_1590, %get3A_1661 : vector<16xf32>
        %add3A_1663 = arith.constant 44 : i32
        %add3A_1664 = arith.addi %mul3A_85, %add3A_1663 : i32
        %add3A_1665 = arith.constant 0 : i32
        %add3A_1666 = arith.addi %add3A_1664, %add3A_1665 : i32
        %get3A_1667 = arith.index_cast %add3A_1666 : i32 to index
        %get3A_1668 = arith.constant 16 : index
        %get3A_1669 = tpu.vector_load %arg15[%get3A_1667, %get3A_1668] {strides = array<i32>} : memref<400x64xf32, #tpu.memory_space<vmem>>, vector<1x16xf32>,
        %get3A_1670 = vector.shape_cast %get3A_1669 : vector<1x16xf32> to vector<16xf32>
        %add3A_1671 = arith.addf %add3A_1599, %get3A_1670 : vector<16xf32>
        %add3A_1672 = arith.constant 44 : i32
        %add3A_1673 = arith.addi %mul3A_85, %add3A_1672 : i32
        %add3A_1674 = arith.constant 1 : i32
        %add3A_1675 = arith.addi %add3A_1673, %add3A_1674 : i32
        %get3A_1676 = arith.index_cast %add3A_1675 : i32 to index
        %get3A_1677 = arith.constant 16 : index
        %get3A_1678 = tpu.vector_load %arg15[%get3A_1676, %get3A_1677] {strides = array<i32>} : memref<400x64xf32, #tpu.memory_space<vmem>>, vector<1x16xf32>,
        %get3A_1679 = vector.shape_cast %get3A_1678 : vector<1x16xf32> to vector<16xf32>
        %add3A_1680 = arith.addf %add3A_1608, %get3A_1679 : vector<16xf32>
        %add3A_1681 = arith.constant 44 : i32
        %add3A_1682 = arith.addi %mul3A_85, %add3A_1681 : i32
        %add3A_1683 = arith.constant 0 : i32
        %add3A_1684 = arith.addi %add3A_1682, %add3A_1683 : i32
        %get3A_1685 = arith.index_cast %add3A_1684 : i32 to index
        %get3A_1686 = arith.constant 32 : index
        %get3A_1687 = tpu.vector_load %arg15[%get3A_1685, %get3A_1686] {strides = array<i32>} : memref<400x64xf32, #tpu.memory_space<vmem>>, vector<1x16xf32>,
        %get3A_1688 = vector.shape_cast %get3A_1687 : vector<1x16xf32> to vector<16xf32>
        %add3A_1689 = arith.addf %add3A_1617, %get3A_1688 : vector<16xf32>
        %add3A_1690 = arith.constant 44 : i32
        %add3A_1691 = arith.addi %mul3A_85, %add3A_1690 : i32
        %add3A_1692 = arith.constant 1 : i32
        %add3A_1693 = arith.addi %add3A_1691, %add3A_1692 : i32
        %get3A_1694 = arith.index_cast %add3A_1693 : i32 to index
        %get3A_1695 = arith.constant 32 : index
        %get3A_1696 = tpu.vector_load %arg15[%get3A_1694, %get3A_1695] {strides = array<i32>} : memref<400x64xf32, #tpu.memory_space<vmem>>, vector<1x16xf32>,
        %get3A_1697 = vector.shape_cast %get3A_1696 : vector<1x16xf32> to vector<16xf32>
        %add3A_1698 = arith.addf %add3A_1626, %get3A_1697 : vector<16xf32>
        %add3A_1699 = arith.constant 44 : i32
        %add3A_1700 = arith.addi %mul3A_85, %add3A_1699 : i32
        %add3A_1701 = arith.constant 0 : i32
        %add3A_1702 = arith.addi %add3A_1700, %add3A_1701 : i32
        %get3A_1703 = arith.index_cast %add3A_1702 : i32 to index
        %get3A_1704 = arith.constant 48 : index
        %get3A_1705 = tpu.vector_load %arg15[%get3A_1703, %get3A_1704] {strides = array<i32>} : memref<400x64xf32, #tpu.memory_space<vmem>>, vector<1x16xf32>,
        %get3A_1706 = vector.shape_cast %get3A_1705 : vector<1x16xf32> to vector<16xf32>
        %add3A_1707 = arith.addf %add3A_1635, %get3A_1706 : vector<16xf32>
        %add3A_1708 = arith.constant 44 : i32
        %add3A_1709 = arith.addi %mul3A_85, %add3A_1708 : i32
        %add3A_1710 = arith.constant 1 : i32
        %add3A_1711 = arith.addi %add3A_1709, %add3A_1710 : i32
        %get3A_1712 = arith.index_cast %add3A_1711 : i32 to index
        %get3A_1713 = arith.constant 48 : index
        %get3A_1714 = tpu.vector_load %arg15[%get3A_1712, %get3A_1713] {strides = array<i32>} : memref<400x64xf32, #tpu.memory_space<vmem>>, vector<1x16xf32>,
        %get3A_1715 = vector.shape_cast %get3A_1714 : vector<1x16xf32> to vector<16xf32>
        %add3A_1716 = arith.addf %add3A_1644, %get3A_1715 : vector<16xf32>
        %add3A_1717 = arith.constant 46 : i32
        %add3A_1718 = arith.addi %mul3A_85, %add3A_1717 : i32
        %add3A_1719 = arith.constant 0 : i32
        %add3A_1720 = arith.addi %add3A_1718, %add3A_1719 : i32
        %get3A_1721 = arith.index_cast %add3A_1720 : i32 to index
        %get3A_1722 = arith.constant 0 : index
        %get3A_1723 = tpu.vector_load %arg15[%get3A_1721, %get3A_1722] {strides = array<i32>} : memref<400x64xf32, #tpu.memory_space<vmem>>, vector<1x16xf32>,
        %get3A_1724 = vector.shape_cast %get3A_1723 : vector<1x16xf32> to vector<16xf32>
        %add3A_1725 = arith.addf %add3A_1653, %get3A_1724 : vector<16xf32>
        %add3A_1726 = arith.constant 46 : i32
        %add3A_1727 = arith.addi %mul3A_85, %add3A_1726 : i32
        %add3A_1728 = arith.constant 1 : i32
        %add3A_1729 = arith.addi %add3A_1727, %add3A_1728 : i32
        %get3A_1730 = arith.index_cast %add3A_1729 : i32 to index
        %get3A_1731 = arith.constant 0 : index
        %get3A_1732 = tpu.vector_load %arg15[%get3A_1730, %get3A_1731] {strides = array<i32>} : memref<400x64xf32, #tpu.memory_space<vmem>>, vector<1x16xf32>,
        %get3A_1733 = vector.shape_cast %get3A_1732 : vector<1x16xf32> to vector<16xf32>
        %add3A_1734 = arith.addf %add3A_1662, %get3A_1733 : vector<16xf32>
        %add3A_1735 = arith.constant 46 : i32
        %add3A_1736 = arith.addi %mul3A_85, %add3A_1735 : i32
        %add3A_1737 = arith.constant 0 : i32
        %add3A_1738 = arith.addi %add3A_1736, %add3A_1737 : i32
        %get3A_1739 = arith.index_cast %add3A_1738 : i32 to index
        %get3A_1740 = arith.constant 16 : index
        %get3A_1741 = tpu.vector_load %arg15[%get3A_1739, %get3A_1740] {strides = array<i32>} : memref<400x64xf32, #tpu.memory_space<vmem>>, vector<1x16xf32>,
        %get3A_1742 = vector.shape_cast %get3A_1741 : vector<1x16xf32> to vector<16xf32>
        %add3A_1743 = arith.addf %add3A_1671, %get3A_1742 : vector<16xf32>
        %add3A_1744 = arith.constant 46 : i32
        %add3A_1745 = arith.addi %mul3A_85, %add3A_1744 : i32
        %add3A_1746 = arith.constant 1 : i32
        %add3A_1747 = arith.addi %add3A_1745, %add3A_1746 : i32
        %get3A_1748 = arith.index_cast %add3A_1747 : i32 to index
        %get3A_1749 = arith.constant 16 : index
        %get3A_1750 = tpu.vector_load %arg15[%get3A_1748, %get3A_1749] {strides = array<i32>} : memref<400x64xf32, #tpu.memory_space<vmem>>, vector<1x16xf32>,
        %get3A_1751 = vector.shape_cast %get3A_1750 : vector<1x16xf32> to vector<16xf32>
        %add3A_1752 = arith.addf %add3A_1680, %get3A_1751 : vector<16xf32>
        %add3A_1753 = arith.constant 46 : i32
        %add3A_1754 = arith.addi %mul3A_85, %add3A_1753 : i32
        %add3A_1755 = arith.constant 0 : i32
        %add3A_1756 = arith.addi %add3A_1754, %add3A_1755 : i32
        %get3A_1757 = arith.index_cast %add3A_1756 : i32 to index
        %get3A_1758 = arith.constant 32 : index
        %get3A_1759 = tpu.vector_load %arg15[%get3A_1757, %get3A_1758] {strides = array<i32>} : memref<400x64xf32, #tpu.memory_space<vmem>>, vector<1x16xf32>,
        %get3A_1760 = vector.shape_cast %get3A_1759 : vector<1x16xf32> to vector<16xf32>
        %add3A_1761 = arith.addf %add3A_1689, %get3A_1760 : vector<16xf32>
        %add3A_1762 = arith.constant 46 : i32
        %add3A_1763 = arith.addi %mul3A_85, %add3A_1762 : i32
        %add3A_1764 = arith.constant 1 : i32
        %add3A_1765 = arith.addi %add3A_1763, %add3A_1764 : i32
        %get3A_1766 = arith.index_cast %add3A_1765 : i32 to index
        %get3A_1767 = arith.constant 32 : index
        %get3A_1768 = tpu.vector_load %arg15[%get3A_1766, %get3A_1767] {strides = array<i32>} : memref<400x64xf32, #tpu.memory_space<vmem>>, vector<1x16xf32>,
        %get3A_1769 = vector.shape_cast %get3A_1768 : vector<1x16xf32> to vector<16xf32>
        %add3A_1770 = arith.addf %add3A_1698, %get3A_1769 : vector<16xf32>
        %add3A_1771 = arith.constant 46 : i32
        %add3A_1772 = arith.addi %mul3A_85, %add3A_1771 : i32
        %add3A_1773 = arith.constant 0 : i32
        %add3A_1774 = arith.addi %add3A_1772, %add3A_1773 : i32
        %get3A_1775 = arith.index_cast %add3A_1774 : i32 to index
        %get3A_1776 = arith.constant 48 : index
        %get3A_1777 = tpu.vector_load %arg15[%get3A_1775, %get3A_1776] {strides = array<i32>} : memref<400x64xf32, #tpu.memory_space<vmem>>, vector<1x16xf32>,
        %get3A_1778 = vector.shape_cast %get3A_1777 : vector<1x16xf32> to vector<16xf32>
        %add3A_1779 = arith.addf %add3A_1707, %get3A_1778 : vector<16xf32>
        %add3A_1780 = arith.constant 46 : i32
        %add3A_1781 = arith.addi %mul3A_85, %add3A_1780 : i32
        %add3A_1782 = arith.constant 1 : i32
        %add3A_1783 = arith.addi %add3A_1781, %add3A_1782 : i32
        %get3A_1784 = arith.index_cast %add3A_1783 : i32 to index
        %get3A_1785 = arith.constant 48 : index
        %get3A_1786 = tpu.vector_load %arg15[%get3A_1784, %get3A_1785] {strides = array<i32>} : memref<400x64xf32, #tpu.memory_space<vmem>>, vector<1x16xf32>,
        %get3A_1787 = vector.shape_cast %get3A_1786 : vector<1x16xf32> to vector<16xf32>
        %add3A_1788 = arith.addf %add3A_1716, %get3A_1787 : vector<16xf32>
        %add3A_1789 = arith.constant 48 : i32
        %add3A_1790 = arith.addi %mul3A_85, %add3A_1789 : i32
        %add3A_1791 = arith.constant 0 : i32
        %add3A_1792 = arith.addi %add3A_1790, %add3A_1791 : i32
        %get3A_1793 = arith.index_cast %add3A_1792 : i32 to index
        %get3A_1794 = arith.constant 0 : index
        %get3A_1795 = tpu.vector_load %arg15[%get3A_1793, %get3A_1794] {strides = array<i32>} : memref<400x64xf32, #tpu.memory_space<vmem>>, vector<1x16xf32>,
        %get3A_1796 = vector.shape_cast %get3A_1795 : vector<1x16xf32> to vector<16xf32>
        %add3A_1797 = arith.addf %add3A_1725, %get3A_1796 : vector<16xf32>
        %add3A_1798 = arith.constant 48 : i32
        %add3A_1799 = arith.addi %mul3A_85, %add3A_1798 : i32
        %add3A_1800 = arith.constant 1 : i32
        %add3A_1801 = arith.addi %add3A_1799, %add3A_1800 : i32
        %get3A_1802 = arith.index_cast %add3A_1801 : i32 to index
        %get3A_1803 = arith.constant 0 : index
        %get3A_1804 = tpu.vector_load %arg15[%get3A_1802, %get3A_1803] {strides = array<i32>} : memref<400x64xf32, #tpu.memory_space<vmem>>, vector<1x16xf32>,
        %get3A_1805 = vector.shape_cast %get3A_1804 : vector<1x16xf32> to vector<16xf32>
        %add3A_1806 = arith.addf %add3A_1734, %get3A_1805 : vector<16xf32>
        %add3A_1807 = arith.constant 48 : i32
        %add3A_1808 = arith.addi %mul3A_85, %add3A_1807 : i32
        %add3A_1809 = arith.constant 0 : i32
        %add3A_1810 = arith.addi %add3A_1808, %add3A_1809 : i32
        %get3A_1811 = arith.index_cast %add3A_1810 : i32 to index
        %get3A_1812 = arith.constant 16 : index
        %get3A_1813 = tpu.vector_load %arg15[%get3A_1811, %get3A_1812] {strides = array<i32>} : memref<400x64xf32, #tpu.memory_space<vmem>>, vector<1x16xf32>,
        %get3A_1814 = vector.shape_cast %get3A_1813 : vector<1x16xf32> to vector<16xf32>
        %add3A_1815 = arith.addf %add3A_1743, %get3A_1814 : vector<16xf32>
        %add3A_1816 = arith.constant 48 : i32
        %add3A_1817 = arith.addi %mul3A_85, %add3A_1816 : i32
        %add3A_1818 = arith.constant 1 : i32
        %add3A_1819 = arith.addi %add3A_1817, %add3A_1818 : i32
        %get3A_1820 = arith.index_cast %add3A_1819 : i32 to index
        %get3A_1821 = arith.constant 16 : index
        %get3A_1822 = tpu.vector_load %arg15[%get3A_1820, %get3A_1821] {strides = array<i32>} : memref<400x64xf32, #tpu.memory_space<vmem>>, vector<1x16xf32>,
        %get3A_1823 = vector.shape_cast %get3A_1822 : vector<1x16xf32> to vector<16xf32>
        %add3A_1824 = arith.addf %add3A_1752, %get3A_1823 : vector<16xf32>
        %add3A_1825 = arith.constant 48 : i32
        %add3A_1826 = arith.addi %mul3A_85, %add3A_1825 : i32
        %add3A_1827 = arith.constant 0 : i32
        %add3A_1828 = arith.addi %add3A_1826, %add3A_1827 : i32
        %get3A_1829 = arith.index_cast %add3A_1828 : i32 to index
        %get3A_1830 = arith.constant 32 : index
        %get3A_1831 = tpu.vector_load %arg15[%get3A_1829, %get3A_1830] {strides = array<i32>} : memref<400x64xf32, #tpu.memory_space<vmem>>, vector<1x16xf32>,
        %get3A_1832 = vector.shape_cast %get3A_1831 : vector<1x16xf32> to vector<16xf32>
        %add3A_1833 = arith.addf %add3A_1761, %get3A_1832 : vector<16xf32>
        %add3A_1834 = arith.constant 48 : i32
        %add3A_1835 = arith.addi %mul3A_85, %add3A_1834 : i32
        %add3A_1836 = arith.constant 1 : i32
        %add3A_1837 = arith.addi %add3A_1835, %add3A_1836 : i32
        %get3A_1838 = arith.index_cast %add3A_1837 : i32 to index
        %get3A_1839 = arith.constant 32 : index
        %get3A_1840 = tpu.vector_load %arg15[%get3A_1838, %get3A_1839] {strides = array<i32>} : memref<400x64xf32, #tpu.memory_space<vmem>>, vector<1x16xf32>,
        %get3A_1841 = vector.shape_cast %get3A_1840 : vector<1x16xf32> to vector<16xf32>
        %add3A_1842 = arith.addf %add3A_1770, %get3A_1841 : vector<16xf32>
        %add3A_1843 = arith.constant 48 : i32
        %add3A_1844 = arith.addi %mul3A_85, %add3A_1843 : i32
        %add3A_1845 = arith.constant 0 : i32
        %add3A_1846 = arith.addi %add3A_1844, %add3A_1845 : i32
        %get3A_1847 = arith.index_cast %add3A_1846 : i32 to index
        %get3A_1848 = arith.constant 48 : index
        %get3A_1849 = tpu.vector_load %arg15[%get3A_1847, %get3A_1848] {strides = array<i32>} : memref<400x64xf32, #tpu.memory_space<vmem>>, vector<1x16xf32>,
        %get3A_1850 = vector.shape_cast %get3A_1849 : vector<1x16xf32> to vector<16xf32>
        %add3A_1851 = arith.addf %add3A_1779, %get3A_1850 : vector<16xf32>
        %add3A_1852 = arith.constant 48 : i32
        %add3A_1853 = arith.addi %mul3A_85, %add3A_1852 : i32
        %add3A_1854 = arith.constant 1 : i32
        %add3A_1855 = arith.addi %add3A_1853, %add3A_1854 : i32
        %get3A_1856 = arith.index_cast %add3A_1855 : i32 to index
        %get3A_1857 = arith.constant 48 : index
        %get3A_1858 = tpu.vector_load %arg15[%get3A_1856, %get3A_1857] {strides = array<i32>} : memref<400x64xf32, #tpu.memory_space<vmem>>, vector<1x16xf32>,
        %get3A_1859 = vector.shape_cast %get3A_1858 : vector<1x16xf32> to vector<16xf32>
        %add3A_1860 = arith.addf %add3A_1788, %get3A_1859 : vector<16xf32>
        %add3A_1861 = arith.addf %add3A_1797, %add3A_1806 : vector<16xf32>
        %mul3A_1862 = arith.constant 2.000000e-02 : f32
        %mul3A_1863 = vector.broadcast %mul3A_1862 : f32 to vector<16xf32>
        %mul3A_1864 = arith.mulf %add3A_1861, %mul3A_1863 : vector<16xf32>
        %swap3A = arith.index_cast %add3A_83 : i32 to index
        %swap3A_1865 = arith.constant 0 : index
        %swap3A_1866 = tpu.vector_load %arg16[%swap3A, %swap3A_1865] {strides = array<i32>} : memref<128x64xf32, #tpu.memory_space<vmem>>, vector<1x16xf32>,
        %swap3A_1867 = vector.shape_cast %swap3A_1866 : vector<1x16xf32> to vector<16xf32>
        %swap3A_1868 = vector.shape_cast %mul3A_1864 : vector<16xf32> to vector<1x16xf32>
        tpu.vector_store %arg16[%swap3A, %swap3A_1865], %swap3A_1868 {strides = array<i32>} : memref<128x64xf32, #tpu.memory_space<vmem>>, vector<1x16xf32>,
        %add3A_1869 = arith.addf %add3A_1815, %add3A_1824 : vector<16xf32>
        %mul3A_1870 = arith.constant 2.000000e-02 : f32
        %mul3A_1871 = vector.broadcast %mul3A_1870 : f32 to vector<16xf32>
        %mul3A_1872 = arith.mulf %add3A_1869, %mul3A_1871 : vector<16xf32>
        %swap3A_1873 = arith.index_cast %add3A_83 : i32 to index
        %swap3A_1874 = arith.constant 16 : index
        %swap3A_1875 = tpu.vector_load %arg16[%swap3A_1873, %swap3A_1874] {strides = array<i32>} : memref<128x64xf32, #tpu.memory_space<vmem>>, vector<1x16xf32>,
        %swap3A_1876 = vector.shape_cast %swap3A_1875 : vector<1x16xf32> to vector<16xf32>
        %swap3A_1877 = vector.shape_cast %mul3A_1872 : vector<16xf32> to vector<1x16xf32>
        tpu.vector_store %arg16[%swap3A_1873, %swap3A_1874], %swap3A_1877 {strides = array<i32>} : memref<128x64xf32, #tpu.memory_space<vmem>>, vector<1x16xf32>,
        %add3A_1878 = arith.addf %add3A_1833, %add3A_1842 : vector<16xf32>
        %mul3A_1879 = arith.constant 2.000000e-02 : f32
        %mul3A_1880 = vector.broadcast %mul3A_1879 : f32 to vector<16xf32>
        %mul3A_1881 = arith.mulf %add3A_1878, %mul3A_1880 : vector<16xf32>
        %swap3A_1882 = arith.index_cast %add3A_83 : i32 to index
        %swap3A_1883 = arith.constant 32 : index
        %swap3A_1884 = tpu.vector_load %arg16[%swap3A_1882, %swap3A_1883] {strides = array<i32>} : memref<128x64xf32, #tpu.memory_space<vmem>>, vector<1x16xf32>,
        %swap3A_1885 = vector.shape_cast %swap3A_1884 : vector<1x16xf32> to vector<16xf32>
        %swap3A_1886 = vector.shape_cast %mul3A_1881 : vector<16xf32> to vector<1x16xf32>
        tpu.vector_store %arg16[%swap3A_1882, %swap3A_1883], %swap3A_1886 {strides = array<i32>} : memref<128x64xf32, #tpu.memory_space<vmem>>, vector<1x16xf32>,
        %add3A_1887 = arith.addf %add3A_1851, %add3A_1860 : vector<16xf32>
        %mul3A_1888 = arith.constant 2.000000e-02 : f32
        %mul3A_1889 = vector.broadcast %mul3A_1888 : f32 to vector<16xf32>
        %mul3A_1890 = arith.mulf %add3A_1887, %mul3A_1889 : vector<16xf32>
        %swap3A_1891 = arith.index_cast %add3A_83 : i32 to index
        %swap3A_1892 = arith.constant 48 : index
        %swap3A_1893 = tpu.vector_load %arg16[%swap3A_1891, %swap3A_1892] {strides = array<i32>} : memref<128x64xf32, #tpu.memory_space<vmem>>, vector<1x16xf32>,
        %swap3A_1894 = vector.shape_cast %swap3A_1893 : vector<1x16xf32> to vector<16xf32>
        %swap3A_1895 = vector.shape_cast %mul3A_1890 : vector<16xf32> to vector<1x16xf32>
        tpu.vector_store %arg16[%swap3A_1891, %swap3A_1892], %swap3A_1895 {strides = array<i32>} : memref<128x64xf32, #tpu.memory_space<vmem>>, vector<1x16xf32>,
        %scan3A_1896 = arith.constant 0 : i32
        scf.yield %scan3A_1896 : i32
      }
      %scan3A_77 = arith.constant 8 : i32
      %scan3A_78 = arith.constant 0 : i32
      scf.yield %scan3A_78 : i32
    }
    %scan3A_31 = arith.constant 8 : i32
    "tpu.region"() ({
      %run_scoped3A = tpu.sem_alloc : memref<!tpu.dma_semaphore, #tpu.memory_space<semaphore_mem>>
      %dma_start3A_32 = arith.constant 0 : i32
      %dma_start3A_33 = tpu.memref_slice %arg9[%mul3A_2, %dma_start3A_32] : memref<4096x64xf32, #tpu.memory_space<hbm>> -> memref<128x64xf32, #tpu.memory_space<hbm>>
      %dma_start3A_34 = arith.constant 0 : i32
      %dma_start3A_35 = tpu.memref_slice %arg9[%mul3A_2, %dma_start3A_34] : memref<4096x64xf32, #tpu.memory_space<hbm>> -> memref<128x64xf32, #tpu.memory_space<hbm>>
      tpu.enqueue_dma source(%arg16 : memref<128x64xf32, #tpu.memory_space<vmem>>) target(%dma_start3A_35 : memref<128x64xf32, #tpu.memory_space<hbm>>) target_semaphore(%run_scoped3A : memref<!tpu.dma_semaphore, #tpu.memory_space<semaphore_mem>>)
      %dma_wait3A_36 = arith.constant 0 : i32
      %dma_wait3A_37 = tpu.memref_slice %arg9[%mul3A_2, %dma_wait3A_36] : memref<4096x64xf32, #tpu.memory_space<hbm>> -> memref<128x64xf32, #tpu.memory_space<hbm>>
      %dma_wait3A_38 = arith.constant 0 : i32
      %dma_wait3A_39 = tpu.memref_slice %arg9[%mul3A_2, %dma_wait3A_38] : memref<4096x64xf32, #tpu.memory_space<hbm>> -> memref<128x64xf32, #tpu.memory_space<hbm>>
      tpu.wait_dma2 semaphore(%run_scoped3A : memref<!tpu.dma_semaphore, #tpu.memory_space<semaphore_mem>>) src(%arg16 : memref<128x64xf32, #tpu.memory_space<vmem>>) dst(%dma_wait3A_39 : memref<128x64xf32, #tpu.memory_space<hbm>>)
      tpu.yield
    }) : () -> ()
    return
  }
}

module attributes {stable_mosaic.version = 14 : i64} {
  func.func @_tc_mean_kernel(%arg0: i32, %arg1: memref<512x20x64xf32, #tpu.memory_space<vmem>>, %arg2: memref<512x20x64xf32, #tpu.memory_space<vmem>>, %arg3: memref<512x64xf32, #tpu.memory_space<vmem>>, %arg4: memref<512x64xf32, #tpu.memory_space<vmem>>) attributes {dimension_semantics = [#tpu.dimension_semantics<arbitrary>], iteration_bounds = array<i64: 8>, scalar_prefetch = 0 : i64, scratch_operands = 0 : i64, tpu.core_type = #tpu.core_type<tc>, window_params = [{transform_indices = @transform_0, window_bounds = array<i64: 512, 20, 64>}, {transform_indices = @transform_1, window_bounds = array<i64: 512, 20, 64>}, {transform_indices = @transform_2, window_bounds = array<i64: 512, 64>}, {transform_indices = @transform_3, window_bounds = array<i64: 512, 64>}]} {
    %get3A = arith.constant 0 : index
    %get3A_0 = arith.constant 0 : index
    %get3A_1 = arith.constant 0 : index
    %get3A_2 = vector.load %arg1[%get3A, %get3A_0, %get3A_1] : memref<512x20x64xf32, #tpu.memory_space<vmem>>, vector<512x20x64xf32>
    %reduce_sum3A = arith.constant dense<0.000000e+00> : vector<512x64xf32>
    %reduce_sum3A_3 = vector.multi_reduction <add>, %get3A_2, %reduce_sum3A [1] : vector<512x20x64xf32> to vector<512x64xf32>
    %div3A = arith.constant 2.000000e+01 : f32
    %div3A_4 = vector.broadcast %div3A : f32 to vector<512x64xf32>
    %div3A_5 = arith.divf %reduce_sum3A_3, %div3A_4 : vector<512x64xf32>
    %swap3A = arith.constant 0 : index
    %swap3A_6 = arith.constant 0 : index
    %swap3A_7 = vector.load %arg3[%swap3A, %swap3A_6] : memref<512x64xf32, #tpu.memory_space<vmem>>, vector<512x64xf32>
    tpu.vector_store %arg3[%swap3A, %swap3A_6], %div3A_5 {strides = array<i32>} : memref<512x64xf32, #tpu.memory_space<vmem>>, vector<512x64xf32>,
    %get3A_8 = arith.constant 0 : index
    %get3A_9 = arith.constant 0 : index
    %get3A_10 = arith.constant 0 : index
    %get3A_11 = vector.load %arg2[%get3A_8, %get3A_9, %get3A_10] : memref<512x20x64xf32, #tpu.memory_space<vmem>>, vector<512x20x64xf32>
    %reduce_sum3A_12 = arith.constant dense<0.000000e+00> : vector<512x64xf32>
    %reduce_sum3A_13 = vector.multi_reduction <add>, %get3A_11, %reduce_sum3A_12 [1] : vector<512x20x64xf32> to vector<512x64xf32>
    %div3A_14 = arith.constant 2.000000e+01 : f32
    %div3A_15 = vector.broadcast %div3A_14 : f32 to vector<512x64xf32>
    %div3A_16 = arith.divf %reduce_sum3A_13, %div3A_15 : vector<512x64xf32>
    %swap3A_17 = arith.constant 0 : index
    %swap3A_18 = arith.constant 0 : index
    %swap3A_19 = vector.load %arg4[%swap3A_17, %swap3A_18] : memref<512x64xf32, #tpu.memory_space<vmem>>, vector<512x64xf32>
    tpu.vector_store %arg4[%swap3A_17, %swap3A_18], %div3A_16 {strides = array<i32>} : memref<512x64xf32, #tpu.memory_space<vmem>>, vector<512x64xf32>,
    return
  }
  func.func @transform_0(%arg0: i32) -> (i32, i32, i32) {
    %c0_i32 = arith.constant 0 : i32
    %c0_i32_0 = arith.constant 0 : i32
    %c0_i32_1 = arith.constant 0 : i32
    return %arg0, %c0_i32, %c0_i32_0 : i32, i32, i32
  }
  func.func @transform_1(%arg0: i32) -> (i32, i32, i32) {
    %c0_i32 = arith.constant 0 : i32
    %c0_i32_0 = arith.constant 0 : i32
    %c0_i32_1 = arith.constant 0 : i32
    return %arg0, %c0_i32, %c0_i32_0 : i32, i32, i32
  }
  func.func @transform_2(%arg0: i32) -> (i32, i32) {
    %c0_i32 = arith.constant 0 : i32
    %c0_i32_0 = arith.constant 0 : i32
    return %arg0, %c0_i32 : i32, i32
  }
  func.func @transform_3(%arg0: i32) -> (i32, i32) {
    %c0_i32 = arith.constant 0 : i32
    %c0_i32_0 = arith.constant 0 : i32
    return %arg0, %c0_i32 : i32, i32
  }
}

module attributes {stable_mosaic.version = 14 : i64} {
  func.func @_tc_tower_kernel(%arg0: memref<4096x64xf32, #tpu.memory_space<vmem>>, %arg1: memref<4096x64xf32, #tpu.memory_space<vmem>>, %arg2: memref<4096x64xf32, #tpu.memory_space<vmem>>, %arg3: memref<4096x64xf32, #tpu.memory_space<vmem>>, %arg4: memref<4096x64xf32, #tpu.memory_space<vmem>>, %arg5: memref<4096x8xf32, #tpu.memory_space<vmem>>, %arg6: memref<328xf32, #tpu.memory_space<vmem>>, %arg7: memref<328xf32, #tpu.memory_space<vmem>>, %arg8: memref<328x512xf32, #tpu.memory_space<vmem>>, %arg9: memref<512xf32, #tpu.memory_space<vmem>>, %arg10: memref<512xf32, #tpu.memory_space<vmem>>, %arg11: memref<512xf32, #tpu.memory_space<vmem>>, %arg12: memref<512x512xf32, #tpu.memory_space<vmem>>, %arg13: memref<512xf32, #tpu.memory_space<vmem>>, %arg14: memref<512x256xf32, #tpu.memory_space<vmem>>, %arg15: memref<256xf32, #tpu.memory_space<vmem>>, %arg16: memref<256x128xf32, #tpu.memory_space<vmem>>, %arg17: memref<128xf32, #tpu.memory_space<vmem>>, %arg18: memref<128x64xf32, #tpu.memory_space<vmem>>, %arg19: memref<64xf32, #tpu.memory_space<vmem>>, %arg20: memref<4096x64xf32, #tpu.memory_space<vmem>>) attributes {dimension_semantics = [], scalar_prefetch = 0 : i64, scratch_operands = 0 : i64, tpu.core_type = #tpu.core_type<tc>} {
    %get3A = arith.constant 0 : index
    %get3A_0 = arith.constant 0 : index
    %get3A_1 = vector.load %arg0[%get3A, %get3A_0] : memref<4096x64xf32, #tpu.memory_space<vmem>>, vector<4096x64xf32>
    %get3A_2 = arith.constant 0 : index
    %get3A_3 = arith.constant 0 : index
    %get3A_4 = vector.load %arg1[%get3A_2, %get3A_3] : memref<4096x64xf32, #tpu.memory_space<vmem>>, vector<4096x64xf32>
    %get3A_5 = arith.constant 0 : index
    %get3A_6 = arith.constant 0 : index
    %get3A_7 = vector.load %arg2[%get3A_5, %get3A_6] : memref<4096x64xf32, #tpu.memory_space<vmem>>, vector<4096x64xf32>
    %get3A_8 = arith.constant 0 : index
    %get3A_9 = arith.constant 0 : index
    %get3A_10 = vector.load %arg3[%get3A_8, %get3A_9] : memref<4096x64xf32, #tpu.memory_space<vmem>>, vector<4096x64xf32>
    %get3A_11 = arith.constant 0 : index
    %get3A_12 = arith.constant 0 : index
    %get3A_13 = vector.load %arg4[%get3A_11, %get3A_12] : memref<4096x64xf32, #tpu.memory_space<vmem>>, vector<4096x64xf32>
    %get3A_14 = arith.constant 0 : index
    %get3A_15 = arith.constant 0 : index
    %get3A_16 = vector.load %arg5[%get3A_14, %get3A_15] : memref<4096x8xf32, #tpu.memory_space<vmem>>, vector<4096x8xf32>
    %concatenate3A = tpu.concatenate %get3A_1, %get3A_4, %get3A_7, %get3A_10, %get3A_13, %get3A_16 in 1 : vector<4096x64xf32>, vector<4096x64xf32>, vector<4096x64xf32>, vector<4096x64xf32>, vector<4096x64xf32>, vector<4096x8xf32> -> vector<4096x328xf32>
    %get3A_17 = arith.constant 0 : index
    %get3A_18 = vector.load %arg6[%get3A_17] : memref<328xf32, #tpu.memory_space<vmem>>, vector<328xf32>
    %get3A_19 = arith.constant 0 : index
    %get3A_20 = vector.load %arg7[%get3A_19] : memref<328xf32, #tpu.memory_space<vmem>>, vector<328xf32>
    %reduce_sum3A = arith.constant dense<0.000000e+00> : vector<328xf32>
    %reduce_sum3A_21 = vector.multi_reduction <add>, %concatenate3A, %reduce_sum3A [0] : vector<4096x328xf32> to vector<328xf32>
    %div3A = arith.constant 4.096000e+03 : f32
    %div3A_22 = vector.broadcast %div3A : f32 to vector<328xf32>
    %div3A_23 = arith.divf %reduce_sum3A_21, %div3A_22 : vector<328xf32>
    %broadcast_in_dim3A = vector.shape_cast %div3A_23 : vector<328xf32> to vector<1x328xf32>
    %sub3A = vector.broadcast %broadcast_in_dim3A : vector<1x328xf32> to vector<4096x328xf32>
    %sub3A_24 = arith.subf %concatenate3A, %sub3A : vector<4096x328xf32>
    %mul3A = arith.mulf %sub3A_24, %sub3A_24 : vector<4096x328xf32>
    %reduce_sum3A_25 = arith.constant dense<0.000000e+00> : vector<328xf32>
    %reduce_sum3A_26 = vector.multi_reduction <add>, %mul3A, %reduce_sum3A_25 [0] : vector<4096x328xf32> to vector<328xf32>
    %div3A_27 = arith.constant 4.096000e+03 : f32
    %div3A_28 = vector.broadcast %div3A_27 : f32 to vector<328xf32>
    %div3A_29 = arith.divf %reduce_sum3A_26, %div3A_28 : vector<328xf32>
    %broadcast_in_dim3A_30 = vector.shape_cast %get3A_18 : vector<328xf32> to vector<1x328xf32>
    %mul3A_31 = vector.broadcast %broadcast_in_dim3A_30 : vector<1x328xf32> to vector<4096x328xf32>
    %mul3A_32 = arith.mulf %mul3A_31, %sub3A_24 : vector<4096x328xf32>
    %add3A = arith.constant 9.99999974E-6 : f32
    %add3A_33 = vector.broadcast %add3A : f32 to vector<328xf32>
    %add3A_34 = arith.addf %div3A_29, %add3A_33 : vector<328xf32>
    %sqrt3A = math.sqrt %add3A_34 : vector<328xf32>
    %broadcast_in_dim3A_35 = vector.shape_cast %sqrt3A : vector<328xf32> to vector<1x328xf32>
    %div3A_36 = vector.broadcast %broadcast_in_dim3A_35 : vector<1x328xf32> to vector<4096x328xf32>
    %div3A_37 = arith.divf %mul3A_32, %div3A_36 : vector<4096x328xf32>
    %broadcast_in_dim3A_38 = vector.shape_cast %get3A_20 : vector<328xf32> to vector<1x328xf32>
    %add3A_39 = vector.broadcast %broadcast_in_dim3A_38 : vector<1x328xf32> to vector<4096x328xf32>
    %add3A_40 = arith.addf %div3A_37, %add3A_39 : vector<4096x328xf32>
    %get3A_41 = arith.constant 0 : index
    %get3A_42 = arith.constant 0 : index
    %get3A_43 = vector.load %arg8[%get3A_41, %get3A_42] : memref<328x512xf32, #tpu.memory_space<vmem>>, vector<328x512xf32>
    %dot_general3A = arith.constant dense<0.000000e+00> : vector<4096x512xf32>
    %dot_general3A_44 = tpu.matmul %add3A_40, %get3A_43, %dot_general3A {dimension_numbers = #tpu.dot_dimension_numbers<[1], [0], [0], [1], [0, 0, 1, 1], [], []>, transpose_lhs_hint = false} : vector<4096x328xf32>, vector<328x512xf32>, vector<4096x512xf32> -> vector<4096x512xf32>
    %get3A_45 = arith.constant 0 : index
    %get3A_46 = vector.load %arg9[%get3A_45] : memref<512xf32, #tpu.memory_space<vmem>>, vector<512xf32>
    %broadcast_in_dim3A_47 = vector.shape_cast %get3A_46 : vector<512xf32> to vector<1x512xf32>
    %add3A_48 = vector.broadcast %broadcast_in_dim3A_47 : vector<1x512xf32> to vector<4096x512xf32>
    %add3A_49 = arith.addf %dot_general3A_44, %add3A_48 : vector<4096x512xf32>
    %max3A = arith.constant 0.000000e+00 : f32
    %max3A_50 = vector.broadcast %max3A : f32 to vector<4096x512xf32>
    %max3A_51 = arith.maximumf %add3A_49, %max3A_50 : vector<4096x512xf32>
    %get3A_52 = arith.constant 0 : index
    %get3A_53 = vector.load %arg10[%get3A_52] : memref<512xf32, #tpu.memory_space<vmem>>, vector<512xf32>
    %get3A_54 = arith.constant 0 : index
    %get3A_55 = vector.load %arg11[%get3A_54] : memref<512xf32, #tpu.memory_space<vmem>>, vector<512xf32>
    %reduce_sum3A_56 = arith.constant dense<0.000000e+00> : vector<512xf32>
    %reduce_sum3A_57 = vector.multi_reduction <add>, %max3A_51, %reduce_sum3A_56 [0] : vector<4096x512xf32> to vector<512xf32>
    %div3A_58 = arith.constant 4.096000e+03 : f32
    %div3A_59 = vector.broadcast %div3A_58 : f32 to vector<512xf32>
    %div3A_60 = arith.divf %reduce_sum3A_57, %div3A_59 : vector<512xf32>
    %broadcast_in_dim3A_61 = vector.shape_cast %div3A_60 : vector<512xf32> to vector<1x512xf32>
    %sub3A_62 = vector.broadcast %broadcast_in_dim3A_61 : vector<1x512xf32> to vector<4096x512xf32>
    %sub3A_63 = arith.subf %max3A_51, %sub3A_62 : vector<4096x512xf32>
    %mul3A_64 = arith.mulf %sub3A_63, %sub3A_63 : vector<4096x512xf32>
    %reduce_sum3A_65 = arith.constant dense<0.000000e+00> : vector<512xf32>
    %reduce_sum3A_66 = vector.multi_reduction <add>, %mul3A_64, %reduce_sum3A_65 [0] : vector<4096x512xf32> to vector<512xf32>
    %div3A_67 = arith.constant 4.096000e+03 : f32
    %div3A_68 = vector.broadcast %div3A_67 : f32 to vector<512xf32>
    %div3A_69 = arith.divf %reduce_sum3A_66, %div3A_68 : vector<512xf32>
    %broadcast_in_dim3A_70 = vector.shape_cast %get3A_53 : vector<512xf32> to vector<1x512xf32>
    %mul3A_71 = vector.broadcast %broadcast_in_dim3A_70 : vector<1x512xf32> to vector<4096x512xf32>
    %mul3A_72 = arith.mulf %mul3A_71, %sub3A_63 : vector<4096x512xf32>
    %add3A_73 = arith.constant 9.99999974E-6 : f32
    %add3A_74 = vector.broadcast %add3A_73 : f32 to vector<512xf32>
    %add3A_75 = arith.addf %div3A_69, %add3A_74 : vector<512xf32>
    %sqrt3A_76 = math.sqrt %add3A_75 : vector<512xf32>
    %broadcast_in_dim3A_77 = vector.shape_cast %sqrt3A_76 : vector<512xf32> to vector<1x512xf32>
    %div3A_78 = vector.broadcast %broadcast_in_dim3A_77 : vector<1x512xf32> to vector<4096x512xf32>
    %div3A_79 = arith.divf %mul3A_72, %div3A_78 : vector<4096x512xf32>
    %broadcast_in_dim3A_80 = vector.shape_cast %get3A_55 : vector<512xf32> to vector<1x512xf32>
    %add3A_81 = vector.broadcast %broadcast_in_dim3A_80 : vector<1x512xf32> to vector<4096x512xf32>
    %add3A_82 = arith.addf %div3A_79, %add3A_81 : vector<4096x512xf32>
    %get3A_83 = arith.constant 0 : index
    %get3A_84 = arith.constant 0 : index
    %get3A_85 = vector.load %arg12[%get3A_83, %get3A_84] : memref<512x512xf32, #tpu.memory_space<vmem>>, vector<512x512xf32>
    %dot_general3A_86 = arith.constant dense<0.000000e+00> : vector<4096x512xf32>
    %dot_general3A_87 = tpu.matmul %add3A_82, %get3A_85, %dot_general3A_86 {dimension_numbers = #tpu.dot_dimension_numbers<[1], [0], [0], [1], [0, 0, 1, 1], [], []>, transpose_lhs_hint = false} : vector<4096x512xf32>, vector<512x512xf32>, vector<4096x512xf32> -> vector<4096x512xf32>
    %get3A_88 = arith.constant 0 : index
    %get3A_89 = vector.load %arg13[%get3A_88] : memref<512xf32, #tpu.memory_space<vmem>>, vector<512xf32>
    %broadcast_in_dim3A_90 = vector.shape_cast %get3A_89 : vector<512xf32> to vector<1x512xf32>
    %add3A_91 = vector.broadcast %broadcast_in_dim3A_90 : vector<1x512xf32> to vector<4096x512xf32>
    %add3A_92 = arith.addf %dot_general3A_87, %add3A_91 : vector<4096x512xf32>
    %max3A_93 = arith.constant 0.000000e+00 : f32
    %max3A_94 = vector.broadcast %max3A_93 : f32 to vector<4096x512xf32>
    %max3A_95 = arith.maximumf %add3A_92, %max3A_94 : vector<4096x512xf32>
    %get3A_96 = arith.constant 0 : index
    %get3A_97 = arith.constant 0 : index
    %get3A_98 = vector.load %arg14[%get3A_96, %get3A_97] : memref<512x256xf32, #tpu.memory_space<vmem>>, vector<512x256xf32>
    %dot_general3A_99 = arith.constant dense<0.000000e+00> : vector<4096x256xf32>
    %dot_general3A_100 = tpu.matmul %max3A_95, %get3A_98, %dot_general3A_99 {dimension_numbers = #tpu.dot_dimension_numbers<[1], [0], [0], [1], [0, 0, 1, 1], [], []>, transpose_lhs_hint = false} : vector<4096x512xf32>, vector<512x256xf32>, vector<4096x256xf32> -> vector<4096x256xf32>
    %get3A_101 = arith.constant 0 : index
    %get3A_102 = vector.load %arg15[%get3A_101] : memref<256xf32, #tpu.memory_space<vmem>>, vector<256xf32>
    %broadcast_in_dim3A_103 = vector.shape_cast %get3A_102 : vector<256xf32> to vector<1x256xf32>
    %add3A_104 = vector.broadcast %broadcast_in_dim3A_103 : vector<1x256xf32> to vector<4096x256xf32>
    %add3A_105 = arith.addf %dot_general3A_100, %add3A_104 : vector<4096x256xf32>
    %max3A_106 = arith.constant 0.000000e+00 : f32
    %max3A_107 = vector.broadcast %max3A_106 : f32 to vector<4096x256xf32>
    %max3A_108 = arith.maximumf %add3A_105, %max3A_107 : vector<4096x256xf32>
    %get3A_109 = arith.constant 0 : index
    %get3A_110 = arith.constant 0 : index
    %get3A_111 = vector.load %arg16[%get3A_109, %get3A_110] : memref<256x128xf32, #tpu.memory_space<vmem>>, vector<256x128xf32>
    %dot_general3A_112 = arith.constant dense<0.000000e+00> : vector<4096x128xf32>
    %dot_general3A_113 = tpu.matmul %max3A_108, %get3A_111, %dot_general3A_112 {dimension_numbers = #tpu.dot_dimension_numbers<[1], [0], [0], [1], [0, 0, 1, 1], [], []>, transpose_lhs_hint = false} : vector<4096x256xf32>, vector<256x128xf32>, vector<4096x128xf32> -> vector<4096x128xf32>
    %get3A_114 = arith.constant 0 : index
    %get3A_115 = vector.load %arg17[%get3A_114] : memref<128xf32, #tpu.memory_space<vmem>>, vector<128xf32>
    %broadcast_in_dim3A_116 = vector.shape_cast %get3A_115 : vector<128xf32> to vector<1x128xf32>
    %add3A_117 = vector.broadcast %broadcast_in_dim3A_116 : vector<1x128xf32> to vector<4096x128xf32>
    %add3A_118 = arith.addf %dot_general3A_113, %add3A_117 : vector<4096x128xf32>
    %max3A_119 = arith.constant 0.000000e+00 : f32
    %max3A_120 = vector.broadcast %max3A_119 : f32 to vector<4096x128xf32>
    %max3A_121 = arith.maximumf %add3A_118, %max3A_120 : vector<4096x128xf32>
    %get3A_122 = arith.constant 0 : index
    %get3A_123 = arith.constant 0 : index
    %get3A_124 = vector.load %arg18[%get3A_122, %get3A_123] : memref<128x64xf32, #tpu.memory_space<vmem>>, vector<128x64xf32>
    %dot_general3A_125 = arith.constant dense<0.000000e+00> : vector<4096x64xf32>
    %dot_general3A_126 = tpu.matmul %max3A_121, %get3A_124, %dot_general3A_125 {dimension_numbers = #tpu.dot_dimension_numbers<[1], [0], [0], [1], [0, 0, 1, 1], [], []>, transpose_lhs_hint = false} : vector<4096x128xf32>, vector<128x64xf32>, vector<4096x64xf32> -> vector<4096x64xf32>
    %get3A_127 = arith.constant 0 : index
    %get3A_128 = vector.load %arg19[%get3A_127] : memref<64xf32, #tpu.memory_space<vmem>>, vector<64xf32>
    %broadcast_in_dim3A_129 = vector.shape_cast %get3A_128 : vector<64xf32> to vector<1x64xf32>
    %add3A_130 = vector.broadcast %broadcast_in_dim3A_129 : vector<1x64xf32> to vector<4096x64xf32>
    %add3A_131 = arith.addf %dot_general3A_126, %add3A_130 : vector<4096x64xf32>
    %max3A_132 = arith.constant 0.000000e+00 : f32
    %max3A_133 = vector.broadcast %max3A_132 : f32 to vector<4096x64xf32>
    %max3A_134 = arith.maximumf %add3A_131, %max3A_133 : vector<4096x64xf32>
    %swap3A = arith.constant 0 : index
    %swap3A_135 = arith.constant 0 : index
    %swap3A_136 = vector.load %arg20[%swap3A, %swap3A_135] : memref<4096x64xf32, #tpu.memory_space<vmem>>, vector<4096x64xf32>
    tpu.vector_store %arg20[%swap3A, %swap3A_135], %max3A_134 {strides = array<i32>} : memref<4096x64xf32, #tpu.memory_space<vmem>>, vector<4096x64xf32>,
    return
  }
}

</mosaic_0001>

<sc_bundles>
// kernel: kernel.5.cloned.1.call-start
scs
__scs_entry_jumppad:
0x0: {  	(pc) =	sbr.rel $0x88, $3  }
0x1: {  	(tag) =	ssettag $0x0;
	lr =	simm.s32 $0x1  }
0x2: {  	[smem:$0x3F86] =	sst lr;
	_ =	strace $0xD0000000  }
0x3: {  	_ = 	snop  }
0x4: {  	_ = 	snop  }
0x5: {  	_ = 	snop  }
0x6: {  	_ = 	snop  }
0x7: {  	_ = 	snop  }
__scs_overlays_trampoline_lowered:
0x8: {  	[smem:$0x3F95] =	sst s0  }
0x9: {  	[smem:$0x3F96] =	sst s1  }
0xa: {  	[smem:$0x3F97] =	sst s2  }
0xb: {  	[smem:$0x3F98] =	sst s3  }
0xc: {  	[smem:$0x3F99] =	sst s4  }
0xd: {  	[smem:$0x3F9A] =	sst s5  }
0xe: {  	[smem:$0x3F9B] =	sst s6  }
0xf: {  	[smem:$0x3F9C] =	sst s7  }
0x10: {  	[smem:$0x3F9D] =	sst s8  }
0x11: {  	[smem:$0x3F9E] =	sst s9;
	s0 =	simm.s32 @!p0 $0x0  }
0x12: {  	s1 =	sld [smem:$0x3F84];
	s0 =	simm.s32 @p0 $0x1  }
0x13: {  	[smem:$0x3F9F] =	sst s0;
	s0 =	simm.s32 @!p1 $0x0  }
0x14: {  	s2 =	sld [smem:$0x3F83];
	s0 =	simm.s32 @p1 $0x1  }
0x15: {  	[smem:$0x3FA0] =	sst s0;
	s0 =	simm.s32 @!p2 $0x0  }
0x16: {  	s3 =	sld [smem:$0x3FDB];
	s0 =	simm.s32 @p2 $0x1  }
0x17: {  	s4 =	simm.s32 $0x1BF5;
	[smem:$0x3FA2] =	sst s0  }
0x18: {  	s0 =	sld [smem:$0x3F85];
	_ =	swait.ge [sflag:s4], $0x0  }
0x19: {  	s7 =	sld [smem:$0x3F86]  }
0x1a: {  	s8 =	sadd.s32 $0xFFFFE003, lr  }
0x1b: {  	s9 =	sadd.s32 $0xFFFFFEF7, lr;
	s5 =	simm.s32 $0xFFFFFFFF;
	p2 =	slt.u32 s8, $0xFFFFF086  }
0x1c: {  	p1 =	slt.u32 s9, $0xF7A;
	s5 =	simm.s32 @!p2 $0x0  }
0x1d: {  	s5 =	simm.s32 @p1 $0x1;
	p0 =	seq.s32 s7, s2  }
0x1e: {  	s7 =	smul.u32 @!p0 $0xF7A, s2;
	p2 =	seq.s32 @!p0 s5, $0x0  }
0x1f: {  	s9 =	smul.u32 $0xF7A, s1;
	s8 =	simm.s32 @!p0 $0x1BF5;
	p2 =	por !p2, p0  }
0x20: {  	[sflag:s8] =	ssyncset.s32 @!p0 $0xFFFFF086;
	s6 =	sadd.s32 @!p0 s3, s7;
	s7 =	simm.s32 @!p0 $0x108  }
0x21: {  	s3 =	sadd.s32 s3, s9;
	s6 =	sadd.s32 @!p0 $0x88, s6;
	s7 =	simm.s32 @p2 $0x1082  }
0x22: {  	[simem:s7], [sflag:s8] =	dma.local @!p0 [hbm:s6], $0xF7A  }
0x23: {  	s9 =	sor.u32 $0xD0000000, s2;
	s6 =	simm.s32 $0x108;
	_ =	swait.ge @!p0 [sflag:s8], $0x0  }
0x24: {  	s3 =	sadd.s32 $0x88, s3;
	s6 =	simm.s32 @!p1 $0x1082;
	[sflag:s4] =	ssyncset.s32 $0xFFFFF086  }
0x25: {  	[simem:s6], [sflag:s4] =	dma.local [hbm:s3], $0xF7A  }
0x26: {  	[smem:$0x3F86] =	sst s1;
	(tag) =	ssettag s2;
	_ =	strace s9  }
0x27: {  	s1 =	sld [smem:$0x3F96]  }
0x28: {  	s2 =	sld [smem:$0x3F97]  }
0x29: {  	s4 =	sld [smem:$0x3F99]  }
0x2a: {  	p0 =	seq.s32 s5, $0x0;
	s5 =	sld [smem:$0x3F9A]  }
0x2b: {  	s6 =	sld [smem:$0x3F9B]  }
0x2c: {  	s7 =	sld [smem:$0x3F9C]  }
0x2d: {  	s3 =	simm.s32 $0x108;
	s8 =	sld [smem:$0x3F9D]  }
0x2e: {  	s3 =	simm.s32 @!p0 $0x1082;
	s9 =	sld [smem:$0x3F9E]  }
0x2f: {  	lr =	sadd.s32 s0, s3;
	s0 =	sld [smem:$0x3F95]  }
0x30: {  	s3 =	sld [smem:$0x3F98]  }
0x31: {  	[smem:$0x3FA1] =	sst s10  }
0x32: {  	s10 =	sld [smem:$0x3F9F];
	_ =	sdelay $0x3  }
0x33: {  	p0 =	seq.s32 s10, $0x1;
	s10 =	sld [smem:$0x3FA1];
	_ =	sdelay $0x3  }
0x34: {  	[smem:$0x3FA1] =	sst s10  }
0x35: {  	s10 =	sld [smem:$0x3FA0];
	_ =	sdelay $0x3  }
0x36: {  	p1 =	seq.s32 s10, $0x1;
	s10 =	sld [smem:$0x3FA1];
	_ =	sdelay $0x3  }
0x37: {  	[smem:$0x3FA1] =	sst s10  }
0x38: {  	s10 =	sld [smem:$0x3FA2]  }
0x39: {  	_ = 	snop;
	(pc) =	sbr.ind lr, $3  }
0x3a: {  	_ = 	snop  }
0x3b: {  	_ = 	snop  }
0x3c: {  	p2 =	seq.s32 s10, $0x1;
	s10 =	sld [smem:$0x3FA1]  }
0x3d: {  	_ =	shalt  }
0x3e: {  	_ =	shalt  }
0x3f: {  	_ =	shalt  }
0x40: {  	_ =	shalt  }
0x41: {  	_ =	shalt  }
0x42: {  	_ =	shalt  }
0x43: {  	_ =	shalt  }
0x44: {  	_ =	shalt  }
0x45: {  	_ =	shalt  }
0x46: {  	_ =	shalt  }
0x47: {  	_ =	shalt  }
0x48: {  	_ =	shalt  }
0x49: {  	_ =	shalt  }
0x4a: {  	_ =	shalt  }
0x4b: {  	_ =	shalt  }
0x4c: {  	_ =	shalt  }
0x4d: {  	_ =	shalt  }
0x4e: {  	_ =	shalt  }
0x4f: {  	_ =	shalt  }
0x50: {  	_ =	shalt  }
0x51: {  	_ =	shalt  }
0x52: {  	_ =	shalt  }
0x53: {  	_ =	shalt  }
0x54: {  	_ =	shalt  }
0x55: {  	_ =	shalt  }
0x56: {  	_ =	shalt  }
0x57: {  	_ =	shalt  }
0x58: {  	_ =	shalt  }
0x59: {  	_ =	shalt  }
0x5a: {  	_ =	shalt  }
0x5b: {  	_ =	shalt  }
0x5c: {  	_ =	shalt  }
0x5d: {  	_ =	shalt  }
0x5e: {  	_ =	shalt  }
0x5f: {  	_ =	shalt  }
0x60: {  	_ =	shalt  }
0x61: {  	_ =	shalt  }
0x62: {  	_ =	shalt  }
0x63: {  	_ =	shalt  }
0x64: {  	_ =	shalt  }
0x65: {  	_ =	shalt  }
0x66: {  	_ =	shalt  }
0x67: {  	_ =	shalt  }
0x68: {  	_ =	shalt  }
0x69: {  	_ =	shalt  }
0x6a: {  	_ =	shalt  }
0x6b: {  	_ =	shalt  }
0x6c: {  	_ =	shalt  }
0x6d: {  	_ =	shalt  }
0x6e: {  	_ =	shalt  }
0x6f: {  	_ =	shalt  }
0x70: {  	_ =	shalt  }
0x71: {  	_ =	shalt  }
0x72: {  	_ =	shalt  }
0x73: {  	_ =	shalt  }
0x74: {  	_ =	shalt  }
0x75: {  	_ =	shalt  }
0x76: {  	_ =	shalt  }
0x77: {  	_ =	shalt  }
0x78: {  	_ =	shalt  }
0x79: {  	_ =	shalt  }
0x7a: {  	_ =	shalt  }
0x7b: {  	_ =	shalt  }
0x7c: {  	_ =	shalt  }
0x7d: {  	_ =	shalt  }
0x7e: {  	_ =	shalt  }
0x7f: {  	_ =	shalt  }
0x80: {  	_ =	shalt  }
0x81: {  	_ =	shalt  }
0x82: {  	_ =	shalt  }
0x83: {  	_ =	shalt  }
0x84: {  	_ =	shalt  }
0x85: {  	_ =	shalt  }
0x86: {  	_ =	shalt  }
0x87: {  	_ =	shalt  }
.Lfunc_end0:
.L_simem_size_0:
called_computation_lowered:
.L_overlay_start_0:
0x88: {  	s2 =	sld [smem:$0x3FD9]  }
0x89: {  	s3 =	sld [smem:$0x3FFE];
	_ =	sdelay $0x1  }
0x8a: {  	s1 =	srdreg.scid  }
0x8b: {  	s0 =	sand.u32 $0x1, s1  }
0x8c: {  	s14 =	sshll.u32 s0, $0xA;
	s2 =	sadd.s32 s3, s2  }
0x8d: {  	s2 =	sadd.s32 s2, s14  }
0x8e: {  	[smem:$0x3FAD] =	sst s2  }
0x8f: {  	_ = 	snop  }
0x90: {  	s2 =	sld [smem:$0x3FD0]  }
0x91: {  	s15 =	sld [smem:$0x3FC6]  }
0x92: {  	s4 =	sld [smem:$0x3FC5]  }
0x93: {  	s6 =	simm.s32 $0xA;
	s7 =	simm.s32 $0x10;
	s5 =	sld [smem:$0x3FC0]  }
0x94: {  	[smem:s7], [sflag:s6] =	dma.local [hbm:s2], $0x1  }
0x95: {  	_ =	swait.eq [sflag:s6], $0x1  }
0x96: {  	[sflag:s6] =	ssyncset.done $0x0  }
0x97: {  	s16 =	sld [smem:$0x10];
	[sflag:s6] =	ssyncadd.s32 $0xFFFFFFFF  }
0x98: {  	s17 =	sld [smem:$0x11];
	(tm) =	ssettm $0x1  }
0x99: {  	s18 =	sld [smem:$0x3FFB];
	_ =	sdelay $0x3  }
0x9a: {  	_ =	strace s18  }
0x9b: {  	s7 =	sld [smem:$0x3FFC];
	_ =	sdelay $0x3  }
0x9c: {  	_ =	strace s7  }
0x9d: {  	s7 =	sld [smem:$0x3FFD];
	_ =	sdelay $0x3  }
0x9e: {  	_ =	strace s7  }
0x9f: {  	_ =	strace $0x8FFFFFFF  }
0xa0: {  	s19 =	sld [smem:$0x3FDB];
	_ =	sdelay $0x1  }
0xa1: {  	s8 =	simm.s32 $_scs_section_size  }
0xa2: {  	s9 =	simm.s32 $_size__tile_overlayer_lowered;
	s10 =	simm.s32 $_tile_overlayer_lowered  }
0xa3: {  	s22 =	simm.s32 $0x1BFF;
	s21 =	sshll.u32 s10, $0x1;
	s7 =	sadd.s32 s8, s19  }
0xa4: {  	s11 =	simm.s32 $0x0;
	s20 =	sshll.u32 s9, $0x1;
	s9 =	sadd.s32 s21, s7  }
0xa5: {  	[timem:s11], [sflag:s22] =	dma.local [hbm:s9], s20  }
0xa6: {  	_ =	swait.ge [sflag:s22], s20  }
0xa7: {  	s8 =	ssub.s32 $0x0, s20;
	[sflag:s22] =	ssyncset.done $0x0  }
0xa8: {  	[sflag:s22] =	ssyncadd.s32 s8;
	_ =	sdelay $0x1  }
0xa9: {  	s23 =	simm.s32 $0x1B8B  }
0xaa: {  	_ =	swait.ge [sflag:s23], $0x1  }
0xab: {  	[sflag:s23] =	ssyncset.done $0x0  }
0xac: {  	s25 =	simm.s32 $0x1B8E;
	s24 =	sld [smem:$0x3FFE];
	[sflag:s23] =	ssyncadd.s32 $0xFFFFFFFF  }
0xad: {  	s26 =	simm.s32 $execute0_lowered;
	[smem:$0x3FD2] =	sst s25  }
0xae: {  	s9 =	sshll.u32 s26, $0x1;
	_ =	strace $0x80000046;
	[dreg:$0x1] =	wrdreg $0xFFFFFFFF  }
0xaf: {  	s28 =	simm.s32 $_size_execute0_lowered;
	s7 =	sadd.s32 s7, s9;
	[dreg:$0x0] =	wrdreg $0x0  }
0xb0: {  	s9 =	sshll.u32 s28, $0x1;
	[dreg:$0x2] =	wrdreg s7  }
0xb1: {  	[dreg:$0x3] =	wrdreg s9  }
0xb2: {  	[dreg:$0x4] =	wrdreg $0xC0  }
0xb3: {  	_ =	task [dreg:s11], $0x5FFFF  }
0xb4: {  	[dreg:$0x1] =	wrdreg $0xFFFFFFFF  }
0xb5: {  	[dreg:$0x0] =	wrdreg $0x60  }
0xb6: {  	[dreg:$0x2] =	wrdreg s24  }
0xb7: {  	[dreg:$0x3] =	wrdreg s15  }
0xb8: {  	[dreg:$0x4] =	wrdreg s4  }
0xb9: {  	[dreg:$0x5] =	wrdreg s5  }
0xba: {  	[dreg:$0x6] =	wrdreg s17  }
0xbb: {  	[dreg:$0x7] =	wrdreg s16  }
0xbc: {  	[dreg:$0x8] =	wrdreg $0x9  }
0xbd: {  	_ =	task.clear_ibuf [dreg:s11], $0x9FFFF;
	_ =	strace $0x90000046  }
0xbe: {  	s29 =	simm.s32 $0x9;
	_ =	strace $0x80000048  }
0xbf: {  	_ =	swait.ge [sflag:s29], $0x1  }
0xc0: {  	[sflag:s29] =	ssyncadd.s32 $0xFFFFFFFF  }
0xc1: {  	_ =	strace $0x90000048  }
0xc2: {  	_ =	sfence  }
0xc3: {  	s30 =	sld [smem:$0x0];
	_ =	sdelay $0x2  }
0xc4: {  	s31 =	sshll.u32 s1, $0xD;
	s1 =	sshrl.u32 s1, $0x2  }
0xc5: {  	s3 =	sand.u32 $0x4000, s31;
	s1 =	sadd.s32 s1, s30  }
0xc6: {  	s0 =	sor.u32 s3, s0;
	s1 =	sshll.u32 s1, $0x11  }
0xc7: {  	s0 =	sor.u32 s1, s0  }
0xc8: {  	s0 =	sadd.s32 $0x8F2B, s0  }
0xc9: {  	[sflag:s0] =	ssyncadd.remote.s32 $0x1  }
0xca: {  	_ =	sfence.sel $0xFFFF  }
0xcb: {  	[dreg:$0x0] =	wrdreg $0xFFFFFFFF;
	(pc) =	sbr.abs _section_cstart, $3  }
0xcc: {  	[dreg:$0x1] =	wrdreg $0xFFFFFFFF  }
0xcd: {  	_ =	task.clear_ibuf [dreg:s11], $0x2FFFF;
	_ =	strace $0x9FFFFFFF  }
0xce: {  	(tm) =	ssettm $0x7FFFFFFF  }
0xcf: {  	_ =	shalt  }
tec
execute0_lowered:
.L_overlay_start_1:
0x0: {  	(tag) =	ssettag $0x1  }
0x1: {  	s6 =	rddreg [dreg:$0x0]  }
0x2: {  	s7 =	rddreg [dreg:$0x1]  }
0x3: {  	s9 =	rddreg [dreg:$0x2]  }
0x4: {  	s11 =	rddreg [dreg:$0x3];
	s1 =	srdreg.scid  }
0x5: {  	s0 =	stileid.u32;
	s13 =	rddreg [dreg:$0x4]  }
0x6: {  	s8 =	rddreg [dreg:$0x5];
	s2 =	simm.s32 $0x0;
	s18 =	simm.s32 $0x10100  }
0x7: {  	s19 =	simm.s32 $0x80;
	s20 =	simm.s32 $0x10180;
	s21 =	simm.s32 $0x3  }
0x8: {  	s22 =	simm.s32 $0x7D00;
	s23 =	simm.s32 $0x1;
	s24 =	simm.s32 $0x2  }
0x9: {  	s25 =	simm.s32 $0xE100;
	s26 =	simm.s32 $0x0;
	s5 =	sand.u32 $0x1, s1  }
0xa: {  	s30 =	sshll.u32 s0, $0x1;
	[smem:$0x7FF] =	sst s2;
	s4 =	sadd.s32 $0xC600, s6  }
0xb: {  	s10 =	sor.u32 s5, s30;
	_ =	strace $0x80000047;
	s14 =	ssub.s32 $0x2, s5  }
0xc: {  	s5 =	sadd.s32 $0xE600, s6;
	s3 =	smul.u32 $0x320, s10;
	s15 =	sshll.u32 s10, $0xA  }
0xd: {  	s16 =	sshrl.u32 s14, $0x1;
	s31 =	sshll.u32 s10, $0x4;
	s17 =	sadd.s32 s15, s6  }
0xe: {  	s14 =	ssub.s32 s14, s16;
	s7 =	sadd.s32 s7, s31;
	s8 =	sadd.s32 s8, s15  }
0xf: {  	s9 =	sadd.s32 s9, s31;
	s11 =	sadd.s32 s11, s31;
	s13 =	sadd.s32 s13, s15  }
0x10: {  	s15 =	simm.s32 $0x4;
	s16 =	simm.s32 $0x190;
	s12 =	sadd.s32 s3, s6  }
0x11: {  	s3 =	sadd.s32 $0x193000, s6;
	s10 =	sadd.s32 $0xD1C00, s17;
	s14 =	smax.u32 s14, $0x1  }
0x12: {  	s6 =	sadd.s32 $0x6200, s12;
	s12 =	sadd.s32 $0xD9C00, s17;
	s17 =	simm.s32 $0x1900  }
.LBB2_1:
0x13: {  	[tilespmem:s2], [sflag:$0x4] =	stream.linear.gather [hbm4b:s6+s2], $0x1900, $0x38;
	[tilespmem:$0x12180] =	vst v63  }
0x14: {  	_ =	swait.ge [sflag:s15], $0x1900  }
0x15: {  	[sflag:s15] =	ssyncset.done $0x0  }
0x16: {  	[sflag:s15] =	ssyncadd.s32 $0xFFFFE700  }
0x17: {  	[tilespmem:s17], [sflag:$0x1] =	stream.indirect.gather [hbm4b:s3+s16], $0x40, s2, s16, $0xb8;
	[tilespmem:$0x12180] =	vst v63  }
0x18: {  	_ = 	snop  }
0x19: {  	[tilespmem:s18], [sflag:$0x4] =	stream.linear.gather [hbm4b:s7+s2], $0x80, $0x38;
	[tilespmem:$0x12180] =	vst v63  }
0x1a: {  	_ =	swait.ge [sflag:s15], $0x80  }
0x1b: {  	[sflag:s15] =	ssyncset.done $0x0  }
0x1c: {  	[sflag:s15] =	ssyncadd.s32 $0xFFFFFF80  }
0x1d: {  	[tilespmem:s20], [sflag:$0x3] =	stream.indirect.gather [hbm4b:s4+s19], $0x40, s18, s19, $0xb8;
	[tilespmem:$0x12180] =	vst v63  }
0x1e: {  	_ =	swait.ge [sflag:s21], $0x2000  }
0x1f: {  	[sflag:s21] =	ssyncset.done $0x0  }
0x20: {  	[sflag:s21] =	ssyncadd.s32 $0xFFFFE000  }
0x21: {  	[hbm4b:s8+s2] =	stream.linear.scatter [tilespmem:s20], [sflag:$0x4], $0x2000, $0x38;
	[tilespmem:$0x12180] =	vst v63  }
0x22: {  	_ =	swait.ge [sflag:s15], $0x2000  }
0x23: {  	[sflag:s15] =	ssyncset.done $0x0  }
0x24: {  	[sflag:s15] =	ssyncadd.s32 $0xFFFFE000  }
0x25: {  	[tilespmem:s18], [sflag:$0x4] =	stream.linear.gather [hbm4b:s9+s2], $0x80, $0x38;
	[tilespmem:$0x12180] =	vst v63  }
0x26: {  	_ =	swait.ge [sflag:s15], $0x80  }
0x27: {  	[sflag:s15] =	ssyncset.done $0x0  }
0x28: {  	[sflag:s15] =	ssyncadd.s32 $0xFFFFFF80  }
0x29: {  	[tilespmem:s20], [sflag:$0x3] =	stream.indirect.gather [hbm4b:s4+s19], $0x40, s18, s19, $0xb8;
	[tilespmem:$0x12180] =	vst v63  }
0x2a: {  	_ =	swait.ge [sflag:s21], $0x2000  }
0x2b: {  	[sflag:s21] =	ssyncset.done $0x0  }
0x2c: {  	[sflag:s21] =	ssyncadd.s32 $0xFFFFE000  }
0x2d: {  	[hbm4b:s10+s2] =	stream.linear.scatter [tilespmem:s20], [sflag:$0x4], $0x2000, $0x38;
	[tilespmem:$0x12180] =	vst v63  }
0x2e: {  	_ =	swait.ge [sflag:s15], $0x2000  }
0x2f: {  	[sflag:s15] =	ssyncset.done $0x0  }
0x30: {  	[sflag:s15] =	ssyncadd.s32 $0xFFFFE000  }
0x31: {  	[tilespmem:s18], [sflag:$0x4] =	stream.linear.gather [hbm4b:s11+s2], $0x80, $0x38;
	[tilespmem:$0x12180] =	vst v63  }
0x32: {  	_ =	swait.ge [sflag:s15], $0x80  }
0x33: {  	[sflag:s15] =	ssyncset.done $0x0  }
0x34: {  	[sflag:s15] =	ssyncadd.s32 $0xFFFFFF80  }
0x35: {  	[tilespmem:s20], [sflag:$0x3] =	stream.indirect.gather [hbm4b:s5+s19], $0x40, s18, s19, $0xb8;
	[tilespmem:$0x12180] =	vst v63  }
0x36: {  	_ =	swait.ge [sflag:s21], $0x2000  }
0x37: {  	[sflag:s21] =	ssyncset.done $0x0  }
0x38: {  	[sflag:s21] =	ssyncadd.s32 $0xFFFFE000  }
0x39: {  	[hbm4b:s12+s2] =	stream.linear.scatter [tilespmem:s20], [sflag:$0x4], $0x2000, $0x38;
	[tilespmem:$0x12180] =	vst v63  }
0x3a: {  	_ =	swait.ge [sflag:s15], $0x2000  }
0x3b: {  	[sflag:s15] =	ssyncset.done $0x0  }
0x3c: {  	s28 =	simm.s32 $0x0;
	[sflag:s15] =	ssyncadd.s32 $0xFFFFE000  }
.LBB2_2:
0x3d: {  	s29 =	sshllo.u32 s28, $0x1  }
0x3e: {  	s30 =	smul.u32 $0x640, s29;
	_ =	sdelay $0x1  }
0x3f: {  	s30 =	sshra.s32 s30, $0x2  }
0x40: {  	[tilespmem:s22], [sflag:$0x2] =	stream.indirect.gather [hbm4b:s3+s16], $0x40, s30, s16, $0xb8;
	[tilespmem:$0x12180] =	vst v63  }
0x41: {  	s30 =	sshll.u32 s28, $0xA  }
0x42: {  	s30 =	sand.u32 $0x3FFFFC00, s30  }
0x43: {  	_ =	swait.ge [sflag:s23], $0x6400;
	s31 =	sadd.s32 $0xE100, s30  }
0x44: {  	[sflag:s23] =	ssyncset.done $0x0;
	v0 =	vmov s31  }
0x45: {  	s30 =	simm.s32 $0x0;
	[sflag:s23] =	ssyncadd.s32 $0xFFFF9C00;
	[tilespmem:$0x1FFF0] =	vst v0  }
.LBB2_3:
0x46: {  	s31 =	smul.u32 $0x3200, s30;
	_ =	sdelay $0x1  }
0x47: {  	s31 =	sshra.s32 s31, $0x2  }
0x48: {  	v54 =	vld [tilespmem:s31+$0x1CB0];
	_ =	sdelay $0x4  }
0x49: {  	[tilespmem:$0x1FD20] =	vst v54;
	v54 =	vld [tilespmem:s31+$0x1D00];
	_ =	sdelay $0x4  }
0x4a: {  	[tilespmem:$0x1FD30] =	vst v54;
	v54 =	vld [tilespmem:s31+$0x1D40];
	_ =	sdelay $0x4  }
0x4b: {  	[tilespmem:$0x1FD40] =	vst v54;
	v54 =	vld [tilespmem:s31+$0x1D10];
	_ =	sdelay $0x4  }
0x4c: {  	[tilespmem:$0x1FD50] =	vst v54;
	v54 =	vld [tilespmem:s31+$0x1D50];
	_ =	sdelay $0x1  }
0x4d: {  	v5 =	vld [tilespmem:s31+$0x1900]  }
0x4e: {  	v10 =	vld [tilespmem:s31+$0x1940]  }
0x4f: {  	v13 =	vld [tilespmem:s31+$0x1910]  }
0x50: {  	[tilespmem:$0x1FD60] =	vst v54;
	v54 =	vld [tilespmem:s31+$0x1D20]  }
0x51: {  	v18 =	vld [tilespmem:s31+$0x1950]  }
0x52: {  	v21 =	vld [tilespmem:s31+$0x1920]  }
0x53: {  	v26 =	vld [tilespmem:s31+$0x1960]  }
0x54: {  	v29 =	vld [tilespmem:s31+$0x1930]  }
0x55: {  	[tilespmem:$0x1FD70] =	vst v54;
	v54 =	vld [tilespmem:s31+$0x1D60]  }
0x56: {  	v34 =	vld [tilespmem:s31+$0x1970]  }
0x57: {  	v37 =	vld [tilespmem:s31+$0x1980]  }
0x58: {  	v42 =	vld [tilespmem:s31+$0x19C0]  }
0x59: {  	v45 =	vld [tilespmem:s31+$0x1990]  }
0x5a: {  	[tilespmem:$0x1FD80] =	vst v54;
	v54 =	vld [tilespmem:s31+$0x1D30]  }
0x5b: {  	v50 =	vld [tilespmem:s31+$0x19D0]  }
0x5c: {  	v53 =	vld [tilespmem:s31+$0x19A0]  }
0x5d: {  	v56 =	vld [tilespmem:s31+$0x19E0]  }
0x5e: {  	v57 =	vld [tilespmem:s31+$0x19B0]  }
0x5f: {  	[tilespmem:$0x1FD90] =	vst v54;
	v54 =	vld [tilespmem:s31+$0x1D70]  }
0x60: {  	v58 =	vld [tilespmem:s31+$0x19F0]  }
0x61: {  	v59 =	vld [tilespmem:s31+$0x1A00]  }
0x62: {  	v60 =	vld [tilespmem:s31+$0x1A40]  }
0x63: {  	v61 =	vld [tilespmem:s31+$0x1A10]  }
0x64: {  	[tilespmem:$0x1FDA0] =	vst v54;
	v54 =	vld [tilespmem:s31+$0x1D80]  }
0x65: {  	v62 =	vld [tilespmem:s31+$0x1A50]  }
0x66: {  	v63 =	vld [tilespmem:s31+$0x1A20]  }
0x67: {  	v0 =	vld [tilespmem:s31+$0x1A60]  }
0x68: {  	v1 =	vld [tilespmem:s31+$0x1A30]  }
0x69: {  	[tilespmem:$0x1FDB0] =	vst v54;
	v54 =	vld [tilespmem:s31+$0x1DC0]  }
0x6a: {  	v2 =	vld [tilespmem:s31+$0x1A70]  }
0x6b: {  	v3 =	vld [tilespmem:s31+$0x1A80]  }
0x6c: {  	v4 =	vld [tilespmem:s31+$0x1AC0]  }
0x6d: {  	v6 =	vld [tilespmem:s31+$0x1A90]  }
0x6e: {  	[tilespmem:$0x1FDC0] =	vst v54;
	v54 =	vld [tilespmem:s31+$0x1D90]  }
0x6f: {  	v7 =	vld [tilespmem:s31+$0x1AD0]  }
0x70: {  	v8 =	vld [tilespmem:s31+$0x1AA0]  }
0x71: {  	v9 =	vld [tilespmem:s31+$0x1AE0]  }
0x72: {  	v11 =	vld [tilespmem:s31+$0x1AB0]  }
0x73: {  	[tilespmem:$0x1FDD0] =	vst v54;
	v54 =	vld [tilespmem:s31+$0x1DD0]  }
0x74: {  	v12 =	vld [tilespmem:s31+$0x1AF0]  }
0x75: {  	v14 =	vld [tilespmem:s31+$0x1B00]  }
0x76: {  	v15 =	vld [tilespmem:s31+$0x1B40]  }
0x77: {  	v16 =	vld [tilespmem:s31+$0x1B10]  }
0x78: {  	[tilespmem:$0x1FDE0] =	vst v54;
	v54 =	vld [tilespmem:s31+$0x1DA0]  }
0x79: {  	v17 =	vld [tilespmem:s31+$0x1B50]  }
0x7a: {  	v19 =	vld [tilespmem:s31+$0x1B20]  }
0x7b: {  	v20 =	vld [tilespmem:s31+$0x1B60]  }
0x7c: {  	v22 =	vld [tilespmem:s31+$0x1B30]  }
0x7d: {  	[tilespmem:$0x1FDF0] =	vst v54;
	v54 =	vld [tilespmem:s31+$0x1DE0]  }
0x7e: {  	v23 =	vld [tilespmem:s31+$0x1B70]  }
0x7f: {  	v24 =	vld [tilespmem:s31+$0x1B80]  }
0x80: {  	v25 =	vld [tilespmem:s31+$0x1BC0]  }
0x81: {  	v27 =	vld [tilespmem:s31+$0x1B90]  }
0x82: {  	[tilespmem:$0x1FE00] =	vst v54;
	v54 =	vld [tilespmem:s31+$0x1DB0]  }
0x83: {  	v28 =	vld [tilespmem:s31+$0x1BD0]  }
0x84: {  	v30 =	vld [tilespmem:s31+$0x1BA0]  }
0x85: {  	v31 =	vld [tilespmem:s31+$0x1BE0]  }
0x86: {  	v32 =	vld [tilespmem:s31+$0x1BB0]  }
0x87: {  	[tilespmem:$0x1FE10] =	vst v54;
	v54 =	vld [tilespmem:s31+$0x1DF0]  }
0x88: {  	v33 =	vld [tilespmem:s31+$0x1BF0]  }
0x89: {  	v35 =	vld [tilespmem:s31+$0x1C00]  }
0x8a: {  	v36 =	vld [tilespmem:s31+$0x1C40]  }
0x8b: {  	v38 =	vld [tilespmem:s31+$0x1C10]  }
0x8c: {  	[tilespmem:$0x1FE20] =	vst v54;
	v54 =	vld [tilespmem:s31+$0x1E00]  }
0x8d: {  	v39 =	vld [tilespmem:s31+$0x1C50]  }
0x8e: {  	v40 =	vld [tilespmem:s31+$0x1C20]  }
0x8f: {  	v41 =	vld [tilespmem:s31+$0x1C60]  }
0x90: {  	v43 =	vld [tilespmem:s31+$0x1C30]  }
0x91: {  	[tilespmem:$0x1FE30] =	vst v54;
	v54 =	vld [tilespmem:s31+$0x1E40]  }
0x92: {  	v44 =	vld [tilespmem:s31+$0x1C70]  }
0x93: {  	v46 =	vld [tilespmem:s31+$0x1C80]  }
0x94: {  	v47 =	vld [tilespmem:s31+$0x1CC0]  }
0x95: {  	v48 =	vld [tilespmem:s31+$0x1C90]  }
0x96: {  	[tilespmem:$0x1FE40] =	vst v54;
	v54 =	vld [tilespmem:s31+$0x1E10]  }
0x97: {  	v49 =	vld [tilespmem:s31+$0x1CD0]  }
0x98: {  	v51 =	vld [tilespmem:s31+$0x1CA0]  }
0x99: {  	v52 =	vld [tilespmem:s31+$0x1CE0]  }
0x9a: {  	v55 =	vld [tilespmem:s31+$0x1CF0]  }
0x9b: {  	[tilespmem:$0x1FE50] =	vst v54;
	v54 =	vld [tilespmem:s31+$0x1E50]  }
0x9c: {  	v37 =	vadd.f32 v37, v5;
	v5 =	vld [tilespmem:s31+$0x1FA0]  }
0x9d: {  	v42 =	vadd.f32 v42, v10;
	v10 =	vld [tilespmem:s31+$0x1FE0]  }
0x9e: {  	v45 =	vadd.f32 v45, v13;
	v13 =	vld [tilespmem:s31+$0x1FB0]  }
0x9f: {  	v50 =	vadd.f32 v50, v18;
	v18 =	vld [tilespmem:s31+$0x1FF0]  }
0xa0: {  	[tilespmem:$0x1FE60] =	vst v54;
	v54 =	vld [tilespmem:s31+$0x1E20]  }
0xa1: {  	v53 =	vadd.f32 v53, v21;
	v21 =	vld [tilespmem:s31+$0x2000]  }
0xa2: {  	v56 =	vadd.f32 v56, v26;
	v34 =	vadd.f32 v58, v34;
	v26 =	vld [tilespmem:s31+$0x2040]  }
0xa3: {  	v57 =	vadd.f32 v57, v29;
	v29 =	vld [tilespmem:s31+$0x2010]  }
0xa4: {  	v37 =	vadd.f32 v59, v37;
	v2 =	vadd.f32 v2, v34;
	v34 =	vld [tilespmem:s31+$0x2050]  }
0xa5: {  	v42 =	vadd.f32 v60, v42;
	[tilespmem:$0x1FE70] =	vst v54;
	v54 =	vld [tilespmem:s31+$0x1E60]  }
0xa6: {  	v45 =	vadd.f32 v61, v45;
	v3 =	vadd.f32 v3, v37;
	v37 =	vld [tilespmem:s31+$0x2020]  }
0xa7: {  	v50 =	vadd.f32 v62, v50;
	v4 =	vadd.f32 v4, v42;
	v42 =	vld [tilespmem:s31+$0x2060]  }
0xa8: {  	v6 =	vadd.f32 v6, v45;
	v45 =	vld [tilespmem:s31+$0x2030]  }
0xa9: {  	v53 =	vadd.f32 v63, v53;
	v7 =	vadd.f32 v7, v50;
	v50 =	vld [tilespmem:s31+$0x2070]  }
0xaa: {  	v0 =	vadd.f32 v0, v56;
	[tilespmem:$0x1FE80] =	vst v54;
	v54 =	vld [tilespmem:s31+$0x1E30]  }
0xab: {  	v1 =	vadd.f32 v1, v57;
	v8 =	vadd.f32 v8, v53;
	v53 =	vld [tilespmem:s31+$0x2080]  }
0xac: {  	v0 =	vadd.f32 v9, v0;
	v9 =	vld [tilespmem:s31+$0x20C0]  }
0xad: {  	v1 =	vadd.f32 v11, v1;
	v11 =	vld [tilespmem:s31+$0x2090]  }
0xae: {  	v2 =	vadd.f32 v12, v2;
	v12 =	vld [tilespmem:s31+$0x20D0]  }
0xaf: {  	[tilespmem:$0x1FE90] =	vst v54;
	v54 =	vld [tilespmem:s31+$0x1E70]  }
0xb0: {  	v3 =	vadd.f32 v14, v3;
	v14 =	vld [tilespmem:s31+$0x20A0]  }
0xb1: {  	v4 =	vadd.f32 v15, v4;
	v15 =	vld [tilespmem:s31+$0x20E0]  }
0xb2: {  	v6 =	vadd.f32 v16, v6;
	v16 =	vld [tilespmem:s31+$0x20B0]  }
0xb3: {  	v7 =	vadd.f32 v17, v7;
	v17 =	vld [tilespmem:s31+$0x20F0]  }
0xb4: {  	[tilespmem:$0x1FEA0] =	vst v54;
	v54 =	vld [tilespmem:s31+$0x1E80]  }
0xb5: {  	v8 =	vadd.f32 v19, v8;
	v19 =	vld [tilespmem:s31+$0x2100]  }
0xb6: {  	v0 =	vadd.f32 v20, v0;
	v20 =	vld [tilespmem:s31+$0x2140]  }
0xb7: {  	v1 =	vadd.f32 v22, v1;
	v22 =	vld [tilespmem:s31+$0x2110]  }
0xb8: {  	v2 =	vadd.f32 v23, v2;
	v23 =	vld [tilespmem:s31+$0x2150]  }
0xb9: {  	[tilespmem:$0x1FEB0] =	vst v54;
	v54 =	vld [tilespmem:s31+$0x1EC0]  }
0xba: {  	v3 =	vadd.f32 v24, v3;
	v24 =	vld [tilespmem:s31+$0x2120]  }
0xbb: {  	v4 =	vadd.f32 v25, v4;
	v25 =	vld [tilespmem:s31+$0x2160]  }
0xbc: {  	v6 =	vadd.f32 v27, v6;
	v27 =	vld [tilespmem:s31+$0x2130]  }
0xbd: {  	v7 =	vadd.f32 v28, v7;
	v28 =	vld [tilespmem:s31+$0x2170]  }
0xbe: {  	[tilespmem:$0x1FEC0] =	vst v54;
	v54 =	vld [tilespmem:s31+$0x1E90]  }
0xbf: {  	v8 =	vadd.f32 v30, v8;
	v30 =	vld [tilespmem:s31+$0x2180]  }
0xc0: {  	v0 =	vadd.f32 v31, v0;
	v31 =	vld [tilespmem:s31+$0x21C0]  }
0xc1: {  	v1 =	vadd.f32 v32, v1;
	v32 =	vld [tilespmem:s31+$0x2190]  }
0xc2: {  	v3 =	vadd.f32 v35, v3;
	v35 =	vld [tilespmem:$0x1FD20]  }
0xc3: {  	[tilespmem:$0x1FED0] =	vst v54;
	v54 =	vld [tilespmem:s31+$0x1ED0]  }
0xc4: {  	v4 =	vadd.f32 v36, v4;
	v36 =	vld [tilespmem:$0x1FD30]  }
0xc5: {  	v2 =	vadd.f32 v33, v2;
	v33 =	vld [tilespmem:s31+$0x21D0];
	v1 =	vadd.f32 v43, v1  }
0xc6: {  	v6 =	vadd.f32 v38, v6;
	v38 =	vld [tilespmem:$0x1FD40]  }
0xc7: {  	v3 =	vadd.f32 v46, v3;
	v1 =	vadd.f32 v35, v1;
	v35 =	vld [tilespmem:s31+$0x21A0]  }
0xc8: {  	[tilespmem:$0x1FEE0] =	vst v54;
	v54 =	vld [tilespmem:s31+$0x1EA0]  }
0xc9: {  	v3 =	vadd.f32 v36, v3;
	v36 =	vld [tilespmem:s31+$0x21E0]  }
0xca: {  	v7 =	vadd.f32 v39, v7;
	v4 =	vadd.f32 v47, v4;
	v39 =	vld [tilespmem:$0x1FD50]  }
0xcb: {  	v8 =	vadd.f32 v40, v8;
	v40 =	vld [tilespmem:$0x1FD60]  }
0xcc: {  	v4 =	vadd.f32 v38, v4;
	v38 =	vld [tilespmem:s31+$0x21B0]  }
0xcd: {  	v6 =	vadd.f32 v48, v6;
	[tilespmem:$0x1FEF0] =	vst v54;
	v54 =	vld [tilespmem:s31+$0x1EE0]  }
0xce: {  	v0 =	vadd.f32 v41, v0;
	v7 =	vadd.f32 v49, v7;
	v41 =	vld [tilespmem:$0x1FD70]  }
0xcf: {  	v6 =	vadd.f32 v39, v6;
	v39 =	vld [tilespmem:s31+$0x21F0]  }
0xd0: {  	v7 =	vadd.f32 v40, v7;
	v40 =	vld [tilespmem:s31+$0x2200]  }
0xd1: {  	v8 =	vadd.f32 v51, v8;
	v43 =	vld [tilespmem:$0x1FD80]  }
0xd2: {  	[tilespmem:$0x1FF00] =	vst v54;
	v54 =	vld [tilespmem:s31+$0x1EB0]  }
0xd3: {  	v8 =	vadd.f32 v41, v8;
	v41 =	vld [tilespmem:s31+$0x2240]  }
0xd4: {  	v2 =	vadd.f32 v44, v2;
	v0 =	vadd.f32 v52, v0;
	v44 =	vld [tilespmem:$0x1FD90]  }
0xd5: {  	v46 =	vld [tilespmem:$0x1FDA0]  }
0xd6: {  	v0 =	vadd.f32 v43, v0;
	v43 =	vld [tilespmem:s31+$0x2210]  }
0xd7: {  	[tilespmem:$0x1FF10] =	vst v54;
	v54 =	vld [tilespmem:s31+$0x1EF0]  }
0xd8: {  	v2 =	vadd.f32 v55, v2;
	v47 =	vld [tilespmem:$0x1FDB0]  }
0xd9: {  	v1 =	vadd.f32 v44, v1;
	v44 =	vld [tilespmem:s31+$0x2250]  }
0xda: {  	v2 =	vadd.f32 v46, v2;
	v46 =	vld [tilespmem:s31+$0x2220]  }
0xdb: {  	v48 =	vld [tilespmem:$0x1FDC0]  }
0xdc: {  	[tilespmem:$0x1FF20] =	vst v54;
	v54 =	vld [tilespmem:s31+$0x1F00]  }
0xdd: {  	v3 =	vadd.f32 v47, v3;
	v47 =	vld [tilespmem:s31+$0x2260]  }
0xde: {  	v49 =	vld [tilespmem:$0x1FDD0]  }
0xdf: {  	v51 =	vld [tilespmem:$0x1FDE0]  }
0xe0: {  	v52 =	vld [tilespmem:$0x1FDF0]  }
0xe1: {  	[tilespmem:$0x1FF30] =	vst v54;
	v54 =	vld [tilespmem:s31+$0x1F40]  }
0xe2: {  	v55 =	vld [tilespmem:$0x1FE10]  }
0xe3: {  	v56 =	vld [tilespmem:$0x1FE20]  }
0xe4: {  	v57 =	vld [tilespmem:$0x1FE30]  }
0xe5: {  	v58 =	vld [tilespmem:$0x1FE40]  }
0xe6: {  	[tilespmem:$0x1FF40] =	vst v54;
	v54 =	vld [tilespmem:s31+$0x1F10]  }
0xe7: {  	v59 =	vld [tilespmem:$0x1FE50]  }
0xe8: {  	v60 =	vld [tilespmem:$0x1FE60]  }
0xe9: {  	v61 =	vld [tilespmem:$0x1FE70]  }
0xea: {  	v4 =	vadd.f32 v48, v4;
	v48 =	vld [tilespmem:$0x1FEA0]  }
0xeb: {  	[tilespmem:$0x1FF50] =	vst v54;
	v54 =	vld [tilespmem:s31+$0x1F50]  }
0xec: {  	v62 =	vld [tilespmem:$0x1FE80]  }
0xed: {  	v2 =	vadd.f32 v56, v2;
	v63 =	vld [tilespmem:$0x1FE90]  }
0xee: {  	v6 =	vadd.f32 v49, v6;
	v49 =	vld [tilespmem:$0x1FEB0]  }
0xef: {  	v2 =	vadd.f32 v48, v2;
	v48 =	vld [tilespmem:s31+$0x2230]  }
0xf0: {  	[tilespmem:$0x1FF60] =	vst v54;
	v54 =	vld [tilespmem:s31+$0x1F20]  }
0xf1: {  	v7 =	vadd.f32 v51, v7;
	v3 =	vadd.f32 v57, v3;
	v51 =	vld [tilespmem:$0x1FEC0]  }
0xf2: {  	v8 =	vadd.f32 v52, v8;
	v52 =	vld [tilespmem:$0x1FED0]  }
0xf3: {  	v3 =	vadd.f32 v49, v3;
	v49 =	vld [tilespmem:s31+$0x2270]  }
0xf4: {  	v1 =	vadd.f32 v55, v1;
	v4 =	vadd.f32 v58, v4;
	v55 =	vld [tilespmem:$0x1FEF0]  }
0xf5: {  	v6 =	vadd.f32 v59, v6;
	[tilespmem:$0x1FF70] =	vst v54;
	v54 =	vld [tilespmem:s31+$0x1F60]  }
0xf6: {  	v4 =	vadd.f32 v51, v4;
	v51 =	vld [tilespmem:s31+$0x2280]  }
0xf7: {  	v8 =	vadd.f32 v61, v8;
	v6 =	vadd.f32 v52, v6;
	v52 =	vld [tilespmem:s31+$0x22C0]  }
0xf8: {  	v56 =	vld [tilespmem:$0x1FF00]  }
0xf9: {  	v8 =	vadd.f32 v55, v8;
	v55 =	vld [tilespmem:s31+$0x22D0]  }
0xfa: {  	[tilespmem:$0x1FF80] =	vst v54;
	v54 =	vld [tilespmem:s31+$0x1F30]  }
0xfb: {  	v1 =	vadd.f32 v63, v1;
	v63 =	vld [tilespmem:$0x1FF70]  }
0xfc: {  	v57 =	vld [tilespmem:$0x1FF10]  }
0xfd: {  	v58 =	vld [tilespmem:$0x1FF20]  }
0xfe: {  	v59 =	vld [tilespmem:$0x1FF30]  }
0xff: {  	[tilespmem:$0x1FF90] =	vst v54;
	v54 =	vld [tilespmem:s31+$0x1F70]  }
0x100: {  	v7 =	vadd.f32 v60, v7;
	v60 =	vld [tilespmem:$0x1FF40];
	v8 =	vadd.f32 v63, v8  }
0x101: {  	v61 =	vld [tilespmem:$0x1FF50]  }
0x102: {  	v1 =	vadd.f32 v57, v1;
	v57 =	vld [tilespmem:$0x1FF80];
	v5 =	vadd.f32 v5, v8  }
0x103: {  	v2 =	vadd.f32 v58, v2;
	v58 =	vld [tilespmem:$0x1FF90]  }
0x104: {  	v5 =	vadd.f32 v37, v5;
	[tilespmem:$0x1FFA0] =	vst v54;
	v54 =	vld [tilespmem:s31+$0x1F80]  }
0x105: {  	v8 =	vld [tilespmem:s31+$0x22B0]  }
0x106: {  	v37 =	vld [tilespmem:s31+$0x23F0];
	v5 =	vadd.f32 v14, v5  }
0x107: {  	v3 =	vadd.f32 v59, v3;
	v59 =	vld [tilespmem:$0x1FFA0]  }
0x108: {  	v5 =	vadd.f32 v24, v5;
	v1 =	vadd.f32 v58, v1;
	v58 =	vld [tilespmem:s31+$0x2380]  }
0x109: {  	[tilespmem:$0x1FFB0] =	vst v54;
	v54 =	vld [tilespmem:s31+$0x1FC0]  }
0x10a: {  	v5 =	vadd.f32 v35, v5;
	v1 =	vadd.f32 v13, v1;
	v13 =	vld [tilespmem:s31+$0x2300]  }
0x10b: {  	v4 =	vadd.f32 v60, v4;
	v60 =	vld [tilespmem:$0x1FFB0]  }
0x10c: {  	v5 =	vadd.f32 v46, v5;
	v46 =	vld [tilespmem:s31+$0x2480]  }
0x10d: {  	v1 =	vadd.f32 v45, v1;
	v45 =	vld [tilespmem:s31+$0x2470]  }
0x10e: {  	v2 =	vadd.f32 v59, v2;
	[tilespmem:$0x1FFC0] =	vst v54;
	v54 =	vld [tilespmem:s31+$0x1F90]  }
0x10f: {  	v6 =	vadd.f32 v61, v6;
	v59 =	vld [tilespmem:s31+$0x23C0]  }
0x110: {  	v2 =	vadd.f32 v18, v2;
	v3 =	vadd.f32 v60, v3;
	v61 =	vld [tilespmem:$0x1FFC0]  }
0x111: {  	v1 =	vadd.f32 v16, v1;
	v18 =	vld [tilespmem:s31+$0x2340]  }
0x112: {  	v2 =	vadd.f32 v50, v2;
	v50 =	vld [tilespmem:s31+$0x2330];
	v3 =	vadd.f32 v21, v3  }
0x113: {  	v1 =	vadd.f32 v27, v1;
	[tilespmem:$0x1FFD0] =	vst v54;
	v54 =	vld [tilespmem:s31+$0x1FD0]  }
0x114: {  	v60 =	vld [tilespmem:s31+$0x2390];
	v3 =	vadd.f32 v53, v3  }
0x115: {  	v1 =	vadd.f32 v38, v1;
	v38 =	vld [tilespmem:s31+$0x2400];
	v4 =	vadd.f32 v61, v4  }
0x116: {  	v2 =	vadd.f32 v17, v2;
	v21 =	vld [tilespmem:s31+$0x2310];
	v3 =	vadd.f32 v19, v3  }
0x117: {  	v1 =	vadd.f32 v48, v1;
	v48 =	vld [tilespmem:s31+$0x2490];
	v4 =	vadd.f32 v26, v4  }
0x118: {  	v3 =	vadd.f32 v30, v3;
	[tilespmem:$0x1FFE0] =	vst v54;
	v54 =	vld [tilespmem:$0x1FE00]  }
0x119: {  	v2 =	vadd.f32 v28, v2;
	v53 =	vld [tilespmem:s31+$0x2370];
	v4 =	vadd.f32 v9, v4  }
0x11a: {  	v1 =	vadd.f32 v8, v1;
	v61 =	vld [tilespmem:s31+$0x23D0];
	v3 =	vadd.f32 v40, v3  }
0x11b: {  	v2 =	vadd.f32 v39, v2;
	v39 =	vld [tilespmem:s31+$0x2440];
	v4 =	vadd.f32 v20, v4  }
0x11c: {  	v1 =	vadd.f32 v50, v1;
	v50 =	vld [tilespmem:s31+$0x24A0];
	v3 =	vadd.f32 v51, v3  }
0x11d: {  	v4 =	vadd.f32 v31, v4;
	v0 =	vadd.f32 v54, v0;
	v54 =	vld [tilespmem:$0x1FEE0]  }
0x11e: {  	v26 =	vld [tilespmem:s31+$0x2350];
	v3 =	vadd.f32 v13, v3  }
0x11f: {  	v4 =	vadd.f32 v41, v4;
	v0 =	vadd.f32 v62, v0;
	v62 =	vld [tilespmem:$0x1FF60]  }
0x120: {  	v2 =	vadd.f32 v49, v2;
	v49 =	vld [tilespmem:s31+$0x24D0]  }
0x121: {  	v63 =	vld [tilespmem:$0x1FFE0];
	v3 =	vadd.f32 v58, v3;
	v4 =	vadd.f32 v52, v4  }
0x122: {  	v0 =	vadd.f32 v56, v0;
	v56 =	vld [tilespmem:s31+$0x22A0];
	v7 =	vadd.f32 v54, v7  }
0x123: {  	v9 =	vld [tilespmem:s31+$0x2320];
	v3 =	vadd.f32 v38, v3;
	v4 =	vadd.f32 v18, v4  }
0x124: {  	v0 =	vadd.f32 v57, v0;
	v7 =	vadd.f32 v62, v7;
	v62 =	vld [tilespmem:$0x1FFD0]  }
0x125: {  	v40 =	vld [tilespmem:s31+$0x2410];
	v3 =	vadd.f32 v46, v3;
	v4 =	vadd.f32 v59, v4  }
0x126: {  	v0 =	vadd.f32 v10, v0;
	v10 =	vld [tilespmem:s31+$0x22F0];
	v7 =	vadd.f32 v63, v7  }
0x127: {  	v51 =	vld [tilespmem:s31+$0x24E0];
	v5 =	vadd.f32 v56, v5;
	v4 =	vadd.f32 v39, v4  }
0x128: {  	v41 =	vld [tilespmem:s31+$0x2450];
	v0 =	vadd.f32 v42, v0;
	v7 =	vadd.f32 v34, v7  }
0x129: {  	v58 =	vld [tilespmem:s31+$0x2520];
	v5 =	vadd.f32 v9, v5;
	v6 =	vadd.f32 v62, v6  }
0x12a: {  	v0 =	vadd.f32 v15, v0;
	v62 =	vld [tilespmem:s31+$0x23A0];
	v7 =	vadd.f32 v12, v7  }
0x12b: {  	v52 =	vld [tilespmem:s31+$0x24B0];
	v2 =	vadd.f32 v10, v2;
	v6 =	vadd.f32 v29, v6  }
0x12c: {  	v42 =	vld [tilespmem:s31+$0x2420];
	v0 =	vadd.f32 v25, v0;
	v7 =	vadd.f32 v23, v7  }
0x12d: {  	v54 =	vld [tilespmem:s31+$0x2290];
	v2 =	vadd.f32 v53, v2;
	v6 =	vadd.f32 v11, v6  }
0x12e: {  	v57 =	vld [tilespmem:s31+$0x22E0];
	v0 =	vadd.f32 v36, v0;
	v7 =	vadd.f32 v33, v7  }
0x12f: {  	v36 =	vld [tilespmem:s31+$0x23B0];
	v5 =	vadd.f32 v62, v5;
	v2 =	vadd.f32 v37, v2  }
0x130: {  	v53 =	vld [tilespmem:s31+$0x24F0];
	v6 =	vadd.f32 v22, v6;
	v0 =	vadd.f32 v47, v0  }
0x131: {  	v11 =	vld [tilespmem:s31+$0x2360];
	v7 =	vadd.f32 v44, v7;
	v5 =	vadd.f32 v42, v5  }
0x132: {  	v47 =	vld [tilespmem:s31+$0x24C0];
	v2 =	vadd.f32 v45, v2;
	v6 =	vadd.f32 v32, v6  }
0x133: {  	v59 =	vld [tilespmem:s31+$0x2560];
	v0 =	vadd.f32 v57, v0;
	v7 =	vadd.f32 v55, v7  }
0x134: {  	v44 =	vld [tilespmem:s31+$0x2430];
	v1 =	vadd.f32 v36, v1;
	v6 =	vadd.f32 v43, v6  }
0x135: {  	v63 =	vld [tilespmem:s31+$0x23E0];
	v5 =	vadd.f32 v50, v5;
	v2 =	vadd.f32 v53, v2  }
0x136: {  	v56 =	vld [tilespmem:s31+$0x2510];
	v0 =	vadd.f32 v11, v0;
	v6 =	vadd.f32 v54, v6  }
0x137: {  	v43 =	vld [tilespmem:s31+$0x2460];
	v7 =	vadd.f32 v26, v7;
	v4 =	vadd.f32 v47, v4  }
0x138: {  	v55 =	vld [tilespmem:s31+$0x2540];
	v5 =	vadd.f32 v58, v5;
	v6 =	vadd.f32 v21, v6  }
0x139: {  	v54 =	vld [tilespmem:s31+$0x2500];
	v1 =	vadd.f32 v44, v1;
	v7 =	vadd.f32 v61, v7  }
0x13a: {  	v0 =	vadd.f32 v63, v0;
	v61 =	vld [tilespmem:s31+$0x2570];
	v6 =	vadd.f32 v60, v6  }
0x13b: {  	v57 =	vld [tilespmem:s31+$0x2550];
	v1 =	vadd.f32 v52, v1;
	v7 =	vadd.f32 v41, v7  }
0x13c: {  	v63 =	vld [tilespmem:$0x1FFF0];
	v0 =	vadd.f32 v43, v0;
	v6 =	vadd.f32 v40, v6  }
0x13d: {  	v4 =	vadd.f32 v55, v4;
	v60 =	vld [tilespmem:s31+$0x2530];
	v7 =	vadd.f32 v49, v7  }
0x13e: {  	v0 =	vadd.f32 v51, v0;
	v6 =	vadd.f32 v48, v6  }
0x13f: {  	v3 =	vadd.f32 v54, v3;
	v2 =	vadd.f32 v61, v2  }
0x140: {  	v7 =	vadd.f32 v57, v7;
	v6 =	vadd.f32 v56, v6  }
0x141: {  	v0 =	vadd.f32 v59, v0;
	v3 =	vadd.f32 v4, v3  }
0x142: {  	v1 =	vadd.f32 v60, v1;
	v62 =	vadd.f32 v7, v6  }
0x143: {  	s1 =	sshll.u32 s30, $0x6;
	p0 =	sne.s32 s30, $0x7;
	v3 =	vmul.f32 $1.999999960e-02, v3;
	v0 =	vadd.f32 v0, v5  }
.Ltmp0:
0x144: {  	s31 =	sand.u32 $0x3FFFFFC0, s1;
	v1 =	vadd.f32 v2, v1;
	v4 =	vmul.f32 $1.999999960e-02, v62;
	(pc) =	sbr.rel @p0 .LBB2_3-.Ltmp0, $4  }
0x145: {  	[tilespmem:v63+s31+$0x0 ss:$0x1] =	vst.idx.msk $0xffff, v3;
	v0 =	vmul.f32 $1.999999960e-02, v0  }
0x146: {  	v1 =	vmul.f32 $1.999999960e-02, v1;
	[tilespmem:v63+s31+$0x10 ss:$0x1] =	vst.idx.msk $0xffff, v4  }
0x147: {  	[tilespmem:v63+s31+$0x20 ss:$0x1] =	vst.idx.msk $0xffff, v0  }
0x148: {  	s30 =	sadd.s32 $0x1, s30;
	[tilespmem:v63+s31+$0x30 ss:$0x1] =	vst.idx.msk $0xffff, v1  }
0x149: {  	p0 =	seq.s32 s28, $0x7  }
0x14a: {  	s30 =	smul.u32 @!p0 $0xC80, s28;
	_ =	sdelay $0x1  }
0x14b: {  	s30 =	sshra.s32 @!p0 s30, $0x2  }
0x14c: {  	s31 =	simm.s32 @!p0 $0x190;
	s1 =	simm.s32 @!p0 $0x1900;
	s30 =	sadd.s32 @!p0 $0x320, s30  }
0x14d: {  	[tilespmem:s1], [sflag:$0x1] =	stream.indirect.gather @!p0 [hbm4b:s3+s31], $0x40, s30, s31, $0xb8;
	[tilespmem:$0x12180] =	vst v63  }
0x14e: {  	s31 =	sshll.u32 s29, $0x9  }
0x14f: {  	s1 =	sand.u32 $0x3FFFFE00, s31  }
0x150: {  	_ =	swait.ge [sflag:s24], $0x6400;
	s1 =	sadd.s32 $0xE100, s1  }
0x151: {  	[sflag:s24] =	ssyncset.done $0x0;
	v0 =	vmov s1  }
0x152: {  	s29 =	simm.s32 $0x0;
	[sflag:s24] =	ssyncadd.s32 $0xFFFF9C00;
	[tilespmem:$0x1FD10] =	vst v0  }
.LBB2_5:
0x153: {  	s1 =	smul.u32 $0x3200, s29;
	_ =	sdelay $0x1  }
0x154: {  	s30 =	sshra.s32 s1, $0x2  }
0x155: {  	v54 =	vld [tilespmem:s30+$0x80B0];
	_ =	sdelay $0x4  }
0x156: {  	[tilespmem:$0x1FA40] =	vst v54;
	v54 =	vld [tilespmem:s30+$0x8100];
	_ =	sdelay $0x4  }
0x157: {  	[tilespmem:$0x1FA50] =	vst v54;
	v54 =	vld [tilespmem:s30+$0x8140];
	_ =	sdelay $0x4  }
0x158: {  	[tilespmem:$0x1FA60] =	vst v54;
	v54 =	vld [tilespmem:s30+$0x8110];
	_ =	sdelay $0x4  }
0x159: {  	[tilespmem:$0x1FA70] =	vst v54;
	v54 =	vld [tilespmem:s30+$0x8150];
	_ =	sdelay $0x1  }
0x15a: {  	v5 =	vld [tilespmem:s30+$0x7D00]  }
0x15b: {  	v10 =	vld [tilespmem:s30+$0x7D40]  }
0x15c: {  	v13 =	vld [tilespmem:s30+$0x7D10]  }
0x15d: {  	[tilespmem:$0x1FA80] =	vst v54;
	v54 =	vld [tilespmem:s30+$0x8120]  }
0x15e: {  	v18 =	vld [tilespmem:s30+$0x7D50]  }
0x15f: {  	v21 =	vld [tilespmem:s30+$0x7D20]  }
0x160: {  	v26 =	vld [tilespmem:s30+$0x7D60]  }
0x161: {  	v29 =	vld [tilespmem:s30+$0x7D30]  }
0x162: {  	[tilespmem:$0x1FA90] =	vst v54;
	v54 =	vld [tilespmem:s30+$0x8160]  }
0x163: {  	v34 =	vld [tilespmem:s30+$0x7D70]  }
0x164: {  	v37 =	vld [tilespmem:s30+$0x7D80]  }
0x165: {  	v42 =	vld [tilespmem:s30+$0x7DC0]  }
0x166: {  	v45 =	vld [tilespmem:s30+$0x7D90]  }
0x167: {  	[tilespmem:$0x1FAA0] =	vst v54;
	v54 =	vld [tilespmem:s30+$0x8130]  }
0x168: {  	v50 =	vld [tilespmem:s30+$0x7DD0]  }
0x169: {  	v53 =	vld [tilespmem:s30+$0x7DA0]  }
0x16a: {  	v56 =	vld [tilespmem:s30+$0x7DE0]  }
0x16b: {  	v57 =	vld [tilespmem:s30+$0x7DB0]  }
0x16c: {  	[tilespmem:$0x1FAB0] =	vst v54;
	v54 =	vld [tilespmem:s30+$0x8170]  }
0x16d: {  	v58 =	vld [tilespmem:s30+$0x7DF0]  }
0x16e: {  	v59 =	vld [tilespmem:s30+$0x7E00]  }
0x16f: {  	v60 =	vld [tilespmem:s30+$0x7E40]  }
0x170: {  	v61 =	vld [tilespmem:s30+$0x7E10]  }
0x171: {  	[tilespmem:$0x1FAC0] =	vst v54;
	v54 =	vld [tilespmem:s30+$0x8180]  }
0x172: {  	v62 =	vld [tilespmem:s30+$0x7E50]  }
0x173: {  	v63 =	vld [tilespmem:s30+$0x7E20]  }
0x174: {  	v0 =	vld [tilespmem:s30+$0x7E60]  }
0x175: {  	v1 =	vld [tilespmem:s30+$0x7E30]  }
0x176: {  	[tilespmem:$0x1FAD0] =	vst v54;
	v54 =	vld [tilespmem:s30+$0x81C0]  }
0x177: {  	v2 =	vld [tilespmem:s30+$0x7E70]  }
0x178: {  	v3 =	vld [tilespmem:s30+$0x7E80]  }
0x179: {  	v4 =	vld [tilespmem:s30+$0x7EC0]  }
0x17a: {  	v6 =	vld [tilespmem:s30+$0x7E90]  }
0x17b: {  	[tilespmem:$0x1FAE0] =	vst v54;
	v54 =	vld [tilespmem:s30+$0x8190]  }
0x17c: {  	v7 =	vld [tilespmem:s30+$0x7ED0]  }
0x17d: {  	v8 =	vld [tilespmem:s30+$0x7EA0]  }
0x17e: {  	v9 =	vld [tilespmem:s30+$0x7EE0]  }
0x17f: {  	v11 =	vld [tilespmem:s30+$0x7EB0]  }
0x180: {  	[tilespmem:$0x1FAF0] =	vst v54;
	v54 =	vld [tilespmem:s30+$0x81D0]  }
0x181: {  	v12 =	vld [tilespmem:s30+$0x7EF0]  }
0x182: {  	v14 =	vld [tilespmem:s30+$0x7F00]  }
0x183: {  	v15 =	vld [tilespmem:s30+$0x7F40]  }
0x184: {  	v16 =	vld [tilespmem:s30+$0x7F10]  }
0x185: {  	[tilespmem:$0x1FB00] =	vst v54;
	v54 =	vld [tilespmem:s30+$0x81A0]  }
0x186: {  	v17 =	vld [tilespmem:s30+$0x7F50]  }
0x187: {  	v19 =	vld [tilespmem:s30+$0x7F20]  }
0x188: {  	v20 =	vld [tilespmem:s30+$0x7F60]  }
0x189: {  	v22 =	vld [tilespmem:s30+$0x7F30]  }
0x18a: {  	[tilespmem:$0x1FB10] =	vst v54;
	v54 =	vld [tilespmem:s30+$0x81E0]  }
0x18b: {  	v23 =	vld [tilespmem:s30+$0x7F70]  }
0x18c: {  	v24 =	vld [tilespmem:s30+$0x7F80]  }
0x18d: {  	v25 =	vld [tilespmem:s30+$0x7FC0]  }
0x18e: {  	v27 =	vld [tilespmem:s30+$0x7F90]  }
0x18f: {  	[tilespmem:$0x1FB20] =	vst v54;
	v54 =	vld [tilespmem:s30+$0x81B0]  }
0x190: {  	v28 =	vld [tilespmem:s30+$0x7FD0]  }
0x191: {  	v30 =	vld [tilespmem:s30+$0x7FA0]  }
0x192: {  	v31 =	vld [tilespmem:s30+$0x7FE0]  }
0x193: {  	v32 =	vld [tilespmem:s30+$0x7FB0]  }
0x194: {  	[tilespmem:$0x1FB30] =	vst v54;
	v54 =	vld [tilespmem:s30+$0x81F0]  }
0x195: {  	v33 =	vld [tilespmem:s30+$0x7FF0]  }
0x196: {  	v35 =	vld [tilespmem:s30+$0x8000]  }
0x197: {  	v36 =	vld [tilespmem:s30+$0x8040]  }
0x198: {  	v38 =	vld [tilespmem:s30+$0x8010]  }
0x199: {  	[tilespmem:$0x1FB40] =	vst v54;
	v54 =	vld [tilespmem:s30+$0x8200]  }
0x19a: {  	v39 =	vld [tilespmem:s30+$0x8050]  }
0x19b: {  	v40 =	vld [tilespmem:s30+$0x8020]  }
0x19c: {  	v41 =	vld [tilespmem:s30+$0x8060]  }
0x19d: {  	v43 =	vld [tilespmem:s30+$0x8030]  }
0x19e: {  	[tilespmem:$0x1FB50] =	vst v54;
	v54 =	vld [tilespmem:s30+$0x8240]  }
0x19f: {  	v44 =	vld [tilespmem:s30+$0x8070]  }
0x1a0: {  	v46 =	vld [tilespmem:s30+$0x8080]  }
0x1a1: {  	v47 =	vld [tilespmem:s30+$0x80C0]  }
0x1a2: {  	v48 =	vld [tilespmem:s30+$0x8090]  }
0x1a3: {  	[tilespmem:$0x1FB60] =	vst v54;
	v54 =	vld [tilespmem:s30+$0x8210]  }
0x1a4: {  	v49 =	vld [tilespmem:s30+$0x80D0]  }
0x1a5: {  	v51 =	vld [tilespmem:s30+$0x80A0]  }
0x1a6: {  	v52 =	vld [tilespmem:s30+$0x80E0]  }
0x1a7: {  	v55 =	vld [tilespmem:s30+$0x80F0]  }
0x1a8: {  	[tilespmem:$0x1FB70] =	vst v54;
	v54 =	vld [tilespmem:s30+$0x8250]  }
0x1a9: {  	v37 =	vadd.f32 v37, v5;
	v5 =	vld [tilespmem:s30+$0x83A0]  }
0x1aa: {  	v42 =	vadd.f32 v42, v10;
	v10 =	vld [tilespmem:s30+$0x83E0]  }
0x1ab: {  	v45 =	vadd.f32 v45, v13;
	v13 =	vld [tilespmem:s30+$0x83B0]  }
0x1ac: {  	v50 =	vadd.f32 v50, v18;
	v18 =	vld [tilespmem:s30+$0x83F0]  }
0x1ad: {  	[tilespmem:$0x1FB80] =	vst v54;
	v54 =	vld [tilespmem:s30+$0x8220]  }
0x1ae: {  	v53 =	vadd.f32 v53, v21;
	v21 =	vld [tilespmem:s30+$0x8400]  }
0x1af: {  	v56 =	vadd.f32 v56, v26;
	v34 =	vadd.f32 v58, v34;
	v26 =	vld [tilespmem:s30+$0x8440]  }
0x1b0: {  	v57 =	vadd.f32 v57, v29;
	v29 =	vld [tilespmem:s30+$0x8410]  }
0x1b1: {  	v37 =	vadd.f32 v59, v37;
	v2 =	vadd.f32 v2, v34;
	v34 =	vld [tilespmem:s30+$0x8450]  }
0x1b2: {  	v42 =	vadd.f32 v60, v42;
	[tilespmem:$0x1FB90] =	vst v54;
	v54 =	vld [tilespmem:s30+$0x8260]  }
0x1b3: {  	v45 =	vadd.f32 v61, v45;
	v3 =	vadd.f32 v3, v37;
	v37 =	vld [tilespmem:s30+$0x8420]  }
0x1b4: {  	v50 =	vadd.f32 v62, v50;
	v4 =	vadd.f32 v4, v42;
	v42 =	vld [tilespmem:s30+$0x8460]  }
0x1b5: {  	v6 =	vadd.f32 v6, v45;
	v45 =	vld [tilespmem:s30+$0x8430]  }
0x1b6: {  	v53 =	vadd.f32 v63, v53;
	v7 =	vadd.f32 v7, v50;
	v50 =	vld [tilespmem:s30+$0x8470]  }
0x1b7: {  	v0 =	vadd.f32 v0, v56;
	[tilespmem:$0x1FBA0] =	vst v54;
	v54 =	vld [tilespmem:s30+$0x8230]  }
0x1b8: {  	v1 =	vadd.f32 v1, v57;
	v8 =	vadd.f32 v8, v53;
	v53 =	vld [tilespmem:s30+$0x8480]  }
0x1b9: {  	v0 =	vadd.f32 v9, v0;
	v9 =	vld [tilespmem:s30+$0x84C0]  }
0x1ba: {  	v1 =	vadd.f32 v11, v1;
	v11 =	vld [tilespmem:s30+$0x8490]  }
0x1bb: {  	v2 =	vadd.f32 v12, v2;
	v12 =	vld [tilespmem:s30+$0x84D0]  }
0x1bc: {  	[tilespmem:$0x1FBB0] =	vst v54;
	v54 =	vld [tilespmem:s30+$0x8270]  }
0x1bd: {  	v3 =	vadd.f32 v14, v3;
	v14 =	vld [tilespmem:s30+$0x84A0]  }
0x1be: {  	v4 =	vadd.f32 v15, v4;
	v15 =	vld [tilespmem:s30+$0x84E0]  }
0x1bf: {  	v6 =	vadd.f32 v16, v6;
	v16 =	vld [tilespmem:s30+$0x84B0]  }
0x1c0: {  	v7 =	vadd.f32 v17, v7;
	v17 =	vld [tilespmem:s30+$0x84F0]  }
0x1c1: {  	[tilespmem:$0x1FBC0] =	vst v54;
	v54 =	vld [tilespmem:s30+$0x8280]  }
0x1c2: {  	v8 =	vadd.f32 v19, v8;
	v19 =	vld [tilespmem:s30+$0x8500]  }
0x1c3: {  	v0 =	vadd.f32 v20, v0;
	v20 =	vld [tilespmem:s30+$0x8540]  }
0x1c4: {  	v1 =	vadd.f32 v22, v1;
	v22 =	vld [tilespmem:s30+$0x8510]  }
0x1c5: {  	v2 =	vadd.f32 v23, v2;
	v23 =	vld [tilespmem:s30+$0x8550]  }
0x1c6: {  	[tilespmem:$0x1FBD0] =	vst v54;
	v54 =	vld [tilespmem:s30+$0x82C0]  }
0x1c7: {  	v3 =	vadd.f32 v24, v3;
	v24 =	vld [tilespmem:s30+$0x8520]  }
0x1c8: {  	v4 =	vadd.f32 v25, v4;
	v25 =	vld [tilespmem:s30+$0x8560]  }
0x1c9: {  	v6 =	vadd.f32 v27, v6;
	v27 =	vld [tilespmem:s30+$0x8530]  }
0x1ca: {  	v7 =	vadd.f32 v28, v7;
	v28 =	vld [tilespmem:s30+$0x8570]  }
0x1cb: {  	[tilespmem:$0x1FBE0] =	vst v54;
	v54 =	vld [tilespmem:s30+$0x8290]  }
0x1cc: {  	v8 =	vadd.f32 v30, v8;
	v30 =	vld [tilespmem:s30+$0x8580]  }
0x1cd: {  	v0 =	vadd.f32 v31, v0;
	v31 =	vld [tilespmem:s30+$0x85C0]  }
0x1ce: {  	v1 =	vadd.f32 v32, v1;
	v32 =	vld [tilespmem:s30+$0x8590]  }
0x1cf: {  	v3 =	vadd.f32 v35, v3;
	v35 =	vld [tilespmem:$0x1FA40]  }
0x1d0: {  	[tilespmem:$0x1FBF0] =	vst v54;
	v54 =	vld [tilespmem:s30+$0x82D0]  }
0x1d1: {  	v4 =	vadd.f32 v36, v4;
	v36 =	vld [tilespmem:$0x1FA50]  }
0x1d2: {  	v2 =	vadd.f32 v33, v2;
	v33 =	vld [tilespmem:s30+$0x85D0];
	v1 =	vadd.f32 v43, v1  }
0x1d3: {  	v6 =	vadd.f32 v38, v6;
	v38 =	vld [tilespmem:$0x1FA60]  }
0x1d4: {  	v3 =	vadd.f32 v46, v3;
	v1 =	vadd.f32 v35, v1;
	v35 =	vld [tilespmem:s30+$0x85A0]  }
0x1d5: {  	[tilespmem:$0x1FC00] =	vst v54;
	v54 =	vld [tilespmem:s30+$0x82A0]  }
0x1d6: {  	v3 =	vadd.f32 v36, v3;
	v36 =	vld [tilespmem:s30+$0x85E0]  }
0x1d7: {  	v7 =	vadd.f32 v39, v7;
	v4 =	vadd.f32 v47, v4;
	v39 =	vld [tilespmem:$0x1FA70]  }
0x1d8: {  	v8 =	vadd.f32 v40, v8;
	v40 =	vld [tilespmem:$0x1FA80]  }
0x1d9: {  	v4 =	vadd.f32 v38, v4;
	v38 =	vld [tilespmem:s30+$0x85B0]  }
0x1da: {  	v6 =	vadd.f32 v48, v6;
	[tilespmem:$0x1FC10] =	vst v54;
	v54 =	vld [tilespmem:s30+$0x82E0]  }
0x1db: {  	v0 =	vadd.f32 v41, v0;
	v7 =	vadd.f32 v49, v7;
	v41 =	vld [tilespmem:$0x1FA90]  }
0x1dc: {  	v6 =	vadd.f32 v39, v6;
	v39 =	vld [tilespmem:s30+$0x85F0]  }
0x1dd: {  	v7 =	vadd.f32 v40, v7;
	v40 =	vld [tilespmem:s30+$0x8600]  }
0x1de: {  	v8 =	vadd.f32 v51, v8;
	v43 =	vld [tilespmem:$0x1FAA0]  }
0x1df: {  	[tilespmem:$0x1FC20] =	vst v54;
	v54 =	vld [tilespmem:s30+$0x82B0]  }
0x1e0: {  	v8 =	vadd.f32 v41, v8;
	v41 =	vld [tilespmem:s30+$0x8640]  }
0x1e1: {  	v2 =	vadd.f32 v44, v2;
	v0 =	vadd.f32 v52, v0;
	v44 =	vld [tilespmem:$0x1FAB0]  }
0x1e2: {  	v46 =	vld [tilespmem:$0x1FAC0]  }
0x1e3: {  	v0 =	vadd.f32 v43, v0;
	v43 =	vld [tilespmem:s30+$0x8610]  }
0x1e4: {  	[tilespmem:$0x1FC30] =	vst v54;
	v54 =	vld [tilespmem:s30+$0x82F0]  }
0x1e5: {  	v2 =	vadd.f32 v55, v2;
	v47 =	vld [tilespmem:$0x1FAD0]  }
0x1e6: {  	v1 =	vadd.f32 v44, v1;
	v44 =	vld [tilespmem:s30+$0x8650]  }
0x1e7: {  	v2 =	vadd.f32 v46, v2;
	v46 =	vld [tilespmem:s30+$0x8620]  }
0x1e8: {  	v48 =	vld [tilespmem:$0x1FAE0]  }
0x1e9: {  	[tilespmem:$0x1FC40] =	vst v54;
	v54 =	vld [tilespmem:s30+$0x8300]  }
0x1ea: {  	v3 =	vadd.f32 v47, v3;
	v47 =	vld [tilespmem:s30+$0x8660]  }
0x1eb: {  	v49 =	vld [tilespmem:$0x1FAF0]  }
0x1ec: {  	v51 =	vld [tilespmem:$0x1FB00]  }
0x1ed: {  	v52 =	vld [tilespmem:$0x1FB10]  }
0x1ee: {  	[tilespmem:$0x1FC50] =	vst v54;
	v54 =	vld [tilespmem:s30+$0x8340]  }
0x1ef: {  	v55 =	vld [tilespmem:$0x1FB30]  }
0x1f0: {  	v56 =	vld [tilespmem:$0x1FB40]  }
0x1f1: {  	v57 =	vld [tilespmem:$0x1FB50]  }
0x1f2: {  	v58 =	vld [tilespmem:$0x1FB60]  }
0x1f3: {  	[tilespmem:$0x1FC60] =	vst v54;
	v54 =	vld [tilespmem:s30+$0x8310]  }
0x1f4: {  	v59 =	vld [tilespmem:$0x1FB70]  }
0x1f5: {  	v60 =	vld [tilespmem:$0x1FB80]  }
0x1f6: {  	v61 =	vld [tilespmem:$0x1FB90]  }
0x1f7: {  	v4 =	vadd.f32 v48, v4;
	v48 =	vld [tilespmem:$0x1FBC0]  }
0x1f8: {  	[tilespmem:$0x1FC70] =	vst v54;
	v54 =	vld [tilespmem:s30+$0x8350]  }
0x1f9: {  	v62 =	vld [tilespmem:$0x1FBA0]  }
0x1fa: {  	v2 =	vadd.f32 v56, v2;
	v63 =	vld [tilespmem:$0x1FBB0]  }
0x1fb: {  	v6 =	vadd.f32 v49, v6;
	v49 =	vld [tilespmem:$0x1FBD0]  }
0x1fc: {  	v2 =	vadd.f32 v48, v2;
	v48 =	vld [tilespmem:s30+$0x8630]  }
0x1fd: {  	[tilespmem:$0x1FC80] =	vst v54;
	v54 =	vld [tilespmem:s30+$0x8320]  }
0x1fe: {  	v7 =	vadd.f32 v51, v7;
	v3 =	vadd.f32 v57, v3;
	v51 =	vld [tilespmem:$0x1FBE0]  }
0x1ff: {  	v8 =	vadd.f32 v52, v8;
	v52 =	vld [tilespmem:$0x1FBF0]  }
0x200: {  	v3 =	vadd.f32 v49, v3;
	v49 =	vld [tilespmem:s30+$0x8670]  }
0x201: {  	v1 =	vadd.f32 v55, v1;
	v4 =	vadd.f32 v58, v4;
	v55 =	vld [tilespmem:$0x1FC10]  }
0x202: {  	v6 =	vadd.f32 v59, v6;
	[tilespmem:$0x1FC90] =	vst v54;
	v54 =	vld [tilespmem:s30+$0x8360]  }
0x203: {  	v4 =	vadd.f32 v51, v4;
	v51 =	vld [tilespmem:s30+$0x8680]  }
0x204: {  	v8 =	vadd.f32 v61, v8;
	v6 =	vadd.f32 v52, v6;
	v52 =	vld [tilespmem:s30+$0x86C0]  }
0x205: {  	v56 =	vld [tilespmem:$0x1FC20]  }
0x206: {  	v8 =	vadd.f32 v55, v8;
	v55 =	vld [tilespmem:s30+$0x86D0]  }
0x207: {  	[tilespmem:$0x1FCA0] =	vst v54;
	v54 =	vld [tilespmem:s30+$0x8330]  }
0x208: {  	v1 =	vadd.f32 v63, v1;
	v63 =	vld [tilespmem:$0x1FC90]  }
0x209: {  	v57 =	vld [tilespmem:$0x1FC30]  }
0x20a: {  	v58 =	vld [tilespmem:$0x1FC40]  }
0x20b: {  	v59 =	vld [tilespmem:$0x1FC50]  }
0x20c: {  	[tilespmem:$0x1FCB0] =	vst v54;
	v54 =	vld [tilespmem:s30+$0x8370]  }
0x20d: {  	v7 =	vadd.f32 v60, v7;
	v60 =	vld [tilespmem:$0x1FC60];
	v8 =	vadd.f32 v63, v8  }
0x20e: {  	v61 =	vld [tilespmem:$0x1FC70]  }
0x20f: {  	v1 =	vadd.f32 v57, v1;
	v57 =	vld [tilespmem:$0x1FCA0];
	v5 =	vadd.f32 v5, v8  }
0x210: {  	v2 =	vadd.f32 v58, v2;
	v58 =	vld [tilespmem:$0x1FCB0]  }
0x211: {  	v5 =	vadd.f32 v37, v5;
	[tilespmem:$0x1FCC0] =	vst v54;
	v54 =	vld [tilespmem:s30+$0x8380]  }
0x212: {  	v8 =	vld [tilespmem:s30+$0x86B0]  }
0x213: {  	v37 =	vld [tilespmem:s30+$0x87F0];
	v5 =	vadd.f32 v14, v5  }
0x214: {  	v3 =	vadd.f32 v59, v3;
	v59 =	vld [tilespmem:$0x1FCC0]  }
0x215: {  	v5 =	vadd.f32 v24, v5;
	v1 =	vadd.f32 v58, v1;
	v58 =	vld [tilespmem:s30+$0x8780]  }
0x216: {  	[tilespmem:$0x1FCD0] =	vst v54;
	v54 =	vld [tilespmem:s30+$0x83C0]  }
0x217: {  	v5 =	vadd.f32 v35, v5;
	v1 =	vadd.f32 v13, v1;
	v13 =	vld [tilespmem:s30+$0x8700]  }
0x218: {  	v4 =	vadd.f32 v60, v4;
	v60 =	vld [tilespmem:$0x1FCD0]  }
0x219: {  	v5 =	vadd.f32 v46, v5;
	v46 =	vld [tilespmem:s30+$0x8880]  }
0x21a: {  	v1 =	vadd.f32 v45, v1;
	v45 =	vld [tilespmem:s30+$0x8870]  }
0x21b: {  	v2 =	vadd.f32 v59, v2;
	[tilespmem:$0x1FCE0] =	vst v54;
	v54 =	vld [tilespmem:s30+$0x8390]  }
0x21c: {  	v6 =	vadd.f32 v61, v6;
	v59 =	vld [tilespmem:s30+$0x87C0]  }
0x21d: {  	v2 =	vadd.f32 v18, v2;
	v3 =	vadd.f32 v60, v3;
	v61 =	vld [tilespmem:$0x1FCE0]  }
0x21e: {  	v1 =	vadd.f32 v16, v1;
	v18 =	vld [tilespmem:s30+$0x8740]  }
0x21f: {  	v2 =	vadd.f32 v50, v2;
	v50 =	vld [tilespmem:s30+$0x8730];
	v3 =	vadd.f32 v21, v3  }
0x220: {  	v1 =	vadd.f32 v27, v1;
	[tilespmem:$0x1FCF0] =	vst v54;
	v54 =	vld [tilespmem:s30+$0x83D0]  }
0x221: {  	v60 =	vld [tilespmem:s30+$0x8790];
	v3 =	vadd.f32 v53, v3  }
0x222: {  	v1 =	vadd.f32 v38, v1;
	v38 =	vld [tilespmem:s30+$0x8800];
	v4 =	vadd.f32 v61, v4  }
0x223: {  	v2 =	vadd.f32 v17, v2;
	v21 =	vld [tilespmem:s30+$0x8710];
	v3 =	vadd.f32 v19, v3  }
0x224: {  	v1 =	vadd.f32 v48, v1;
	v48 =	vld [tilespmem:s30+$0x8890];
	v4 =	vadd.f32 v26, v4  }
0x225: {  	v3 =	vadd.f32 v30, v3;
	[tilespmem:$0x1FD00] =	vst v54;
	v54 =	vld [tilespmem:$0x1FB20]  }
0x226: {  	v2 =	vadd.f32 v28, v2;
	v53 =	vld [tilespmem:s30+$0x8770];
	v4 =	vadd.f32 v9, v4  }
0x227: {  	v1 =	vadd.f32 v8, v1;
	v61 =	vld [tilespmem:s30+$0x87D0];
	v3 =	vadd.f32 v40, v3  }
0x228: {  	v2 =	vadd.f32 v39, v2;
	v39 =	vld [tilespmem:s30+$0x8840];
	v4 =	vadd.f32 v20, v4  }
0x229: {  	v1 =	vadd.f32 v50, v1;
	v50 =	vld [tilespmem:s30+$0x88A0];
	v3 =	vadd.f32 v51, v3  }
0x22a: {  	v4 =	vadd.f32 v31, v4;
	v0 =	vadd.f32 v54, v0;
	v54 =	vld [tilespmem:$0x1FC00]  }
0x22b: {  	v26 =	vld [tilespmem:s30+$0x8750];
	v3 =	vadd.f32 v13, v3  }
0x22c: {  	v4 =	vadd.f32 v41, v4;
	v0 =	vadd.f32 v62, v0;
	v62 =	vld [tilespmem:$0x1FC80]  }
0x22d: {  	v2 =	vadd.f32 v49, v2;
	v49 =	vld [tilespmem:s30+$0x88D0]  }
0x22e: {  	v63 =	vld [tilespmem:$0x1FD00];
	v3 =	vadd.f32 v58, v3;
	v4 =	vadd.f32 v52, v4  }
0x22f: {  	v0 =	vadd.f32 v56, v0;
	v56 =	vld [tilespmem:s30+$0x86A0];
	v7 =	vadd.f32 v54, v7  }
0x230: {  	v9 =	vld [tilespmem:s30+$0x8720];
	v3 =	vadd.f32 v38, v3;
	v4 =	vadd.f32 v18, v4  }
0x231: {  	v0 =	vadd.f32 v57, v0;
	v7 =	vadd.f32 v62, v7;
	v62 =	vld [tilespmem:$0x1FCF0]  }
0x232: {  	v40 =	vld [tilespmem:s30+$0x8810];
	v3 =	vadd.f32 v46, v3;
	v4 =	vadd.f32 v59, v4  }
0x233: {  	v0 =	vadd.f32 v10, v0;
	v10 =	vld [tilespmem:s30+$0x86F0];
	v7 =	vadd.f32 v63, v7  }
0x234: {  	v51 =	vld [tilespmem:s30+$0x88E0];
	v5 =	vadd.f32 v56, v5;
	v4 =	vadd.f32 v39, v4  }
0x235: {  	v41 =	vld [tilespmem:s30+$0x8850];
	v0 =	vadd.f32 v42, v0;
	v7 =	vadd.f32 v34, v7  }
0x236: {  	v58 =	vld [tilespmem:s30+$0x8920];
	v5 =	vadd.f32 v9, v5;
	v6 =	vadd.f32 v62, v6  }
0x237: {  	v0 =	vadd.f32 v15, v0;
	v62 =	vld [tilespmem:s30+$0x87A0];
	v7 =	vadd.f32 v12, v7  }
0x238: {  	v52 =	vld [tilespmem:s30+$0x88B0];
	v2 =	vadd.f32 v10, v2;
	v6 =	vadd.f32 v29, v6  }
0x239: {  	v42 =	vld [tilespmem:s30+$0x8820];
	v0 =	vadd.f32 v25, v0;
	v7 =	vadd.f32 v23, v7  }
0x23a: {  	v54 =	vld [tilespmem:s30+$0x8690];
	v2 =	vadd.f32 v53, v2;
	v6 =	vadd.f32 v11, v6  }
0x23b: {  	v57 =	vld [tilespmem:s30+$0x86E0];
	v0 =	vadd.f32 v36, v0;
	v7 =	vadd.f32 v33, v7  }
0x23c: {  	v36 =	vld [tilespmem:s30+$0x87B0];
	v5 =	vadd.f32 v62, v5;
	v2 =	vadd.f32 v37, v2  }
0x23d: {  	v53 =	vld [tilespmem:s30+$0x88F0];
	v6 =	vadd.f32 v22, v6;
	v0 =	vadd.f32 v47, v0  }
0x23e: {  	v11 =	vld [tilespmem:s30+$0x8760];
	v7 =	vadd.f32 v44, v7;
	v5 =	vadd.f32 v42, v5  }
0x23f: {  	v47 =	vld [tilespmem:s30+$0x88C0];
	v2 =	vadd.f32 v45, v2;
	v6 =	vadd.f32 v32, v6  }
0x240: {  	v59 =	vld [tilespmem:s30+$0x8960];
	v0 =	vadd.f32 v57, v0;
	v7 =	vadd.f32 v55, v7  }
0x241: {  	v44 =	vld [tilespmem:s30+$0x8830];
	v1 =	vadd.f32 v36, v1;
	v6 =	vadd.f32 v43, v6  }
0x242: {  	v63 =	vld [tilespmem:s30+$0x87E0];
	v5 =	vadd.f32 v50, v5;
	v2 =	vadd.f32 v53, v2  }
0x243: {  	v56 =	vld [tilespmem:s30+$0x8910];
	v0 =	vadd.f32 v11, v0;
	v6 =	vadd.f32 v54, v6  }
0x244: {  	v43 =	vld [tilespmem:s30+$0x8860];
	v7 =	vadd.f32 v26, v7;
	v4 =	vadd.f32 v47, v4  }
0x245: {  	v55 =	vld [tilespmem:s30+$0x8940];
	v5 =	vadd.f32 v58, v5;
	v6 =	vadd.f32 v21, v6  }
0x246: {  	v54 =	vld [tilespmem:s30+$0x8900];
	v1 =	vadd.f32 v44, v1;
	v7 =	vadd.f32 v61, v7  }
0x247: {  	v0 =	vadd.f32 v63, v0;
	v61 =	vld [tilespmem:s30+$0x8970];
	v6 =	vadd.f32 v60, v6  }
0x248: {  	v57 =	vld [tilespmem:s30+$0x8950];
	v1 =	vadd.f32 v52, v1;
	v7 =	vadd.f32 v41, v7  }
0x249: {  	v63 =	vld [tilespmem:$0x1FD10];
	v0 =	vadd.f32 v43, v0;
	v6 =	vadd.f32 v40, v6  }
0x24a: {  	v4 =	vadd.f32 v55, v4;
	v60 =	vld [tilespmem:s30+$0x8930];
	v7 =	vadd.f32 v49, v7  }
0x24b: {  	v0 =	vadd.f32 v51, v0;
	v6 =	vadd.f32 v48, v6  }
0x24c: {  	v3 =	vadd.f32 v54, v3;
	v2 =	vadd.f32 v61, v2  }
0x24d: {  	v7 =	vadd.f32 v57, v7;
	v6 =	vadd.f32 v56, v6  }
0x24e: {  	v0 =	vadd.f32 v59, v0;
	v3 =	vadd.f32 v4, v3  }
0x24f: {  	v1 =	vadd.f32 v60, v1;
	v62 =	vadd.f32 v7, v6  }
0x250: {  	s31 =	sshll.u32 s29, $0x6;
	p0 =	sne.s32 s29, $0x7;
	v3 =	vmul.f32 $1.999999960e-02, v3;
	v0 =	vadd.f32 v0, v5  }
.Ltmp1:
0x251: {  	s1 =	sand.u32 $0x3FFFFFC0, s31;
	v1 =	vadd.f32 v2, v1;
	v4 =	vmul.f32 $1.999999960e-02, v62;
	(pc) =	sbr.rel @p0 .LBB2_5-.Ltmp1, $4  }
0x252: {  	[tilespmem:v63+s1+$0x0 ss:$0x1] =	vst.idx.msk $0xffff, v3;
	v0 =	vmul.f32 $1.999999960e-02, v0  }
0x253: {  	v1 =	vmul.f32 $1.999999960e-02, v1;
	[tilespmem:v63+s1+$0x10 ss:$0x1] =	vst.idx.msk $0xffff, v4  }
0x254: {  	[tilespmem:v63+s1+$0x20 ss:$0x1] =	vst.idx.msk $0xffff, v0  }
0x255: {  	s29 =	sadd.s32 $0x1, s29;
	[tilespmem:v63+s1+$0x30 ss:$0x1] =	vst.idx.msk $0xffff, v1  }
0x256: {  	s28 =	sadd.s32 $0x1, s28  }
0x257: {  	p0 =	sne.s32 s28, $0x8  }
.Ltmp2:
0x258: {  	_ = 	snop;
	(pc) =	sbr.rel @p0 .LBB2_2-.Ltmp2, $1  }
0x259: {  	_ =	sdelay $0x3  }
0x25a: {  	s26 =	sadd.s32 $0x1, s26  }
0x25b: {  	p0 =	sne.s32 s26, s14  }
.Ltmp3:
0x25c: {  	_ = 	snop;
	(pc) =	sbr.rel @p0 .LBB2_1-.Ltmp3, $4  }
0x25d: {  	[hbm4b:s13+s2] =	stream.linear.scatter [tilespmem:s25], [sflag:$0x4], $0x2000, $0x38;
	[tilespmem:$0x12180] =	vst v63  }
0x25e: {  	_ =	swait.ge [sflag:s15], $0x2000  }
0x25f: {  	[sflag:s15] =	ssyncset.done $0x0  }
0x260: {  	[sflag:s15] =	ssyncadd.s32 $0xFFFFE000  }
0x261: {  	_ =	sfence.sel $0x180000  }
0x262: {  	[bflag:$0x0] =	sbarrier.arrive $0xFFFF  }
0x263: {  	_ =	strace $0x90000047  }
0x264: {  	[bflag:$0x2] =	sbarrier.arrive $0xFFFF  }
0x265: {  	p0 =	sne.s32 s0, $0x0;
	s0 =	rddreg [dreg:$0x6]  }
0x266: {  	s0 =	sadd.s32 @!p0 $0x100000, s0  }
0x267: {  	[sflag:s0] =	ssyncadd.tile.s32 @!p0 $0x1;
	_ =	shalt  }
.Lfunc_end2:
_tile_overlayer_lowered:
.L_overlay_start_2:
0x268: {  	(tag) =	ssettag $0x2  }
0x269: {  	s0 =	rddreg [dreg:$0x0];
	s2 =	stileid.u32  }
0x26a: {  	s1 =	rddreg [dreg:$0x1];
	p0 =	sne.s32 s2, $0x0  }
0x26b: {  	s3 =	rddreg [dreg:$0x2];
	[bflag:$0x3] =	sbarrier.arrive $0xFFFF;
	s2 =	simm.s32 @!p0 $0x1C04  }
0x26c: {  	[timem:s3], [sflag:s2] =	dma.local @!p0 [hbm:s0], s1  }
0x26d: {  	s0 =	simm.s32 @!p0 $0x4  }
0x26e: {  	_ =	swait.ge @!p0 [sflag:s0], s1  }
0x26f: {  	s1 =	ssub.s32 @!p0 $0x0, s1;
	[sflag:s0] =	ssyncset.done @!p0 $0x0  }
0x270: {  	[sflag:s0] =	ssyncadd.s32 @!p0 s1  }
0x271: {  	[bflag:$0x3] =	sbarrier.arrive $0xFFFF  }
0x272: {  	_ =	shalt  }

</sc_bundles>
